<compile_context>
chip_gen: v7x
topology: tpu7x:2x2x1
jax: 0.10.2.dev20260603
libtpu: 0.0.44.dev20260713+nightly
codegen_flags: <defaults>
</compile_context>

<pallas_src>
import functools

import jax
import jax.numpy as jnp
from jax import lax
from jax.experimental import pallas as pl
from jax.experimental.pallas import tpu as pltpu
from jax.experimental.pallas import tpu_sc as plsc

N = 10000
NPAD = 10240
E = 320000
NC = 2
NS = 16
NW = NC * NS
EPW = E // NW
K = 128
FULL = EPW // K
TAIL = EPW - FULL * K
RPT = NPAD // NS
ZROWS = 64
B = 2000
EB = 2000
NEB = E // EB
EPS = 1e-5


@functools.lru_cache(maxsize=None)
def _make_agg(D):
    mesh = plsc.VectorSubcoreMesh(
        core_axis_name="c", subcore_axis_name="s",
        num_cores=NC, num_subcores=NS)

    nrows = 4 if D <= 32 else 2

    @functools.partial(
        pl.kernel,
        out_type=jax.ShapeDtypeStruct((NC, NPAD, D), jnp.float32),
        mesh=mesh,
        compiler_params=pltpu.CompilerParams(use_tc_tiling_on_sc=False),
        scratch_types=[
            pltpu.VMEM((4, K), jnp.int32),
            pltpu.VMEM((4, K), jnp.int32),
            [pltpu.VMEM((K, D), jnp.float32)] * nrows,
            pltpu.VMEM((TAIL,), jnp.int32),
            pltpu.VMEM((TAIL,), jnp.int32),
            pltpu.VMEM((TAIL, D), jnp.float32),
            pltpu.VMEM((ZROWS, D), jnp.float32),
            pltpu.VMEM_SHARED((NPAD, D), jnp.float32),
            [pltpu.SemaphoreType.DMA] * 4,
            [pltpu.SemaphoreType.DMA] * nrows,
        ],
    )
    def agg(table_hbm, edge_hbm, out_hbm,
            src_v, dst_v, rows, st_v, dt_v, rows_t, zb_v, acc,
            si, sg):
        rows_a, rows_b = rows[0], rows[1]
        sga, sgb = sg[0], sg[1]
        c = lax.axis_index("c")
        s = lax.axis_index("s")
        wid = c * NS + s

        zeros16 = jnp.zeros((16,), jnp.float32)

        def zrow(j, _):
            def zlane(k, _):
                zb_v[j, pl.ds(k * 16, 16)] = zeros16
                return None
            return lax.fori_loop(0, D // 16, zlane, None)
        lax.fori_loop(0, ZROWS, zrow, None)

        def zcopy(j, _):
            pltpu.sync_copy(zb_v, acc.at[pl.ds(s * RPT + j * ZROWS, ZROWS)])
            return None
        lax.fori_loop(0, RPT // ZROWS, zcopy, None)
        plsc.subcore_barrier()

        base = wid * EPW
        last = base + (FULL - 1) * K

        def issue_idx(i, buf, sem):
            off = pl.multiple_of(
                jnp.minimum(base + i * K, last).astype(jnp.int32), 8)
            pltpu.async_copy(edge_hbm.at[0, pl.ds(off, K)], src_v.at[buf],
                             sem)
            pltpu.async_copy(edge_hbm.at[1, pl.ds(off, K)], dst_v.at[buf],
                             sem)

        def wait_idx(buf, sem):
            pltpu.make_async_copy(edge_hbm.at[0, pl.ds(0, K)],
                                  src_v.at[buf], sem).wait()
            pltpu.make_async_copy(edge_hbm.at[1, pl.ds(0, K)],
                                  dst_v.at[buf], sem).wait()

        def gather(slot, rows, sem):
            pltpu.async_copy(table_hbm.at[src_v.at[slot]], rows, sem)

        def wait_gather(rows, sem):
            pltpu.make_async_copy(table_hbm.at[src_v.at[0]], rows,
                                  sem).wait()

        def scatter(slot, rows):
            pltpu.sync_copy(rows, acc.at[dst_v.at[slot]], add=True)

        for slot in range(4 if nrows == 4 else 2):
            issue_idx(slot, slot, si[slot])

        if nrows == 4:
            def step(j, _):
                q0 = 4 * j
                for k in range(4):
                    wait_idx(k, si[k])
                    gather(k, rows[k], sg[k])
                for k in range(4):
                    wait_gather(rows[k], sg[k])
                    scatter(k, rows[k])
                    issue_idx(q0 + 4 + k, k, si[k])
                return None
            lax.fori_loop(0, FULL // 4, step, None)

            for k in range(2):
                wait_idx(k, si[k])
                gather(k, rows[k], sg[k])
            for k in range(2):
                wait_gather(rows[k], sg[k])
                scatter(k, rows[k])
            wait_idx(2, si[2])
            wait_idx(3, si[3])
        else:
            wait_idx(0, si[0])
            gather(0, rows_a, sga)

            def step(j, _):
                i0 = 2 * j
                wait_idx(1, si[1])
                gather(1, rows_b, sgb)
                wait_gather(rows_a, sga)
                scatter(0, rows_a)
                issue_idx(i0 + 2, 0, si[0])
                wait_idx(0, si[0])
                gather(0, rows_a, sga)
                wait_gather(rows_b, sgb)
                scatter(1, rows_b)
                issue_idx(i0 + 3, 1, si[1])
                return None
            lax.fori_loop(0, FULL // 2, step, None)

            wait_gather(rows_a, sga)
            wait_idx(1, si[1])
        if TAIL:
            toff = pl.multiple_of(base + FULL * K, 8)
            pltpu.sync_copy(edge_hbm.at[0, pl.ds(toff, TAIL)], st_v)
            pltpu.sync_copy(edge_hbm.at[1, pl.ds(toff, TAIL)], dt_v)
            pltpu.async_copy(table_hbm.at[st_v], rows_t, sga).wait()
            pltpu.sync_copy(rows_t, acc.at[dt_v], add=True)
        plsc.subcore_barrier()

        pltpu.sync_copy(acc.at[pl.ds(s * RPT, RPT)],
                        out_hbm.at[c, pl.ds(s * RPT, RPT)])

    return agg


def _make_deg():
    mesh = plsc.VectorSubcoreMesh(
        core_axis_name="c", subcore_axis_name="s",
        num_cores=NC, num_subcores=NS)

    @functools.partial(
        pl.kernel,
        out_type=jax.ShapeDtypeStruct((NC, NPAD, 16), jnp.float32),
        mesh=mesh,
        compiler_params=pltpu.CompilerParams(use_tc_tiling_on_sc=False),
        scratch_types=[
            pltpu.VMEM((4, K), jnp.int32),
            pltpu.VMEM((TAIL,), jnp.int32),
            pltpu.VMEM((K, 16), jnp.float32),
            pltpu.VMEM((ZROWS, 16), jnp.float32),
            pltpu.VMEM_SHARED((NPAD, 16), jnp.float32),
            [pltpu.SemaphoreType.DMA] * 4,
            [pltpu.SemaphoreType.DMA] * 4,
        ],
    )
    def deg(edge_hbm, out_hbm, dst_v, dt_v, ones_v, zb_v, acc, si, ss):
        c = lax.axis_index("c")
        s = lax.axis_index("s")
        wid = c * NS + s

        ones16 = jnp.ones((16,), jnp.float32)
        zeros16 = jnp.zeros((16,), jnp.float32)

        def fill(j, _):
            ones_v[j, :] = ones16
            return None
        lax.fori_loop(0, K, fill, None)

        def zrow(j, _):
            zb_v[j, :] = zeros16
            return None
        lax.fori_loop(0, ZROWS, zrow, None)

        def zcopy(j, _):
            pltpu.sync_copy(zb_v, acc.at[pl.ds(s * RPT + j * ZROWS, ZROWS)])
            return None
        lax.fori_loop(0, RPT // ZROWS, zcopy, None)
        plsc.subcore_barrier()

        base = wid * EPW
        last = base + (FULL - 1) * K

        def issue_idx(i, buf, sem):
            off = pl.multiple_of(
                jnp.minimum(base + i * K, last).astype(jnp.int32), 8)
            pltpu.async_copy(edge_hbm.at[1, pl.ds(off, K)], dst_v.at[buf],
                             sem)

        def wait_idx(buf, sem):
            pltpu.make_async_copy(edge_hbm.at[1, pl.ds(0, K)],
                                  dst_v.at[buf], sem).wait()

        for slot in range(4):
            issue_idx(slot, slot, si[slot])

        def step(j, _):
            q0 = 4 * j
            for k in range(4):
                wait_idx(k, si[k])
                pltpu.async_copy(ones_v, acc.at[dst_v.at[k]], ss[k],
                                 add=True)
            for k in range(4):
                pltpu.make_async_copy(ones_v, acc.at[dst_v.at[k]],
                                      ss[k]).wait()
                issue_idx(q0 + 4 + k, k, si[k])
            return None
        lax.fori_loop(0, FULL // 4, step, None)

        wait_idx(0, si[0])
        pltpu.async_copy(ones_v, acc.at[dst_v.at[0]], ss[0], add=True)
        wait_idx(1, si[1])
        pltpu.async_copy(ones_v, acc.at[dst_v.at[1]], ss[1], add=True)
        pltpu.make_async_copy(ones_v, acc.at[dst_v.at[0]], ss[0]).wait()
        pltpu.make_async_copy(ones_v, acc.at[dst_v.at[1]], ss[1]).wait()
        wait_idx(2, si[2])
        wait_idx(3, si[3])
        if TAIL:
            toff = pl.multiple_of(base + FULL * K, 8)
            pltpu.sync_copy(edge_hbm.at[1, pl.ds(toff, TAIL)], dt_v)
            pltpu.async_copy(ones_v.at[pl.ds(0, TAIL)], acc.at[dt_v], ss[0],
                             add=True).wait()
        plsc.subcore_barrier()

        pltpu.sync_copy(acc.at[pl.ds(s * RPT, RPT)],
                        out_hbm.at[c, pl.ds(s * RPT, RPT)])

    return deg


def _dinv_of(da_ref, db_ref):
    return lax.rsqrt(da_ref[0][:, :1] + db_ref[0][:, :1] + 1.0)


def _tc1_body(x_ref, g_ref, b_ref, w_ref, p_ref):
    xb = x_ref[...]
    mu = jnp.mean(xb, axis=1, keepdims=True)
    xc = xb - mu
    var = jnp.mean(xc * xc, axis=1, keepdims=True)
    xn = xc * lax.rsqrt(var + EPS) * g_ref[...] + b_ref[...]
    p_ref[...] = jnp.dot(xn, w_ref[...], preferred_element_type=jnp.float32)


def _tc1b_body(p_ref, da_ref, db_ref, hp_ref, s_ref, dv_ref):
    dinv = _dinv_of(da_ref, db_ref)
    hp = p_ref[...] * dinv
    hp_ref[...] = hp
    s_ref[...] = hp * dinv
    dv_ref[...] = dinv * jnp.ones((1, 16), jnp.float32)


def _mid_body(ra_ref, rb_ref, sin_ref, bias_ref, dv_ref, w_ref,
              hp_ref, s_ref):
    dinv = dv_ref[:, :1]
    u = jnp.maximum(
        dinv * (ra_ref[0] + rb_ref[0]) + sin_ref[...] + bias_ref[...],
        0.0)
    hp = jnp.dot(u * dinv, w_ref[...], preferred_element_type=jnp.float32)
    hp_ref[...] = hp
    s_ref[...] = hp * dinv


def _fin_body(ra_ref, rb_ref, sin_ref, bias_ref, dv_ref, out_ref):
    dinv = dv_ref[:, :1]
    out_ref[...] = (dinv * (ra_ref[0] + rb_ref[0])
                    + sin_ref[...] + bias_ref[...])


def _row_spec(d):
    return pl.BlockSpec((B, d), lambda i: (i, 0))


def _full_spec(shape):
    return pl.BlockSpec(shape, lambda i: (0,) * len(shape))


def _tc1(x, g2, b2, W1):
    return pl.pallas_call(
        _tc1_body,
        grid=(N // B,),
        in_specs=[_row_spec(128), _full_spec((1, 128)), _full_spec((1, 128)),
                  _full_spec((128, 128))],
        out_specs=_row_spec(128),
        out_shape=jax.ShapeDtypeStruct((N, 128), jnp.float32),
    )(x, g2, b2, W1)


def _tc1b(p1, deg):
    return pl.pallas_call(
        _tc1b_body,
        grid=(N // B,),
        in_specs=[_row_spec(128), _part_spec(16, 0), _part_spec(16, 1)],
        out_specs=[_row_spec(128), _row_spec(128), _row_spec(16)],
        out_shape=[jax.ShapeDtypeStruct((N, 128), jnp.float32),
                   jax.ShapeDtypeStruct((N, 128), jnp.float32),
                   jax.ShapeDtypeStruct((N, 16), jnp.float32)],
    )(p1, deg, deg)


def _part_spec(d, c):
    if c == 0:
        return pl.BlockSpec((1, B, d), lambda i: (0, i, 0))
    return pl.BlockSpec((1, B, d), lambda i: (1, i, 0))


def _tc_mid(r, sin, bias2, dinv16, W, din, dout):
    return pl.pallas_call(
        _mid_body,
        grid=(N // B,),
        in_specs=[_part_spec(din, 0), _part_spec(din, 1), _row_spec(din),
                  _full_spec((1, din)), _row_spec(16),
                  _full_spec((din, dout))],
        out_specs=[_row_spec(dout), _row_spec(dout)],
        out_shape=[jax.ShapeDtypeStruct((N, dout), jnp.float32),
                   jax.ShapeDtypeStruct((N, dout), jnp.float32)],
    )(r, r, sin, bias2, dinv16, W)


def _tc_fin(r, sin, bias2, dinv16):
    return pl.pallas_call(
        _fin_body,
        grid=(N // B,),
        in_specs=[_part_spec(32, 0), _part_spec(32, 1), _row_spec(32),
                  _full_spec((1, 32)), _row_spec(16)],
        out_specs=pl.BlockSpec((B, 32), lambda i: (i, 0)),
        out_shape=jax.ShapeDtypeStruct((N, 32), jnp.float32),
    )(r, r, sin, bias2, dinv16)


def kernel(x, edge, ln_g, ln_b, W1, b1, W2, b2, W3, b3):
    g2 = ln_g.reshape(1, 128)
    lb2 = ln_b.reshape(1, 128)
    b1_2 = b1.reshape(1, 128)
    b2_2 = b2.reshape(1, 128)
    b3_2 = b3.reshape(1, 32)

    deg = _make_deg()(edge)
    p1 = _tc1(x, g2, lb2, W1)
    h1p, s1, dinv16 = _tc1b(p1, deg)
    r1 = _make_agg(128)(h1p, edge)
    h2p, s2 = _tc_mid(r1, s1, b1_2, dinv16, W2, 128, 128)
    r2 = _make_agg(128)(h2p, edge)
    h3p, s3 = _tc_mid(r2, s2, b2_2, dinv16, W3, 128, 32)
    r3 = _make_agg(32)(h3p, edge)
    return _tc_fin(r3, s3, b3_2, dinv16)

# --- scband reference (transcript-rebuilt; emitter-appended) ---
"""Pipeline reference for scband-gcnencoder-36644660970265 (READ-ONLY COPY).

The authoritative reference and input builder live on the scoring server;
editing this copy changes nothing except your own understanding.
"""

import jax, jax.numpy as jnp
import numpy as np

N = 10000
E = 320000
IN_DIM = 128
H = 128
Z = 32


def setup_inputs(seed: int = 0) -> dict:
    key = jax.random.key(seed)
    ks = jax.random.split(key, 12)
    x = jax.random.normal(ks[0], (N, IN_DIM), dtype=jnp.float32)
    edge = jax.random.randint(ks[1], (2, E), 0, N, dtype=jnp.int32)
    ln_g = jnp.ones((IN_DIM,), dtype=jnp.float32)
    ln_b = jnp.zeros((IN_DIM,), dtype=jnp.float32)
    W1 = jax.random.normal(ks[2], (IN_DIM, H), dtype=jnp.float32) * (1.0 / np.sqrt(IN_DIM))
    b1 = jnp.zeros((H,), dtype=jnp.float32)
    W2 = jax.random.normal(ks[3], (H, H), dtype=jnp.float32) * (1.0 / np.sqrt(H))
    b2 = jnp.zeros((H,), dtype=jnp.float32)
    W3 = jax.random.normal(ks[4], (H, Z), dtype=jnp.float32) * (1.0 / np.sqrt(H))
    b3 = jnp.zeros((Z,), dtype=jnp.float32)
    return {"x": x, "edge": edge, "ln_g": ln_g, "ln_b": ln_b,
            "W1": W1, "b1": b1, "W2": W2, "b2": b2, "W3": W3, "b3": b3}


def layer_norm(x, g, b, eps=1e-5):
    mu = jnp.mean(x, axis=-1, keepdims=True)
    var = jnp.mean((x - mu) ** 2, axis=-1, keepdims=True)
    return (x - mu) * jax.lax.rsqrt(var + eps) * g + b


def gcn_conv(x, src, dst, W, bias):
    # PyG GCNConv: linear transform, add self-loops, symmetric normalization,
    # scatter-add aggregation at destination nodes, then bias.
    n = x.shape[0]
    h = x @ W
    loop = jnp.arange(n, dtype=src.dtype)
    src2 = jnp.concatenate([src, loop])
    dst2 = jnp.concatenate([dst, loop])
    deg = jnp.zeros((n,), dtype=x.dtype).at[dst2].add(1.0)
    dinv = jnp.where(deg > 0, jax.lax.rsqrt(jnp.maximum(deg, 1e-12)), 0.0)
    norm = dinv[src2] * dinv[dst2]
    msg = h[src2] * norm[:, None]
    out = jnp.zeros((n, W.shape[1]), dtype=x.dtype).at[dst2].add(msg)
    return out + bias


def reference(x, edge, ln_g, ln_b, W1, b1, W2, b2, W3, b3):
    src = edge[0]
    dst = edge[1]
    h = layer_norm(x, ln_g, ln_b)
    h = jax.nn.relu(gcn_conv(h, src, dst, W1, b1))
    # dropout is identity in eval mode
    h = jax.nn.relu(gcn_conv(h, src, dst, W2, b2))
    return gcn_conv(h, src, dst, W3, b3)

if __name__ == "__main__":
    import jax
    _d = setup_inputs()
    print(jax.jit(kernel)(*tuple(_d.values())))

</pallas_src>

<mosaic_0001>
#map = affine_map<(d0, d1) -> (0, 0)>
#map1 = affine_map<(d0, d1) -> (0, 0, 0)>
module attributes {stable_mosaic.version = 14 : i64} {
  func.func @agg(%arg0: i32, %arg1: i32, %arg2: memref<10000x128xf32, #tpu.memory_space<hbm>>, %arg3: memref<2x320000xi32, #tpu.memory_space<hbm>>, %arg4: memref<2x10240x128xf32, #tpu.memory_space<hbm>>, %arg5: memref<4x128xi32, #tpu.memory_space<vmem>>, %arg6: memref<4x128xi32, #tpu.memory_space<vmem>>, %arg7: memref<128x128xf32, #tpu.memory_space<vmem>>, %arg8: memref<128x128xf32, #tpu.memory_space<vmem>>, %arg9: memref<16xi32, #tpu.memory_space<vmem>>, %arg10: memref<16xi32, #tpu.memory_space<vmem>>, %arg11: memref<16x128xf32, #tpu.memory_space<vmem>>, %arg12: memref<64x128xf32, #tpu.memory_space<vmem>>, %arg13: memref<10240x128xf32, #tpu.memory_space<vmem_shared>>, %arg14: memref<!tpu.dma_semaphore, #tpu.memory_space<semaphore_mem>>, %arg15: memref<!tpu.dma_semaphore, #tpu.memory_space<semaphore_mem>>, %arg16: memref<!tpu.dma_semaphore, #tpu.memory_space<semaphore_mem>>, %arg17: memref<!tpu.dma_semaphore, #tpu.memory_space<semaphore_mem>>, %arg18: memref<!tpu.dma_semaphore, #tpu.memory_space<semaphore_mem>>, %arg19: memref<!tpu.dma_semaphore, #tpu.memory_space<semaphore_mem>>) attributes {dimension_semantics = [#tpu.dimension_semantics<core_parallel>, #tpu.dimension_semantics<subcore_parallel>], iteration_bounds = array<i64: 2, 16>, scalar_prefetch = 0 : i64, scratch_operands = 15 : i64, tpu.core_type = #tpu.core_type<sc_vector_subcore>, window_params = [{transform_indices = #map}, {transform_indices = #map}, {transform_indices = #map1}]} {
    %mul3A = arith.constant 16 : i32
    %mul3A_0 = arith.muli %arg0, %mul3A : i32
    %add3A = arith.addi %mul3A_0, %arg1 : i32
    %broadcast_in_dim3A = arith.constant 0.000000e+00 : f32
    %broadcast_in_dim3A_1 = vector.broadcast %broadcast_in_dim3A : f32 to vector<16xf32>
    %scan3A = arith.constant 0 : i32
    %scan3A_2 = arith.constant 64 : i32
    %scan3A_3 = arith.addi %scan3A, %scan3A_2 : i32
    %scan3A_4 = arith.constant 1 : i32
    scf.for %scan3A_157 = %scan3A to %scan3A_3 step %scan3A_4  : i32 {
      %scan3A_158 = arith.constant 0 : i32
      %scan3A_159 = arith.constant 8 : i32
      %scan3A_160 = arith.addi %scan3A_158, %scan3A_159 : i32
      %scan3A_161 = arith.constant 1 : i32
      scf.for %scan3A_163 = %scan3A_158 to %scan3A_160 step %scan3A_161  : i32 {
        %mul3A_164 = arith.constant 16 : i32
        %mul3A_165 = arith.muli %scan3A_163, %mul3A_164 : i32
        %swap3A = arith.index_cast %scan3A_157 : i32 to index
        %swap3A_166 = arith.index_cast %mul3A_165 : i32 to index
        %swap3A_167 = tpu.vector_load %arg12[%swap3A, %swap3A_166] {strides = array<i32>} : memref<64x128xf32, #tpu.memory_space<vmem>>, vector<1x16xf32>,
        %swap3A_168 = vector.shape_cast %swap3A_167 : vector<1x16xf32> to vector<16xf32>
        %swap3A_169 = vector.shape_cast %broadcast_in_dim3A_1 : vector<16xf32> to vector<1x16xf32>
        tpu.vector_store %arg12[%swap3A, %swap3A_166], %swap3A_169 {strides = array<i32>} : memref<64x128xf32, #tpu.memory_space<vmem>>, vector<1x16xf32>,
      }
      %scan3A_162 = arith.constant 8 : i32
    }
    %scan3A_5 = arith.constant 64 : i32
    %scan3A_6 = arith.constant 0 : i32
    %scan3A_7 = arith.constant 10 : i32
    %scan3A_8 = arith.addi %scan3A_6, %scan3A_7 : i32
    %scan3A_9 = arith.constant 1 : i32
    scf.for %scan3A_157 = %scan3A_6 to %scan3A_8 step %scan3A_9  : i32 {
      %mul3A_158 = arith.constant 640 : i32
      %mul3A_159 = arith.muli %arg1, %mul3A_158 : i32
      %mul3A_160 = arith.constant 64 : i32
      %mul3A_161 = arith.muli %scan3A_157, %mul3A_160 : i32
      %add3A_162 = arith.addi %mul3A_159, %mul3A_161 : i32
      "tpu.region"() ({
        %run_scoped3A_163 = tpu.sem_alloc : memref<!tpu.dma_semaphore, #tpu.memory_space<semaphore_mem>>
        %dma_start3A_164 = arith.constant 0 : i32
        %dma_start3A_165 = tpu.memref_slice %arg13[%add3A_162, %dma_start3A_164] : memref<10240x128xf32, #tpu.memory_space<vmem_shared>> -> memref<64x128xf32, #tpu.memory_space<vmem_shared>>
        %dma_start3A_166 = arith.constant 0 : i32
        %dma_start3A_167 = tpu.memref_slice %arg13[%add3A_162, %dma_start3A_166] : memref<10240x128xf32, #tpu.memory_space<vmem_shared>> -> memref<64x128xf32, #tpu.memory_space<vmem_shared>>
        tpu.enqueue_dma source(%arg12 : memref<64x128xf32, #tpu.memory_space<vmem>>) target(%dma_start3A_167 : memref<64x128xf32, #tpu.memory_space<vmem_shared>>) target_semaphore(%run_scoped3A_163 : memref<!tpu.dma_semaphore, #tpu.memory_space<semaphore_mem>>)
        %dma_wait3A_168 = arith.constant 0 : i32
        %dma_wait3A_169 = tpu.memref_slice %arg13[%add3A_162, %dma_wait3A_168] : memref<10240x128xf32, #tpu.memory_space<vmem_shared>> -> memref<64x128xf32, #tpu.memory_space<vmem_shared>>
        %dma_wait3A_170 = arith.constant 0 : i32
        %dma_wait3A_171 = tpu.memref_slice %arg13[%add3A_162, %dma_wait3A_170] : memref<10240x128xf32, #tpu.memory_space<vmem_shared>> -> memref<64x128xf32, #tpu.memory_space<vmem_shared>>
        tpu.wait_dma2 semaphore(%run_scoped3A_163 : memref<!tpu.dma_semaphore, #tpu.memory_space<semaphore_mem>>) src(%arg12 : memref<64x128xf32, #tpu.memory_space<vmem>>) dst(%dma_wait3A_171 : memref<64x128xf32, #tpu.memory_space<vmem_shared>>)
        tpu.yield
      }) : () -> ()
    }
    %scan3A_10 = arith.constant 10 : i32
    %barrier3A = arith.constant 0 : index
    tpu.barrier barrier_id(%barrier3A)
    %mul3A_11 = arith.constant 10000 : i32
    %mul3A_12 = arith.muli %add3A, %mul3A_11 : i32
    %add3A_13 = arith.constant 9856 : i32
    %add3A_14 = arith.addi %mul3A_12, %add3A_13 : i32
    %add3A_15 = arith.constant 0 : i32
    %add3A_16 = arith.addi %mul3A_12, %add3A_15 : i32
    %min3A = arith.minsi %add3A_16, %add3A_14 : i32
    %multiple_of3A = tpu.assume_multiple %min3A, 8 : i32
    %dma_start3A = arith.constant 0 : i32
    %dma_start3A_17 = arith.constant 0 : i32
    %dma_start3A_18 = arith.constant 0 : i32
    %dma_start3A_19 = tpu.memref_slice %arg5[%dma_start3A_17, %dma_start3A_18] : memref<4x128xi32, #tpu.memory_space<vmem>> -> memref<1x128xi32, #tpu.memory_space<vmem>>
    %dma_start3A_20 = tpu.memref_squeeze %dma_start3A_19 : memref<1x128xi32, #tpu.memory_space<vmem>> -> memref<128xi32, #tpu.memory_space<vmem>>
    %dma_start3A_21 = tpu.memref_slice %arg3[%dma_start3A, %multiple_of3A] : memref<2x320000xi32, #tpu.memory_space<hbm>> -> memref<1x128xi32, #tpu.memory_space<hbm>>
    %dma_start3A_22 = tpu.memref_squeeze %dma_start3A_21 : memref<1x128xi32, #tpu.memory_space<hbm>> -> memref<128xi32, #tpu.memory_space<hbm>>
    %dma_start3A_23 = arith.constant 0 : i32
    %dma_start3A_24 = tpu.memref_slice %arg5[%dma_start3A_17, %dma_start3A_23] : memref<4x128xi32, #tpu.memory_space<vmem>> -> memref<1x128xi32, #tpu.memory_space<vmem>>
    %dma_start3A_25 = tpu.memref_squeeze %dma_start3A_24 : memref<1x128xi32, #tpu.memory_space<vmem>> -> memref<128xi32, #tpu.memory_space<vmem>>
    %dma_start3A_26 = tpu.memref_slice %arg3[%dma_start3A, %multiple_of3A] : memref<2x320000xi32, #tpu.memory_space<hbm>> -> memref<1x128xi32, #tpu.memory_space<hbm>>
    %dma_start3A_27 = tpu.memref_squeeze %dma_start3A_26 : memref<1x128xi32, #tpu.memory_space<hbm>> -> memref<128xi32, #tpu.memory_space<hbm>>
    tpu.enqueue_dma source(%dma_start3A_27 : memref<128xi32, #tpu.memory_space<hbm>>) target(%dma_start3A_25 : memref<128xi32, #tpu.memory_space<vmem>>) target_semaphore(%arg14 : memref<!tpu.dma_semaphore, #tpu.memory_space<semaphore_mem>>)
    %dma_start3A_28 = arith.constant 1 : i32
    %dma_start3A_29 = arith.constant 0 : i32
    %dma_start3A_30 = arith.constant 0 : i32
    %dma_start3A_31 = tpu.memref_slice %arg6[%dma_start3A_29, %dma_start3A_30] : memref<4x128xi32, #tpu.memory_space<vmem>> -> memref<1x128xi32, #tpu.memory_space<vmem>>
    %dma_start3A_32 = tpu.memref_squeeze %dma_start3A_31 : memref<1x128xi32, #tpu.memory_space<vmem>> -> memref<128xi32, #tpu.memory_space<vmem>>
    %dma_start3A_33 = tpu.memref_slice %arg3[%dma_start3A_28, %multiple_of3A] : memref<2x320000xi32, #tpu.memory_space<hbm>> -> memref<1x128xi32, #tpu.memory_space<hbm>>
    %dma_start3A_34 = tpu.memref_squeeze %dma_start3A_33 : memref<1x128xi32, #tpu.memory_space<hbm>> -> memref<128xi32, #tpu.memory_space<hbm>>
    %dma_start3A_35 = arith.constant 0 : i32
    %dma_start3A_36 = tpu.memref_slice %arg6[%dma_start3A_29, %dma_start3A_35] : memref<4x128xi32, #tpu.memory_space<vmem>> -> memref<1x128xi32, #tpu.memory_space<vmem>>
    %dma_start3A_37 = tpu.memref_squeeze %dma_start3A_36 : memref<1x128xi32, #tpu.memory_space<vmem>> -> memref<128xi32, #tpu.memory_space<vmem>>
    %dma_start3A_38 = tpu.memref_slice %arg3[%dma_start3A_28, %multiple_of3A] : memref<2x320000xi32, #tpu.memory_space<hbm>> -> memref<1x128xi32, #tpu.memory_space<hbm>>
    %dma_start3A_39 = tpu.memref_squeeze %dma_start3A_38 : memref<1x128xi32, #tpu.memory_space<hbm>> -> memref<128xi32, #tpu.memory_space<hbm>>
    tpu.enqueue_dma source(%dma_start3A_39 : memref<128xi32, #tpu.memory_space<hbm>>) target(%dma_start3A_37 : memref<128xi32, #tpu.memory_space<vmem>>) target_semaphore(%arg14 : memref<!tpu.dma_semaphore, #tpu.memory_space<semaphore_mem>>)
    %add3A_40 = arith.constant 128 : i32
    %add3A_41 = arith.addi %mul3A_12, %add3A_40 : i32
    %min3A_42 = arith.minsi %add3A_41, %add3A_14 : i32
    %multiple_of3A_43 = tpu.assume_multiple %min3A_42, 8 : i32
    %dma_start3A_44 = arith.constant 0 : i32
    %dma_start3A_45 = arith.constant 1 : i32
    %dma_start3A_46 = arith.constant 0 : i32
    %dma_start3A_47 = tpu.memref_slice %arg5[%dma_start3A_45, %dma_start3A_46] : memref<4x128xi32, #tpu.memory_space<vmem>> -> memref<1x128xi32, #tpu.memory_space<vmem>>
    %dma_start3A_48 = tpu.memref_squeeze %dma_start3A_47 : memref<1x128xi32, #tpu.memory_space<vmem>> -> memref<128xi32, #tpu.memory_space<vmem>>
    %dma_start3A_49 = tpu.memref_slice %arg3[%dma_start3A_44, %multiple_of3A_43] : memref<2x320000xi32, #tpu.memory_space<hbm>> -> memref<1x128xi32, #tpu.memory_space<hbm>>
    %dma_start3A_50 = tpu.memref_squeeze %dma_start3A_49 : memref<1x128xi32, #tpu.memory_space<hbm>> -> memref<128xi32, #tpu.memory_space<hbm>>
    %dma_start3A_51 = arith.constant 0 : i32
    %dma_start3A_52 = tpu.memref_slice %arg5[%dma_start3A_45, %dma_start3A_51] : memref<4x128xi32, #tpu.memory_space<vmem>> -> memref<1x128xi32, #tpu.memory_space<vmem>>
    %dma_start3A_53 = tpu.memref_squeeze %dma_start3A_52 : memref<1x128xi32, #tpu.memory_space<vmem>> -> memref<128xi32, #tpu.memory_space<vmem>>
    %dma_start3A_54 = tpu.memref_slice %arg3[%dma_start3A_44, %multiple_of3A_43] : memref<2x320000xi32, #tpu.memory_space<hbm>> -> memref<1x128xi32, #tpu.memory_space<hbm>>
    %dma_start3A_55 = tpu.memref_squeeze %dma_start3A_54 : memref<1x128xi32, #tpu.memory_space<hbm>> -> memref<128xi32, #tpu.memory_space<hbm>>
    tpu.enqueue_dma source(%dma_start3A_55 : memref<128xi32, #tpu.memory_space<hbm>>) target(%dma_start3A_53 : memref<128xi32, #tpu.memory_space<vmem>>) target_semaphore(%arg15 : memref<!tpu.dma_semaphore, #tpu.memory_space<semaphore_mem>>)
    %dma_start3A_56 = arith.constant 1 : i32
    %dma_start3A_57 = arith.constant 1 : i32
    %dma_start3A_58 = arith.constant 0 : i32
    %dma_start3A_59 = tpu.memref_slice %arg6[%dma_start3A_57, %dma_start3A_58] : memref<4x128xi32, #tpu.memory_space<vmem>> -> memref<1x128xi32, #tpu.memory_space<vmem>>
    %dma_start3A_60 = tpu.memref_squeeze %dma_start3A_59 : memref<1x128xi32, #tpu.memory_space<vmem>> -> memref<128xi32, #tpu.memory_space<vmem>>
    %dma_start3A_61 = tpu.memref_slice %arg3[%dma_start3A_56, %multiple_of3A_43] : memref<2x320000xi32, #tpu.memory_space<hbm>> -> memref<1x128xi32, #tpu.memory_space<hbm>>
    %dma_start3A_62 = tpu.memref_squeeze %dma_start3A_61 : memref<1x128xi32, #tpu.memory_space<hbm>> -> memref<128xi32, #tpu.memory_space<hbm>>
    %dma_start3A_63 = arith.constant 0 : i32
    %dma_start3A_64 = tpu.memref_slice %arg6[%dma_start3A_57, %dma_start3A_63] : memref<4x128xi32, #tpu.memory_space<vmem>> -> memref<1x128xi32, #tpu.memory_space<vmem>>
    %dma_start3A_65 = tpu.memref_squeeze %dma_start3A_64 : memref<1x128xi32, #tpu.memory_space<vmem>> -> memref<128xi32, #tpu.memory_space<vmem>>
    %dma_start3A_66 = tpu.memref_slice %arg3[%dma_start3A_56, %multiple_of3A_43] : memref<2x320000xi32, #tpu.memory_space<hbm>> -> memref<1x128xi32, #tpu.memory_space<hbm>>
    %dma_start3A_67 = tpu.memref_squeeze %dma_start3A_66 : memref<1x128xi32, #tpu.memory_space<hbm>> -> memref<128xi32, #tpu.memory_space<hbm>>
    tpu.enqueue_dma source(%dma_start3A_67 : memref<128xi32, #tpu.memory_space<hbm>>) target(%dma_start3A_65 : memref<128xi32, #tpu.memory_space<vmem>>) target_semaphore(%arg15 : memref<!tpu.dma_semaphore, #tpu.memory_space<semaphore_mem>>)
    %dma_wait3A = arith.constant 0 : i32
    %dma_wait3A_68 = arith.constant 0 : i32
    %dma_wait3A_69 = arith.constant 0 : i32
    %dma_wait3A_70 = tpu.memref_slice %arg5[%dma_wait3A_68, %dma_wait3A_69] : memref<4x128xi32, #tpu.memory_space<vmem>> -> memref<1x128xi32, #tpu.memory_space<vmem>>
    %dma_wait3A_71 = tpu.memref_squeeze %dma_wait3A_70 : memref<1x128xi32, #tpu.memory_space<vmem>> -> memref<128xi32, #tpu.memory_space<vmem>>
    %dma_wait3A_72 = arith.constant 0 : i32
    %dma_wait3A_73 = tpu.memref_slice %arg3[%dma_wait3A, %dma_wait3A_72] : memref<2x320000xi32, #tpu.memory_space<hbm>> -> memref<1x128xi32, #tpu.memory_space<hbm>>
    %dma_wait3A_74 = tpu.memref_squeeze %dma_wait3A_73 : memref<1x128xi32, #tpu.memory_space<hbm>> -> memref<128xi32, #tpu.memory_space<hbm>>
    %dma_wait3A_75 = arith.constant 0 : i32
    %dma_wait3A_76 = tpu.memref_slice %arg5[%dma_wait3A_68, %dma_wait3A_75] : memref<4x128xi32, #tpu.memory_space<vmem>> -> memref<1x128xi32, #tpu.memory_space<vmem>>
    %dma_wait3A_77 = tpu.memref_squeeze %dma_wait3A_76 : memref<1x128xi32, #tpu.memory_space<vmem>> -> memref<128xi32, #tpu.memory_space<vmem>>
    %dma_wait3A_78 = arith.constant 0 : i32
    %dma_wait3A_79 = tpu.memref_slice %arg3[%dma_wait3A, %dma_wait3A_78] : memref<2x320000xi32, #tpu.memory_space<hbm>> -> memref<1x128xi32, #tpu.memory_space<hbm>>
    %dma_wait3A_80 = tpu.memref_squeeze %dma_wait3A_79 : memref<1x128xi32, #tpu.memory_space<hbm>> -> memref<128xi32, #tpu.memory_space<hbm>>
    tpu.wait_dma2 semaphore(%arg14 : memref<!tpu.dma_semaphore, #tpu.memory_space<semaphore_mem>>) src(%dma_wait3A_80 : memref<128xi32, #tpu.memory_space<hbm>>) dst(%dma_wait3A_77 : memref<128xi32, #tpu.memory_space<vmem>>)
    %dma_wait3A_81 = arith.constant 1 : i32
    %dma_wait3A_82 = arith.constant 0 : i32
    %dma_wait3A_83 = arith.constant 0 : i32
    %dma_wait3A_84 = tpu.memref_slice %arg6[%dma_wait3A_82, %dma_wait3A_83] : memref<4x128xi32, #tpu.memory_space<vmem>> -> memref<1x128xi32, #tpu.memory_space<vmem>>
    %dma_wait3A_85 = tpu.memref_squeeze %dma_wait3A_84 : memref<1x128xi32, #tpu.memory_space<vmem>> -> memref<128xi32, #tpu.memory_space<vmem>>
    %dma_wait3A_86 = arith.constant 0 : i32
    %dma_wait3A_87 = tpu.memref_slice %arg3[%dma_wait3A_81, %dma_wait3A_86] : memref<2x320000xi32, #tpu.memory_space<hbm>> -> memref<1x128xi32, #tpu.memory_space<hbm>>
    %dma_wait3A_88 = tpu.memref_squeeze %dma_wait3A_87 : memref<1x128xi32, #tpu.memory_space<hbm>> -> memref<128xi32, #tpu.memory_space<hbm>>
    %dma_wait3A_89 = arith.constant 0 : i32
    %dma_wait3A_90 = tpu.memref_slice %arg6[%dma_wait3A_82, %dma_wait3A_89] : memref<4x128xi32, #tpu.memory_space<vmem>> -> memref<1x128xi32, #tpu.memory_space<vmem>>
    %dma_wait3A_91 = tpu.memref_squeeze %dma_wait3A_90 : memref<1x128xi32, #tpu.memory_space<vmem>> -> memref<128xi32, #tpu.memory_space<vmem>>
    %dma_wait3A_92 = arith.constant 0 : i32
    %dma_wait3A_93 = tpu.memref_slice %arg3[%dma_wait3A_81, %dma_wait3A_92] : memref<2x320000xi32, #tpu.memory_space<hbm>> -> memref<1x128xi32, #tpu.memory_space<hbm>>
    %dma_wait3A_94 = tpu.memref_squeeze %dma_wait3A_93 : memref<1x128xi32, #tpu.memory_space<hbm>> -> memref<128xi32, #tpu.memory_space<hbm>>
    tpu.wait_dma2 semaphore(%arg14 : memref<!tpu.dma_semaphore, #tpu.memory_space<semaphore_mem>>) src(%dma_wait3A_94 : memref<128xi32, #tpu.memory_space<hbm>>) dst(%dma_wait3A_91 : memref<128xi32, #tpu.memory_space<vmem>>)
    %dma_start3A_95 = arith.constant 0 : i32
    %dma_start3A_96 = arith.constant 0 : i32
    %dma_start3A_97 = tpu.memref_slice %arg5[%dma_start3A_95, %dma_start3A_96] : memref<4x128xi32, #tpu.memory_space<vmem>> -> memref<1x128xi32, #tpu.memory_space<vmem>>
    %dma_start3A_98 = tpu.memref_squeeze %dma_start3A_97 : memref<1x128xi32, #tpu.memory_space<vmem>> -> memref<128xi32, #tpu.memory_space<vmem>>
    %dma_start3A_99 = arith.constant 0 : i32
    %dma_start3A_100 = arith.constant 0 : i32
    %dma_start3A_101 = tpu.memref_slice %arg2[%dma_start3A_99, %dma_start3A_100] : memref<10000x128xf32, #tpu.memory_space<hbm>> -> memref<10000x128xf32, #tpu.memory_space<hbm>>
    tpu.enqueue_indirect_dma source(%dma_start3A_101 : memref<10000x128xf32, #tpu.memory_space<hbm>>) target(%arg7 : memref<128x128xf32, #tpu.memory_space<vmem>>) offsets(%dma_start3A_98 : memref<128xi32, #tpu.memory_space<vmem>>) semaphore(%arg18 : memref<!tpu.dma_semaphore, #tpu.memory_space<semaphore_mem>>)
    %scan3A_102 = arith.constant 0 : i32
    %scan3A_103 = arith.constant 39 : i32
    %scan3A_104 = arith.addi %scan3A_102, %scan3A_103 : i32
    %scan3A_105 = arith.constant 1 : i32
    scf.for %scan3A_157 = %scan3A_102 to %scan3A_104 step %scan3A_105  : i32 {
      %mul3A_158 = arith.constant 2 : i32
      %mul3A_159 = arith.muli %mul3A_158, %scan3A_157 : i32
      %dma_wait3A_160 = arith.constant 0 : i32
      %dma_wait3A_161 = arith.constant 1 : i32
      %dma_wait3A_162 = arith.constant 0 : i32
      %dma_wait3A_163 = tpu.memref_slice %arg5[%dma_wait3A_161, %dma_wait3A_162] : memref<4x128xi32, #tpu.memory_space<vmem>> -> memref<1x128xi32, #tpu.memory_space<vmem>>
      %dma_wait3A_164 = tpu.memref_squeeze %dma_wait3A_163 : memref<1x128xi32, #tpu.memory_space<vmem>> -> memref<128xi32, #tpu.memory_space<vmem>>
      %dma_wait3A_165 = arith.constant 0 : i32
      %dma_wait3A_166 = tpu.memref_slice %arg3[%dma_wait3A_160, %dma_wait3A_165] : memref<2x320000xi32, #tpu.memory_space<hbm>> -> memref<1x128xi32, #tpu.memory_space<hbm>>
      %dma_wait3A_167 = tpu.memref_squeeze %dma_wait3A_166 : memref<1x128xi32, #tpu.memory_space<hbm>> -> memref<128xi32, #tpu.memory_space<hbm>>
      %dma_wait3A_168 = arith.constant 0 : i32
      %dma_wait3A_169 = tpu.memref_slice %arg5[%dma_wait3A_161, %dma_wait3A_168] : memref<4x128xi32, #tpu.memory_space<vmem>> -> memref<1x128xi32, #tpu.memory_space<vmem>>
      %dma_wait3A_170 = tpu.memref_squeeze %dma_wait3A_169 : memref<1x128xi32, #tpu.memory_space<vmem>> -> memref<128xi32, #tpu.memory_space<vmem>>
      %dma_wait3A_171 = arith.constant 0 : i32
      %dma_wait3A_172 = tpu.memref_slice %arg3[%dma_wait3A_160, %dma_wait3A_171] : memref<2x320000xi32, #tpu.memory_space<hbm>> -> memref<1x128xi32, #tpu.memory_space<hbm>>
      %dma_wait3A_173 = tpu.memref_squeeze %dma_wait3A_172 : memref<1x128xi32, #tpu.memory_space<hbm>> -> memref<128xi32, #tpu.memory_space<hbm>>
      tpu.wait_dma2 semaphore(%arg15 : memref<!tpu.dma_semaphore, #tpu.memory_space<semaphore_mem>>) src(%dma_wait3A_173 : memref<128xi32, #tpu.memory_space<hbm>>) dst(%dma_wait3A_170 : memref<128xi32, #tpu.memory_space<vmem>>)
      %dma_wait3A_174 = arith.constant 1 : i32
      %dma_wait3A_175 = arith.constant 1 : i32
      %dma_wait3A_176 = arith.constant 0 : i32
      %dma_wait3A_177 = tpu.memref_slice %arg6[%dma_wait3A_175, %dma_wait3A_176] : memref<4x128xi32, #tpu.memory_space<vmem>> -> memref<1x128xi32, #tpu.memory_space<vmem>>
      %dma_wait3A_178 = tpu.memref_squeeze %dma_wait3A_177 : memref<1x128xi32, #tpu.memory_space<vmem>> -> memref<128xi32, #tpu.memory_space<vmem>>
      %dma_wait3A_179 = arith.constant 0 : i32
      %dma_wait3A_180 = tpu.memref_slice %arg3[%dma_wait3A_174, %dma_wait3A_179] : memref<2x320000xi32, #tpu.memory_space<hbm>> -> memref<1x128xi32, #tpu.memory_space<hbm>>
      %dma_wait3A_181 = tpu.memref_squeeze %dma_wait3A_180 : memref<1x128xi32, #tpu.memory_space<hbm>> -> memref<128xi32, #tpu.memory_space<hbm>>
      %dma_wait3A_182 = arith.constant 0 : i32
      %dma_wait3A_183 = tpu.memref_slice %arg6[%dma_wait3A_175, %dma_wait3A_182] : memref<4x128xi32, #tpu.memory_space<vmem>> -> memref<1x128xi32, #tpu.memory_space<vmem>>
      %dma_wait3A_184 = tpu.memref_squeeze %dma_wait3A_183 : memref<1x128xi32, #tpu.memory_space<vmem>> -> memref<128xi32, #tpu.memory_space<vmem>>
      %dma_wait3A_185 = arith.constant 0 : i32
      %dma_wait3A_186 = tpu.memref_slice %arg3[%dma_wait3A_174, %dma_wait3A_185] : memref<2x320000xi32, #tpu.memory_space<hbm>> -> memref<1x128xi32, #tpu.memory_space<hbm>>
      %dma_wait3A_187 = tpu.memref_squeeze %dma_wait3A_186 : memref<1x128xi32, #tpu.memory_space<hbm>> -> memref<128xi32, #tpu.memory_space<hbm>>
      tpu.wait_dma2 semaphore(%arg15 : memref<!tpu.dma_semaphore, #tpu.memory_space<semaphore_mem>>) src(%dma_wait3A_187 : memref<128xi32, #tpu.memory_space<hbm>>) dst(%dma_wait3A_184 : memref<128xi32, #tpu.memory_space<vmem>>)
      %dma_start3A_188 = arith.constant 1 : i32
      %dma_start3A_189 = arith.constant 0 : i32
      %dma_start3A_190 = tpu.memref_slice %arg5[%dma_start3A_188, %dma_start3A_189] : memref<4x128xi32, #tpu.memory_space<vmem>> -> memref<1x128xi32, #tpu.memory_space<vmem>>
      %dma_start3A_191 = tpu.memref_squeeze %dma_start3A_190 : memref<1x128xi32, #tpu.memory_space<vmem>> -> memref<128xi32, #tpu.memory_space<vmem>>
      %dma_start3A_192 = arith.constant 0 : i32
      %dma_start3A_193 = arith.constant 0 : i32
      %dma_start3A_194 = tpu.memref_slice %arg2[%dma_start3A_192, %dma_start3A_193] : memref<10000x128xf32, #tpu.memory_space<hbm>> -> memref<10000x128xf32, #tpu.memory_space<hbm>>
      tpu.enqueue_indirect_dma source(%dma_start3A_194 : memref<10000x128xf32, #tpu.memory_space<hbm>>) target(%arg8 : memref<128x128xf32, #tpu.memory_space<vmem>>) offsets(%dma_start3A_191 : memref<128xi32, #tpu.memory_space<vmem>>) semaphore(%arg19 : memref<!tpu.dma_semaphore, #tpu.memory_space<semaphore_mem>>)
      %dma_wait3A_195 = arith.constant 0 : i32
      %dma_wait3A_196 = arith.constant 0 : i32
      %dma_wait3A_197 = tpu.memref_slice %arg5[%dma_wait3A_195, %dma_wait3A_196] : memref<4x128xi32, #tpu.memory_space<vmem>> -> memref<1x128xi32, #tpu.memory_space<vmem>>
      %dma_wait3A_198 = tpu.memref_squeeze %dma_wait3A_197 : memref<1x128xi32, #tpu.memory_space<vmem>> -> memref<128xi32, #tpu.memory_space<vmem>>
      %dma_wait3A_199 = arith.constant 0 : i32
      %dma_wait3A_200 = arith.constant 0 : i32
      %dma_wait3A_201 = tpu.memref_slice %arg2[%dma_wait3A_199, %dma_wait3A_200] : memref<10000x128xf32, #tpu.memory_space<hbm>> -> memref<10000x128xf32, #tpu.memory_space<hbm>>
      tpu.wait_indirect_dma semaphore(%arg18 : memref<!tpu.dma_semaphore, #tpu.memory_space<semaphore_mem>>) src(%dma_wait3A_201 : memref<10000x128xf32, #tpu.memory_space<hbm>>) dst(%arg7 : memref<128x128xf32, #tpu.memory_space<vmem>>)
      %run_scoped3A_202 = arith.constant 0 : i32
      "tpu.region"() ({
        %run_scoped3A_308 = tpu.sem_alloc : memref<!tpu.dma_semaphore, #tpu.memory_space<semaphore_mem>>
        %dma_start3A_309 = arith.constant 0 : i32
        %dma_start3A_310 = tpu.memref_slice %arg6[%run_scoped3A_202, %dma_start3A_309] : memref<4x128xi32, #tpu.memory_space<vmem>> -> memref<1x128xi32, #tpu.memory_space<vmem>>
        %dma_start3A_311 = tpu.memref_squeeze %dma_start3A_310 : memref<1x128xi32, #tpu.memory_space<vmem>> -> memref<128xi32, #tpu.memory_space<vmem>>
        %dma_start3A_312 = arith.constant 0 : i32
        %dma_start3A_313 = arith.constant 0 : i32
        %dma_start3A_314 = tpu.memref_slice %arg13[%dma_start3A_312, %dma_start3A_313] : memref<10240x128xf32, #tpu.memory_space<vmem_shared>> -> memref<10240x128xf32, #tpu.memory_space<vmem_shared>>
        tpu.enqueue_indirect_dma source(%arg7 : memref<128x128xf32, #tpu.memory_space<vmem>>) target(%dma_start3A_314 : memref<10240x128xf32, #tpu.memory_space<vmem_shared>>) offsets(%dma_start3A_311 : memref<128xi32, #tpu.memory_space<vmem>>) semaphore(%run_scoped3A_308 : memref<!tpu.dma_semaphore, #tpu.memory_space<semaphore_mem>>) {add = true}
        %dma_wait3A_315 = arith.constant 0 : i32
        %dma_wait3A_316 = tpu.memref_slice %arg6[%run_scoped3A_202, %dma_wait3A_315] : memref<4x128xi32, #tpu.memory_space<vmem>> -> memref<1x128xi32, #tpu.memory_space<vmem>>
        %dma_wait3A_317 = tpu.memref_squeeze %dma_wait3A_316 : memref<1x128xi32, #tpu.memory_space<vmem>> -> memref<128xi32, #tpu.memory_space<vmem>>
        %dma_wait3A_318 = arith.constant 0 : i32
        %dma_wait3A_319 = arith.constant 0 : i32
        %dma_wait3A_320 = tpu.memref_slice %arg13[%dma_wait3A_318, %dma_wait3A_319] : memref<10240x128xf32, #tpu.memory_space<vmem_shared>> -> memref<10240x128xf32, #tpu.memory_space<vmem_shared>>
        tpu.wait_indirect_dma semaphore(%run_scoped3A_308 : memref<!tpu.dma_semaphore, #tpu.memory_space<semaphore_mem>>) src(%arg7 : memref<128x128xf32, #tpu.memory_space<vmem>>) dst(%dma_wait3A_320 : memref<10240x128xf32, #tpu.memory_space<vmem_shared>>)
        tpu.yield
      }) : () -> ()
      %add3A_203 = arith.constant 2 : i32
      %add3A_204 = arith.addi %mul3A_159, %add3A_203 : i32
      %mul3A_205 = arith.constant 128 : i32
      %mul3A_206 = arith.muli %add3A_204, %mul3A_205 : i32
      %add3A_207 = arith.addi %mul3A_12, %mul3A_206 : i32
      %min3A_208 = arith.minsi %add3A_207, %add3A_14 : i32
      %multiple_of3A_209 = tpu.assume_multiple %min3A_208, 8 : i32
      %dma_start3A_210 = arith.constant 0 : i32
      %dma_start3A_211 = arith.constant 0 : i32
      %dma_start3A_212 = arith.constant 0 : i32
      %dma_start3A_213 = tpu.memref_slice %arg5[%dma_start3A_211, %dma_start3A_212] : memref<4x128xi32, #tpu.memory_space<vmem>> -> memref<1x128xi32, #tpu.memory_space<vmem>>
      %dma_start3A_214 = tpu.memref_squeeze %dma_start3A_213 : memref<1x128xi32, #tpu.memory_space<vmem>> -> memref<128xi32, #tpu.memory_space<vmem>>
      %dma_start3A_215 = tpu.memref_slice %arg3[%dma_start3A_210, %multiple_of3A_209] : memref<2x320000xi32, #tpu.memory_space<hbm>> -> memref<1x128xi32, #tpu.memory_space<hbm>>
      %dma_start3A_216 = tpu.memref_squeeze %dma_start3A_215 : memref<1x128xi32, #tpu.memory_space<hbm>> -> memref<128xi32, #tpu.memory_space<hbm>>
      %dma_start3A_217 = arith.constant 0 : i32
      %dma_start3A_218 = tpu.memref_slice %arg5[%dma_start3A_211, %dma_start3A_217] : memref<4x128xi32, #tpu.memory_space<vmem>> -> memref<1x128xi32, #tpu.memory_space<vmem>>
      %dma_start3A_219 = tpu.memref_squeeze %dma_start3A_218 : memref<1x128xi32, #tpu.memory_space<vmem>> -> memref<128xi32, #tpu.memory_space<vmem>>
      %dma_start3A_220 = tpu.memref_slice %arg3[%dma_start3A_210, %multiple_of3A_209] : memref<2x320000xi32, #tpu.memory_space<hbm>> -> memref<1x128xi32, #tpu.memory_space<hbm>>
      %dma_start3A_221 = tpu.memref_squeeze %dma_start3A_220 : memref<1x128xi32, #tpu.memory_space<hbm>> -> memref<128xi32, #tpu.memory_space<hbm>>
      tpu.enqueue_dma source(%dma_start3A_221 : memref<128xi32, #tpu.memory_space<hbm>>) target(%dma_start3A_219 : memref<128xi32, #tpu.memory_space<vmem>>) target_semaphore(%arg14 : memref<!tpu.dma_semaphore, #tpu.memory_space<semaphore_mem>>)
      %dma_start3A_222 = arith.constant 1 : i32
      %dma_start3A_223 = arith.constant 0 : i32
      %dma_start3A_224 = arith.constant 0 : i32
      %dma_start3A_225 = tpu.memref_slice %arg6[%dma_start3A_223, %dma_start3A_224] : memref<4x128xi32, #tpu.memory_space<vmem>> -> memref<1x128xi32, #tpu.memory_space<vmem>>
      %dma_start3A_226 = tpu.memref_squeeze %dma_start3A_225 : memref<1x128xi32, #tpu.memory_space<vmem>> -> memref<128xi32, #tpu.memory_space<vmem>>
      %dma_start3A_227 = tpu.memref_slice %arg3[%dma_start3A_222, %multiple_of3A_209] : memref<2x320000xi32, #tpu.memory_space<hbm>> -> memref<1x128xi32, #tpu.memory_space<hbm>>
      %dma_start3A_228 = tpu.memref_squeeze %dma_start3A_227 : memref<1x128xi32, #tpu.memory_space<hbm>> -> memref<128xi32, #tpu.memory_space<hbm>>
      %dma_start3A_229 = arith.constant 0 : i32
      %dma_start3A_230 = tpu.memref_slice %arg6[%dma_start3A_223, %dma_start3A_229] : memref<4x128xi32, #tpu.memory_space<vmem>> -> memref<1x128xi32, #tpu.memory_space<vmem>>
      %dma_start3A_231 = tpu.memref_squeeze %dma_start3A_230 : memref<1x128xi32, #tpu.memory_space<vmem>> -> memref<128xi32, #tpu.memory_space<vmem>>
      %dma_start3A_232 = tpu.memref_slice %arg3[%dma_start3A_222, %multiple_of3A_209] : memref<2x320000xi32, #tpu.memory_space<hbm>> -> memref<1x128xi32, #tpu.memory_space<hbm>>
      %dma_start3A_233 = tpu.memref_squeeze %dma_start3A_232 : memref<1x128xi32, #tpu.memory_space<hbm>> -> memref<128xi32, #tpu.memory_space<hbm>>
      tpu.enqueue_dma source(%dma_start3A_233 : memref<128xi32, #tpu.memory_space<hbm>>) target(%dma_start3A_231 : memref<128xi32, #tpu.memory_space<vmem>>) target_semaphore(%arg14 : memref<!tpu.dma_semaphore, #tpu.memory_space<semaphore_mem>>)
      %dma_wait3A_234 = arith.constant 0 : i32
      %dma_wait3A_235 = arith.constant 0 : i32
      %dma_wait3A_236 = arith.constant 0 : i32
      %dma_wait3A_237 = tpu.memref_slice %arg5[%dma_wait3A_235, %dma_wait3A_236] : memref<4x128xi32, #tpu.memory_space<vmem>> -> memref<1x128xi32, #tpu.memory_space<vmem>>
      %dma_wait3A_238 = tpu.memref_squeeze %dma_wait3A_237 : memref<1x128xi32, #tpu.memory_space<vmem>> -> memref<128xi32, #tpu.memory_space<vmem>>
      %dma_wait3A_239 = arith.constant 0 : i32
      %dma_wait3A_240 = tpu.memref_slice %arg3[%dma_wait3A_234, %dma_wait3A_239] : memref<2x320000xi32, #tpu.memory_space<hbm>> -> memref<1x128xi32, #tpu.memory_space<hbm>>
      %dma_wait3A_241 = tpu.memref_squeeze %dma_wait3A_240 : memref<1x128xi32, #tpu.memory_space<hbm>> -> memref<128xi32, #tpu.memory_space<hbm>>
      %dma_wait3A_242 = arith.constant 0 : i32
      %dma_wait3A_243 = tpu.memref_slice %arg5[%dma_wait3A_235, %dma_wait3A_242] : memref<4x128xi32, #tpu.memory_space<vmem>> -> memref<1x128xi32, #tpu.memory_space<vmem>>
      %dma_wait3A_244 = tpu.memref_squeeze %dma_wait3A_243 : memref<1x128xi32, #tpu.memory_space<vmem>> -> memref<128xi32, #tpu.memory_space<vmem>>
      %dma_wait3A_245 = arith.constant 0 : i32
      %dma_wait3A_246 = tpu.memref_slice %arg3[%dma_wait3A_234, %dma_wait3A_245] : memref<2x320000xi32, #tpu.memory_space<hbm>> -> memref<1x128xi32, #tpu.memory_space<hbm>>
      %dma_wait3A_247 = tpu.memref_squeeze %dma_wait3A_246 : memref<1x128xi32, #tpu.memory_space<hbm>> -> memref<128xi32, #tpu.memory_space<hbm>>
      tpu.wait_dma2 semaphore(%arg14 : memref<!tpu.dma_semaphore, #tpu.memory_space<semaphore_mem>>) src(%dma_wait3A_247 : memref<128xi32, #tpu.memory_space<hbm>>) dst(%dma_wait3A_244 : memref<128xi32, #tpu.memory_space<vmem>>)
      %dma_wait3A_248 = arith.constant 1 : i32
      %dma_wait3A_249 = arith.constant 0 : i32
      %dma_wait3A_250 = arith.constant 0 : i32
      %dma_wait3A_251 = tpu.memref_slice %arg6[%dma_wait3A_249, %dma_wait3A_250] : memref<4x128xi32, #tpu.memory_space<vmem>> -> memref<1x128xi32, #tpu.memory_space<vmem>>
      %dma_wait3A_252 = tpu.memref_squeeze %dma_wait3A_251 : memref<1x128xi32, #tpu.memory_space<vmem>> -> memref<128xi32, #tpu.memory_space<vmem>>
      %dma_wait3A_253 = arith.constant 0 : i32
      %dma_wait3A_254 = tpu.memref_slice %arg3[%dma_wait3A_248, %dma_wait3A_253] : memref<2x320000xi32, #tpu.memory_space<hbm>> -> memref<1x128xi32, #tpu.memory_space<hbm>>
      %dma_wait3A_255 = tpu.memref_squeeze %dma_wait3A_254 : memref<1x128xi32, #tpu.memory_space<hbm>> -> memref<128xi32, #tpu.memory_space<hbm>>
      %dma_wait3A_256 = arith.constant 0 : i32
      %dma_wait3A_257 = tpu.memref_slice %arg6[%dma_wait3A_249, %dma_wait3A_256] : memref<4x128xi32, #tpu.memory_space<vmem>> -> memref<1x128xi32, #tpu.memory_space<vmem>>
      %dma_wait3A_258 = tpu.memref_squeeze %dma_wait3A_257 : memref<1x128xi32, #tpu.memory_space<vmem>> -> memref<128xi32, #tpu.memory_space<vmem>>
      %dma_wait3A_259 = arith.constant 0 : i32
      %dma_wait3A_260 = tpu.memref_slice %arg3[%dma_wait3A_248, %dma_wait3A_259] : memref<2x320000xi32, #tpu.memory_space<hbm>> -> memref<1x128xi32, #tpu.memory_space<hbm>>
      %dma_wait3A_261 = tpu.memref_squeeze %dma_wait3A_260 : memref<1x128xi32, #tpu.memory_space<hbm>> -> memref<128xi32, #tpu.memory_space<hbm>>
      tpu.wait_dma2 semaphore(%arg14 : memref<!tpu.dma_semaphore, #tpu.memory_space<semaphore_mem>>) src(%dma_wait3A_261 : memref<128xi32, #tpu.memory_space<hbm>>) dst(%dma_wait3A_258 : memref<128xi32, #tpu.memory_space<vmem>>)
      %dma_start3A_262 = arith.constant 0 : i32
      %dma_start3A_263 = arith.constant 0 : i32
      %dma_start3A_264 = tpu.memref_slice %arg5[%dma_start3A_262, %dma_start3A_263] : memref<4x128xi32, #tpu.memory_space<vmem>> -> memref<1x128xi32, #tpu.memory_space<vmem>>
      %dma_start3A_265 = tpu.memref_squeeze %dma_start3A_264 : memref<1x128xi32, #tpu.memory_space<vmem>> -> memref<128xi32, #tpu.memory_space<vmem>>
      %dma_start3A_266 = arith.constant 0 : i32
      %dma_start3A_267 = arith.constant 0 : i32
      %dma_start3A_268 = tpu.memref_slice %arg2[%dma_start3A_266, %dma_start3A_267] : memref<10000x128xf32, #tpu.memory_space<hbm>> -> memref<10000x128xf32, #tpu.memory_space<hbm>>
      tpu.enqueue_indirect_dma source(%dma_start3A_268 : memref<10000x128xf32, #tpu.memory_space<hbm>>) target(%arg7 : memref<128x128xf32, #tpu.memory_space<vmem>>) offsets(%dma_start3A_265 : memref<128xi32, #tpu.memory_space<vmem>>) semaphore(%arg18 : memref<!tpu.dma_semaphore, #tpu.memory_space<semaphore_mem>>)
      %dma_wait3A_269 = arith.constant 0 : i32
      %dma_wait3A_270 = arith.constant 0 : i32
      %dma_wait3A_271 = tpu.memref_slice %arg5[%dma_wait3A_269, %dma_wait3A_270] : memref<4x128xi32, #tpu.memory_space<vmem>> -> memref<1x128xi32, #tpu.memory_space<vmem>>
      %dma_wait3A_272 = tpu.memref_squeeze %dma_wait3A_271 : memref<1x128xi32, #tpu.memory_space<vmem>> -> memref<128xi32, #tpu.memory_space<vmem>>
      %dma_wait3A_273 = arith.constant 0 : i32
      %dma_wait3A_274 = arith.constant 0 : i32
      %dma_wait3A_275 = tpu.memref_slice %arg2[%dma_wait3A_273, %dma_wait3A_274] : memref<10000x128xf32, #tpu.memory_space<hbm>> -> memref<10000x128xf32, #tpu.memory_space<hbm>>
      tpu.wait_indirect_dma semaphore(%arg19 : memref<!tpu.dma_semaphore, #tpu.memory_space<semaphore_mem>>) src(%dma_wait3A_275 : memref<10000x128xf32, #tpu.memory_space<hbm>>) dst(%arg8 : memref<128x128xf32, #tpu.memory_space<vmem>>)
      %run_scoped3A_276 = arith.constant 1 : i32
      "tpu.region"() ({
        %run_scoped3A_308 = tpu.sem_alloc : memref<!tpu.dma_semaphore, #tpu.memory_space<semaphore_mem>>
        %dma_start3A_309 = arith.constant 0 : i32
        %dma_start3A_310 = tpu.memref_slice %arg6[%run_scoped3A_276, %dma_start3A_309] : memref<4x128xi32, #tpu.memory_space<vmem>> -> memref<1x128xi32, #tpu.memory_space<vmem>>
        %dma_start3A_311 = tpu.memref_squeeze %dma_start3A_310 : memref<1x128xi32, #tpu.memory_space<vmem>> -> memref<128xi32, #tpu.memory_space<vmem>>
        %dma_start3A_312 = arith.constant 0 : i32
        %dma_start3A_313 = arith.constant 0 : i32
        %dma_start3A_314 = tpu.memref_slice %arg13[%dma_start3A_312, %dma_start3A_313] : memref<10240x128xf32, #tpu.memory_space<vmem_shared>> -> memref<10240x128xf32, #tpu.memory_space<vmem_shared>>
        tpu.enqueue_indirect_dma source(%arg8 : memref<128x128xf32, #tpu.memory_space<vmem>>) target(%dma_start3A_314 : memref<10240x128xf32, #tpu.memory_space<vmem_shared>>) offsets(%dma_start3A_311 : memref<128xi32, #tpu.memory_space<vmem>>) semaphore(%run_scoped3A_308 : memref<!tpu.dma_semaphore, #tpu.memory_space<semaphore_mem>>) {add = true}
        %dma_wait3A_315 = arith.constant 0 : i32
        %dma_wait3A_316 = tpu.memref_slice %arg6[%run_scoped3A_276, %dma_wait3A_315] : memref<4x128xi32, #tpu.memory_space<vmem>> -> memref<1x128xi32, #tpu.memory_space<vmem>>
        %dma_wait3A_317 = tpu.memref_squeeze %dma_wait3A_316 : memref<1x128xi32, #tpu.memory_space<vmem>> -> memref<128xi32, #tpu.memory_space<vmem>>
        %dma_wait3A_318 = arith.constant 0 : i32
        %dma_wait3A_319 = arith.constant 0 : i32
        %dma_wait3A_320 = tpu.memref_slice %arg13[%dma_wait3A_318, %dma_wait3A_319] : memref<10240x128xf32, #tpu.memory_space<vmem_shared>> -> memref<10240x128xf32, #tpu.memory_space<vmem_shared>>
        tpu.wait_indirect_dma semaphore(%run_scoped3A_308 : memref<!tpu.dma_semaphore, #tpu.memory_space<semaphore_mem>>) src(%arg8 : memref<128x128xf32, #tpu.memory_space<vmem>>) dst(%dma_wait3A_320 : memref<10240x128xf32, #tpu.memory_space<vmem_shared>>)
        tpu.yield
      }) : () -> ()
      %add3A_277 = arith.constant 3 : i32
      %add3A_278 = arith.addi %mul3A_159, %add3A_277 : i32
      %mul3A_279 = arith.constant 128 : i32
      %mul3A_280 = arith.muli %add3A_278, %mul3A_279 : i32
      %add3A_281 = arith.addi %mul3A_12, %mul3A_280 : i32
      %min3A_282 = arith.minsi %add3A_281, %add3A_14 : i32
      %multiple_of3A_283 = tpu.assume_multiple %min3A_282, 8 : i32
      %dma_start3A_284 = arith.constant 0 : i32
      %dma_start3A_285 = arith.constant 1 : i32
      %dma_start3A_286 = arith.constant 0 : i32
      %dma_start3A_287 = tpu.memref_slice %arg5[%dma_start3A_285, %dma_start3A_286] : memref<4x128xi32, #tpu.memory_space<vmem>> -> memref<1x128xi32, #tpu.memory_space<vmem>>
      %dma_start3A_288 = tpu.memref_squeeze %dma_start3A_287 : memref<1x128xi32, #tpu.memory_space<vmem>> -> memref<128xi32, #tpu.memory_space<vmem>>
      %dma_start3A_289 = tpu.memref_slice %arg3[%dma_start3A_284, %multiple_of3A_283] : memref<2x320000xi32, #tpu.memory_space<hbm>> -> memref<1x128xi32, #tpu.memory_space<hbm>>
      %dma_start3A_290 = tpu.memref_squeeze %dma_start3A_289 : memref<1x128xi32, #tpu.memory_space<hbm>> -> memref<128xi32, #tpu.memory_space<hbm>>
      %dma_start3A_291 = arith.constant 0 : i32
      %dma_start3A_292 = tpu.memref_slice %arg5[%dma_start3A_285, %dma_start3A_291] : memref<4x128xi32, #tpu.memory_space<vmem>> -> memref<1x128xi32, #tpu.memory_space<vmem>>
      %dma_start3A_293 = tpu.memref_squeeze %dma_start3A_292 : memref<1x128xi32, #tpu.memory_space<vmem>> -> memref<128xi32, #tpu.memory_space<vmem>>
      %dma_start3A_294 = tpu.memref_slice %arg3[%dma_start3A_284, %multiple_of3A_283] : memref<2x320000xi32, #tpu.memory_space<hbm>> -> memref<1x128xi32, #tpu.memory_space<hbm>>
      %dma_start3A_295 = tpu.memref_squeeze %dma_start3A_294 : memref<1x128xi32, #tpu.memory_space<hbm>> -> memref<128xi32, #tpu.memory_space<hbm>>
      tpu.enqueue_dma source(%dma_start3A_295 : memref<128xi32, #tpu.memory_space<hbm>>) target(%dma_start3A_293 : memref<128xi32, #tpu.memory_space<vmem>>) target_semaphore(%arg15 : memref<!tpu.dma_semaphore, #tpu.memory_space<semaphore_mem>>)
      %dma_start3A_296 = arith.constant 1 : i32
      %dma_start3A_297 = arith.constant 1 : i32
      %dma_start3A_298 = arith.constant 0 : i32
      %dma_start3A_299 = tpu.memref_slice %arg6[%dma_start3A_297, %dma_start3A_298] : memref<4x128xi32, #tpu.memory_space<vmem>> -> memref<1x128xi32, #tpu.memory_space<vmem>>
      %dma_start3A_300 = tpu.memref_squeeze %dma_start3A_299 : memref<1x128xi32, #tpu.memory_space<vmem>> -> memref<128xi32, #tpu.memory_space<vmem>>
      %dma_start3A_301 = tpu.memref_slice %arg3[%dma_start3A_296, %multiple_of3A_283] : memref<2x320000xi32, #tpu.memory_space<hbm>> -> memref<1x128xi32, #tpu.memory_space<hbm>>
      %dma_start3A_302 = tpu.memref_squeeze %dma_start3A_301 : memref<1x128xi32, #tpu.memory_space<hbm>> -> memref<128xi32, #tpu.memory_space<hbm>>
      %dma_start3A_303 = arith.constant 0 : i32
      %dma_start3A_304 = tpu.memref_slice %arg6[%dma_start3A_297, %dma_start3A_303] : memref<4x128xi32, #tpu.memory_space<vmem>> -> memref<1x128xi32, #tpu.memory_space<vmem>>
      %dma_start3A_305 = tpu.memref_squeeze %dma_start3A_304 : memref<1x128xi32, #tpu.memory_space<vmem>> -> memref<128xi32, #tpu.memory_space<vmem>>
      %dma_start3A_306 = tpu.memref_slice %arg3[%dma_start3A_296, %multiple_of3A_283] : memref<2x320000xi32, #tpu.memory_space<hbm>> -> memref<1x128xi32, #tpu.memory_space<hbm>>
      %dma_start3A_307 = tpu.memref_squeeze %dma_start3A_306 : memref<1x128xi32, #tpu.memory_space<hbm>> -> memref<128xi32, #tpu.memory_space<hbm>>
      tpu.enqueue_dma source(%dma_start3A_307 : memref<128xi32, #tpu.memory_space<hbm>>) target(%dma_start3A_305 : memref<128xi32, #tpu.memory_space<vmem>>) target_semaphore(%arg15 : memref<!tpu.dma_semaphore, #tpu.memory_space<semaphore_mem>>)
    }
    %scan3A_106 = arith.constant 39 : i32
    %dma_wait3A_107 = arith.constant 0 : i32
    %dma_wait3A_108 = arith.constant 0 : i32
    %dma_wait3A_109 = tpu.memref_slice %arg5[%dma_wait3A_107, %dma_wait3A_108] : memref<4x128xi32, #tpu.memory_space<vmem>> -> memref<1x128xi32, #tpu.memory_space<vmem>>
    %dma_wait3A_110 = tpu.memref_squeeze %dma_wait3A_109 : memref<1x128xi32, #tpu.memory_space<vmem>> -> memref<128xi32, #tpu.memory_space<vmem>>
    %dma_wait3A_111 = arith.constant 0 : i32
    %dma_wait3A_112 = arith.constant 0 : i32
    %dma_wait3A_113 = tpu.memref_slice %arg2[%dma_wait3A_111, %dma_wait3A_112] : memref<10000x128xf32, #tpu.memory_space<hbm>> -> memref<10000x128xf32, #tpu.memory_space<hbm>>
    tpu.wait_indirect_dma semaphore(%arg18 : memref<!tpu.dma_semaphore, #tpu.memory_space<semaphore_mem>>) src(%dma_wait3A_113 : memref<10000x128xf32, #tpu.memory_space<hbm>>) dst(%arg7 : memref<128x128xf32, #tpu.memory_space<vmem>>)
    %dma_wait3A_114 = arith.constant 0 : i32
    %dma_wait3A_115 = arith.constant 1 : i32
    %dma_wait3A_116 = arith.constant 0 : i32
    %dma_wait3A_117 = tpu.memref_slice %arg5[%dma_wait3A_115, %dma_wait3A_116] : memref<4x128xi32, #tpu.memory_space<vmem>> -> memref<1x128xi32, #tpu.memory_space<vmem>>
    %dma_wait3A_118 = tpu.memref_squeeze %dma_wait3A_117 : memref<1x128xi32, #tpu.memory_space<vmem>> -> memref<128xi32, #tpu.memory_space<vmem>>
    %dma_wait3A_119 = arith.constant 0 : i32
    %dma_wait3A_120 = tpu.memref_slice %arg3[%dma_wait3A_114, %dma_wait3A_119] : memref<2x320000xi32, #tpu.memory_space<hbm>> -> memref<1x128xi32, #tpu.memory_space<hbm>>
    %dma_wait3A_121 = tpu.memref_squeeze %dma_wait3A_120 : memref<1x128xi32, #tpu.memory_space<hbm>> -> memref<128xi32, #tpu.memory_space<hbm>>
    %dma_wait3A_122 = arith.constant 0 : i32
    %dma_wait3A_123 = tpu.memref_slice %arg5[%dma_wait3A_115, %dma_wait3A_122] : memref<4x128xi32, #tpu.memory_space<vmem>> -> memref<1x128xi32, #tpu.memory_space<vmem>>
    %dma_wait3A_124 = tpu.memref_squeeze %dma_wait3A_123 : memref<1x128xi32, #tpu.memory_space<vmem>> -> memref<128xi32, #tpu.memory_space<vmem>>
    %dma_wait3A_125 = arith.constant 0 : i32
    %dma_wait3A_126 = tpu.memref_slice %arg3[%dma_wait3A_114, %dma_wait3A_125] : memref<2x320000xi32, #tpu.memory_space<hbm>> -> memref<1x128xi32, #tpu.memory_space<hbm>>
    %dma_wait3A_127 = tpu.memref_squeeze %dma_wait3A_126 : memref<1x128xi32, #tpu.memory_space<hbm>> -> memref<128xi32, #tpu.memory_space<hbm>>
    tpu.wait_dma2 semaphore(%arg15 : memref<!tpu.dma_semaphore, #tpu.memory_space<semaphore_mem>>) src(%dma_wait3A_127 : memref<128xi32, #tpu.memory_space<hbm>>) dst(%dma_wait3A_124 : memref<128xi32, #tpu.memory_space<vmem>>)
    %dma_wait3A_128 = arith.constant 1 : i32
    %dma_wait3A_129 = arith.constant 1 : i32
    %dma_wait3A_130 = arith.constant 0 : i32
    %dma_wait3A_131 = tpu.memref_slice %arg6[%dma_wait3A_129, %dma_wait3A_130] : memref<4x128xi32, #tpu.memory_space<vmem>> -> memref<1x128xi32, #tpu.memory_space<vmem>>
    %dma_wait3A_132 = tpu.memref_squeeze %dma_wait3A_131 : memref<1x128xi32, #tpu.memory_space<vmem>> -> memref<128xi32, #tpu.memory_space<vmem>>
    %dma_wait3A_133 = arith.constant 0 : i32
    %dma_wait3A_134 = tpu.memref_slice %arg3[%dma_wait3A_128, %dma_wait3A_133] : memref<2x320000xi32, #tpu.memory_space<hbm>> -> memref<1x128xi32, #tpu.memory_space<hbm>>
    %dma_wait3A_135 = tpu.memref_squeeze %dma_wait3A_134 : memref<1x128xi32, #tpu.memory_space<hbm>> -> memref<128xi32, #tpu.memory_space<hbm>>
    %dma_wait3A_136 = arith.constant 0 : i32
    %dma_wait3A_137 = tpu.memref_slice %arg6[%dma_wait3A_129, %dma_wait3A_136] : memref<4x128xi32, #tpu.memory_space<vmem>> -> memref<1x128xi32, #tpu.memory_space<vmem>>
    %dma_wait3A_138 = tpu.memref_squeeze %dma_wait3A_137 : memref<1x128xi32, #tpu.memory_space<vmem>> -> memref<128xi32, #tpu.memory_space<vmem>>
    %dma_wait3A_139 = arith.constant 0 : i32
    %dma_wait3A_140 = tpu.memref_slice %arg3[%dma_wait3A_128, %dma_wait3A_139] : memref<2x320000xi32, #tpu.memory_space<hbm>> -> memref<1x128xi32, #tpu.memory_space<hbm>>
    %dma_wait3A_141 = tpu.memref_squeeze %dma_wait3A_140 : memref<1x128xi32, #tpu.memory_space<hbm>> -> memref<128xi32, #tpu.memory_space<hbm>>
    tpu.wait_dma2 semaphore(%arg15 : memref<!tpu.dma_semaphore, #tpu.memory_space<semaphore_mem>>) src(%dma_wait3A_141 : memref<128xi32, #tpu.memory_space<hbm>>) dst(%dma_wait3A_138 : memref<128xi32, #tpu.memory_space<vmem>>)
    %add3A_142 = arith.constant 9984 : i32
    %add3A_143 = arith.addi %mul3A_12, %add3A_142 : i32
    %multiple_of3A_144 = tpu.assume_multiple %add3A_143, 8 : i32
    %run_scoped3A = arith.constant 0 : i32
    "tpu.region"() ({
      %run_scoped3A_157 = tpu.sem_alloc : memref<!tpu.dma_semaphore, #tpu.memory_space<semaphore_mem>>
      %dma_start3A_158 = tpu.memref_slice %arg3[%run_scoped3A, %multiple_of3A_144] : memref<2x320000xi32, #tpu.memory_space<hbm>> -> memref<1x16xi32, #tpu.memory_space<hbm>>
      %dma_start3A_159 = tpu.memref_squeeze %dma_start3A_158 : memref<1x16xi32, #tpu.memory_space<hbm>> -> memref<16xi32, #tpu.memory_space<hbm>>
      %dma_start3A_160 = tpu.memref_slice %arg3[%run_scoped3A, %multiple_of3A_144] : memref<2x320000xi32, #tpu.memory_space<hbm>> -> memref<1x16xi32, #tpu.memory_space<hbm>>
      %dma_start3A_161 = tpu.memref_squeeze %dma_start3A_160 : memref<1x16xi32, #tpu.memory_space<hbm>> -> memref<16xi32, #tpu.memory_space<hbm>>
      tpu.enqueue_dma source(%dma_start3A_161 : memref<16xi32, #tpu.memory_space<hbm>>) target(%arg9 : memref<16xi32, #tpu.memory_space<vmem>>) target_semaphore(%run_scoped3A_157 : memref<!tpu.dma_semaphore, #tpu.memory_space<semaphore_mem>>)
      %dma_wait3A_162 = tpu.memref_slice %arg3[%run_scoped3A, %multiple_of3A_144] : memref<2x320000xi32, #tpu.memory_space<hbm>> -> memref<1x16xi32, #tpu.memory_space<hbm>>
      %dma_wait3A_163 = tpu.memref_squeeze %dma_wait3A_162 : memref<1x16xi32, #tpu.memory_space<hbm>> -> memref<16xi32, #tpu.memory_space<hbm>>
      %dma_wait3A_164 = tpu.memref_slice %arg3[%run_scoped3A, %multiple_of3A_144] : memref<2x320000xi32, #tpu.memory_space<hbm>> -> memref<1x16xi32, #tpu.memory_space<hbm>>
      %dma_wait3A_165 = tpu.memref_squeeze %dma_wait3A_164 : memref<1x16xi32, #tpu.memory_space<hbm>> -> memref<16xi32, #tpu.memory_space<hbm>>
      tpu.wait_dma2 semaphore(%run_scoped3A_157 : memref<!tpu.dma_semaphore, #tpu.memory_space<semaphore_mem>>) src(%dma_wait3A_165 : memref<16xi32, #tpu.memory_space<hbm>>) dst(%arg9 : memref<16xi32, #tpu.memory_space<vmem>>)
      tpu.yield
    }) : () -> ()
    %run_scoped3A_145 = arith.constant 1 : i32
    "tpu.region"() ({
      %run_scoped3A_157 = tpu.sem_alloc : memref<!tpu.dma_semaphore, #tpu.memory_space<semaphore_mem>>
      %dma_start3A_158 = tpu.memref_slice %arg3[%run_scoped3A_145, %multiple_of3A_144] : memref<2x320000xi32, #tpu.memory_space<hbm>> -> memref<1x16xi32, #tpu.memory_space<hbm>>
      %dma_start3A_159 = tpu.memref_squeeze %dma_start3A_158 : memref<1x16xi32, #tpu.memory_space<hbm>> -> memref<16xi32, #tpu.memory_space<hbm>>
      %dma_start3A_160 = tpu.memref_slice %arg3[%run_scoped3A_145, %multiple_of3A_144] : memref<2x320000xi32, #tpu.memory_space<hbm>> -> memref<1x16xi32, #tpu.memory_space<hbm>>
      %dma_start3A_161 = tpu.memref_squeeze %dma_start3A_160 : memref<1x16xi32, #tpu.memory_space<hbm>> -> memref<16xi32, #tpu.memory_space<hbm>>
      tpu.enqueue_dma source(%dma_start3A_161 : memref<16xi32, #tpu.memory_space<hbm>>) target(%arg10 : memref<16xi32, #tpu.memory_space<vmem>>) target_semaphore(%run_scoped3A_157 : memref<!tpu.dma_semaphore, #tpu.memory_space<semaphore_mem>>)
      %dma_wait3A_162 = tpu.memref_slice %arg3[%run_scoped3A_145, %multiple_of3A_144] : memref<2x320000xi32, #tpu.memory_space<hbm>> -> memref<1x16xi32, #tpu.memory_space<hbm>>
      %dma_wait3A_163 = tpu.memref_squeeze %dma_wait3A_162 : memref<1x16xi32, #tpu.memory_space<hbm>> -> memref<16xi32, #tpu.memory_space<hbm>>
      %dma_wait3A_164 = tpu.memref_slice %arg3[%run_scoped3A_145, %multiple_of3A_144] : memref<2x320000xi32, #tpu.memory_space<hbm>> -> memref<1x16xi32, #tpu.memory_space<hbm>>
      %dma_wait3A_165 = tpu.memref_squeeze %dma_wait3A_164 : memref<1x16xi32, #tpu.memory_space<hbm>> -> memref<16xi32, #tpu.memory_space<hbm>>
      tpu.wait_dma2 semaphore(%run_scoped3A_157 : memref<!tpu.dma_semaphore, #tpu.memory_space<semaphore_mem>>) src(%dma_wait3A_165 : memref<16xi32, #tpu.memory_space<hbm>>) dst(%arg10 : memref<16xi32, #tpu.memory_space<vmem>>)
      tpu.yield
    }) : () -> ()
    %dma_start3A_146 = arith.constant 0 : i32
    %dma_start3A_147 = arith.constant 0 : i32
    %dma_start3A_148 = tpu.memref_slice %arg2[%dma_start3A_146, %dma_start3A_147] : memref<10000x128xf32, #tpu.memory_space<hbm>> -> memref<10000x128xf32, #tpu.memory_space<hbm>>
    tpu.enqueue_indirect_dma source(%dma_start3A_148 : memref<10000x128xf32, #tpu.memory_space<hbm>>) target(%arg11 : memref<16x128xf32, #tpu.memory_space<vmem>>) offsets(%arg9 : memref<16xi32, #tpu.memory_space<vmem>>) semaphore(%arg18 : memref<!tpu.dma_semaphore, #tpu.memory_space<semaphore_mem>>)
    %dma_wait3A_149 = arith.constant 0 : i32
    %dma_wait3A_150 = arith.constant 0 : i32
    %dma_wait3A_151 = tpu.memref_slice %arg2[%dma_wait3A_149, %dma_wait3A_150] : memref<10000x128xf32, #tpu.memory_space<hbm>> -> memref<10000x128xf32, #tpu.memory_space<hbm>>
    tpu.wait_indirect_dma semaphore(%arg18 : memref<!tpu.dma_semaphore, #tpu.memory_space<semaphore_mem>>) src(%dma_wait3A_151 : memref<10000x128xf32, #tpu.memory_space<hbm>>) dst(%arg11 : memref<16x128xf32, #tpu.memory_space<vmem>>)
    "tpu.region"() ({
      %run_scoped3A_157 = tpu.sem_alloc : memref<!tpu.dma_semaphore, #tpu.memory_space<semaphore_mem>>
      %dma_start3A_158 = arith.constant 0 : i32
      %dma_start3A_159 = arith.constant 0 : i32
      %dma_start3A_160 = tpu.memref_slice %arg13[%dma_start3A_158, %dma_start3A_159] : memref<10240x128xf32, #tpu.memory_space<vmem_shared>> -> memref<10240x128xf32, #tpu.memory_space<vmem_shared>>
      tpu.enqueue_indirect_dma source(%arg11 : memref<16x128xf32, #tpu.memory_space<vmem>>) target(%dma_start3A_160 : memref<10240x128xf32, #tpu.memory_space<vmem_shared>>) offsets(%arg10 : memref<16xi32, #tpu.memory_space<vmem>>) semaphore(%run_scoped3A_157 : memref<!tpu.dma_semaphore, #tpu.memory_space<semaphore_mem>>) {add = true}
      %dma_wait3A_161 = arith.constant 0 : i32
      %dma_wait3A_162 = arith.constant 0 : i32
      %dma_wait3A_163 = tpu.memref_slice %arg13[%dma_wait3A_161, %dma_wait3A_162] : memref<10240x128xf32, #tpu.memory_space<vmem_shared>> -> memref<10240x128xf32, #tpu.memory_space<vmem_shared>>
      tpu.wait_indirect_dma semaphore(%run_scoped3A_157 : memref<!tpu.dma_semaphore, #tpu.memory_space<semaphore_mem>>) src(%arg11 : memref<16x128xf32, #tpu.memory_space<vmem>>) dst(%dma_wait3A_163 : memref<10240x128xf32, #tpu.memory_space<vmem_shared>>)
      tpu.yield
    }) : () -> ()
    %barrier3A_152 = arith.constant 0 : index
    tpu.barrier barrier_id(%barrier3A_152)
    %mul3A_153 = arith.constant 640 : i32
    %mul3A_154 = arith.muli %arg1, %mul3A_153 : i32
    %mul3A_155 = arith.constant 640 : i32
    %mul3A_156 = arith.muli %arg1, %mul3A_155 : i32
    "tpu.region"() ({
      %run_scoped3A_157 = tpu.sem_alloc : memref<!tpu.dma_semaphore, #tpu.memory_space<semaphore_mem>>
      %dma_start3A_158 = arith.constant 0 : i32
      %dma_start3A_159 = tpu.memref_slice %arg4[%arg0, %mul3A_156, %dma_start3A_158] : memref<2x10240x128xf32, #tpu.memory_space<hbm>> -> memref<1x640x128xf32, #tpu.memory_space<hbm>>
      %dma_start3A_160 = tpu.memref_squeeze %dma_start3A_159 : memref<1x640x128xf32, #tpu.memory_space<hbm>> -> memref<640x128xf32, #tpu.memory_space<hbm>>
      %dma_start3A_161 = arith.constant 0 : i32
      %dma_start3A_162 = tpu.memref_slice %arg13[%mul3A_154, %dma_start3A_161] : memref<10240x128xf32, #tpu.memory_space<vmem_shared>> -> memref<640x128xf32, #tpu.memory_space<vmem_shared>>
      tpu.enqueue_dma source(%dma_start3A_162 : memref<640x128xf32, #tpu.memory_space<vmem_shared>>) target(%dma_start3A_160 : memref<640x128xf32, #tpu.memory_space<hbm>>) target_semaphore(%run_scoped3A_157 : memref<!tpu.dma_semaphore, #tpu.memory_space<semaphore_mem>>)
      %dma_wait3A_163 = arith.constant 0 : i32
      %dma_wait3A_164 = tpu.memref_slice %arg4[%arg0, %mul3A_156, %dma_wait3A_163] : memref<2x10240x128xf32, #tpu.memory_space<hbm>> -> memref<1x640x128xf32, #tpu.memory_space<hbm>>
      %dma_wait3A_165 = tpu.memref_squeeze %dma_wait3A_164 : memref<1x640x128xf32, #tpu.memory_space<hbm>> -> memref<640x128xf32, #tpu.memory_space<hbm>>
      %dma_wait3A_166 = arith.constant 0 : i32
      %dma_wait3A_167 = tpu.memref_slice %arg13[%mul3A_154, %dma_wait3A_166] : memref<10240x128xf32, #tpu.memory_space<vmem_shared>> -> memref<640x128xf32, #tpu.memory_space<vmem_shared>>
      tpu.wait_dma2 semaphore(%run_scoped3A_157 : memref<!tpu.dma_semaphore, #tpu.memory_space<semaphore_mem>>) src(%dma_wait3A_167 : memref<640x128xf32, #tpu.memory_space<vmem_shared>>) dst(%dma_wait3A_165 : memref<640x128xf32, #tpu.memory_space<hbm>>)
      tpu.yield
    }) : () -> ()
    return
  }
}

#map = affine_map<(d0, d1) -> (0, 0)>
#map1 = affine_map<(d0, d1) -> (0, 0, 0)>
module attributes {stable_mosaic.version = 14 : i64} {
  func.func @deg(%arg0: i32, %arg1: i32, %arg2: memref<2x320000xi32, #tpu.memory_space<hbm>>, %arg3: memref<2x10240x16xf32, #tpu.memory_space<hbm>>, %arg4: memref<4x128xi32, #tpu.memory_space<vmem>>, %arg5: memref<16xi32, #tpu.memory_space<vmem>>, %arg6: memref<128x16xf32, #tpu.memory_space<vmem>>, %arg7: memref<64x16xf32, #tpu.memory_space<vmem>>, %arg8: memref<10240x16xf32, #tpu.memory_space<vmem_shared>>, %arg9: memref<!tpu.dma_semaphore, #tpu.memory_space<semaphore_mem>>, %arg10: memref<!tpu.dma_semaphore, #tpu.memory_space<semaphore_mem>>, %arg11: memref<!tpu.dma_semaphore, #tpu.memory_space<semaphore_mem>>, %arg12: memref<!tpu.dma_semaphore, #tpu.memory_space<semaphore_mem>>, %arg13: memref<!tpu.dma_semaphore, #tpu.memory_space<semaphore_mem>>, %arg14: memref<!tpu.dma_semaphore, #tpu.memory_space<semaphore_mem>>, %arg15: memref<!tpu.dma_semaphore, #tpu.memory_space<semaphore_mem>>, %arg16: memref<!tpu.dma_semaphore, #tpu.memory_space<semaphore_mem>>) attributes {dimension_semantics = [#tpu.dimension_semantics<core_parallel>, #tpu.dimension_semantics<subcore_parallel>], iteration_bounds = array<i64: 2, 16>, scalar_prefetch = 0 : i64, scratch_operands = 13 : i64, tpu.core_type = #tpu.core_type<sc_vector_subcore>, window_params = [{transform_indices = #map}, {transform_indices = #map1}]} {
    %mul3A = arith.constant 16 : i32
    %mul3A_0 = arith.muli %arg0, %mul3A : i32
    %add3A = arith.addi %mul3A_0, %arg1 : i32
    %broadcast_in_dim3A = arith.constant 1.000000e+00 : f32
    %broadcast_in_dim3A_1 = vector.broadcast %broadcast_in_dim3A : f32 to vector<16xf32>
    %broadcast_in_dim3A_2 = arith.constant 0.000000e+00 : f32
    %broadcast_in_dim3A_3 = vector.broadcast %broadcast_in_dim3A_2 : f32 to vector<16xf32>
    %scan3A = arith.constant 0 : i32
    %scan3A_4 = arith.constant 128 : i32
    %scan3A_5 = arith.addi %scan3A, %scan3A_4 : i32
    %scan3A_6 = arith.constant 1 : i32
    scf.for %scan3A_191 = %scan3A to %scan3A_5 step %scan3A_6  : i32 {
      %swap3A = arith.index_cast %scan3A_191 : i32 to index
      %swap3A_192 = arith.constant 0 : index
      %swap3A_193 = tpu.vector_load %arg6[%swap3A, %swap3A_192] {strides = array<i32>} : memref<128x16xf32, #tpu.memory_space<vmem>>, vector<1x16xf32>,
      %swap3A_194 = vector.shape_cast %swap3A_193 : vector<1x16xf32> to vector<16xf32>
      %swap3A_195 = vector.shape_cast %broadcast_in_dim3A_1 : vector<16xf32> to vector<1x16xf32>
      tpu.vector_store %arg6[%swap3A, %swap3A_192], %swap3A_195 {strides = array<i32>} : memref<128x16xf32, #tpu.memory_space<vmem>>, vector<1x16xf32>,
    }
    %scan3A_7 = arith.constant 128 : i32
    %scan3A_8 = arith.constant 0 : i32
    %scan3A_9 = arith.constant 64 : i32
    %scan3A_10 = arith.addi %scan3A_8, %scan3A_9 : i32
    %scan3A_11 = arith.constant 1 : i32
    scf.for %scan3A_191 = %scan3A_8 to %scan3A_10 step %scan3A_11  : i32 {
      %swap3A = arith.index_cast %scan3A_191 : i32 to index
      %swap3A_192 = arith.constant 0 : index
      %swap3A_193 = tpu.vector_load %arg7[%swap3A, %swap3A_192] {strides = array<i32>} : memref<64x16xf32, #tpu.memory_space<vmem>>, vector<1x16xf32>,
      %swap3A_194 = vector.shape_cast %swap3A_193 : vector<1x16xf32> to vector<16xf32>
      %swap3A_195 = vector.shape_cast %broadcast_in_dim3A_3 : vector<16xf32> to vector<1x16xf32>
      tpu.vector_store %arg7[%swap3A, %swap3A_192], %swap3A_195 {strides = array<i32>} : memref<64x16xf32, #tpu.memory_space<vmem>>, vector<1x16xf32>,
    }
    %scan3A_12 = arith.constant 64 : i32
    %scan3A_13 = arith.constant 0 : i32
    %scan3A_14 = arith.constant 10 : i32
    %scan3A_15 = arith.addi %scan3A_13, %scan3A_14 : i32
    %scan3A_16 = arith.constant 1 : i32
    scf.for %scan3A_191 = %scan3A_13 to %scan3A_15 step %scan3A_16  : i32 {
      %mul3A_192 = arith.constant 640 : i32
      %mul3A_193 = arith.muli %arg1, %mul3A_192 : i32
      %mul3A_194 = arith.constant 64 : i32
      %mul3A_195 = arith.muli %scan3A_191, %mul3A_194 : i32
      %add3A_196 = arith.addi %mul3A_193, %mul3A_195 : i32
      "tpu.region"() ({
        %run_scoped3A_197 = tpu.sem_alloc : memref<!tpu.dma_semaphore, #tpu.memory_space<semaphore_mem>>
        %dma_start3A_198 = arith.constant 0 : i32
        %dma_start3A_199 = tpu.memref_slice %arg8[%add3A_196, %dma_start3A_198] : memref<10240x16xf32, #tpu.memory_space<vmem_shared>> -> memref<64x16xf32, #tpu.memory_space<vmem_shared>>
        %dma_start3A_200 = arith.constant 0 : i32
        %dma_start3A_201 = tpu.memref_slice %arg8[%add3A_196, %dma_start3A_200] : memref<10240x16xf32, #tpu.memory_space<vmem_shared>> -> memref<64x16xf32, #tpu.memory_space<vmem_shared>>
        tpu.enqueue_dma source(%arg7 : memref<64x16xf32, #tpu.memory_space<vmem>>) target(%dma_start3A_201 : memref<64x16xf32, #tpu.memory_space<vmem_shared>>) target_semaphore(%run_scoped3A_197 : memref<!tpu.dma_semaphore, #tpu.memory_space<semaphore_mem>>)
        %dma_wait3A_202 = arith.constant 0 : i32
        %dma_wait3A_203 = tpu.memref_slice %arg8[%add3A_196, %dma_wait3A_202] : memref<10240x16xf32, #tpu.memory_space<vmem_shared>> -> memref<64x16xf32, #tpu.memory_space<vmem_shared>>
        %dma_wait3A_204 = arith.constant 0 : i32
        %dma_wait3A_205 = tpu.memref_slice %arg8[%add3A_196, %dma_wait3A_204] : memref<10240x16xf32, #tpu.memory_space<vmem_shared>> -> memref<64x16xf32, #tpu.memory_space<vmem_shared>>
        tpu.wait_dma2 semaphore(%run_scoped3A_197 : memref<!tpu.dma_semaphore, #tpu.memory_space<semaphore_mem>>) src(%arg7 : memref<64x16xf32, #tpu.memory_space<vmem>>) dst(%dma_wait3A_205 : memref<64x16xf32, #tpu.memory_space<vmem_shared>>)
        tpu.yield
      }) : () -> ()
    }
    %scan3A_17 = arith.constant 10 : i32
    %barrier3A = arith.constant 0 : index
    tpu.barrier barrier_id(%barrier3A)
    %mul3A_18 = arith.constant 10000 : i32
    %mul3A_19 = arith.muli %add3A, %mul3A_18 : i32
    %add3A_20 = arith.constant 9856 : i32
    %add3A_21 = arith.addi %mul3A_19, %add3A_20 : i32
    %add3A_22 = arith.constant 0 : i32
    %add3A_23 = arith.addi %mul3A_19, %add3A_22 : i32
    %min3A = arith.minsi %add3A_23, %add3A_21 : i32
    %multiple_of3A = tpu.assume_multiple %min3A, 8 : i32
    %dma_start3A = arith.constant 1 : i32
    %dma_start3A_24 = arith.constant 0 : i32
    %dma_start3A_25 = arith.constant 0 : i32
    %dma_start3A_26 = tpu.memref_slice %arg4[%dma_start3A_24, %dma_start3A_25] : memref<4x128xi32, #tpu.memory_space<vmem>> -> memref<1x128xi32, #tpu.memory_space<vmem>>
    %dma_start3A_27 = tpu.memref_squeeze %dma_start3A_26 : memref<1x128xi32, #tpu.memory_space<vmem>> -> memref<128xi32, #tpu.memory_space<vmem>>
    %dma_start3A_28 = tpu.memref_slice %arg2[%dma_start3A, %multiple_of3A] : memref<2x320000xi32, #tpu.memory_space<hbm>> -> memref<1x128xi32, #tpu.memory_space<hbm>>
    %dma_start3A_29 = tpu.memref_squeeze %dma_start3A_28 : memref<1x128xi32, #tpu.memory_space<hbm>> -> memref<128xi32, #tpu.memory_space<hbm>>
    %dma_start3A_30 = arith.constant 0 : i32
    %dma_start3A_31 = tpu.memref_slice %arg4[%dma_start3A_24, %dma_start3A_30] : memref<4x128xi32, #tpu.memory_space<vmem>> -> memref<1x128xi32, #tpu.memory_space<vmem>>
    %dma_start3A_32 = tpu.memref_squeeze %dma_start3A_31 : memref<1x128xi32, #tpu.memory_space<vmem>> -> memref<128xi32, #tpu.memory_space<vmem>>
    %dma_start3A_33 = tpu.memref_slice %arg2[%dma_start3A, %multiple_of3A] : memref<2x320000xi32, #tpu.memory_space<hbm>> -> memref<1x128xi32, #tpu.memory_space<hbm>>
    %dma_start3A_34 = tpu.memref_squeeze %dma_start3A_33 : memref<1x128xi32, #tpu.memory_space<hbm>> -> memref<128xi32, #tpu.memory_space<hbm>>
    tpu.enqueue_dma source(%dma_start3A_34 : memref<128xi32, #tpu.memory_space<hbm>>) target(%dma_start3A_32 : memref<128xi32, #tpu.memory_space<vmem>>) target_semaphore(%arg9 : memref<!tpu.dma_semaphore, #tpu.memory_space<semaphore_mem>>)
    %add3A_35 = arith.constant 128 : i32
    %add3A_36 = arith.addi %mul3A_19, %add3A_35 : i32
    %min3A_37 = arith.minsi %add3A_36, %add3A_21 : i32
    %multiple_of3A_38 = tpu.assume_multiple %min3A_37, 8 : i32
    %dma_start3A_39 = arith.constant 1 : i32
    %dma_start3A_40 = arith.constant 1 : i32
    %dma_start3A_41 = arith.constant 0 : i32
    %dma_start3A_42 = tpu.memref_slice %arg4[%dma_start3A_40, %dma_start3A_41] : memref<4x128xi32, #tpu.memory_space<vmem>> -> memref<1x128xi32, #tpu.memory_space<vmem>>
    %dma_start3A_43 = tpu.memref_squeeze %dma_start3A_42 : memref<1x128xi32, #tpu.memory_space<vmem>> -> memref<128xi32, #tpu.memory_space<vmem>>
    %dma_start3A_44 = tpu.memref_slice %arg2[%dma_start3A_39, %multiple_of3A_38] : memref<2x320000xi32, #tpu.memory_space<hbm>> -> memref<1x128xi32, #tpu.memory_space<hbm>>
    %dma_start3A_45 = tpu.memref_squeeze %dma_start3A_44 : memref<1x128xi32, #tpu.memory_space<hbm>> -> memref<128xi32, #tpu.memory_space<hbm>>
    %dma_start3A_46 = arith.constant 0 : i32
    %dma_start3A_47 = tpu.memref_slice %arg4[%dma_start3A_40, %dma_start3A_46] : memref<4x128xi32, #tpu.memory_space<vmem>> -> memref<1x128xi32, #tpu.memory_space<vmem>>
    %dma_start3A_48 = tpu.memref_squeeze %dma_start3A_47 : memref<1x128xi32, #tpu.memory_space<vmem>> -> memref<128xi32, #tpu.memory_space<vmem>>
    %dma_start3A_49 = tpu.memref_slice %arg2[%dma_start3A_39, %multiple_of3A_38] : memref<2x320000xi32, #tpu.memory_space<hbm>> -> memref<1x128xi32, #tpu.memory_space<hbm>>
    %dma_start3A_50 = tpu.memref_squeeze %dma_start3A_49 : memref<1x128xi32, #tpu.memory_space<hbm>> -> memref<128xi32, #tpu.memory_space<hbm>>
    tpu.enqueue_dma source(%dma_start3A_50 : memref<128xi32, #tpu.memory_space<hbm>>) target(%dma_start3A_48 : memref<128xi32, #tpu.memory_space<vmem>>) target_semaphore(%arg10 : memref<!tpu.dma_semaphore, #tpu.memory_space<semaphore_mem>>)
    %add3A_51 = arith.constant 256 : i32
    %add3A_52 = arith.addi %mul3A_19, %add3A_51 : i32
    %min3A_53 = arith.minsi %add3A_52, %add3A_21 : i32
    %multiple_of3A_54 = tpu.assume_multiple %min3A_53, 8 : i32
    %dma_start3A_55 = arith.constant 1 : i32
    %dma_start3A_56 = arith.constant 2 : i32
    %dma_start3A_57 = arith.constant 0 : i32
    %dma_start3A_58 = tpu.memref_slice %arg4[%dma_start3A_56, %dma_start3A_57] : memref<4x128xi32, #tpu.memory_space<vmem>> -> memref<1x128xi32, #tpu.memory_space<vmem>>
    %dma_start3A_59 = tpu.memref_squeeze %dma_start3A_58 : memref<1x128xi32, #tpu.memory_space<vmem>> -> memref<128xi32, #tpu.memory_space<vmem>>
    %dma_start3A_60 = tpu.memref_slice %arg2[%dma_start3A_55, %multiple_of3A_54] : memref<2x320000xi32, #tpu.memory_space<hbm>> -> memref<1x128xi32, #tpu.memory_space<hbm>>
    %dma_start3A_61 = tpu.memref_squeeze %dma_start3A_60 : memref<1x128xi32, #tpu.memory_space<hbm>> -> memref<128xi32, #tpu.memory_space<hbm>>
    %dma_start3A_62 = arith.constant 0 : i32
    %dma_start3A_63 = tpu.memref_slice %arg4[%dma_start3A_56, %dma_start3A_62] : memref<4x128xi32, #tpu.memory_space<vmem>> -> memref<1x128xi32, #tpu.memory_space<vmem>>
    %dma_start3A_64 = tpu.memref_squeeze %dma_start3A_63 : memref<1x128xi32, #tpu.memory_space<vmem>> -> memref<128xi32, #tpu.memory_space<vmem>>
    %dma_start3A_65 = tpu.memref_slice %arg2[%dma_start3A_55, %multiple_of3A_54] : memref<2x320000xi32, #tpu.memory_space<hbm>> -> memref<1x128xi32, #tpu.memory_space<hbm>>
    %dma_start3A_66 = tpu.memref_squeeze %dma_start3A_65 : memref<1x128xi32, #tpu.memory_space<hbm>> -> memref<128xi32, #tpu.memory_space<hbm>>
    tpu.enqueue_dma source(%dma_start3A_66 : memref<128xi32, #tpu.memory_space<hbm>>) target(%dma_start3A_64 : memref<128xi32, #tpu.memory_space<vmem>>) target_semaphore(%arg11 : memref<!tpu.dma_semaphore, #tpu.memory_space<semaphore_mem>>)
    %add3A_67 = arith.constant 384 : i32
    %add3A_68 = arith.addi %mul3A_19, %add3A_67 : i32
    %min3A_69 = arith.minsi %add3A_68, %add3A_21 : i32
    %multiple_of3A_70 = tpu.assume_multiple %min3A_69, 8 : i32
    %dma_start3A_71 = arith.constant 1 : i32
    %dma_start3A_72 = arith.constant 3 : i32
    %dma_start3A_73 = arith.constant 0 : i32
    %dma_start3A_74 = tpu.memref_slice %arg4[%dma_start3A_72, %dma_start3A_73] : memref<4x128xi32, #tpu.memory_space<vmem>> -> memref<1x128xi32, #tpu.memory_space<vmem>>
    %dma_start3A_75 = tpu.memref_squeeze %dma_start3A_74 : memref<1x128xi32, #tpu.memory_space<vmem>> -> memref<128xi32, #tpu.memory_space<vmem>>
    %dma_start3A_76 = tpu.memref_slice %arg2[%dma_start3A_71, %multiple_of3A_70] : memref<2x320000xi32, #tpu.memory_space<hbm>> -> memref<1x128xi32, #tpu.memory_space<hbm>>
    %dma_start3A_77 = tpu.memref_squeeze %dma_start3A_76 : memref<1x128xi32, #tpu.memory_space<hbm>> -> memref<128xi32, #tpu.memory_space<hbm>>
    %dma_start3A_78 = arith.constant 0 : i32
    %dma_start3A_79 = tpu.memref_slice %arg4[%dma_start3A_72, %dma_start3A_78] : memref<4x128xi32, #tpu.memory_space<vmem>> -> memref<1x128xi32, #tpu.memory_space<vmem>>
    %dma_start3A_80 = tpu.memref_squeeze %dma_start3A_79 : memref<1x128xi32, #tpu.memory_space<vmem>> -> memref<128xi32, #tpu.memory_space<vmem>>
    %dma_start3A_81 = tpu.memref_slice %arg2[%dma_start3A_71, %multiple_of3A_70] : memref<2x320000xi32, #tpu.memory_space<hbm>> -> memref<1x128xi32, #tpu.memory_space<hbm>>
    %dma_start3A_82 = tpu.memref_squeeze %dma_start3A_81 : memref<1x128xi32, #tpu.memory_space<hbm>> -> memref<128xi32, #tpu.memory_space<hbm>>
    tpu.enqueue_dma source(%dma_start3A_82 : memref<128xi32, #tpu.memory_space<hbm>>) target(%dma_start3A_80 : memref<128xi32, #tpu.memory_space<vmem>>) target_semaphore(%arg12 : memref<!tpu.dma_semaphore, #tpu.memory_space<semaphore_mem>>)
    %scan3A_83 = arith.constant 0 : i32
    %scan3A_84 = arith.constant 19 : i32
    %scan3A_85 = arith.addi %scan3A_83, %scan3A_84 : i32
    %scan3A_86 = arith.constant 1 : i32
    scf.for %scan3A_191 = %scan3A_83 to %scan3A_85 step %scan3A_86  : i32 {
      %mul3A_192 = arith.constant 4 : i32
      %mul3A_193 = arith.muli %mul3A_192, %scan3A_191 : i32
      %dma_wait3A_194 = arith.constant 1 : i32
      %dma_wait3A_195 = arith.constant 0 : i32
      %dma_wait3A_196 = arith.constant 0 : i32
      %dma_wait3A_197 = tpu.memref_slice %arg4[%dma_wait3A_195, %dma_wait3A_196] : memref<4x128xi32, #tpu.memory_space<vmem>> -> memref<1x128xi32, #tpu.memory_space<vmem>>
      %dma_wait3A_198 = tpu.memref_squeeze %dma_wait3A_197 : memref<1x128xi32, #tpu.memory_space<vmem>> -> memref<128xi32, #tpu.memory_space<vmem>>
      %dma_wait3A_199 = arith.constant 0 : i32
      %dma_wait3A_200 = tpu.memref_slice %arg2[%dma_wait3A_194, %dma_wait3A_199] : memref<2x320000xi32, #tpu.memory_space<hbm>> -> memref<1x128xi32, #tpu.memory_space<hbm>>
      %dma_wait3A_201 = tpu.memref_squeeze %dma_wait3A_200 : memref<1x128xi32, #tpu.memory_space<hbm>> -> memref<128xi32, #tpu.memory_space<hbm>>
      %dma_wait3A_202 = arith.constant 0 : i32
      %dma_wait3A_203 = tpu.memref_slice %arg4[%dma_wait3A_195, %dma_wait3A_202] : memref<4x128xi32, #tpu.memory_space<vmem>> -> memref<1x128xi32, #tpu.memory_space<vmem>>
      %dma_wait3A_204 = tpu.memref_squeeze %dma_wait3A_203 : memref<1x128xi32, #tpu.memory_space<vmem>> -> memref<128xi32, #tpu.memory_space<vmem>>
      %dma_wait3A_205 = arith.constant 0 : i32
      %dma_wait3A_206 = tpu.memref_slice %arg2[%dma_wait3A_194, %dma_wait3A_205] : memref<2x320000xi32, #tpu.memory_space<hbm>> -> memref<1x128xi32, #tpu.memory_space<hbm>>
      %dma_wait3A_207 = tpu.memref_squeeze %dma_wait3A_206 : memref<1x128xi32, #tpu.memory_space<hbm>> -> memref<128xi32, #tpu.memory_space<hbm>>
      tpu.wait_dma2 semaphore(%arg9 : memref<!tpu.dma_semaphore, #tpu.memory_space<semaphore_mem>>) src(%dma_wait3A_207 : memref<128xi32, #tpu.memory_space<hbm>>) dst(%dma_wait3A_204 : memref<128xi32, #tpu.memory_space<vmem>>)
      %dma_start3A_208 = arith.constant 0 : i32
      %dma_start3A_209 = arith.constant 0 : i32
      %dma_start3A_210 = tpu.memref_slice %arg4[%dma_start3A_208, %dma_start3A_209] : memref<4x128xi32, #tpu.memory_space<vmem>> -> memref<1x128xi32, #tpu.memory_space<vmem>>
      %dma_start3A_211 = tpu.memref_squeeze %dma_start3A_210 : memref<1x128xi32, #tpu.memory_space<vmem>> -> memref<128xi32, #tpu.memory_space<vmem>>
      %dma_start3A_212 = arith.constant 0 : i32
      %dma_start3A_213 = arith.constant 0 : i32
      %dma_start3A_214 = tpu.memref_slice %arg8[%dma_start3A_212, %dma_start3A_213] : memref<10240x16xf32, #tpu.memory_space<vmem_shared>> -> memref<10240x16xf32, #tpu.memory_space<vmem_shared>>
      tpu.enqueue_indirect_dma source(%arg6 : memref<128x16xf32, #tpu.memory_space<vmem>>) target(%dma_start3A_214 : memref<10240x16xf32, #tpu.memory_space<vmem_shared>>) offsets(%dma_start3A_211 : memref<128xi32, #tpu.memory_space<vmem>>) semaphore(%arg13 : memref<!tpu.dma_semaphore, #tpu.memory_space<semaphore_mem>>) {add = true}
      %dma_wait3A_215 = arith.constant 1 : i32
      %dma_wait3A_216 = arith.constant 1 : i32
      %dma_wait3A_217 = arith.constant 0 : i32
      %dma_wait3A_218 = tpu.memref_slice %arg4[%dma_wait3A_216, %dma_wait3A_217] : memref<4x128xi32, #tpu.memory_space<vmem>> -> memref<1x128xi32, #tpu.memory_space<vmem>>
      %dma_wait3A_219 = tpu.memref_squeeze %dma_wait3A_218 : memref<1x128xi32, #tpu.memory_space<vmem>> -> memref<128xi32, #tpu.memory_space<vmem>>
      %dma_wait3A_220 = arith.constant 0 : i32
      %dma_wait3A_221 = tpu.memref_slice %arg2[%dma_wait3A_215, %dma_wait3A_220] : memref<2x320000xi32, #tpu.memory_space<hbm>> -> memref<1x128xi32, #tpu.memory_space<hbm>>
      %dma_wait3A_222 = tpu.memref_squeeze %dma_wait3A_221 : memref<1x128xi32, #tpu.memory_space<hbm>> -> memref<128xi32, #tpu.memory_space<hbm>>
      %dma_wait3A_223 = arith.constant 0 : i32
      %dma_wait3A_224 = tpu.memref_slice %arg4[%dma_wait3A_216, %dma_wait3A_223] : memref<4x128xi32, #tpu.memory_space<vmem>> -> memref<1x128xi32, #tpu.memory_space<vmem>>
      %dma_wait3A_225 = tpu.memref_squeeze %dma_wait3A_224 : memref<1x128xi32, #tpu.memory_space<vmem>> -> memref<128xi32, #tpu.memory_space<vmem>>
      %dma_wait3A_226 = arith.constant 0 : i32
      %dma_wait3A_227 = tpu.memref_slice %arg2[%dma_wait3A_215, %dma_wait3A_226] : memref<2x320000xi32, #tpu.memory_space<hbm>> -> memref<1x128xi32, #tpu.memory_space<hbm>>
      %dma_wait3A_228 = tpu.memref_squeeze %dma_wait3A_227 : memref<1x128xi32, #tpu.memory_space<hbm>> -> memref<128xi32, #tpu.memory_space<hbm>>
      tpu.wait_dma2 semaphore(%arg10 : memref<!tpu.dma_semaphore, #tpu.memory_space<semaphore_mem>>) src(%dma_wait3A_228 : memref<128xi32, #tpu.memory_space<hbm>>) dst(%dma_wait3A_225 : memref<128xi32, #tpu.memory_space<vmem>>)
      %dma_start3A_229 = arith.constant 1 : i32
      %dma_start3A_230 = arith.constant 0 : i32
      %dma_start3A_231 = tpu.memref_slice %arg4[%dma_start3A_229, %dma_start3A_230] : memref<4x128xi32, #tpu.memory_space<vmem>> -> memref<1x128xi32, #tpu.memory_space<vmem>>
      %dma_start3A_232 = tpu.memref_squeeze %dma_start3A_231 : memref<1x128xi32, #tpu.memory_space<vmem>> -> memref<128xi32, #tpu.memory_space<vmem>>
      %dma_start3A_233 = arith.constant 0 : i32
      %dma_start3A_234 = arith.constant 0 : i32
      %dma_start3A_235 = tpu.memref_slice %arg8[%dma_start3A_233, %dma_start3A_234] : memref<10240x16xf32, #tpu.memory_space<vmem_shared>> -> memref<10240x16xf32, #tpu.memory_space<vmem_shared>>
      tpu.enqueue_indirect_dma source(%arg6 : memref<128x16xf32, #tpu.memory_space<vmem>>) target(%dma_start3A_235 : memref<10240x16xf32, #tpu.memory_space<vmem_shared>>) offsets(%dma_start3A_232 : memref<128xi32, #tpu.memory_space<vmem>>) semaphore(%arg14 : memref<!tpu.dma_semaphore, #tpu.memory_space<semaphore_mem>>) {add = true}
      %dma_wait3A_236 = arith.constant 1 : i32
      %dma_wait3A_237 = arith.constant 2 : i32
      %dma_wait3A_238 = arith.constant 0 : i32
      %dma_wait3A_239 = tpu.memref_slice %arg4[%dma_wait3A_237, %dma_wait3A_238] : memref<4x128xi32, #tpu.memory_space<vmem>> -> memref<1x128xi32, #tpu.memory_space<vmem>>
      %dma_wait3A_240 = tpu.memref_squeeze %dma_wait3A_239 : memref<1x128xi32, #tpu.memory_space<vmem>> -> memref<128xi32, #tpu.memory_space<vmem>>
      %dma_wait3A_241 = arith.constant 0 : i32
      %dma_wait3A_242 = tpu.memref_slice %arg2[%dma_wait3A_236, %dma_wait3A_241] : memref<2x320000xi32, #tpu.memory_space<hbm>> -> memref<1x128xi32, #tpu.memory_space<hbm>>
      %dma_wait3A_243 = tpu.memref_squeeze %dma_wait3A_242 : memref<1x128xi32, #tpu.memory_space<hbm>> -> memref<128xi32, #tpu.memory_space<hbm>>
      %dma_wait3A_244 = arith.constant 0 : i32
      %dma_wait3A_245 = tpu.memref_slice %arg4[%dma_wait3A_237, %dma_wait3A_244] : memref<4x128xi32, #tpu.memory_space<vmem>> -> memref<1x128xi32, #tpu.memory_space<vmem>>
      %dma_wait3A_246 = tpu.memref_squeeze %dma_wait3A_245 : memref<1x128xi32, #tpu.memory_space<vmem>> -> memref<128xi32, #tpu.memory_space<vmem>>
      %dma_wait3A_247 = arith.constant 0 : i32
      %dma_wait3A_248 = tpu.memref_slice %arg2[%dma_wait3A_236, %dma_wait3A_247] : memref<2x320000xi32, #tpu.memory_space<hbm>> -> memref<1x128xi32, #tpu.memory_space<hbm>>
      %dma_wait3A_249 = tpu.memref_squeeze %dma_wait3A_248 : memref<1x128xi32, #tpu.memory_space<hbm>> -> memref<128xi32, #tpu.memory_space<hbm>>
      tpu.wait_dma2 semaphore(%arg11 : memref<!tpu.dma_semaphore, #tpu.memory_space<semaphore_mem>>) src(%dma_wait3A_249 : memref<128xi32, #tpu.memory_space<hbm>>) dst(%dma_wait3A_246 : memref<128xi32, #tpu.memory_space<vmem>>)
      %dma_start3A_250 = arith.constant 2 : i32
      %dma_start3A_251 = arith.constant 0 : i32
      %dma_start3A_252 = tpu.memref_slice %arg4[%dma_start3A_250, %dma_start3A_251] : memref<4x128xi32, #tpu.memory_space<vmem>> -> memref<1x128xi32, #tpu.memory_space<vmem>>
      %dma_start3A_253 = tpu.memref_squeeze %dma_start3A_252 : memref<1x128xi32, #tpu.memory_space<vmem>> -> memref<128xi32, #tpu.memory_space<vmem>>
      %dma_start3A_254 = arith.constant 0 : i32
      %dma_start3A_255 = arith.constant 0 : i32
      %dma_start3A_256 = tpu.memref_slice %arg8[%dma_start3A_254, %dma_start3A_255] : memref<10240x16xf32, #tpu.memory_space<vmem_shared>> -> memref<10240x16xf32, #tpu.memory_space<vmem_shared>>
      tpu.enqueue_indirect_dma source(%arg6 : memref<128x16xf32, #tpu.memory_space<vmem>>) target(%dma_start3A_256 : memref<10240x16xf32, #tpu.memory_space<vmem_shared>>) offsets(%dma_start3A_253 : memref<128xi32, #tpu.memory_space<vmem>>) semaphore(%arg15 : memref<!tpu.dma_semaphore, #tpu.memory_space<semaphore_mem>>) {add = true}
      %dma_wait3A_257 = arith.constant 1 : i32
      %dma_wait3A_258 = arith.constant 3 : i32
      %dma_wait3A_259 = arith.constant 0 : i32
      %dma_wait3A_260 = tpu.memref_slice %arg4[%dma_wait3A_258, %dma_wait3A_259] : memref<4x128xi32, #tpu.memory_space<vmem>> -> memref<1x128xi32, #tpu.memory_space<vmem>>
      %dma_wait3A_261 = tpu.memref_squeeze %dma_wait3A_260 : memref<1x128xi32, #tpu.memory_space<vmem>> -> memref<128xi32, #tpu.memory_space<vmem>>
      %dma_wait3A_262 = arith.constant 0 : i32
      %dma_wait3A_263 = tpu.memref_slice %arg2[%dma_wait3A_257, %dma_wait3A_262] : memref<2x320000xi32, #tpu.memory_space<hbm>> -> memref<1x128xi32, #tpu.memory_space<hbm>>
      %dma_wait3A_264 = tpu.memref_squeeze %dma_wait3A_263 : memref<1x128xi32, #tpu.memory_space<hbm>> -> memref<128xi32, #tpu.memory_space<hbm>>
      %dma_wait3A_265 = arith.constant 0 : i32
      %dma_wait3A_266 = tpu.memref_slice %arg4[%dma_wait3A_258, %dma_wait3A_265] : memref<4x128xi32, #tpu.memory_space<vmem>> -> memref<1x128xi32, #tpu.memory_space<vmem>>
      %dma_wait3A_267 = tpu.memref_squeeze %dma_wait3A_266 : memref<1x128xi32, #tpu.memory_space<vmem>> -> memref<128xi32, #tpu.memory_space<vmem>>
      %dma_wait3A_268 = arith.constant 0 : i32
      %dma_wait3A_269 = tpu.memref_slice %arg2[%dma_wait3A_257, %dma_wait3A_268] : memref<2x320000xi32, #tpu.memory_space<hbm>> -> memref<1x128xi32, #tpu.memory_space<hbm>>
      %dma_wait3A_270 = tpu.memref_squeeze %dma_wait3A_269 : memref<1x128xi32, #tpu.memory_space<hbm>> -> memref<128xi32, #tpu.memory_space<hbm>>
      tpu.wait_dma2 semaphore(%arg12 : memref<!tpu.dma_semaphore, #tpu.memory_space<semaphore_mem>>) src(%dma_wait3A_270 : memref<128xi32, #tpu.memory_space<hbm>>) dst(%dma_wait3A_267 : memref<128xi32, #tpu.memory_space<vmem>>)
      %dma_start3A_271 = arith.constant 3 : i32
      %dma_start3A_272 = arith.constant 0 : i32
      %dma_start3A_273 = tpu.memref_slice %arg4[%dma_start3A_271, %dma_start3A_272] : memref<4x128xi32, #tpu.memory_space<vmem>> -> memref<1x128xi32, #tpu.memory_space<vmem>>
      %dma_start3A_274 = tpu.memref_squeeze %dma_start3A_273 : memref<1x128xi32, #tpu.memory_space<vmem>> -> memref<128xi32, #tpu.memory_space<vmem>>
      %dma_start3A_275 = arith.constant 0 : i32
      %dma_start3A_276 = arith.constant 0 : i32
      %dma_start3A_277 = tpu.memref_slice %arg8[%dma_start3A_275, %dma_start3A_276] : memref<10240x16xf32, #tpu.memory_space<vmem_shared>> -> memref<10240x16xf32, #tpu.memory_space<vmem_shared>>
      tpu.enqueue_indirect_dma source(%arg6 : memref<128x16xf32, #tpu.memory_space<vmem>>) target(%dma_start3A_277 : memref<10240x16xf32, #tpu.memory_space<vmem_shared>>) offsets(%dma_start3A_274 : memref<128xi32, #tpu.memory_space<vmem>>) semaphore(%arg16 : memref<!tpu.dma_semaphore, #tpu.memory_space<semaphore_mem>>) {add = true}
      %dma_wait3A_278 = arith.constant 0 : i32
      %dma_wait3A_279 = arith.constant 0 : i32
      %dma_wait3A_280 = tpu.memref_slice %arg4[%dma_wait3A_278, %dma_wait3A_279] : memref<4x128xi32, #tpu.memory_space<vmem>> -> memref<1x128xi32, #tpu.memory_space<vmem>>
      %dma_wait3A_281 = tpu.memref_squeeze %dma_wait3A_280 : memref<1x128xi32, #tpu.memory_space<vmem>> -> memref<128xi32, #tpu.memory_space<vmem>>
      %dma_wait3A_282 = arith.constant 0 : i32
      %dma_wait3A_283 = arith.constant 0 : i32
      %dma_wait3A_284 = tpu.memref_slice %arg8[%dma_wait3A_282, %dma_wait3A_283] : memref<10240x16xf32, #tpu.memory_space<vmem_shared>> -> memref<10240x16xf32, #tpu.memory_space<vmem_shared>>
      tpu.wait_indirect_dma semaphore(%arg13 : memref<!tpu.dma_semaphore, #tpu.memory_space<semaphore_mem>>) src(%arg6 : memref<128x16xf32, #tpu.memory_space<vmem>>) dst(%dma_wait3A_284 : memref<10240x16xf32, #tpu.memory_space<vmem_shared>>)
      %add3A_285 = arith.constant 4 : i32
      %add3A_286 = arith.addi %mul3A_193, %add3A_285 : i32
      %add3A_287 = arith.constant 0 : i32
      %add3A_288 = arith.addi %add3A_286, %add3A_287 : i32
      %mul3A_289 = arith.constant 128 : i32
      %mul3A_290 = arith.muli %add3A_288, %mul3A_289 : i32
      %add3A_291 = arith.addi %mul3A_19, %mul3A_290 : i32
      %min3A_292 = arith.minsi %add3A_291, %add3A_21 : i32
      %multiple_of3A_293 = tpu.assume_multiple %min3A_292, 8 : i32
      %dma_start3A_294 = arith.constant 1 : i32
      %dma_start3A_295 = arith.constant 0 : i32
      %dma_start3A_296 = arith.constant 0 : i32
      %dma_start3A_297 = tpu.memref_slice %arg4[%dma_start3A_295, %dma_start3A_296] : memref<4x128xi32, #tpu.memory_space<vmem>> -> memref<1x128xi32, #tpu.memory_space<vmem>>
      %dma_start3A_298 = tpu.memref_squeeze %dma_start3A_297 : memref<1x128xi32, #tpu.memory_space<vmem>> -> memref<128xi32, #tpu.memory_space<vmem>>
      %dma_start3A_299 = tpu.memref_slice %arg2[%dma_start3A_294, %multiple_of3A_293] : memref<2x320000xi32, #tpu.memory_space<hbm>> -> memref<1x128xi32, #tpu.memory_space<hbm>>
      %dma_start3A_300 = tpu.memref_squeeze %dma_start3A_299 : memref<1x128xi32, #tpu.memory_space<hbm>> -> memref<128xi32, #tpu.memory_space<hbm>>
      %dma_start3A_301 = arith.constant 0 : i32
      %dma_start3A_302 = tpu.memref_slice %arg4[%dma_start3A_295, %dma_start3A_301] : memref<4x128xi32, #tpu.memory_space<vmem>> -> memref<1x128xi32, #tpu.memory_space<vmem>>
      %dma_start3A_303 = tpu.memref_squeeze %dma_start3A_302 : memref<1x128xi32, #tpu.memory_space<vmem>> -> memref<128xi32, #tpu.memory_space<vmem>>
      %dma_start3A_304 = tpu.memref_slice %arg2[%dma_start3A_294, %multiple_of3A_293] : memref<2x320000xi32, #tpu.memory_space<hbm>> -> memref<1x128xi32, #tpu.memory_space<hbm>>
      %dma_start3A_305 = tpu.memref_squeeze %dma_start3A_304 : memref<1x128xi32, #tpu.memory_space<hbm>> -> memref<128xi32, #tpu.memory_space<hbm>>
      tpu.enqueue_dma source(%dma_start3A_305 : memref<128xi32, #tpu.memory_space<hbm>>) target(%dma_start3A_303 : memref<128xi32, #tpu.memory_space<vmem>>) target_semaphore(%arg9 : memref<!tpu.dma_semaphore, #tpu.memory_space<semaphore_mem>>)
      %dma_wait3A_306 = arith.constant 1 : i32
      %dma_wait3A_307 = arith.constant 0 : i32
      %dma_wait3A_308 = tpu.memref_slice %arg4[%dma_wait3A_306, %dma_wait3A_307] : memref<4x128xi32, #tpu.memory_space<vmem>> -> memref<1x128xi32, #tpu.memory_space<vmem>>
      %dma_wait3A_309 = tpu.memref_squeeze %dma_wait3A_308 : memref<1x128xi32, #tpu.memory_space<vmem>> -> memref<128xi32, #tpu.memory_space<vmem>>
      %dma_wait3A_310 = arith.constant 0 : i32
      %dma_wait3A_311 = arith.constant 0 : i32
      %dma_wait3A_312 = tpu.memref_slice %arg8[%dma_wait3A_310, %dma_wait3A_311] : memref<10240x16xf32, #tpu.memory_space<vmem_shared>> -> memref<10240x16xf32, #tpu.memory_space<vmem_shared>>
      tpu.wait_indirect_dma semaphore(%arg14 : memref<!tpu.dma_semaphore, #tpu.memory_space<semaphore_mem>>) src(%arg6 : memref<128x16xf32, #tpu.memory_space<vmem>>) dst(%dma_wait3A_312 : memref<10240x16xf32, #tpu.memory_space<vmem_shared>>)
      %add3A_313 = arith.constant 4 : i32
      %add3A_314 = arith.addi %mul3A_193, %add3A_313 : i32
      %add3A_315 = arith.constant 1 : i32
      %add3A_316 = arith.addi %add3A_314, %add3A_315 : i32
      %mul3A_317 = arith.constant 128 : i32
      %mul3A_318 = arith.muli %add3A_316, %mul3A_317 : i32
      %add3A_319 = arith.addi %mul3A_19, %mul3A_318 : i32
      %min3A_320 = arith.minsi %add3A_319, %add3A_21 : i32
      %multiple_of3A_321 = tpu.assume_multiple %min3A_320, 8 : i32
      %dma_start3A_322 = arith.constant 1 : i32
      %dma_start3A_323 = arith.constant 1 : i32
      %dma_start3A_324 = arith.constant 0 : i32
      %dma_start3A_325 = tpu.memref_slice %arg4[%dma_start3A_323, %dma_start3A_324] : memref<4x128xi32, #tpu.memory_space<vmem>> -> memref<1x128xi32, #tpu.memory_space<vmem>>
      %dma_start3A_326 = tpu.memref_squeeze %dma_start3A_325 : memref<1x128xi32, #tpu.memory_space<vmem>> -> memref<128xi32, #tpu.memory_space<vmem>>
      %dma_start3A_327 = tpu.memref_slice %arg2[%dma_start3A_322, %multiple_of3A_321] : memref<2x320000xi32, #tpu.memory_space<hbm>> -> memref<1x128xi32, #tpu.memory_space<hbm>>
      %dma_start3A_328 = tpu.memref_squeeze %dma_start3A_327 : memref<1x128xi32, #tpu.memory_space<hbm>> -> memref<128xi32, #tpu.memory_space<hbm>>
      %dma_start3A_329 = arith.constant 0 : i32
      %dma_start3A_330 = tpu.memref_slice %arg4[%dma_start3A_323, %dma_start3A_329] : memref<4x128xi32, #tpu.memory_space<vmem>> -> memref<1x128xi32, #tpu.memory_space<vmem>>
      %dma_start3A_331 = tpu.memref_squeeze %dma_start3A_330 : memref<1x128xi32, #tpu.memory_space<vmem>> -> memref<128xi32, #tpu.memory_space<vmem>>
      %dma_start3A_332 = tpu.memref_slice %arg2[%dma_start3A_322, %multiple_of3A_321] : memref<2x320000xi32, #tpu.memory_space<hbm>> -> memref<1x128xi32, #tpu.memory_space<hbm>>
      %dma_start3A_333 = tpu.memref_squeeze %dma_start3A_332 : memref<1x128xi32, #tpu.memory_space<hbm>> -> memref<128xi32, #tpu.memory_space<hbm>>
      tpu.enqueue_dma source(%dma_start3A_333 : memref<128xi32, #tpu.memory_space<hbm>>) target(%dma_start3A_331 : memref<128xi32, #tpu.memory_space<vmem>>) target_semaphore(%arg10 : memref<!tpu.dma_semaphore, #tpu.memory_space<semaphore_mem>>)
      %dma_wait3A_334 = arith.constant 2 : i32
      %dma_wait3A_335 = arith.constant 0 : i32
      %dma_wait3A_336 = tpu.memref_slice %arg4[%dma_wait3A_334, %dma_wait3A_335] : memref<4x128xi32, #tpu.memory_space<vmem>> -> memref<1x128xi32, #tpu.memory_space<vmem>>
      %dma_wait3A_337 = tpu.memref_squeeze %dma_wait3A_336 : memref<1x128xi32, #tpu.memory_space<vmem>> -> memref<128xi32, #tpu.memory_space<vmem>>
      %dma_wait3A_338 = arith.constant 0 : i32
      %dma_wait3A_339 = arith.constant 0 : i32
      %dma_wait3A_340 = tpu.memref_slice %arg8[%dma_wait3A_338, %dma_wait3A_339] : memref<10240x16xf32, #tpu.memory_space<vmem_shared>> -> memref<10240x16xf32, #tpu.memory_space<vmem_shared>>
      tpu.wait_indirect_dma semaphore(%arg15 : memref<!tpu.dma_semaphore, #tpu.memory_space<semaphore_mem>>) src(%arg6 : memref<128x16xf32, #tpu.memory_space<vmem>>) dst(%dma_wait3A_340 : memref<10240x16xf32, #tpu.memory_space<vmem_shared>>)
      %add3A_341 = arith.constant 4 : i32
      %add3A_342 = arith.addi %mul3A_193, %add3A_341 : i32
      %add3A_343 = arith.constant 2 : i32
      %add3A_344 = arith.addi %add3A_342, %add3A_343 : i32
      %mul3A_345 = arith.constant 128 : i32
      %mul3A_346 = arith.muli %add3A_344, %mul3A_345 : i32
      %add3A_347 = arith.addi %mul3A_19, %mul3A_346 : i32
      %min3A_348 = arith.minsi %add3A_347, %add3A_21 : i32
      %multiple_of3A_349 = tpu.assume_multiple %min3A_348, 8 : i32
      %dma_start3A_350 = arith.constant 1 : i32
      %dma_start3A_351 = arith.constant 2 : i32
      %dma_start3A_352 = arith.constant 0 : i32
      %dma_start3A_353 = tpu.memref_slice %arg4[%dma_start3A_351, %dma_start3A_352] : memref<4x128xi32, #tpu.memory_space<vmem>> -> memref<1x128xi32, #tpu.memory_space<vmem>>
      %dma_start3A_354 = tpu.memref_squeeze %dma_start3A_353 : memref<1x128xi32, #tpu.memory_space<vmem>> -> memref<128xi32, #tpu.memory_space<vmem>>
      %dma_start3A_355 = tpu.memref_slice %arg2[%dma_start3A_350, %multiple_of3A_349] : memref<2x320000xi32, #tpu.memory_space<hbm>> -> memref<1x128xi32, #tpu.memory_space<hbm>>
      %dma_start3A_356 = tpu.memref_squeeze %dma_start3A_355 : memref<1x128xi32, #tpu.memory_space<hbm>> -> memref<128xi32, #tpu.memory_space<hbm>>
      %dma_start3A_357 = arith.constant 0 : i32
      %dma_start3A_358 = tpu.memref_slice %arg4[%dma_start3A_351, %dma_start3A_357] : memref<4x128xi32, #tpu.memory_space<vmem>> -> memref<1x128xi32, #tpu.memory_space<vmem>>
      %dma_start3A_359 = tpu.memref_squeeze %dma_start3A_358 : memref<1x128xi32, #tpu.memory_space<vmem>> -> memref<128xi32, #tpu.memory_space<vmem>>
      %dma_start3A_360 = tpu.memref_slice %arg2[%dma_start3A_350, %multiple_of3A_349] : memref<2x320000xi32, #tpu.memory_space<hbm>> -> memref<1x128xi32, #tpu.memory_space<hbm>>
      %dma_start3A_361 = tpu.memref_squeeze %dma_start3A_360 : memref<1x128xi32, #tpu.memory_space<hbm>> -> memref<128xi32, #tpu.memory_space<hbm>>
      tpu.enqueue_dma source(%dma_start3A_361 : memref<128xi32, #tpu.memory_space<hbm>>) target(%dma_start3A_359 : memref<128xi32, #tpu.memory_space<vmem>>) target_semaphore(%arg11 : memref<!tpu.dma_semaphore, #tpu.memory_space<semaphore_mem>>)
      %dma_wait3A_362 = arith.constant 3 : i32
      %dma_wait3A_363 = arith.constant 0 : i32
      %dma_wait3A_364 = tpu.memref_slice %arg4[%dma_wait3A_362, %dma_wait3A_363] : memref<4x128xi32, #tpu.memory_space<vmem>> -> memref<1x128xi32, #tpu.memory_space<vmem>>
      %dma_wait3A_365 = tpu.memref_squeeze %dma_wait3A_364 : memref<1x128xi32, #tpu.memory_space<vmem>> -> memref<128xi32, #tpu.memory_space<vmem>>
      %dma_wait3A_366 = arith.constant 0 : i32
      %dma_wait3A_367 = arith.constant 0 : i32
      %dma_wait3A_368 = tpu.memref_slice %arg8[%dma_wait3A_366, %dma_wait3A_367] : memref<10240x16xf32, #tpu.memory_space<vmem_shared>> -> memref<10240x16xf32, #tpu.memory_space<vmem_shared>>
      tpu.wait_indirect_dma semaphore(%arg16 : memref<!tpu.dma_semaphore, #tpu.memory_space<semaphore_mem>>) src(%arg6 : memref<128x16xf32, #tpu.memory_space<vmem>>) dst(%dma_wait3A_368 : memref<10240x16xf32, #tpu.memory_space<vmem_shared>>)
      %add3A_369 = arith.constant 4 : i32
      %add3A_370 = arith.addi %mul3A_193, %add3A_369 : i32
      %add3A_371 = arith.constant 3 : i32
      %add3A_372 = arith.addi %add3A_370, %add3A_371 : i32
      %mul3A_373 = arith.constant 128 : i32
      %mul3A_374 = arith.muli %add3A_372, %mul3A_373 : i32
      %add3A_375 = arith.addi %mul3A_19, %mul3A_374 : i32
      %min3A_376 = arith.minsi %add3A_375, %add3A_21 : i32
      %multiple_of3A_377 = tpu.assume_multiple %min3A_376, 8 : i32
      %dma_start3A_378 = arith.constant 1 : i32
      %dma_start3A_379 = arith.constant 3 : i32
      %dma_start3A_380 = arith.constant 0 : i32
      %dma_start3A_381 = tpu.memref_slice %arg4[%dma_start3A_379, %dma_start3A_380] : memref<4x128xi32, #tpu.memory_space<vmem>> -> memref<1x128xi32, #tpu.memory_space<vmem>>
      %dma_start3A_382 = tpu.memref_squeeze %dma_start3A_381 : memref<1x128xi32, #tpu.memory_space<vmem>> -> memref<128xi32, #tpu.memory_space<vmem>>
      %dma_start3A_383 = tpu.memref_slice %arg2[%dma_start3A_378, %multiple_of3A_377] : memref<2x320000xi32, #tpu.memory_space<hbm>> -> memref<1x128xi32, #tpu.memory_space<hbm>>
      %dma_start3A_384 = tpu.memref_squeeze %dma_start3A_383 : memref<1x128xi32, #tpu.memory_space<hbm>> -> memref<128xi32, #tpu.memory_space<hbm>>
      %dma_start3A_385 = arith.constant 0 : i32
      %dma_start3A_386 = tpu.memref_slice %arg4[%dma_start3A_379, %dma_start3A_385] : memref<4x128xi32, #tpu.memory_space<vmem>> -> memref<1x128xi32, #tpu.memory_space<vmem>>
      %dma_start3A_387 = tpu.memref_squeeze %dma_start3A_386 : memref<1x128xi32, #tpu.memory_space<vmem>> -> memref<128xi32, #tpu.memory_space<vmem>>
      %dma_start3A_388 = tpu.memref_slice %arg2[%dma_start3A_378, %multiple_of3A_377] : memref<2x320000xi32, #tpu.memory_space<hbm>> -> memref<1x128xi32, #tpu.memory_space<hbm>>
      %dma_start3A_389 = tpu.memref_squeeze %dma_start3A_388 : memref<1x128xi32, #tpu.memory_space<hbm>> -> memref<128xi32, #tpu.memory_space<hbm>>
      tpu.enqueue_dma source(%dma_start3A_389 : memref<128xi32, #tpu.memory_space<hbm>>) target(%dma_start3A_387 : memref<128xi32, #tpu.memory_space<vmem>>) target_semaphore(%arg12 : memref<!tpu.dma_semaphore, #tpu.memory_space<semaphore_mem>>)
    }
    %scan3A_87 = arith.constant 19 : i32
    %dma_wait3A = arith.constant 1 : i32
    %dma_wait3A_88 = arith.constant 0 : i32
    %dma_wait3A_89 = arith.constant 0 : i32
    %dma_wait3A_90 = tpu.memref_slice %arg4[%dma_wait3A_88, %dma_wait3A_89] : memref<4x128xi32, #tpu.memory_space<vmem>> -> memref<1x128xi32, #tpu.memory_space<vmem>>
    %dma_wait3A_91 = tpu.memref_squeeze %dma_wait3A_90 : memref<1x128xi32, #tpu.memory_space<vmem>> -> memref<128xi32, #tpu.memory_space<vmem>>
    %dma_wait3A_92 = arith.constant 0 : i32
    %dma_wait3A_93 = tpu.memref_slice %arg2[%dma_wait3A, %dma_wait3A_92] : memref<2x320000xi32, #tpu.memory_space<hbm>> -> memref<1x128xi32, #tpu.memory_space<hbm>>
    %dma_wait3A_94 = tpu.memref_squeeze %dma_wait3A_93 : memref<1x128xi32, #tpu.memory_space<hbm>> -> memref<128xi32, #tpu.memory_space<hbm>>
    %dma_wait3A_95 = arith.constant 0 : i32
    %dma_wait3A_96 = tpu.memref_slice %arg4[%dma_wait3A_88, %dma_wait3A_95] : memref<4x128xi32, #tpu.memory_space<vmem>> -> memref<1x128xi32, #tpu.memory_space<vmem>>
    %dma_wait3A_97 = tpu.memref_squeeze %dma_wait3A_96 : memref<1x128xi32, #tpu.memory_space<vmem>> -> memref<128xi32, #tpu.memory_space<vmem>>
    %dma_wait3A_98 = arith.constant 0 : i32
    %dma_wait3A_99 = tpu.memref_slice %arg2[%dma_wait3A, %dma_wait3A_98] : memref<2x320000xi32, #tpu.memory_space<hbm>> -> memref<1x128xi32, #tpu.memory_space<hbm>>
    %dma_wait3A_100 = tpu.memref_squeeze %dma_wait3A_99 : memref<1x128xi32, #tpu.memory_space<hbm>> -> memref<128xi32, #tpu.memory_space<hbm>>
    tpu.wait_dma2 semaphore(%arg9 : memref<!tpu.dma_semaphore, #tpu.memory_space<semaphore_mem>>) src(%dma_wait3A_100 : memref<128xi32, #tpu.memory_space<hbm>>) dst(%dma_wait3A_97 : memref<128xi32, #tpu.memory_space<vmem>>)
    %dma_start3A_101 = arith.constant 0 : i32
    %dma_start3A_102 = arith.constant 0 : i32
    %dma_start3A_103 = tpu.memref_slice %arg4[%dma_start3A_101, %dma_start3A_102] : memref<4x128xi32, #tpu.memory_space<vmem>> -> memref<1x128xi32, #tpu.memory_space<vmem>>
    %dma_start3A_104 = tpu.memref_squeeze %dma_start3A_103 : memref<1x128xi32, #tpu.memory_space<vmem>> -> memref<128xi32, #tpu.memory_space<vmem>>
    %dma_start3A_105 = arith.constant 0 : i32
    %dma_start3A_106 = arith.constant 0 : i32
    %dma_start3A_107 = tpu.memref_slice %arg8[%dma_start3A_105, %dma_start3A_106] : memref<10240x16xf32, #tpu.memory_space<vmem_shared>> -> memref<10240x16xf32, #tpu.memory_space<vmem_shared>>
    tpu.enqueue_indirect_dma source(%arg6 : memref<128x16xf32, #tpu.memory_space<vmem>>) target(%dma_start3A_107 : memref<10240x16xf32, #tpu.memory_space<vmem_shared>>) offsets(%dma_start3A_104 : memref<128xi32, #tpu.memory_space<vmem>>) semaphore(%arg13 : memref<!tpu.dma_semaphore, #tpu.memory_space<semaphore_mem>>) {add = true}
    %dma_wait3A_108 = arith.constant 1 : i32
    %dma_wait3A_109 = arith.constant 1 : i32
    %dma_wait3A_110 = arith.constant 0 : i32
    %dma_wait3A_111 = tpu.memref_slice %arg4[%dma_wait3A_109, %dma_wait3A_110] : memref<4x128xi32, #tpu.memory_space<vmem>> -> memref<1x128xi32, #tpu.memory_space<vmem>>
    %dma_wait3A_112 = tpu.memref_squeeze %dma_wait3A_111 : memref<1x128xi32, #tpu.memory_space<vmem>> -> memref<128xi32, #tpu.memory_space<vmem>>
    %dma_wait3A_113 = arith.constant 0 : i32
    %dma_wait3A_114 = tpu.memref_slice %arg2[%dma_wait3A_108, %dma_wait3A_113] : memref<2x320000xi32, #tpu.memory_space<hbm>> -> memref<1x128xi32, #tpu.memory_space<hbm>>
    %dma_wait3A_115 = tpu.memref_squeeze %dma_wait3A_114 : memref<1x128xi32, #tpu.memory_space<hbm>> -> memref<128xi32, #tpu.memory_space<hbm>>
    %dma_wait3A_116 = arith.constant 0 : i32
    %dma_wait3A_117 = tpu.memref_slice %arg4[%dma_wait3A_109, %dma_wait3A_116] : memref<4x128xi32, #tpu.memory_space<vmem>> -> memref<1x128xi32, #tpu.memory_space<vmem>>
    %dma_wait3A_118 = tpu.memref_squeeze %dma_wait3A_117 : memref<1x128xi32, #tpu.memory_space<vmem>> -> memref<128xi32, #tpu.memory_space<vmem>>
    %dma_wait3A_119 = arith.constant 0 : i32
    %dma_wait3A_120 = tpu.memref_slice %arg2[%dma_wait3A_108, %dma_wait3A_119] : memref<2x320000xi32, #tpu.memory_space<hbm>> -> memref<1x128xi32, #tpu.memory_space<hbm>>
    %dma_wait3A_121 = tpu.memref_squeeze %dma_wait3A_120 : memref<1x128xi32, #tpu.memory_space<hbm>> -> memref<128xi32, #tpu.memory_space<hbm>>
    tpu.wait_dma2 semaphore(%arg10 : memref<!tpu.dma_semaphore, #tpu.memory_space<semaphore_mem>>) src(%dma_wait3A_121 : memref<128xi32, #tpu.memory_space<hbm>>) dst(%dma_wait3A_118 : memref<128xi32, #tpu.memory_space<vmem>>)
    %dma_start3A_122 = arith.constant 1 : i32
    %dma_start3A_123 = arith.constant 0 : i32
    %dma_start3A_124 = tpu.memref_slice %arg4[%dma_start3A_122, %dma_start3A_123] : memref<4x128xi32, #tpu.memory_space<vmem>> -> memref<1x128xi32, #tpu.memory_space<vmem>>
    %dma_start3A_125 = tpu.memref_squeeze %dma_start3A_124 : memref<1x128xi32, #tpu.memory_space<vmem>> -> memref<128xi32, #tpu.memory_space<vmem>>
    %dma_start3A_126 = arith.constant 0 : i32
    %dma_start3A_127 = arith.constant 0 : i32
    %dma_start3A_128 = tpu.memref_slice %arg8[%dma_start3A_126, %dma_start3A_127] : memref<10240x16xf32, #tpu.memory_space<vmem_shared>> -> memref<10240x16xf32, #tpu.memory_space<vmem_shared>>
    tpu.enqueue_indirect_dma source(%arg6 : memref<128x16xf32, #tpu.memory_space<vmem>>) target(%dma_start3A_128 : memref<10240x16xf32, #tpu.memory_space<vmem_shared>>) offsets(%dma_start3A_125 : memref<128xi32, #tpu.memory_space<vmem>>) semaphore(%arg14 : memref<!tpu.dma_semaphore, #tpu.memory_space<semaphore_mem>>) {add = true}
    %dma_wait3A_129 = arith.constant 0 : i32
    %dma_wait3A_130 = arith.constant 0 : i32
    %dma_wait3A_131 = tpu.memref_slice %arg4[%dma_wait3A_129, %dma_wait3A_130] : memref<4x128xi32, #tpu.memory_space<vmem>> -> memref<1x128xi32, #tpu.memory_space<vmem>>
    %dma_wait3A_132 = tpu.memref_squeeze %dma_wait3A_131 : memref<1x128xi32, #tpu.memory_space<vmem>> -> memref<128xi32, #tpu.memory_space<vmem>>
    %dma_wait3A_133 = arith.constant 0 : i32
    %dma_wait3A_134 = arith.constant 0 : i32
    %dma_wait3A_135 = tpu.memref_slice %arg8[%dma_wait3A_133, %dma_wait3A_134] : memref<10240x16xf32, #tpu.memory_space<vmem_shared>> -> memref<10240x16xf32, #tpu.memory_space<vmem_shared>>
    tpu.wait_indirect_dma semaphore(%arg13 : memref<!tpu.dma_semaphore, #tpu.memory_space<semaphore_mem>>) src(%arg6 : memref<128x16xf32, #tpu.memory_space<vmem>>) dst(%dma_wait3A_135 : memref<10240x16xf32, #tpu.memory_space<vmem_shared>>)
    %dma_wait3A_136 = arith.constant 1 : i32
    %dma_wait3A_137 = arith.constant 0 : i32
    %dma_wait3A_138 = tpu.memref_slice %arg4[%dma_wait3A_136, %dma_wait3A_137] : memref<4x128xi32, #tpu.memory_space<vmem>> -> memref<1x128xi32, #tpu.memory_space<vmem>>
    %dma_wait3A_139 = tpu.memref_squeeze %dma_wait3A_138 : memref<1x128xi32, #tpu.memory_space<vmem>> -> memref<128xi32, #tpu.memory_space<vmem>>
    %dma_wait3A_140 = arith.constant 0 : i32
    %dma_wait3A_141 = arith.constant 0 : i32
    %dma_wait3A_142 = tpu.memref_slice %arg8[%dma_wait3A_140, %dma_wait3A_141] : memref<10240x16xf32, #tpu.memory_space<vmem_shared>> -> memref<10240x16xf32, #tpu.memory_space<vmem_shared>>
    tpu.wait_indirect_dma semaphore(%arg14 : memref<!tpu.dma_semaphore, #tpu.memory_space<semaphore_mem>>) src(%arg6 : memref<128x16xf32, #tpu.memory_space<vmem>>) dst(%dma_wait3A_142 : memref<10240x16xf32, #tpu.memory_space<vmem_shared>>)
    %dma_wait3A_143 = arith.constant 1 : i32
    %dma_wait3A_144 = arith.constant 2 : i32
    %dma_wait3A_145 = arith.constant 0 : i32
    %dma_wait3A_146 = tpu.memref_slice %arg4[%dma_wait3A_144, %dma_wait3A_145] : memref<4x128xi32, #tpu.memory_space<vmem>> -> memref<1x128xi32, #tpu.memory_space<vmem>>
    %dma_wait3A_147 = tpu.memref_squeeze %dma_wait3A_146 : memref<1x128xi32, #tpu.memory_space<vmem>> -> memref<128xi32, #tpu.memory_space<vmem>>
    %dma_wait3A_148 = arith.constant 0 : i32
    %dma_wait3A_149 = tpu.memref_slice %arg2[%dma_wait3A_143, %dma_wait3A_148] : memref<2x320000xi32, #tpu.memory_space<hbm>> -> memref<1x128xi32, #tpu.memory_space<hbm>>
    %dma_wait3A_150 = tpu.memref_squeeze %dma_wait3A_149 : memref<1x128xi32, #tpu.memory_space<hbm>> -> memref<128xi32, #tpu.memory_space<hbm>>
    %dma_wait3A_151 = arith.constant 0 : i32
    %dma_wait3A_152 = tpu.memref_slice %arg4[%dma_wait3A_144, %dma_wait3A_151] : memref<4x128xi32, #tpu.memory_space<vmem>> -> memref<1x128xi32, #tpu.memory_space<vmem>>
    %dma_wait3A_153 = tpu.memref_squeeze %dma_wait3A_152 : memref<1x128xi32, #tpu.memory_space<vmem>> -> memref<128xi32, #tpu.memory_space<vmem>>
    %dma_wait3A_154 = arith.constant 0 : i32
    %dma_wait3A_155 = tpu.memref_slice %arg2[%dma_wait3A_143, %dma_wait3A_154] : memref<2x320000xi32, #tpu.memory_space<hbm>> -> memref<1x128xi32, #tpu.memory_space<hbm>>
    %dma_wait3A_156 = tpu.memref_squeeze %dma_wait3A_155 : memref<1x128xi32, #tpu.memory_space<hbm>> -> memref<128xi32, #tpu.memory_space<hbm>>
    tpu.wait_dma2 semaphore(%arg11 : memref<!tpu.dma_semaphore, #tpu.memory_space<semaphore_mem>>) src(%dma_wait3A_156 : memref<128xi32, #tpu.memory_space<hbm>>) dst(%dma_wait3A_153 : memref<128xi32, #tpu.memory_space<vmem>>)
    %dma_wait3A_157 = arith.constant 1 : i32
    %dma_wait3A_158 = arith.constant 3 : i32
    %dma_wait3A_159 = arith.constant 0 : i32
    %dma_wait3A_160 = tpu.memref_slice %arg4[%dma_wait3A_158, %dma_wait3A_159] : memref<4x128xi32, #tpu.memory_space<vmem>> -> memref<1x128xi32, #tpu.memory_space<vmem>>
    %dma_wait3A_161 = tpu.memref_squeeze %dma_wait3A_160 : memref<1x128xi32, #tpu.memory_space<vmem>> -> memref<128xi32, #tpu.memory_space<vmem>>
    %dma_wait3A_162 = arith.constant 0 : i32
    %dma_wait3A_163 = tpu.memref_slice %arg2[%dma_wait3A_157, %dma_wait3A_162] : memref<2x320000xi32, #tpu.memory_space<hbm>> -> memref<1x128xi32, #tpu.memory_space<hbm>>
    %dma_wait3A_164 = tpu.memref_squeeze %dma_wait3A_163 : memref<1x128xi32, #tpu.memory_space<hbm>> -> memref<128xi32, #tpu.memory_space<hbm>>
    %dma_wait3A_165 = arith.constant 0 : i32
    %dma_wait3A_166 = tpu.memref_slice %arg4[%dma_wait3A_158, %dma_wait3A_165] : memref<4x128xi32, #tpu.memory_space<vmem>> -> memref<1x128xi32, #tpu.memory_space<vmem>>
    %dma_wait3A_167 = tpu.memref_squeeze %dma_wait3A_166 : memref<1x128xi32, #tpu.memory_space<vmem>> -> memref<128xi32, #tpu.memory_space<vmem>>
    %dma_wait3A_168 = arith.constant 0 : i32
    %dma_wait3A_169 = tpu.memref_slice %arg2[%dma_wait3A_157, %dma_wait3A_168] : memref<2x320000xi32, #tpu.memory_space<hbm>> -> memref<1x128xi32, #tpu.memory_space<hbm>>
    %dma_wait3A_170 = tpu.memref_squeeze %dma_wait3A_169 : memref<1x128xi32, #tpu.memory_space<hbm>> -> memref<128xi32, #tpu.memory_space<hbm>>
    tpu.wait_dma2 semaphore(%arg12 : memref<!tpu.dma_semaphore, #tpu.memory_space<semaphore_mem>>) src(%dma_wait3A_170 : memref<128xi32, #tpu.memory_space<hbm>>) dst(%dma_wait3A_167 : memref<128xi32, #tpu.memory_space<vmem>>)
    %add3A_171 = arith.constant 9984 : i32
    %add3A_172 = arith.addi %mul3A_19, %add3A_171 : i32
    %multiple_of3A_173 = tpu.assume_multiple %add3A_172, 8 : i32
    %run_scoped3A = arith.constant 1 : i32
    "tpu.region"() ({
      %run_scoped3A_191 = tpu.sem_alloc : memref<!tpu.dma_semaphore, #tpu.memory_space<semaphore_mem>>
      %dma_start3A_192 = tpu.memref_slice %arg2[%run_scoped3A, %multiple_of3A_173] : memref<2x320000xi32, #tpu.memory_space<hbm>> -> memref<1x16xi32, #tpu.memory_space<hbm>>
      %dma_start3A_193 = tpu.memref_squeeze %dma_start3A_192 : memref<1x16xi32, #tpu.memory_space<hbm>> -> memref<16xi32, #tpu.memory_space<hbm>>
      %dma_start3A_194 = tpu.memref_slice %arg2[%run_scoped3A, %multiple_of3A_173] : memref<2x320000xi32, #tpu.memory_space<hbm>> -> memref<1x16xi32, #tpu.memory_space<hbm>>
      %dma_start3A_195 = tpu.memref_squeeze %dma_start3A_194 : memref<1x16xi32, #tpu.memory_space<hbm>> -> memref<16xi32, #tpu.memory_space<hbm>>
      tpu.enqueue_dma source(%dma_start3A_195 : memref<16xi32, #tpu.memory_space<hbm>>) target(%arg5 : memref<16xi32, #tpu.memory_space<vmem>>) target_semaphore(%run_scoped3A_191 : memref<!tpu.dma_semaphore, #tpu.memory_space<semaphore_mem>>)
      %dma_wait3A_196 = tpu.memref_slice %arg2[%run_scoped3A, %multiple_of3A_173] : memref<2x320000xi32, #tpu.memory_space<hbm>> -> memref<1x16xi32, #tpu.memory_space<hbm>>
      %dma_wait3A_197 = tpu.memref_squeeze %dma_wait3A_196 : memref<1x16xi32, #tpu.memory_space<hbm>> -> memref<16xi32, #tpu.memory_space<hbm>>
      %dma_wait3A_198 = tpu.memref_slice %arg2[%run_scoped3A, %multiple_of3A_173] : memref<2x320000xi32, #tpu.memory_space<hbm>> -> memref<1x16xi32, #tpu.memory_space<hbm>>
      %dma_wait3A_199 = tpu.memref_squeeze %dma_wait3A_198 : memref<1x16xi32, #tpu.memory_space<hbm>> -> memref<16xi32, #tpu.memory_space<hbm>>
      tpu.wait_dma2 semaphore(%run_scoped3A_191 : memref<!tpu.dma_semaphore, #tpu.memory_space<semaphore_mem>>) src(%dma_wait3A_199 : memref<16xi32, #tpu.memory_space<hbm>>) dst(%arg5 : memref<16xi32, #tpu.memory_space<vmem>>)
      tpu.yield
    }) : () -> ()
    %dma_start3A_174 = arith.constant 0 : i32
    %dma_start3A_175 = arith.constant 0 : i32
    %dma_start3A_176 = tpu.memref_slice %arg6[%dma_start3A_174, %dma_start3A_175] : memref<128x16xf32, #tpu.memory_space<vmem>> -> memref<16x16xf32, #tpu.memory_space<vmem>>
    %dma_start3A_177 = arith.constant 0 : i32
    %dma_start3A_178 = arith.constant 0 : i32
    %dma_start3A_179 = tpu.memref_slice %arg8[%dma_start3A_177, %dma_start3A_178] : memref<10240x16xf32, #tpu.memory_space<vmem_shared>> -> memref<10240x16xf32, #tpu.memory_space<vmem_shared>>
    tpu.enqueue_indirect_dma source(%dma_start3A_176 : memref<16x16xf32, #tpu.memory_space<vmem>>) target(%dma_start3A_179 : memref<10240x16xf32, #tpu.memory_space<vmem_shared>>) offsets(%arg5 : memref<16xi32, #tpu.memory_space<vmem>>) semaphore(%arg13 : memref<!tpu.dma_semaphore, #tpu.memory_space<semaphore_mem>>) {add = true}
    %dma_wait3A_180 = arith.constant 0 : i32
    %dma_wait3A_181 = arith.constant 0 : i32
    %dma_wait3A_182 = tpu.memref_slice %arg6[%dma_wait3A_180, %dma_wait3A_181] : memref<128x16xf32, #tpu.memory_space<vmem>> -> memref<16x16xf32, #tpu.memory_space<vmem>>
    %dma_wait3A_183 = arith.constant 0 : i32
    %dma_wait3A_184 = arith.constant 0 : i32
    %dma_wait3A_185 = tpu.memref_slice %arg8[%dma_wait3A_183, %dma_wait3A_184] : memref<10240x16xf32, #tpu.memory_space<vmem_shared>> -> memref<10240x16xf32, #tpu.memory_space<vmem_shared>>
    tpu.wait_indirect_dma semaphore(%arg13 : memref<!tpu.dma_semaphore, #tpu.memory_space<semaphore_mem>>) src(%dma_wait3A_182 : memref<16x16xf32, #tpu.memory_space<vmem>>) dst(%dma_wait3A_185 : memref<10240x16xf32, #tpu.memory_space<vmem_shared>>)
    %barrier3A_186 = arith.constant 0 : index
    tpu.barrier barrier_id(%barrier3A_186)
    %mul3A_187 = arith.constant 640 : i32
    %mul3A_188 = arith.muli %arg1, %mul3A_187 : i32
    %mul3A_189 = arith.constant 640 : i32
    %mul3A_190 = arith.muli %arg1, %mul3A_189 : i32
    "tpu.region"() ({
      %run_scoped3A_191 = tpu.sem_alloc : memref<!tpu.dma_semaphore, #tpu.memory_space<semaphore_mem>>
      %dma_start3A_192 = arith.constant 0 : i32
      %dma_start3A_193 = tpu.memref_slice %arg3[%arg0, %mul3A_190, %dma_start3A_192] : memref<2x10240x16xf32, #tpu.memory_space<hbm>> -> memref<1x640x16xf32, #tpu.memory_space<hbm>>
      %dma_start3A_194 = tpu.memref_squeeze %dma_start3A_193 : memref<1x640x16xf32, #tpu.memory_space<hbm>> -> memref<640x16xf32, #tpu.memory_space<hbm>>
      %dma_start3A_195 = arith.constant 0 : i32
      %dma_start3A_196 = tpu.memref_slice %arg8[%mul3A_188, %dma_start3A_195] : memref<10240x16xf32, #tpu.memory_space<vmem_shared>> -> memref<640x16xf32, #tpu.memory_space<vmem_shared>>
      tpu.enqueue_dma source(%dma_start3A_196 : memref<640x16xf32, #tpu.memory_space<vmem_shared>>) target(%dma_start3A_194 : memref<640x16xf32, #tpu.memory_space<hbm>>) target_semaphore(%run_scoped3A_191 : memref<!tpu.dma_semaphore, #tpu.memory_space<semaphore_mem>>)
      %dma_wait3A_197 = arith.constant 0 : i32
      %dma_wait3A_198 = tpu.memref_slice %arg3[%arg0, %mul3A_190, %dma_wait3A_197] : memref<2x10240x16xf32, #tpu.memory_space<hbm>> -> memref<1x640x16xf32, #tpu.memory_space<hbm>>
      %dma_wait3A_199 = tpu.memref_squeeze %dma_wait3A_198 : memref<1x640x16xf32, #tpu.memory_space<hbm>> -> memref<640x16xf32, #tpu.memory_space<hbm>>
      %dma_wait3A_200 = arith.constant 0 : i32
      %dma_wait3A_201 = tpu.memref_slice %arg8[%mul3A_188, %dma_wait3A_200] : memref<10240x16xf32, #tpu.memory_space<vmem_shared>> -> memref<640x16xf32, #tpu.memory_space<vmem_shared>>
      tpu.wait_dma2 semaphore(%run_scoped3A_191 : memref<!tpu.dma_semaphore, #tpu.memory_space<semaphore_mem>>) src(%dma_wait3A_201 : memref<640x16xf32, #tpu.memory_space<vmem_shared>>) dst(%dma_wait3A_199 : memref<640x16xf32, #tpu.memory_space<hbm>>)
      tpu.yield
    }) : () -> ()
    return
  }
}

#map = affine_map<(d0, d1) -> (0, 0)>
#map1 = affine_map<(d0, d1) -> (0, 0, 0)>
module attributes {stable_mosaic.version = 14 : i64} {
  func.func @agg(%arg0: i32, %arg1: i32, %arg2: memref<10000x32xf32, #tpu.memory_space<hbm>>, %arg3: memref<2x320000xi32, #tpu.memory_space<hbm>>, %arg4: memref<2x10240x32xf32, #tpu.memory_space<hbm>>, %arg5: memref<4x128xi32, #tpu.memory_space<vmem>>, %arg6: memref<4x128xi32, #tpu.memory_space<vmem>>, %arg7: memref<128x32xf32, #tpu.memory_space<vmem>>, %arg8: memref<128x32xf32, #tpu.memory_space<vmem>>, %arg9: memref<128x32xf32, #tpu.memory_space<vmem>>, %arg10: memref<128x32xf32, #tpu.memory_space<vmem>>, %arg11: memref<16xi32, #tpu.memory_space<vmem>>, %arg12: memref<16xi32, #tpu.memory_space<vmem>>, %arg13: memref<16x32xf32, #tpu.memory_space<vmem>>, %arg14: memref<64x32xf32, #tpu.memory_space<vmem>>, %arg15: memref<10240x32xf32, #tpu.memory_space<vmem_shared>>, %arg16: memref<!tpu.dma_semaphore, #tpu.memory_space<semaphore_mem>>, %arg17: memref<!tpu.dma_semaphore, #tpu.memory_space<semaphore_mem>>, %arg18: memref<!tpu.dma_semaphore, #tpu.memory_space<semaphore_mem>>, %arg19: memref<!tpu.dma_semaphore, #tpu.memory_space<semaphore_mem>>, %arg20: memref<!tpu.dma_semaphore, #tpu.memory_space<semaphore_mem>>, %arg21: memref<!tpu.dma_semaphore, #tpu.memory_space<semaphore_mem>>, %arg22: memref<!tpu.dma_semaphore, #tpu.memory_space<semaphore_mem>>, %arg23: memref<!tpu.dma_semaphore, #tpu.memory_space<semaphore_mem>>) attributes {dimension_semantics = [#tpu.dimension_semantics<core_parallel>, #tpu.dimension_semantics<subcore_parallel>], iteration_bounds = array<i64: 2, 16>, scalar_prefetch = 0 : i64, scratch_operands = 19 : i64, tpu.core_type = #tpu.core_type<sc_vector_subcore>, window_params = [{transform_indices = #map}, {transform_indices = #map}, {transform_indices = #map1}]} {
    %mul3A = arith.constant 16 : i32
    %mul3A_0 = arith.muli %arg0, %mul3A : i32
    %add3A = arith.addi %mul3A_0, %arg1 : i32
    %broadcast_in_dim3A = arith.constant 0.000000e+00 : f32
    %broadcast_in_dim3A_1 = vector.broadcast %broadcast_in_dim3A : f32 to vector<16xf32>
    %scan3A = arith.constant 0 : i32
    %scan3A_2 = arith.constant 64 : i32
    %scan3A_3 = arith.addi %scan3A, %scan3A_2 : i32
    %scan3A_4 = arith.constant 1 : i32
    scf.for %scan3A_285 = %scan3A to %scan3A_3 step %scan3A_4  : i32 {
      %scan3A_286 = arith.constant 0 : i32
      %scan3A_287 = arith.constant 2 : i32
      %scan3A_288 = arith.addi %scan3A_286, %scan3A_287 : i32
      %scan3A_289 = arith.constant 1 : i32
      scf.for %scan3A_291 = %scan3A_286 to %scan3A_288 step %scan3A_289  : i32 {
        %mul3A_292 = arith.constant 16 : i32
        %mul3A_293 = arith.muli %scan3A_291, %mul3A_292 : i32
        %swap3A = arith.index_cast %scan3A_285 : i32 to index
        %swap3A_294 = arith.index_cast %mul3A_293 : i32 to index
        %swap3A_295 = tpu.vector_load %arg14[%swap3A, %swap3A_294] {strides = array<i32>} : memref<64x32xf32, #tpu.memory_space<vmem>>, vector<1x16xf32>,
        %swap3A_296 = vector.shape_cast %swap3A_295 : vector<1x16xf32> to vector<16xf32>
        %swap3A_297 = vector.shape_cast %broadcast_in_dim3A_1 : vector<16xf32> to vector<1x16xf32>
        tpu.vector_store %arg14[%swap3A, %swap3A_294], %swap3A_297 {strides = array<i32>} : memref<64x32xf32, #tpu.memory_space<vmem>>, vector<1x16xf32>,
      }
      %scan3A_290 = arith.constant 2 : i32
    }
    %scan3A_5 = arith.constant 64 : i32
    %scan3A_6 = arith.constant 0 : i32
    %scan3A_7 = arith.constant 10 : i32
    %scan3A_8 = arith.addi %scan3A_6, %scan3A_7 : i32
    %scan3A_9 = arith.constant 1 : i32
    scf.for %scan3A_285 = %scan3A_6 to %scan3A_8 step %scan3A_9  : i32 {
      %mul3A_286 = arith.constant 640 : i32
      %mul3A_287 = arith.muli %arg1, %mul3A_286 : i32
      %mul3A_288 = arith.constant 64 : i32
      %mul3A_289 = arith.muli %scan3A_285, %mul3A_288 : i32
      %add3A_290 = arith.addi %mul3A_287, %mul3A_289 : i32
      "tpu.region"() ({
        %run_scoped3A_291 = tpu.sem_alloc : memref<!tpu.dma_semaphore, #tpu.memory_space<semaphore_mem>>
        %dma_start3A_292 = arith.constant 0 : i32
        %dma_start3A_293 = tpu.memref_slice %arg15[%add3A_290, %dma_start3A_292] : memref<10240x32xf32, #tpu.memory_space<vmem_shared>> -> memref<64x32xf32, #tpu.memory_space<vmem_shared>>
        %dma_start3A_294 = arith.constant 0 : i32
        %dma_start3A_295 = tpu.memref_slice %arg15[%add3A_290, %dma_start3A_294] : memref<10240x32xf32, #tpu.memory_space<vmem_shared>> -> memref<64x32xf32, #tpu.memory_space<vmem_shared>>
        tpu.enqueue_dma source(%arg14 : memref<64x32xf32, #tpu.memory_space<vmem>>) target(%dma_start3A_295 : memref<64x32xf32, #tpu.memory_space<vmem_shared>>) target_semaphore(%run_scoped3A_291 : memref<!tpu.dma_semaphore, #tpu.memory_space<semaphore_mem>>)
        %dma_wait3A_296 = arith.constant 0 : i32
        %dma_wait3A_297 = tpu.memref_slice %arg15[%add3A_290, %dma_wait3A_296] : memref<10240x32xf32, #tpu.memory_space<vmem_shared>> -> memref<64x32xf32, #tpu.memory_space<vmem_shared>>
        %dma_wait3A_298 = arith.constant 0 : i32
        %dma_wait3A_299 = tpu.memref_slice %arg15[%add3A_290, %dma_wait3A_298] : memref<10240x32xf32, #tpu.memory_space<vmem_shared>> -> memref<64x32xf32, #tpu.memory_space<vmem_shared>>
        tpu.wait_dma2 semaphore(%run_scoped3A_291 : memref<!tpu.dma_semaphore, #tpu.memory_space<semaphore_mem>>) src(%arg14 : memref<64x32xf32, #tpu.memory_space<vmem>>) dst(%dma_wait3A_299 : memref<64x32xf32, #tpu.memory_space<vmem_shared>>)
        tpu.yield
      }) : () -> ()
    }
    %scan3A_10 = arith.constant 10 : i32
    %barrier3A = arith.constant 0 : index
    tpu.barrier barrier_id(%barrier3A)
    %mul3A_11 = arith.constant 10000 : i32
    %mul3A_12 = arith.muli %add3A, %mul3A_11 : i32
    %add3A_13 = arith.constant 9856 : i32
    %add3A_14 = arith.addi %mul3A_12, %add3A_13 : i32
    %add3A_15 = arith.constant 0 : i32
    %add3A_16 = arith.addi %mul3A_12, %add3A_15 : i32
    %min3A = arith.minsi %add3A_16, %add3A_14 : i32
    %multiple_of3A = tpu.assume_multiple %min3A, 8 : i32
    %dma_start3A = arith.constant 0 : i32
    %dma_start3A_17 = arith.constant 0 : i32
    %dma_start3A_18 = arith.constant 0 : i32
    %dma_start3A_19 = tpu.memref_slice %arg5[%dma_start3A_17, %dma_start3A_18] : memref<4x128xi32, #tpu.memory_space<vmem>> -> memref<1x128xi32, #tpu.memory_space<vmem>>
    %dma_start3A_20 = tpu.memref_squeeze %dma_start3A_19 : memref<1x128xi32, #tpu.memory_space<vmem>> -> memref<128xi32, #tpu.memory_space<vmem>>
    %dma_start3A_21 = tpu.memref_slice %arg3[%dma_start3A, %multiple_of3A] : memref<2x320000xi32, #tpu.memory_space<hbm>> -> memref<1x128xi32, #tpu.memory_space<hbm>>
    %dma_start3A_22 = tpu.memref_squeeze %dma_start3A_21 : memref<1x128xi32, #tpu.memory_space<hbm>> -> memref<128xi32, #tpu.memory_space<hbm>>
    %dma_start3A_23 = arith.constant 0 : i32
    %dma_start3A_24 = tpu.memref_slice %arg5[%dma_start3A_17, %dma_start3A_23] : memref<4x128xi32, #tpu.memory_space<vmem>> -> memref<1x128xi32, #tpu.memory_space<vmem>>
    %dma_start3A_25 = tpu.memref_squeeze %dma_start3A_24 : memref<1x128xi32, #tpu.memory_space<vmem>> -> memref<128xi32, #tpu.memory_space<vmem>>
    %dma_start3A_26 = tpu.memref_slice %arg3[%dma_start3A, %multiple_of3A] : memref<2x320000xi32, #tpu.memory_space<hbm>> -> memref<1x128xi32, #tpu.memory_space<hbm>>
    %dma_start3A_27 = tpu.memref_squeeze %dma_start3A_26 : memref<1x128xi32, #tpu.memory_space<hbm>> -> memref<128xi32, #tpu.memory_space<hbm>>
    tpu.enqueue_dma source(%dma_start3A_27 : memref<128xi32, #tpu.memory_space<hbm>>) target(%dma_start3A_25 : memref<128xi32, #tpu.memory_space<vmem>>) target_semaphore(%arg16 : memref<!tpu.dma_semaphore, #tpu.memory_space<semaphore_mem>>)
    %dma_start3A_28 = arith.constant 1 : i32
    %dma_start3A_29 = arith.constant 0 : i32
    %dma_start3A_30 = arith.constant 0 : i32
    %dma_start3A_31 = tpu.memref_slice %arg6[%dma_start3A_29, %dma_start3A_30] : memref<4x128xi32, #tpu.memory_space<vmem>> -> memref<1x128xi32, #tpu.memory_space<vmem>>
    %dma_start3A_32 = tpu.memref_squeeze %dma_start3A_31 : memref<1x128xi32, #tpu.memory_space<vmem>> -> memref<128xi32, #tpu.memory_space<vmem>>
    %dma_start3A_33 = tpu.memref_slice %arg3[%dma_start3A_28, %multiple_of3A] : memref<2x320000xi32, #tpu.memory_space<hbm>> -> memref<1x128xi32, #tpu.memory_space<hbm>>
    %dma_start3A_34 = tpu.memref_squeeze %dma_start3A_33 : memref<1x128xi32, #tpu.memory_space<hbm>> -> memref<128xi32, #tpu.memory_space<hbm>>
    %dma_start3A_35 = arith.constant 0 : i32
    %dma_start3A_36 = tpu.memref_slice %arg6[%dma_start3A_29, %dma_start3A_35] : memref<4x128xi32, #tpu.memory_space<vmem>> -> memref<1x128xi32, #tpu.memory_space<vmem>>
    %dma_start3A_37 = tpu.memref_squeeze %dma_start3A_36 : memref<1x128xi32, #tpu.memory_space<vmem>> -> memref<128xi32, #tpu.memory_space<vmem>>
    %dma_start3A_38 = tpu.memref_slice %arg3[%dma_start3A_28, %multiple_of3A] : memref<2x320000xi32, #tpu.memory_space<hbm>> -> memref<1x128xi32, #tpu.memory_space<hbm>>
    %dma_start3A_39 = tpu.memref_squeeze %dma_start3A_38 : memref<1x128xi32, #tpu.memory_space<hbm>> -> memref<128xi32, #tpu.memory_space<hbm>>
    tpu.enqueue_dma source(%dma_start3A_39 : memref<128xi32, #tpu.memory_space<hbm>>) target(%dma_start3A_37 : memref<128xi32, #tpu.memory_space<vmem>>) target_semaphore(%arg16 : memref<!tpu.dma_semaphore, #tpu.memory_space<semaphore_mem>>)
    %add3A_40 = arith.constant 128 : i32
    %add3A_41 = arith.addi %mul3A_12, %add3A_40 : i32
    %min3A_42 = arith.minsi %add3A_41, %add3A_14 : i32
    %multiple_of3A_43 = tpu.assume_multiple %min3A_42, 8 : i32
    %dma_start3A_44 = arith.constant 0 : i32
    %dma_start3A_45 = arith.constant 1 : i32
    %dma_start3A_46 = arith.constant 0 : i32
    %dma_start3A_47 = tpu.memref_slice %arg5[%dma_start3A_45, %dma_start3A_46] : memref<4x128xi32, #tpu.memory_space<vmem>> -> memref<1x128xi32, #tpu.memory_space<vmem>>
    %dma_start3A_48 = tpu.memref_squeeze %dma_start3A_47 : memref<1x128xi32, #tpu.memory_space<vmem>> -> memref<128xi32, #tpu.memory_space<vmem>>
    %dma_start3A_49 = tpu.memref_slice %arg3[%dma_start3A_44, %multiple_of3A_43] : memref<2x320000xi32, #tpu.memory_space<hbm>> -> memref<1x128xi32, #tpu.memory_space<hbm>>
    %dma_start3A_50 = tpu.memref_squeeze %dma_start3A_49 : memref<1x128xi32, #tpu.memory_space<hbm>> -> memref<128xi32, #tpu.memory_space<hbm>>
    %dma_start3A_51 = arith.constant 0 : i32
    %dma_start3A_52 = tpu.memref_slice %arg5[%dma_start3A_45, %dma_start3A_51] : memref<4x128xi32, #tpu.memory_space<vmem>> -> memref<1x128xi32, #tpu.memory_space<vmem>>
    %dma_start3A_53 = tpu.memref_squeeze %dma_start3A_52 : memref<1x128xi32, #tpu.memory_space<vmem>> -> memref<128xi32, #tpu.memory_space<vmem>>
    %dma_start3A_54 = tpu.memref_slice %arg3[%dma_start3A_44, %multiple_of3A_43] : memref<2x320000xi32, #tpu.memory_space<hbm>> -> memref<1x128xi32, #tpu.memory_space<hbm>>
    %dma_start3A_55 = tpu.memref_squeeze %dma_start3A_54 : memref<1x128xi32, #tpu.memory_space<hbm>> -> memref<128xi32, #tpu.memory_space<hbm>>
    tpu.enqueue_dma source(%dma_start3A_55 : memref<128xi32, #tpu.memory_space<hbm>>) target(%dma_start3A_53 : memref<128xi32, #tpu.memory_space<vmem>>) target_semaphore(%arg17 : memref<!tpu.dma_semaphore, #tpu.memory_space<semaphore_mem>>)
    %dma_start3A_56 = arith.constant 1 : i32
    %dma_start3A_57 = arith.constant 1 : i32
    %dma_start3A_58 = arith.constant 0 : i32
    %dma_start3A_59 = tpu.memref_slice %arg6[%dma_start3A_57, %dma_start3A_58] : memref<4x128xi32, #tpu.memory_space<vmem>> -> memref<1x128xi32, #tpu.memory_space<vmem>>
    %dma_start3A_60 = tpu.memref_squeeze %dma_start3A_59 : memref<1x128xi32, #tpu.memory_space<vmem>> -> memref<128xi32, #tpu.memory_space<vmem>>
    %dma_start3A_61 = tpu.memref_slice %arg3[%dma_start3A_56, %multiple_of3A_43] : memref<2x320000xi32, #tpu.memory_space<hbm>> -> memref<1x128xi32, #tpu.memory_space<hbm>>
    %dma_start3A_62 = tpu.memref_squeeze %dma_start3A_61 : memref<1x128xi32, #tpu.memory_space<hbm>> -> memref<128xi32, #tpu.memory_space<hbm>>
    %dma_start3A_63 = arith.constant 0 : i32
    %dma_start3A_64 = tpu.memref_slice %arg6[%dma_start3A_57, %dma_start3A_63] : memref<4x128xi32, #tpu.memory_space<vmem>> -> memref<1x128xi32, #tpu.memory_space<vmem>>
    %dma_start3A_65 = tpu.memref_squeeze %dma_start3A_64 : memref<1x128xi32, #tpu.memory_space<vmem>> -> memref<128xi32, #tpu.memory_space<vmem>>
    %dma_start3A_66 = tpu.memref_slice %arg3[%dma_start3A_56, %multiple_of3A_43] : memref<2x320000xi32, #tpu.memory_space<hbm>> -> memref<1x128xi32, #tpu.memory_space<hbm>>
    %dma_start3A_67 = tpu.memref_squeeze %dma_start3A_66 : memref<1x128xi32, #tpu.memory_space<hbm>> -> memref<128xi32, #tpu.memory_space<hbm>>
    tpu.enqueue_dma source(%dma_start3A_67 : memref<128xi32, #tpu.memory_space<hbm>>) target(%dma_start3A_65 : memref<128xi32, #tpu.memory_space<vmem>>) target_semaphore(%arg17 : memref<!tpu.dma_semaphore, #tpu.memory_space<semaphore_mem>>)
    %add3A_68 = arith.constant 256 : i32
    %add3A_69 = arith.addi %mul3A_12, %add3A_68 : i32
    %min3A_70 = arith.minsi %add3A_69, %add3A_14 : i32
    %multiple_of3A_71 = tpu.assume_multiple %min3A_70, 8 : i32
    %dma_start3A_72 = arith.constant 0 : i32
    %dma_start3A_73 = arith.constant 2 : i32
    %dma_start3A_74 = arith.constant 0 : i32
    %dma_start3A_75 = tpu.memref_slice %arg5[%dma_start3A_73, %dma_start3A_74] : memref<4x128xi32, #tpu.memory_space<vmem>> -> memref<1x128xi32, #tpu.memory_space<vmem>>
    %dma_start3A_76 = tpu.memref_squeeze %dma_start3A_75 : memref<1x128xi32, #tpu.memory_space<vmem>> -> memref<128xi32, #tpu.memory_space<vmem>>
    %dma_start3A_77 = tpu.memref_slice %arg3[%dma_start3A_72, %multiple_of3A_71] : memref<2x320000xi32, #tpu.memory_space<hbm>> -> memref<1x128xi32, #tpu.memory_space<hbm>>
    %dma_start3A_78 = tpu.memref_squeeze %dma_start3A_77 : memref<1x128xi32, #tpu.memory_space<hbm>> -> memref<128xi32, #tpu.memory_space<hbm>>
    %dma_start3A_79 = arith.constant 0 : i32
    %dma_start3A_80 = tpu.memref_slice %arg5[%dma_start3A_73, %dma_start3A_79] : memref<4x128xi32, #tpu.memory_space<vmem>> -> memref<1x128xi32, #tpu.memory_space<vmem>>
    %dma_start3A_81 = tpu.memref_squeeze %dma_start3A_80 : memref<1x128xi32, #tpu.memory_space<vmem>> -> memref<128xi32, #tpu.memory_space<vmem>>
    %dma_start3A_82 = tpu.memref_slice %arg3[%dma_start3A_72, %multiple_of3A_71] : memref<2x320000xi32, #tpu.memory_space<hbm>> -> memref<1x128xi32, #tpu.memory_space<hbm>>
    %dma_start3A_83 = tpu.memref_squeeze %dma_start3A_82 : memref<1x128xi32, #tpu.memory_space<hbm>> -> memref<128xi32, #tpu.memory_space<hbm>>
    tpu.enqueue_dma source(%dma_start3A_83 : memref<128xi32, #tpu.memory_space<hbm>>) target(%dma_start3A_81 : memref<128xi32, #tpu.memory_space<vmem>>) target_semaphore(%arg18 : memref<!tpu.dma_semaphore, #tpu.memory_space<semaphore_mem>>)
    %dma_start3A_84 = arith.constant 1 : i32
    %dma_start3A_85 = arith.constant 2 : i32
    %dma_start3A_86 = arith.constant 0 : i32
    %dma_start3A_87 = tpu.memref_slice %arg6[%dma_start3A_85, %dma_start3A_86] : memref<4x128xi32, #tpu.memory_space<vmem>> -> memref<1x128xi32, #tpu.memory_space<vmem>>
    %dma_start3A_88 = tpu.memref_squeeze %dma_start3A_87 : memref<1x128xi32, #tpu.memory_space<vmem>> -> memref<128xi32, #tpu.memory_space<vmem>>
    %dma_start3A_89 = tpu.memref_slice %arg3[%dma_start3A_84, %multiple_of3A_71] : memref<2x320000xi32, #tpu.memory_space<hbm>> -> memref<1x128xi32, #tpu.memory_space<hbm>>
    %dma_start3A_90 = tpu.memref_squeeze %dma_start3A_89 : memref<1x128xi32, #tpu.memory_space<hbm>> -> memref<128xi32, #tpu.memory_space<hbm>>
    %dma_start3A_91 = arith.constant 0 : i32
    %dma_start3A_92 = tpu.memref_slice %arg6[%dma_start3A_85, %dma_start3A_91] : memref<4x128xi32, #tpu.memory_space<vmem>> -> memref<1x128xi32, #tpu.memory_space<vmem>>
    %dma_start3A_93 = tpu.memref_squeeze %dma_start3A_92 : memref<1x128xi32, #tpu.memory_space<vmem>> -> memref<128xi32, #tpu.memory_space<vmem>>
    %dma_start3A_94 = tpu.memref_slice %arg3[%dma_start3A_84, %multiple_of3A_71] : memref<2x320000xi32, #tpu.memory_space<hbm>> -> memref<1x128xi32, #tpu.memory_space<hbm>>
    %dma_start3A_95 = tpu.memref_squeeze %dma_start3A_94 : memref<1x128xi32, #tpu.memory_space<hbm>> -> memref<128xi32, #tpu.memory_space<hbm>>
    tpu.enqueue_dma source(%dma_start3A_95 : memref<128xi32, #tpu.memory_space<hbm>>) target(%dma_start3A_93 : memref<128xi32, #tpu.memory_space<vmem>>) target_semaphore(%arg18 : memref<!tpu.dma_semaphore, #tpu.memory_space<semaphore_mem>>)
    %add3A_96 = arith.constant 384 : i32
    %add3A_97 = arith.addi %mul3A_12, %add3A_96 : i32
    %min3A_98 = arith.minsi %add3A_97, %add3A_14 : i32
    %multiple_of3A_99 = tpu.assume_multiple %min3A_98, 8 : i32
    %dma_start3A_100 = arith.constant 0 : i32
    %dma_start3A_101 = arith.constant 3 : i32
    %dma_start3A_102 = arith.constant 0 : i32
    %dma_start3A_103 = tpu.memref_slice %arg5[%dma_start3A_101, %dma_start3A_102] : memref<4x128xi32, #tpu.memory_space<vmem>> -> memref<1x128xi32, #tpu.memory_space<vmem>>
    %dma_start3A_104 = tpu.memref_squeeze %dma_start3A_103 : memref<1x128xi32, #tpu.memory_space<vmem>> -> memref<128xi32, #tpu.memory_space<vmem>>
    %dma_start3A_105 = tpu.memref_slice %arg3[%dma_start3A_100, %multiple_of3A_99] : memref<2x320000xi32, #tpu.memory_space<hbm>> -> memref<1x128xi32, #tpu.memory_space<hbm>>
    %dma_start3A_106 = tpu.memref_squeeze %dma_start3A_105 : memref<1x128xi32, #tpu.memory_space<hbm>> -> memref<128xi32, #tpu.memory_space<hbm>>
    %dma_start3A_107 = arith.constant 0 : i32
    %dma_start3A_108 = tpu.memref_slice %arg5[%dma_start3A_101, %dma_start3A_107] : memref<4x128xi32, #tpu.memory_space<vmem>> -> memref<1x128xi32, #tpu.memory_space<vmem>>
    %dma_start3A_109 = tpu.memref_squeeze %dma_start3A_108 : memref<1x128xi32, #tpu.memory_space<vmem>> -> memref<128xi32, #tpu.memory_space<vmem>>
    %dma_start3A_110 = tpu.memref_slice %arg3[%dma_start3A_100, %multiple_of3A_99] : memref<2x320000xi32, #tpu.memory_space<hbm>> -> memref<1x128xi32, #tpu.memory_space<hbm>>
    %dma_start3A_111 = tpu.memref_squeeze %dma_start3A_110 : memref<1x128xi32, #tpu.memory_space<hbm>> -> memref<128xi32, #tpu.memory_space<hbm>>
    tpu.enqueue_dma source(%dma_start3A_111 : memref<128xi32, #tpu.memory_space<hbm>>) target(%dma_start3A_109 : memref<128xi32, #tpu.memory_space<vmem>>) target_semaphore(%arg19 : memref<!tpu.dma_semaphore, #tpu.memory_space<semaphore_mem>>)
    %dma_start3A_112 = arith.constant 1 : i32
    %dma_start3A_113 = arith.constant 3 : i32
    %dma_start3A_114 = arith.constant 0 : i32
    %dma_start3A_115 = tpu.memref_slice %arg6[%dma_start3A_113, %dma_start3A_114] : memref<4x128xi32, #tpu.memory_space<vmem>> -> memref<1x128xi32, #tpu.memory_space<vmem>>
    %dma_start3A_116 = tpu.memref_squeeze %dma_start3A_115 : memref<1x128xi32, #tpu.memory_space<vmem>> -> memref<128xi32, #tpu.memory_space<vmem>>
    %dma_start3A_117 = tpu.memref_slice %arg3[%dma_start3A_112, %multiple_of3A_99] : memref<2x320000xi32, #tpu.memory_space<hbm>> -> memref<1x128xi32, #tpu.memory_space<hbm>>
    %dma_start3A_118 = tpu.memref_squeeze %dma_start3A_117 : memref<1x128xi32, #tpu.memory_space<hbm>> -> memref<128xi32, #tpu.memory_space<hbm>>
    %dma_start3A_119 = arith.constant 0 : i32
    %dma_start3A_120 = tpu.memref_slice %arg6[%dma_start3A_113, %dma_start3A_119] : memref<4x128xi32, #tpu.memory_space<vmem>> -> memref<1x128xi32, #tpu.memory_space<vmem>>
    %dma_start3A_121 = tpu.memref_squeeze %dma_start3A_120 : memref<1x128xi32, #tpu.memory_space<vmem>> -> memref<128xi32, #tpu.memory_space<vmem>>
    %dma_start3A_122 = tpu.memref_slice %arg3[%dma_start3A_112, %multiple_of3A_99] : memref<2x320000xi32, #tpu.memory_space<hbm>> -> memref<1x128xi32, #tpu.memory_space<hbm>>
    %dma_start3A_123 = tpu.memref_squeeze %dma_start3A_122 : memref<1x128xi32, #tpu.memory_space<hbm>> -> memref<128xi32, #tpu.memory_space<hbm>>
    tpu.enqueue_dma source(%dma_start3A_123 : memref<128xi32, #tpu.memory_space<hbm>>) target(%dma_start3A_121 : memref<128xi32, #tpu.memory_space<vmem>>) target_semaphore(%arg19 : memref<!tpu.dma_semaphore, #tpu.memory_space<semaphore_mem>>)
    %scan3A_124 = arith.constant 0 : i32
    %scan3A_125 = arith.constant 19 : i32
    %scan3A_126 = arith.addi %scan3A_124, %scan3A_125 : i32
    %scan3A_127 = arith.constant 1 : i32
    scf.for %scan3A_285 = %scan3A_124 to %scan3A_126 step %scan3A_127  : i32 {
      %mul3A_286 = arith.constant 4 : i32
      %mul3A_287 = arith.muli %mul3A_286, %scan3A_285 : i32
      %dma_wait3A_288 = arith.constant 0 : i32
      %dma_wait3A_289 = arith.constant 0 : i32
      %dma_wait3A_290 = arith.constant 0 : i32
      %dma_wait3A_291 = tpu.memref_slice %arg5[%dma_wait3A_289, %dma_wait3A_290] : memref<4x128xi32, #tpu.memory_space<vmem>> -> memref<1x128xi32, #tpu.memory_space<vmem>>
      %dma_wait3A_292 = tpu.memref_squeeze %dma_wait3A_291 : memref<1x128xi32, #tpu.memory_space<vmem>> -> memref<128xi32, #tpu.memory_space<vmem>>
      %dma_wait3A_293 = arith.constant 0 : i32
      %dma_wait3A_294 = tpu.memref_slice %arg3[%dma_wait3A_288, %dma_wait3A_293] : memref<2x320000xi32, #tpu.memory_space<hbm>> -> memref<1x128xi32, #tpu.memory_space<hbm>>
      %dma_wait3A_295 = tpu.memref_squeeze %dma_wait3A_294 : memref<1x128xi32, #tpu.memory_space<hbm>> -> memref<128xi32, #tpu.memory_space<hbm>>
      %dma_wait3A_296 = arith.constant 0 : i32
      %dma_wait3A_297 = tpu.memref_slice %arg5[%dma_wait3A_289, %dma_wait3A_296] : memref<4x128xi32, #tpu.memory_space<vmem>> -> memref<1x128xi32, #tpu.memory_space<vmem>>
      %dma_wait3A_298 = tpu.memref_squeeze %dma_wait3A_297 : memref<1x128xi32, #tpu.memory_space<vmem>> -> memref<128xi32, #tpu.memory_space<vmem>>
      %dma_wait3A_299 = arith.constant 0 : i32
      %dma_wait3A_300 = tpu.memref_slice %arg3[%dma_wait3A_288, %dma_wait3A_299] : memref<2x320000xi32, #tpu.memory_space<hbm>> -> memref<1x128xi32, #tpu.memory_space<hbm>>
      %dma_wait3A_301 = tpu.memref_squeeze %dma_wait3A_300 : memref<1x128xi32, #tpu.memory_space<hbm>> -> memref<128xi32, #tpu.memory_space<hbm>>
      tpu.wait_dma2 semaphore(%arg16 : memref<!tpu.dma_semaphore, #tpu.memory_space<semaphore_mem>>) src(%dma_wait3A_301 : memref<128xi32, #tpu.memory_space<hbm>>) dst(%dma_wait3A_298 : memref<128xi32, #tpu.memory_space<vmem>>)
      %dma_wait3A_302 = arith.constant 1 : i32
      %dma_wait3A_303 = arith.constant 0 : i32
      %dma_wait3A_304 = arith.constant 0 : i32
      %dma_wait3A_305 = tpu.memref_slice %arg6[%dma_wait3A_303, %dma_wait3A_304] : memref<4x128xi32, #tpu.memory_space<vmem>> -> memref<1x128xi32, #tpu.memory_space<vmem>>
      %dma_wait3A_306 = tpu.memref_squeeze %dma_wait3A_305 : memref<1x128xi32, #tpu.memory_space<vmem>> -> memref<128xi32, #tpu.memory_space<vmem>>
      %dma_wait3A_307 = arith.constant 0 : i32
      %dma_wait3A_308 = tpu.memref_slice %arg3[%dma_wait3A_302, %dma_wait3A_307] : memref<2x320000xi32, #tpu.memory_space<hbm>> -> memref<1x128xi32, #tpu.memory_space<hbm>>
      %dma_wait3A_309 = tpu.memref_squeeze %dma_wait3A_308 : memref<1x128xi32, #tpu.memory_space<hbm>> -> memref<128xi32, #tpu.memory_space<hbm>>
      %dma_wait3A_310 = arith.constant 0 : i32
      %dma_wait3A_311 = tpu.memref_slice %arg6[%dma_wait3A_303, %dma_wait3A_310] : memref<4x128xi32, #tpu.memory_space<vmem>> -> memref<1x128xi32, #tpu.memory_space<vmem>>
      %dma_wait3A_312 = tpu.memref_squeeze %dma_wait3A_311 : memref<1x128xi32, #tpu.memory_space<vmem>> -> memref<128xi32, #tpu.memory_space<vmem>>
      %dma_wait3A_313 = arith.constant 0 : i32
      %dma_wait3A_314 = tpu.memref_slice %arg3[%dma_wait3A_302, %dma_wait3A_313] : memref<2x320000xi32, #tpu.memory_space<hbm>> -> memref<1x128xi32, #tpu.memory_space<hbm>>
      %dma_wait3A_315 = tpu.memref_squeeze %dma_wait3A_314 : memref<1x128xi32, #tpu.memory_space<hbm>> -> memref<128xi32, #tpu.memory_space<hbm>>
      tpu.wait_dma2 semaphore(%arg16 : memref<!tpu.dma_semaphore, #tpu.memory_space<semaphore_mem>>) src(%dma_wait3A_315 : memref<128xi32, #tpu.memory_space<hbm>>) dst(%dma_wait3A_312 : memref<128xi32, #tpu.memory_space<vmem>>)
      %dma_start3A_316 = arith.constant 0 : i32
      %dma_start3A_317 = arith.constant 0 : i32
      %dma_start3A_318 = tpu.memref_slice %arg5[%dma_start3A_316, %dma_start3A_317] : memref<4x128xi32, #tpu.memory_space<vmem>> -> memref<1x128xi32, #tpu.memory_space<vmem>>
      %dma_start3A_319 = tpu.memref_squeeze %dma_start3A_318 : memref<1x128xi32, #tpu.memory_space<vmem>> -> memref<128xi32, #tpu.memory_space<vmem>>
      %dma_start3A_320 = arith.constant 0 : i32
      %dma_start3A_321 = arith.constant 0 : i32
      %dma_start3A_322 = tpu.memref_slice %arg2[%dma_start3A_320, %dma_start3A_321] : memref<10000x32xf32, #tpu.memory_space<hbm>> -> memref<10000x32xf32, #tpu.memory_space<hbm>>
      tpu.enqueue_indirect_dma source(%dma_start3A_322 : memref<10000x32xf32, #tpu.memory_space<hbm>>) target(%arg7 : memref<128x32xf32, #tpu.memory_space<vmem>>) offsets(%dma_start3A_319 : memref<128xi32, #tpu.memory_space<vmem>>) semaphore(%arg20 : memref<!tpu.dma_semaphore, #tpu.memory_space<semaphore_mem>>)
      %dma_wait3A_323 = arith.constant 0 : i32
      %dma_wait3A_324 = arith.constant 1 : i32
      %dma_wait3A_325 = arith.constant 0 : i32
      %dma_wait3A_326 = tpu.memref_slice %arg5[%dma_wait3A_324, %dma_wait3A_325] : memref<4x128xi32, #tpu.memory_space<vmem>> -> memref<1x128xi32, #tpu.memory_space<vmem>>
      %dma_wait3A_327 = tpu.memref_squeeze %dma_wait3A_326 : memref<1x128xi32, #tpu.memory_space<vmem>> -> memref<128xi32, #tpu.memory_space<vmem>>
      %dma_wait3A_328 = arith.constant 0 : i32
      %dma_wait3A_329 = tpu.memref_slice %arg3[%dma_wait3A_323, %dma_wait3A_328] : memref<2x320000xi32, #tpu.memory_space<hbm>> -> memref<1x128xi32, #tpu.memory_space<hbm>>
      %dma_wait3A_330 = tpu.memref_squeeze %dma_wait3A_329 : memref<1x128xi32, #tpu.memory_space<hbm>> -> memref<128xi32, #tpu.memory_space<hbm>>
      %dma_wait3A_331 = arith.constant 0 : i32
      %dma_wait3A_332 = tpu.memref_slice %arg5[%dma_wait3A_324, %dma_wait3A_331] : memref<4x128xi32, #tpu.memory_space<vmem>> -> memref<1x128xi32, #tpu.memory_space<vmem>>
      %dma_wait3A_333 = tpu.memref_squeeze %dma_wait3A_332 : memref<1x128xi32, #tpu.memory_space<vmem>> -> memref<128xi32, #tpu.memory_space<vmem>>
      %dma_wait3A_334 = arith.constant 0 : i32
      %dma_wait3A_335 = tpu.memref_slice %arg3[%dma_wait3A_323, %dma_wait3A_334] : memref<2x320000xi32, #tpu.memory_space<hbm>> -> memref<1x128xi32, #tpu.memory_space<hbm>>
      %dma_wait3A_336 = tpu.memref_squeeze %dma_wait3A_335 : memref<1x128xi32, #tpu.memory_space<hbm>> -> memref<128xi32, #tpu.memory_space<hbm>>
      tpu.wait_dma2 semaphore(%arg17 : memref<!tpu.dma_semaphore, #tpu.memory_space<semaphore_mem>>) src(%dma_wait3A_336 : memref<128xi32, #tpu.memory_space<hbm>>) dst(%dma_wait3A_333 : memref<128xi32, #tpu.memory_space<vmem>>)
      %dma_wait3A_337 = arith.constant 1 : i32
      %dma_wait3A_338 = arith.constant 1 : i32
      %dma_wait3A_339 = arith.constant 0 : i32
      %dma_wait3A_340 = tpu.memref_slice %arg6[%dma_wait3A_338, %dma_wait3A_339] : memref<4x128xi32, #tpu.memory_space<vmem>> -> memref<1x128xi32, #tpu.memory_space<vmem>>
      %dma_wait3A_341 = tpu.memref_squeeze %dma_wait3A_340 : memref<1x128xi32, #tpu.memory_space<vmem>> -> memref<128xi32, #tpu.memory_space<vmem>>
      %dma_wait3A_342 = arith.constant 0 : i32
      %dma_wait3A_343 = tpu.memref_slice %arg3[%dma_wait3A_337, %dma_wait3A_342] : memref<2x320000xi32, #tpu.memory_space<hbm>> -> memref<1x128xi32, #tpu.memory_space<hbm>>
      %dma_wait3A_344 = tpu.memref_squeeze %dma_wait3A_343 : memref<1x128xi32, #tpu.memory_space<hbm>> -> memref<128xi32, #tpu.memory_space<hbm>>
      %dma_wait3A_345 = arith.constant 0 : i32
      %dma_wait3A_346 = tpu.memref_slice %arg6[%dma_wait3A_338, %dma_wait3A_345] : memref<4x128xi32, #tpu.memory_space<vmem>> -> memref<1x128xi32, #tpu.memory_space<vmem>>
      %dma_wait3A_347 = tpu.memref_squeeze %dma_wait3A_346 : memref<1x128xi32, #tpu.memory_space<vmem>> -> memref<128xi32, #tpu.memory_space<vmem>>
      %dma_wait3A_348 = arith.constant 0 : i32
      %dma_wait3A_349 = tpu.memref_slice %arg3[%dma_wait3A_337, %dma_wait3A_348] : memref<2x320000xi32, #tpu.memory_space<hbm>> -> memref<1x128xi32, #tpu.memory_space<hbm>>
      %dma_wait3A_350 = tpu.memref_squeeze %dma_wait3A_349 : memref<1x128xi32, #tpu.memory_space<hbm>> -> memref<128xi32, #tpu.memory_space<hbm>>
      tpu.wait_dma2 semaphore(%arg17 : memref<!tpu.dma_semaphore, #tpu.memory_space<semaphore_mem>>) src(%dma_wait3A_350 : memref<128xi32, #tpu.memory_space<hbm>>) dst(%dma_wait3A_347 : memref<128xi32, #tpu.memory_space<vmem>>)
      %dma_start3A_351 = arith.constant 1 : i32
      %dma_start3A_352 = arith.constant 0 : i32
      %dma_start3A_353 = tpu.memref_slice %arg5[%dma_start3A_351, %dma_start3A_352] : memref<4x128xi32, #tpu.memory_space<vmem>> -> memref<1x128xi32, #tpu.memory_space<vmem>>
      %dma_start3A_354 = tpu.memref_squeeze %dma_start3A_353 : memref<1x128xi32, #tpu.memory_space<vmem>> -> memref<128xi32, #tpu.memory_space<vmem>>
      %dma_start3A_355 = arith.constant 0 : i32
      %dma_start3A_356 = arith.constant 0 : i32
      %dma_start3A_357 = tpu.memref_slice %arg2[%dma_start3A_355, %dma_start3A_356] : memref<10000x32xf32, #tpu.memory_space<hbm>> -> memref<10000x32xf32, #tpu.memory_space<hbm>>
      tpu.enqueue_indirect_dma source(%dma_start3A_357 : memref<10000x32xf32, #tpu.memory_space<hbm>>) target(%arg8 : memref<128x32xf32, #tpu.memory_space<vmem>>) offsets(%dma_start3A_354 : memref<128xi32, #tpu.memory_space<vmem>>) semaphore(%arg21 : memref<!tpu.dma_semaphore, #tpu.memory_space<semaphore_mem>>)
      %dma_wait3A_358 = arith.constant 0 : i32
      %dma_wait3A_359 = arith.constant 2 : i32
      %dma_wait3A_360 = arith.constant 0 : i32
      %dma_wait3A_361 = tpu.memref_slice %arg5[%dma_wait3A_359, %dma_wait3A_360] : memref<4x128xi32, #tpu.memory_space<vmem>> -> memref<1x128xi32, #tpu.memory_space<vmem>>
      %dma_wait3A_362 = tpu.memref_squeeze %dma_wait3A_361 : memref<1x128xi32, #tpu.memory_space<vmem>> -> memref<128xi32, #tpu.memory_space<vmem>>
      %dma_wait3A_363 = arith.constant 0 : i32
      %dma_wait3A_364 = tpu.memref_slice %arg3[%dma_wait3A_358, %dma_wait3A_363] : memref<2x320000xi32, #tpu.memory_space<hbm>> -> memref<1x128xi32, #tpu.memory_space<hbm>>
      %dma_wait3A_365 = tpu.memref_squeeze %dma_wait3A_364 : memref<1x128xi32, #tpu.memory_space<hbm>> -> memref<128xi32, #tpu.memory_space<hbm>>
      %dma_wait3A_366 = arith.constant 0 : i32
      %dma_wait3A_367 = tpu.memref_slice %arg5[%dma_wait3A_359, %dma_wait3A_366] : memref<4x128xi32, #tpu.memory_space<vmem>> -> memref<1x128xi32, #tpu.memory_space<vmem>>
      %dma_wait3A_368 = tpu.memref_squeeze %dma_wait3A_367 : memref<1x128xi32, #tpu.memory_space<vmem>> -> memref<128xi32, #tpu.memory_space<vmem>>
      %dma_wait3A_369 = arith.constant 0 : i32
      %dma_wait3A_370 = tpu.memref_slice %arg3[%dma_wait3A_358, %dma_wait3A_369] : memref<2x320000xi32, #tpu.memory_space<hbm>> -> memref<1x128xi32, #tpu.memory_space<hbm>>
      %dma_wait3A_371 = tpu.memref_squeeze %dma_wait3A_370 : memref<1x128xi32, #tpu.memory_space<hbm>> -> memref<128xi32, #tpu.memory_space<hbm>>
      tpu.wait_dma2 semaphore(%arg18 : memref<!tpu.dma_semaphore, #tpu.memory_space<semaphore_mem>>) src(%dma_wait3A_371 : memref<128xi32, #tpu.memory_space<hbm>>) dst(%dma_wait3A_368 : memref<128xi32, #tpu.memory_space<vmem>>)
      %dma_wait3A_372 = arith.constant 1 : i32
      %dma_wait3A_373 = arith.constant 2 : i32
      %dma_wait3A_374 = arith.constant 0 : i32
      %dma_wait3A_375 = tpu.memref_slice %arg6[%dma_wait3A_373, %dma_wait3A_374] : memref<4x128xi32, #tpu.memory_space<vmem>> -> memref<1x128xi32, #tpu.memory_space<vmem>>
      %dma_wait3A_376 = tpu.memref_squeeze %dma_wait3A_375 : memref<1x128xi32, #tpu.memory_space<vmem>> -> memref<128xi32, #tpu.memory_space<vmem>>
      %dma_wait3A_377 = arith.constant 0 : i32
      %dma_wait3A_378 = tpu.memref_slice %arg3[%dma_wait3A_372, %dma_wait3A_377] : memref<2x320000xi32, #tpu.memory_space<hbm>> -> memref<1x128xi32, #tpu.memory_space<hbm>>
      %dma_wait3A_379 = tpu.memref_squeeze %dma_wait3A_378 : memref<1x128xi32, #tpu.memory_space<hbm>> -> memref<128xi32, #tpu.memory_space<hbm>>
      %dma_wait3A_380 = arith.constant 0 : i32
      %dma_wait3A_381 = tpu.memref_slice %arg6[%dma_wait3A_373, %dma_wait3A_380] : memref<4x128xi32, #tpu.memory_space<vmem>> -> memref<1x128xi32, #tpu.memory_space<vmem>>
      %dma_wait3A_382 = tpu.memref_squeeze %dma_wait3A_381 : memref<1x128xi32, #tpu.memory_space<vmem>> -> memref<128xi32, #tpu.memory_space<vmem>>
      %dma_wait3A_383 = arith.constant 0 : i32
      %dma_wait3A_384 = tpu.memref_slice %arg3[%dma_wait3A_372, %dma_wait3A_383] : memref<2x320000xi32, #tpu.memory_space<hbm>> -> memref<1x128xi32, #tpu.memory_space<hbm>>
      %dma_wait3A_385 = tpu.memref_squeeze %dma_wait3A_384 : memref<1x128xi32, #tpu.memory_space<hbm>> -> memref<128xi32, #tpu.memory_space<hbm>>
      tpu.wait_dma2 semaphore(%arg18 : memref<!tpu.dma_semaphore, #tpu.memory_space<semaphore_mem>>) src(%dma_wait3A_385 : memref<128xi32, #tpu.memory_space<hbm>>) dst(%dma_wait3A_382 : memref<128xi32, #tpu.memory_space<vmem>>)
      %dma_start3A_386 = arith.constant 2 : i32
      %dma_start3A_387 = arith.constant 0 : i32
      %dma_start3A_388 = tpu.memref_slice %arg5[%dma_start3A_386, %dma_start3A_387] : memref<4x128xi32, #tpu.memory_space<vmem>> -> memref<1x128xi32, #tpu.memory_space<vmem>>
      %dma_start3A_389 = tpu.memref_squeeze %dma_start3A_388 : memref<1x128xi32, #tpu.memory_space<vmem>> -> memref<128xi32, #tpu.memory_space<vmem>>
      %dma_start3A_390 = arith.constant 0 : i32
      %dma_start3A_391 = arith.constant 0 : i32
      %dma_start3A_392 = tpu.memref_slice %arg2[%dma_start3A_390, %dma_start3A_391] : memref<10000x32xf32, #tpu.memory_space<hbm>> -> memref<10000x32xf32, #tpu.memory_space<hbm>>
      tpu.enqueue_indirect_dma source(%dma_start3A_392 : memref<10000x32xf32, #tpu.memory_space<hbm>>) target(%arg9 : memref<128x32xf32, #tpu.memory_space<vmem>>) offsets(%dma_start3A_389 : memref<128xi32, #tpu.memory_space<vmem>>) semaphore(%arg22 : memref<!tpu.dma_semaphore, #tpu.memory_space<semaphore_mem>>)
      %dma_wait3A_393 = arith.constant 0 : i32
      %dma_wait3A_394 = arith.constant 3 : i32
      %dma_wait3A_395 = arith.constant 0 : i32
      %dma_wait3A_396 = tpu.memref_slice %arg5[%dma_wait3A_394, %dma_wait3A_395] : memref<4x128xi32, #tpu.memory_space<vmem>> -> memref<1x128xi32, #tpu.memory_space<vmem>>
      %dma_wait3A_397 = tpu.memref_squeeze %dma_wait3A_396 : memref<1x128xi32, #tpu.memory_space<vmem>> -> memref<128xi32, #tpu.memory_space<vmem>>
      %dma_wait3A_398 = arith.constant 0 : i32
      %dma_wait3A_399 = tpu.memref_slice %arg3[%dma_wait3A_393, %dma_wait3A_398] : memref<2x320000xi32, #tpu.memory_space<hbm>> -> memref<1x128xi32, #tpu.memory_space<hbm>>
      %dma_wait3A_400 = tpu.memref_squeeze %dma_wait3A_399 : memref<1x128xi32, #tpu.memory_space<hbm>> -> memref<128xi32, #tpu.memory_space<hbm>>
      %dma_wait3A_401 = arith.constant 0 : i32
      %dma_wait3A_402 = tpu.memref_slice %arg5[%dma_wait3A_394, %dma_wait3A_401] : memref<4x128xi32, #tpu.memory_space<vmem>> -> memref<1x128xi32, #tpu.memory_space<vmem>>
      %dma_wait3A_403 = tpu.memref_squeeze %dma_wait3A_402 : memref<1x128xi32, #tpu.memory_space<vmem>> -> memref<128xi32, #tpu.memory_space<vmem>>
      %dma_wait3A_404 = arith.constant 0 : i32
      %dma_wait3A_405 = tpu.memref_slice %arg3[%dma_wait3A_393, %dma_wait3A_404] : memref<2x320000xi32, #tpu.memory_space<hbm>> -> memref<1x128xi32, #tpu.memory_space<hbm>>
      %dma_wait3A_406 = tpu.memref_squeeze %dma_wait3A_405 : memref<1x128xi32, #tpu.memory_space<hbm>> -> memref<128xi32, #tpu.memory_space<hbm>>
      tpu.wait_dma2 semaphore(%arg19 : memref<!tpu.dma_semaphore, #tpu.memory_space<semaphore_mem>>) src(%dma_wait3A_406 : memref<128xi32, #tpu.memory_space<hbm>>) dst(%dma_wait3A_403 : memref<128xi32, #tpu.memory_space<vmem>>)
      %dma_wait3A_407 = arith.constant 1 : i32
      %dma_wait3A_408 = arith.constant 3 : i32
      %dma_wait3A_409 = arith.constant 0 : i32
      %dma_wait3A_410 = tpu.memref_slice %arg6[%dma_wait3A_408, %dma_wait3A_409] : memref<4x128xi32, #tpu.memory_space<vmem>> -> memref<1x128xi32, #tpu.memory_space<vmem>>
      %dma_wait3A_411 = tpu.memref_squeeze %dma_wait3A_410 : memref<1x128xi32, #tpu.memory_space<vmem>> -> memref<128xi32, #tpu.memory_space<vmem>>
      %dma_wait3A_412 = arith.constant 0 : i32
      %dma_wait3A_413 = tpu.memref_slice %arg3[%dma_wait3A_407, %dma_wait3A_412] : memref<2x320000xi32, #tpu.memory_space<hbm>> -> memref<1x128xi32, #tpu.memory_space<hbm>>
      %dma_wait3A_414 = tpu.memref_squeeze %dma_wait3A_413 : memref<1x128xi32, #tpu.memory_space<hbm>> -> memref<128xi32, #tpu.memory_space<hbm>>
      %dma_wait3A_415 = arith.constant 0 : i32
      %dma_wait3A_416 = tpu.memref_slice %arg6[%dma_wait3A_408, %dma_wait3A_415] : memref<4x128xi32, #tpu.memory_space<vmem>> -> memref<1x128xi32, #tpu.memory_space<vmem>>
      %dma_wait3A_417 = tpu.memref_squeeze %dma_wait3A_416 : memref<1x128xi32, #tpu.memory_space<vmem>> -> memref<128xi32, #tpu.memory_space<vmem>>
      %dma_wait3A_418 = arith.constant 0 : i32
      %dma_wait3A_419 = tpu.memref_slice %arg3[%dma_wait3A_407, %dma_wait3A_418] : memref<2x320000xi32, #tpu.memory_space<hbm>> -> memref<1x128xi32, #tpu.memory_space<hbm>>
      %dma_wait3A_420 = tpu.memref_squeeze %dma_wait3A_419 : memref<1x128xi32, #tpu.memory_space<hbm>> -> memref<128xi32, #tpu.memory_space<hbm>>
      tpu.wait_dma2 semaphore(%arg19 : memref<!tpu.dma_semaphore, #tpu.memory_space<semaphore_mem>>) src(%dma_wait3A_420 : memref<128xi32, #tpu.memory_space<hbm>>) dst(%dma_wait3A_417 : memref<128xi32, #tpu.memory_space<vmem>>)
      %dma_start3A_421 = arith.constant 3 : i32
      %dma_start3A_422 = arith.constant 0 : i32
      %dma_start3A_423 = tpu.memref_slice %arg5[%dma_start3A_421, %dma_start3A_422] : memref<4x128xi32, #tpu.memory_space<vmem>> -> memref<1x128xi32, #tpu.memory_space<vmem>>
      %dma_start3A_424 = tpu.memref_squeeze %dma_start3A_423 : memref<1x128xi32, #tpu.memory_space<vmem>> -> memref<128xi32, #tpu.memory_space<vmem>>
      %dma_start3A_425 = arith.constant 0 : i32
      %dma_start3A_426 = arith.constant 0 : i32
      %dma_start3A_427 = tpu.memref_slice %arg2[%dma_start3A_425, %dma_start3A_426] : memref<10000x32xf32, #tpu.memory_space<hbm>> -> memref<10000x32xf32, #tpu.memory_space<hbm>>
      tpu.enqueue_indirect_dma source(%dma_start3A_427 : memref<10000x32xf32, #tpu.memory_space<hbm>>) target(%arg10 : memref<128x32xf32, #tpu.memory_space<vmem>>) offsets(%dma_start3A_424 : memref<128xi32, #tpu.memory_space<vmem>>) semaphore(%arg23 : memref<!tpu.dma_semaphore, #tpu.memory_space<semaphore_mem>>)
      %dma_wait3A_428 = arith.constant 0 : i32
      %dma_wait3A_429 = arith.constant 0 : i32
      %dma_wait3A_430 = tpu.memref_slice %arg5[%dma_wait3A_428, %dma_wait3A_429] : memref<4x128xi32, #tpu.memory_space<vmem>> -> memref<1x128xi32, #tpu.memory_space<vmem>>
      %dma_wait3A_431 = tpu.memref_squeeze %dma_wait3A_430 : memref<1x128xi32, #tpu.memory_space<vmem>> -> memref<128xi32, #tpu.memory_space<vmem>>
      %dma_wait3A_432 = arith.constant 0 : i32
      %dma_wait3A_433 = arith.constant 0 : i32
      %dma_wait3A_434 = tpu.memref_slice %arg2[%dma_wait3A_432, %dma_wait3A_433] : memref<10000x32xf32, #tpu.memory_space<hbm>> -> memref<10000x32xf32, #tpu.memory_space<hbm>>
      tpu.wait_indirect_dma semaphore(%arg20 : memref<!tpu.dma_semaphore, #tpu.memory_space<semaphore_mem>>) src(%dma_wait3A_434 : memref<10000x32xf32, #tpu.memory_space<hbm>>) dst(%arg7 : memref<128x32xf32, #tpu.memory_space<vmem>>)
      %run_scoped3A_435 = arith.constant 0 : i32
      "tpu.region"() ({
        %run_scoped3A_592 = tpu.sem_alloc : memref<!tpu.dma_semaphore, #tpu.memory_space<semaphore_mem>>
        %dma_start3A_593 = arith.constant 0 : i32
        %dma_start3A_594 = tpu.memref_slice %arg6[%run_scoped3A_435, %dma_start3A_593] : memref<4x128xi32, #tpu.memory_space<vmem>> -> memref<1x128xi32, #tpu.memory_space<vmem>>
        %dma_start3A_595 = tpu.memref_squeeze %dma_start3A_594 : memref<1x128xi32, #tpu.memory_space<vmem>> -> memref<128xi32, #tpu.memory_space<vmem>>
        %dma_start3A_596 = arith.constant 0 : i32
        %dma_start3A_597 = arith.constant 0 : i32
        %dma_start3A_598 = tpu.memref_slice %arg15[%dma_start3A_596, %dma_start3A_597] : memref<10240x32xf32, #tpu.memory_space<vmem_shared>> -> memref<10240x32xf32, #tpu.memory_space<vmem_shared>>
        tpu.enqueue_indirect_dma source(%arg7 : memref<128x32xf32, #tpu.memory_space<vmem>>) target(%dma_start3A_598 : memref<10240x32xf32, #tpu.memory_space<vmem_shared>>) offsets(%dma_start3A_595 : memref<128xi32, #tpu.memory_space<vmem>>) semaphore(%run_scoped3A_592 : memref<!tpu.dma_semaphore, #tpu.memory_space<semaphore_mem>>) {add = true}
        %dma_wait3A_599 = arith.constant 0 : i32
        %dma_wait3A_600 = tpu.memref_slice %arg6[%run_scoped3A_435, %dma_wait3A_599] : memref<4x128xi32, #tpu.memory_space<vmem>> -> memref<1x128xi32, #tpu.memory_space<vmem>>
        %dma_wait3A_601 = tpu.memref_squeeze %dma_wait3A_600 : memref<1x128xi32, #tpu.memory_space<vmem>> -> memref<128xi32, #tpu.memory_space<vmem>>
        %dma_wait3A_602 = arith.constant 0 : i32
        %dma_wait3A_603 = arith.constant 0 : i32
        %dma_wait3A_604 = tpu.memref_slice %arg15[%dma_wait3A_602, %dma_wait3A_603] : memref<10240x32xf32, #tpu.memory_space<vmem_shared>> -> memref<10240x32xf32, #tpu.memory_space<vmem_shared>>
        tpu.wait_indirect_dma semaphore(%run_scoped3A_592 : memref<!tpu.dma_semaphore, #tpu.memory_space<semaphore_mem>>) src(%arg7 : memref<128x32xf32, #tpu.memory_space<vmem>>) dst(%dma_wait3A_604 : memref<10240x32xf32, #tpu.memory_space<vmem_shared>>)
        tpu.yield
      }) : () -> ()
      %add3A_436 = arith.constant 4 : i32
      %add3A_437 = arith.addi %mul3A_287, %add3A_436 : i32
      %add3A_438 = arith.constant 0 : i32
      %add3A_439 = arith.addi %add3A_437, %add3A_438 : i32
      %mul3A_440 = arith.constant 128 : i32
      %mul3A_441 = arith.muli %add3A_439, %mul3A_440 : i32
      %add3A_442 = arith.addi %mul3A_12, %mul3A_441 : i32
      %min3A_443 = arith.minsi %add3A_442, %add3A_14 : i32
      %multiple_of3A_444 = tpu.assume_multiple %min3A_443, 8 : i32
      %dma_start3A_445 = arith.constant 0 : i32
      %dma_start3A_446 = arith.constant 0 : i32
      %dma_start3A_447 = arith.constant 0 : i32
      %dma_start3A_448 = tpu.memref_slice %arg5[%dma_start3A_446, %dma_start3A_447] : memref<4x128xi32, #tpu.memory_space<vmem>> -> memref<1x128xi32, #tpu.memory_space<vmem>>
      %dma_start3A_449 = tpu.memref_squeeze %dma_start3A_448 : memref<1x128xi32, #tpu.memory_space<vmem>> -> memref<128xi32, #tpu.memory_space<vmem>>
      %dma_start3A_450 = tpu.memref_slice %arg3[%dma_start3A_445, %multiple_of3A_444] : memref<2x320000xi32, #tpu.memory_space<hbm>> -> memref<1x128xi32, #tpu.memory_space<hbm>>
      %dma_start3A_451 = tpu.memref_squeeze %dma_start3A_450 : memref<1x128xi32, #tpu.memory_space<hbm>> -> memref<128xi32, #tpu.memory_space<hbm>>
      %dma_start3A_452 = arith.constant 0 : i32
      %dma_start3A_453 = tpu.memref_slice %arg5[%dma_start3A_446, %dma_start3A_452] : memref<4x128xi32, #tpu.memory_space<vmem>> -> memref<1x128xi32, #tpu.memory_space<vmem>>
      %dma_start3A_454 = tpu.memref_squeeze %dma_start3A_453 : memref<1x128xi32, #tpu.memory_space<vmem>> -> memref<128xi32, #tpu.memory_space<vmem>>
      %dma_start3A_455 = tpu.memref_slice %arg3[%dma_start3A_445, %multiple_of3A_444] : memref<2x320000xi32, #tpu.memory_space<hbm>> -> memref<1x128xi32, #tpu.memory_space<hbm>>
      %dma_start3A_456 = tpu.memref_squeeze %dma_start3A_455 : memref<1x128xi32, #tpu.memory_space<hbm>> -> memref<128xi32, #tpu.memory_space<hbm>>
      tpu.enqueue_dma source(%dma_start3A_456 : memref<128xi32, #tpu.memory_space<hbm>>) target(%dma_start3A_454 : memref<128xi32, #tpu.memory_space<vmem>>) target_semaphore(%arg16 : memref<!tpu.dma_semaphore, #tpu.memory_space<semaphore_mem>>)
      %dma_start3A_457 = arith.constant 1 : i32
      %dma_start3A_458 = arith.constant 0 : i32
      %dma_start3A_459 = arith.constant 0 : i32
      %dma_start3A_460 = tpu.memref_slice %arg6[%dma_start3A_458, %dma_start3A_459] : memref<4x128xi32, #tpu.memory_space<vmem>> -> memref<1x128xi32, #tpu.memory_space<vmem>>
      %dma_start3A_461 = tpu.memref_squeeze %dma_start3A_460 : memref<1x128xi32, #tpu.memory_space<vmem>> -> memref<128xi32, #tpu.memory_space<vmem>>
      %dma_start3A_462 = tpu.memref_slice %arg3[%dma_start3A_457, %multiple_of3A_444] : memref<2x320000xi32, #tpu.memory_space<hbm>> -> memref<1x128xi32, #tpu.memory_space<hbm>>
      %dma_start3A_463 = tpu.memref_squeeze %dma_start3A_462 : memref<1x128xi32, #tpu.memory_space<hbm>> -> memref<128xi32, #tpu.memory_space<hbm>>
      %dma_start3A_464 = arith.constant 0 : i32
      %dma_start3A_465 = tpu.memref_slice %arg6[%dma_start3A_458, %dma_start3A_464] : memref<4x128xi32, #tpu.memory_space<vmem>> -> memref<1x128xi32, #tpu.memory_space<vmem>>
      %dma_start3A_466 = tpu.memref_squeeze %dma_start3A_465 : memref<1x128xi32, #tpu.memory_space<vmem>> -> memref<128xi32, #tpu.memory_space<vmem>>
      %dma_start3A_467 = tpu.memref_slice %arg3[%dma_start3A_457, %multiple_of3A_444] : memref<2x320000xi32, #tpu.memory_space<hbm>> -> memref<1x128xi32, #tpu.memory_space<hbm>>
      %dma_start3A_468 = tpu.memref_squeeze %dma_start3A_467 : memref<1x128xi32, #tpu.memory_space<hbm>> -> memref<128xi32, #tpu.memory_space<hbm>>
      tpu.enqueue_dma source(%dma_start3A_468 : memref<128xi32, #tpu.memory_space<hbm>>) target(%dma_start3A_466 : memref<128xi32, #tpu.memory_space<vmem>>) target_semaphore(%arg16 : memref<!tpu.dma_semaphore, #tpu.memory_space<semaphore_mem>>)
      %dma_wait3A_469 = arith.constant 0 : i32
      %dma_wait3A_470 = arith.constant 0 : i32
      %dma_wait3A_471 = tpu.memref_slice %arg5[%dma_wait3A_469, %dma_wait3A_470] : memref<4x128xi32, #tpu.memory_space<vmem>> -> memref<1x128xi32, #tpu.memory_space<vmem>>
      %dma_wait3A_472 = tpu.memref_squeeze %dma_wait3A_471 : memref<1x128xi32, #tpu.memory_space<vmem>> -> memref<128xi32, #tpu.memory_space<vmem>>
      %dma_wait3A_473 = arith.constant 0 : i32
      %dma_wait3A_474 = arith.constant 0 : i32
      %dma_wait3A_475 = tpu.memref_slice %arg2[%dma_wait3A_473, %dma_wait3A_474] : memref<10000x32xf32, #tpu.memory_space<hbm>> -> memref<10000x32xf32, #tpu.memory_space<hbm>>
      tpu.wait_indirect_dma semaphore(%arg21 : memref<!tpu.dma_semaphore, #tpu.memory_space<semaphore_mem>>) src(%dma_wait3A_475 : memref<10000x32xf32, #tpu.memory_space<hbm>>) dst(%arg8 : memref<128x32xf32, #tpu.memory_space<vmem>>)
      %run_scoped3A_476 = arith.constant 1 : i32
      "tpu.region"() ({
        %run_scoped3A_592 = tpu.sem_alloc : memref<!tpu.dma_semaphore, #tpu.memory_space<semaphore_mem>>
        %dma_start3A_593 = arith.constant 0 : i32
        %dma_start3A_594 = tpu.memref_slice %arg6[%run_scoped3A_476, %dma_start3A_593] : memref<4x128xi32, #tpu.memory_space<vmem>> -> memref<1x128xi32, #tpu.memory_space<vmem>>
        %dma_start3A_595 = tpu.memref_squeeze %dma_start3A_594 : memref<1x128xi32, #tpu.memory_space<vmem>> -> memref<128xi32, #tpu.memory_space<vmem>>
        %dma_start3A_596 = arith.constant 0 : i32
        %dma_start3A_597 = arith.constant 0 : i32
        %dma_start3A_598 = tpu.memref_slice %arg15[%dma_start3A_596, %dma_start3A_597] : memref<10240x32xf32, #tpu.memory_space<vmem_shared>> -> memref<10240x32xf32, #tpu.memory_space<vmem_shared>>
        tpu.enqueue_indirect_dma source(%arg8 : memref<128x32xf32, #tpu.memory_space<vmem>>) target(%dma_start3A_598 : memref<10240x32xf32, #tpu.memory_space<vmem_shared>>) offsets(%dma_start3A_595 : memref<128xi32, #tpu.memory_space<vmem>>) semaphore(%run_scoped3A_592 : memref<!tpu.dma_semaphore, #tpu.memory_space<semaphore_mem>>) {add = true}
        %dma_wait3A_599 = arith.constant 0 : i32
        %dma_wait3A_600 = tpu.memref_slice %arg6[%run_scoped3A_476, %dma_wait3A_599] : memref<4x128xi32, #tpu.memory_space<vmem>> -> memref<1x128xi32, #tpu.memory_space<vmem>>
        %dma_wait3A_601 = tpu.memref_squeeze %dma_wait3A_600 : memref<1x128xi32, #tpu.memory_space<vmem>> -> memref<128xi32, #tpu.memory_space<vmem>>
        %dma_wait3A_602 = arith.constant 0 : i32
        %dma_wait3A_603 = arith.constant 0 : i32
        %dma_wait3A_604 = tpu.memref_slice %arg15[%dma_wait3A_602, %dma_wait3A_603] : memref<10240x32xf32, #tpu.memory_space<vmem_shared>> -> memref<10240x32xf32, #tpu.memory_space<vmem_shared>>
        tpu.wait_indirect_dma semaphore(%run_scoped3A_592 : memref<!tpu.dma_semaphore, #tpu.memory_space<semaphore_mem>>) src(%arg8 : memref<128x32xf32, #tpu.memory_space<vmem>>) dst(%dma_wait3A_604 : memref<10240x32xf32, #tpu.memory_space<vmem_shared>>)
        tpu.yield
      }) : () -> ()
      %add3A_477 = arith.constant 4 : i32
      %add3A_478 = arith.addi %mul3A_287, %add3A_477 : i32
      %add3A_479 = arith.constant 1 : i32
      %add3A_480 = arith.addi %add3A_478, %add3A_479 : i32
      %mul3A_481 = arith.constant 128 : i32
      %mul3A_482 = arith.muli %add3A_480, %mul3A_481 : i32
      %add3A_483 = arith.addi %mul3A_12, %mul3A_482 : i32
      %min3A_484 = arith.minsi %add3A_483, %add3A_14 : i32
      %multiple_of3A_485 = tpu.assume_multiple %min3A_484, 8 : i32
      %dma_start3A_486 = arith.constant 0 : i32
      %dma_start3A_487 = arith.constant 1 : i32
      %dma_start3A_488 = arith.constant 0 : i32
      %dma_start3A_489 = tpu.memref_slice %arg5[%dma_start3A_487, %dma_start3A_488] : memref<4x128xi32, #tpu.memory_space<vmem>> -> memref<1x128xi32, #tpu.memory_space<vmem>>
      %dma_start3A_490 = tpu.memref_squeeze %dma_start3A_489 : memref<1x128xi32, #tpu.memory_space<vmem>> -> memref<128xi32, #tpu.memory_space<vmem>>
      %dma_start3A_491 = tpu.memref_slice %arg3[%dma_start3A_486, %multiple_of3A_485] : memref<2x320000xi32, #tpu.memory_space<hbm>> -> memref<1x128xi32, #tpu.memory_space<hbm>>
      %dma_start3A_492 = tpu.memref_squeeze %dma_start3A_491 : memref<1x128xi32, #tpu.memory_space<hbm>> -> memref<128xi32, #tpu.memory_space<hbm>>
      %dma_start3A_493 = arith.constant 0 : i32
      %dma_start3A_494 = tpu.memref_slice %arg5[%dma_start3A_487, %dma_start3A_493] : memref<4x128xi32, #tpu.memory_space<vmem>> -> memref<1x128xi32, #tpu.memory_space<vmem>>
      %dma_start3A_495 = tpu.memref_squeeze %dma_start3A_494 : memref<1x128xi32, #tpu.memory_space<vmem>> -> memref<128xi32, #tpu.memory_space<vmem>>
      %dma_start3A_496 = tpu.memref_slice %arg3[%dma_start3A_486, %multiple_of3A_485] : memref<2x320000xi32, #tpu.memory_space<hbm>> -> memref<1x128xi32, #tpu.memory_space<hbm>>
      %dma_start3A_497 = tpu.memref_squeeze %dma_start3A_496 : memref<1x128xi32, #tpu.memory_space<hbm>> -> memref<128xi32, #tpu.memory_space<hbm>>
      tpu.enqueue_dma source(%dma_start3A_497 : memref<128xi32, #tpu.memory_space<hbm>>) target(%dma_start3A_495 : memref<128xi32, #tpu.memory_space<vmem>>) target_semaphore(%arg17 : memref<!tpu.dma_semaphore, #tpu.memory_space<semaphore_mem>>)
      %dma_start3A_498 = arith.constant 1 : i32
      %dma_start3A_499 = arith.constant 1 : i32
      %dma_start3A_500 = arith.constant 0 : i32
      %dma_start3A_501 = tpu.memref_slice %arg6[%dma_start3A_499, %dma_start3A_500] : memref<4x128xi32, #tpu.memory_space<vmem>> -> memref<1x128xi32, #tpu.memory_space<vmem>>
      %dma_start3A_502 = tpu.memref_squeeze %dma_start3A_501 : memref<1x128xi32, #tpu.memory_space<vmem>> -> memref<128xi32, #tpu.memory_space<vmem>>
      %dma_start3A_503 = tpu.memref_slice %arg3[%dma_start3A_498, %multiple_of3A_485] : memref<2x320000xi32, #tpu.memory_space<hbm>> -> memref<1x128xi32, #tpu.memory_space<hbm>>
      %dma_start3A_504 = tpu.memref_squeeze %dma_start3A_503 : memref<1x128xi32, #tpu.memory_space<hbm>> -> memref<128xi32, #tpu.memory_space<hbm>>
      %dma_start3A_505 = arith.constant 0 : i32
      %dma_start3A_506 = tpu.memref_slice %arg6[%dma_start3A_499, %dma_start3A_505] : memref<4x128xi32, #tpu.memory_space<vmem>> -> memref<1x128xi32, #tpu.memory_space<vmem>>
      %dma_start3A_507 = tpu.memref_squeeze %dma_start3A_506 : memref<1x128xi32, #tpu.memory_space<vmem>> -> memref<128xi32, #tpu.memory_space<vmem>>
      %dma_start3A_508 = tpu.memref_slice %arg3[%dma_start3A_498, %multiple_of3A_485] : memref<2x320000xi32, #tpu.memory_space<hbm>> -> memref<1x128xi32, #tpu.memory_space<hbm>>
      %dma_start3A_509 = tpu.memref_squeeze %dma_start3A_508 : memref<1x128xi32, #tpu.memory_space<hbm>> -> memref<128xi32, #tpu.memory_space<hbm>>
      tpu.enqueue_dma source(%dma_start3A_509 : memref<128xi32, #tpu.memory_space<hbm>>) target(%dma_start3A_507 : memref<128xi32, #tpu.memory_space<vmem>>) target_semaphore(%arg17 : memref<!tpu.dma_semaphore, #tpu.memory_space<semaphore_mem>>)
      %dma_wait3A_510 = arith.constant 0 : i32
      %dma_wait3A_511 = arith.constant 0 : i32
      %dma_wait3A_512 = tpu.memref_slice %arg5[%dma_wait3A_510, %dma_wait3A_511] : memref<4x128xi32, #tpu.memory_space<vmem>> -> memref<1x128xi32, #tpu.memory_space<vmem>>
      %dma_wait3A_513 = tpu.memref_squeeze %dma_wait3A_512 : memref<1x128xi32, #tpu.memory_space<vmem>> -> memref<128xi32, #tpu.memory_space<vmem>>
      %dma_wait3A_514 = arith.constant 0 : i32
      %dma_wait3A_515 = arith.constant 0 : i32
      %dma_wait3A_516 = tpu.memref_slice %arg2[%dma_wait3A_514, %dma_wait3A_515] : memref<10000x32xf32, #tpu.memory_space<hbm>> -> memref<10000x32xf32, #tpu.memory_space<hbm>>
      tpu.wait_indirect_dma semaphore(%arg22 : memref<!tpu.dma_semaphore, #tpu.memory_space<semaphore_mem>>) src(%dma_wait3A_516 : memref<10000x32xf32, #tpu.memory_space<hbm>>) dst(%arg9 : memref<128x32xf32, #tpu.memory_space<vmem>>)
      %run_scoped3A_517 = arith.constant 2 : i32
      "tpu.region"() ({
        %run_scoped3A_592 = tpu.sem_alloc : memref<!tpu.dma_semaphore, #tpu.memory_space<semaphore_mem>>
        %dma_start3A_593 = arith.constant 0 : i32
        %dma_start3A_594 = tpu.memref_slice %arg6[%run_scoped3A_517, %dma_start3A_593] : memref<4x128xi32, #tpu.memory_space<vmem>> -> memref<1x128xi32, #tpu.memory_space<vmem>>
        %dma_start3A_595 = tpu.memref_squeeze %dma_start3A_594 : memref<1x128xi32, #tpu.memory_space<vmem>> -> memref<128xi32, #tpu.memory_space<vmem>>
        %dma_start3A_596 = arith.constant 0 : i32
        %dma_start3A_597 = arith.constant 0 : i32
        %dma_start3A_598 = tpu.memref_slice %arg15[%dma_start3A_596, %dma_start3A_597] : memref<10240x32xf32, #tpu.memory_space<vmem_shared>> -> memref<10240x32xf32, #tpu.memory_space<vmem_shared>>
        tpu.enqueue_indirect_dma source(%arg9 : memref<128x32xf32, #tpu.memory_space<vmem>>) target(%dma_start3A_598 : memref<10240x32xf32, #tpu.memory_space<vmem_shared>>) offsets(%dma_start3A_595 : memref<128xi32, #tpu.memory_space<vmem>>) semaphore(%run_scoped3A_592 : memref<!tpu.dma_semaphore, #tpu.memory_space<semaphore_mem>>) {add = true}
        %dma_wait3A_599 = arith.constant 0 : i32
        %dma_wait3A_600 = tpu.memref_slice %arg6[%run_scoped3A_517, %dma_wait3A_599] : memref<4x128xi32, #tpu.memory_space<vmem>> -> memref<1x128xi32, #tpu.memory_space<vmem>>
        %dma_wait3A_601 = tpu.memref_squeeze %dma_wait3A_600 : memref<1x128xi32, #tpu.memory_space<vmem>> -> memref<128xi32, #tpu.memory_space<vmem>>
        %dma_wait3A_602 = arith.constant 0 : i32
        %dma_wait3A_603 = arith.constant 0 : i32
        %dma_wait3A_604 = tpu.memref_slice %arg15[%dma_wait3A_602, %dma_wait3A_603] : memref<10240x32xf32, #tpu.memory_space<vmem_shared>> -> memref<10240x32xf32, #tpu.memory_space<vmem_shared>>
        tpu.wait_indirect_dma semaphore(%run_scoped3A_592 : memref<!tpu.dma_semaphore, #tpu.memory_space<semaphore_mem>>) src(%arg9 : memref<128x32xf32, #tpu.memory_space<vmem>>) dst(%dma_wait3A_604 : memref<10240x32xf32, #tpu.memory_space<vmem_shared>>)
        tpu.yield
      }) : () -> ()
      %add3A_518 = arith.constant 4 : i32
      %add3A_519 = arith.addi %mul3A_287, %add3A_518 : i32
      %add3A_520 = arith.constant 2 : i32
      %add3A_521 = arith.addi %add3A_519, %add3A_520 : i32
      %mul3A_522 = arith.constant 128 : i32
      %mul3A_523 = arith.muli %add3A_521, %mul3A_522 : i32
      %add3A_524 = arith.addi %mul3A_12, %mul3A_523 : i32
      %min3A_525 = arith.minsi %add3A_524, %add3A_14 : i32
      %multiple_of3A_526 = tpu.assume_multiple %min3A_525, 8 : i32
      %dma_start3A_527 = arith.constant 0 : i32
      %dma_start3A_528 = arith.constant 2 : i32
      %dma_start3A_529 = arith.constant 0 : i32
      %dma_start3A_530 = tpu.memref_slice %arg5[%dma_start3A_528, %dma_start3A_529] : memref<4x128xi32, #tpu.memory_space<vmem>> -> memref<1x128xi32, #tpu.memory_space<vmem>>
      %dma_start3A_531 = tpu.memref_squeeze %dma_start3A_530 : memref<1x128xi32, #tpu.memory_space<vmem>> -> memref<128xi32, #tpu.memory_space<vmem>>
      %dma_start3A_532 = tpu.memref_slice %arg3[%dma_start3A_527, %multiple_of3A_526] : memref<2x320000xi32, #tpu.memory_space<hbm>> -> memref<1x128xi32, #tpu.memory_space<hbm>>
      %dma_start3A_533 = tpu.memref_squeeze %dma_start3A_532 : memref<1x128xi32, #tpu.memory_space<hbm>> -> memref<128xi32, #tpu.memory_space<hbm>>
      %dma_start3A_534 = arith.constant 0 : i32
      %dma_start3A_535 = tpu.memref_slice %arg5[%dma_start3A_528, %dma_start3A_534] : memref<4x128xi32, #tpu.memory_space<vmem>> -> memref<1x128xi32, #tpu.memory_space<vmem>>
      %dma_start3A_536 = tpu.memref_squeeze %dma_start3A_535 : memref<1x128xi32, #tpu.memory_space<vmem>> -> memref<128xi32, #tpu.memory_space<vmem>>
      %dma_start3A_537 = tpu.memref_slice %arg3[%dma_start3A_527, %multiple_of3A_526] : memref<2x320000xi32, #tpu.memory_space<hbm>> -> memref<1x128xi32, #tpu.memory_space<hbm>>
      %dma_start3A_538 = tpu.memref_squeeze %dma_start3A_537 : memref<1x128xi32, #tpu.memory_space<hbm>> -> memref<128xi32, #tpu.memory_space<hbm>>
      tpu.enqueue_dma source(%dma_start3A_538 : memref<128xi32, #tpu.memory_space<hbm>>) target(%dma_start3A_536 : memref<128xi32, #tpu.memory_space<vmem>>) target_semaphore(%arg18 : memref<!tpu.dma_semaphore, #tpu.memory_space<semaphore_mem>>)
      %dma_start3A_539 = arith.constant 1 : i32
      %dma_start3A_540 = arith.constant 2 : i32
      %dma_start3A_541 = arith.constant 0 : i32
      %dma_start3A_542 = tpu.memref_slice %arg6[%dma_start3A_540, %dma_start3A_541] : memref<4x128xi32, #tpu.memory_space<vmem>> -> memref<1x128xi32, #tpu.memory_space<vmem>>
      %dma_start3A_543 = tpu.memref_squeeze %dma_start3A_542 : memref<1x128xi32, #tpu.memory_space<vmem>> -> memref<128xi32, #tpu.memory_space<vmem>>
      %dma_start3A_544 = tpu.memref_slice %arg3[%dma_start3A_539, %multiple_of3A_526] : memref<2x320000xi32, #tpu.memory_space<hbm>> -> memref<1x128xi32, #tpu.memory_space<hbm>>
      %dma_start3A_545 = tpu.memref_squeeze %dma_start3A_544 : memref<1x128xi32, #tpu.memory_space<hbm>> -> memref<128xi32, #tpu.memory_space<hbm>>
      %dma_start3A_546 = arith.constant 0 : i32
      %dma_start3A_547 = tpu.memref_slice %arg6[%dma_start3A_540, %dma_start3A_546] : memref<4x128xi32, #tpu.memory_space<vmem>> -> memref<1x128xi32, #tpu.memory_space<vmem>>
      %dma_start3A_548 = tpu.memref_squeeze %dma_start3A_547 : memref<1x128xi32, #tpu.memory_space<vmem>> -> memref<128xi32, #tpu.memory_space<vmem>>
      %dma_start3A_549 = tpu.memref_slice %arg3[%dma_start3A_539, %multiple_of3A_526] : memref<2x320000xi32, #tpu.memory_space<hbm>> -> memref<1x128xi32, #tpu.memory_space<hbm>>
      %dma_start3A_550 = tpu.memref_squeeze %dma_start3A_549 : memref<1x128xi32, #tpu.memory_space<hbm>> -> memref<128xi32, #tpu.memory_space<hbm>>
      tpu.enqueue_dma source(%dma_start3A_550 : memref<128xi32, #tpu.memory_space<hbm>>) target(%dma_start3A_548 : memref<128xi32, #tpu.memory_space<vmem>>) target_semaphore(%arg18 : memref<!tpu.dma_semaphore, #tpu.memory_space<semaphore_mem>>)
      %dma_wait3A_551 = arith.constant 0 : i32
      %dma_wait3A_552 = arith.constant 0 : i32
      %dma_wait3A_553 = tpu.memref_slice %arg5[%dma_wait3A_551, %dma_wait3A_552] : memref<4x128xi32, #tpu.memory_space<vmem>> -> memref<1x128xi32, #tpu.memory_space<vmem>>
      %dma_wait3A_554 = tpu.memref_squeeze %dma_wait3A_553 : memref<1x128xi32, #tpu.memory_space<vmem>> -> memref<128xi32, #tpu.memory_space<vmem>>
      %dma_wait3A_555 = arith.constant 0 : i32
      %dma_wait3A_556 = arith.constant 0 : i32
      %dma_wait3A_557 = tpu.memref_slice %arg2[%dma_wait3A_555, %dma_wait3A_556] : memref<10000x32xf32, #tpu.memory_space<hbm>> -> memref<10000x32xf32, #tpu.memory_space<hbm>>
      tpu.wait_indirect_dma semaphore(%arg23 : memref<!tpu.dma_semaphore, #tpu.memory_space<semaphore_mem>>) src(%dma_wait3A_557 : memref<10000x32xf32, #tpu.memory_space<hbm>>) dst(%arg10 : memref<128x32xf32, #tpu.memory_space<vmem>>)
      %run_scoped3A_558 = arith.constant 3 : i32
      "tpu.region"() ({
        %run_scoped3A_592 = tpu.sem_alloc : memref<!tpu.dma_semaphore, #tpu.memory_space<semaphore_mem>>
        %dma_start3A_593 = arith.constant 0 : i32
        %dma_start3A_594 = tpu.memref_slice %arg6[%run_scoped3A_558, %dma_start3A_593] : memref<4x128xi32, #tpu.memory_space<vmem>> -> memref<1x128xi32, #tpu.memory_space<vmem>>
        %dma_start3A_595 = tpu.memref_squeeze %dma_start3A_594 : memref<1x128xi32, #tpu.memory_space<vmem>> -> memref<128xi32, #tpu.memory_space<vmem>>
        %dma_start3A_596 = arith.constant 0 : i32
        %dma_start3A_597 = arith.constant 0 : i32
        %dma_start3A_598 = tpu.memref_slice %arg15[%dma_start3A_596, %dma_start3A_597] : memref<10240x32xf32, #tpu.memory_space<vmem_shared>> -> memref<10240x32xf32, #tpu.memory_space<vmem_shared>>
        tpu.enqueue_indirect_dma source(%arg10 : memref<128x32xf32, #tpu.memory_space<vmem>>) target(%dma_start3A_598 : memref<10240x32xf32, #tpu.memory_space<vmem_shared>>) offsets(%dma_start3A_595 : memref<128xi32, #tpu.memory_space<vmem>>) semaphore(%run_scoped3A_592 : memref<!tpu.dma_semaphore, #tpu.memory_space<semaphore_mem>>) {add = true}
        %dma_wait3A_599 = arith.constant 0 : i32
        %dma_wait3A_600 = tpu.memref_slice %arg6[%run_scoped3A_558, %dma_wait3A_599] : memref<4x128xi32, #tpu.memory_space<vmem>> -> memref<1x128xi32, #tpu.memory_space<vmem>>
        %dma_wait3A_601 = tpu.memref_squeeze %dma_wait3A_600 : memref<1x128xi32, #tpu.memory_space<vmem>> -> memref<128xi32, #tpu.memory_space<vmem>>
        %dma_wait3A_602 = arith.constant 0 : i32
        %dma_wait3A_603 = arith.constant 0 : i32
        %dma_wait3A_604 = tpu.memref_slice %arg15[%dma_wait3A_602, %dma_wait3A_603] : memref<10240x32xf32, #tpu.memory_space<vmem_shared>> -> memref<10240x32xf32, #tpu.memory_space<vmem_shared>>
        tpu.wait_indirect_dma semaphore(%run_scoped3A_592 : memref<!tpu.dma_semaphore, #tpu.memory_space<semaphore_mem>>) src(%arg10 : memref<128x32xf32, #tpu.memory_space<vmem>>) dst(%dma_wait3A_604 : memref<10240x32xf32, #tpu.memory_space<vmem_shared>>)
        tpu.yield
      }) : () -> ()
      %add3A_559 = arith.constant 4 : i32
      %add3A_560 = arith.addi %mul3A_287, %add3A_559 : i32
      %add3A_561 = arith.constant 3 : i32
      %add3A_562 = arith.addi %add3A_560, %add3A_561 : i32
      %mul3A_563 = arith.constant 128 : i32
      %mul3A_564 = arith.muli %add3A_562, %mul3A_563 : i32
      %add3A_565 = arith.addi %mul3A_12, %mul3A_564 : i32
      %min3A_566 = arith.minsi %add3A_565, %add3A_14 : i32
      %multiple_of3A_567 = tpu.assume_multiple %min3A_566, 8 : i32
      %dma_start3A_568 = arith.constant 0 : i32
      %dma_start3A_569 = arith.constant 3 : i32
      %dma_start3A_570 = arith.constant 0 : i32
      %dma_start3A_571 = tpu.memref_slice %arg5[%dma_start3A_569, %dma_start3A_570] : memref<4x128xi32, #tpu.memory_space<vmem>> -> memref<1x128xi32, #tpu.memory_space<vmem>>
      %dma_start3A_572 = tpu.memref_squeeze %dma_start3A_571 : memref<1x128xi32, #tpu.memory_space<vmem>> -> memref<128xi32, #tpu.memory_space<vmem>>
      %dma_start3A_573 = tpu.memref_slice %arg3[%dma_start3A_568, %multiple_of3A_567] : memref<2x320000xi32, #tpu.memory_space<hbm>> -> memref<1x128xi32, #tpu.memory_space<hbm>>
      %dma_start3A_574 = tpu.memref_squeeze %dma_start3A_573 : memref<1x128xi32, #tpu.memory_space<hbm>> -> memref<128xi32, #tpu.memory_space<hbm>>
      %dma_start3A_575 = arith.constant 0 : i32
      %dma_start3A_576 = tpu.memref_slice %arg5[%dma_start3A_569, %dma_start3A_575] : memref<4x128xi32, #tpu.memory_space<vmem>> -> memref<1x128xi32, #tpu.memory_space<vmem>>
      %dma_start3A_577 = tpu.memref_squeeze %dma_start3A_576 : memref<1x128xi32, #tpu.memory_space<vmem>> -> memref<128xi32, #tpu.memory_space<vmem>>
      %dma_start3A_578 = tpu.memref_slice %arg3[%dma_start3A_568, %multiple_of3A_567] : memref<2x320000xi32, #tpu.memory_space<hbm>> -> memref<1x128xi32, #tpu.memory_space<hbm>>
      %dma_start3A_579 = tpu.memref_squeeze %dma_start3A_578 : memref<1x128xi32, #tpu.memory_space<hbm>> -> memref<128xi32, #tpu.memory_space<hbm>>
      tpu.enqueue_dma source(%dma_start3A_579 : memref<128xi32, #tpu.memory_space<hbm>>) target(%dma_start3A_577 : memref<128xi32, #tpu.memory_space<vmem>>) target_semaphore(%arg19 : memref<!tpu.dma_semaphore, #tpu.memory_space<semaphore_mem>>)
      %dma_start3A_580 = arith.constant 1 : i32
      %dma_start3A_581 = arith.constant 3 : i32
      %dma_start3A_582 = arith.constant 0 : i32
      %dma_start3A_583 = tpu.memref_slice %arg6[%dma_start3A_581, %dma_start3A_582] : memref<4x128xi32, #tpu.memory_space<vmem>> -> memref<1x128xi32, #tpu.memory_space<vmem>>
      %dma_start3A_584 = tpu.memref_squeeze %dma_start3A_583 : memref<1x128xi32, #tpu.memory_space<vmem>> -> memref<128xi32, #tpu.memory_space<vmem>>
      %dma_start3A_585 = tpu.memref_slice %arg3[%dma_start3A_580, %multiple_of3A_567] : memref<2x320000xi32, #tpu.memory_space<hbm>> -> memref<1x128xi32, #tpu.memory_space<hbm>>
      %dma_start3A_586 = tpu.memref_squeeze %dma_start3A_585 : memref<1x128xi32, #tpu.memory_space<hbm>> -> memref<128xi32, #tpu.memory_space<hbm>>
      %dma_start3A_587 = arith.constant 0 : i32
      %dma_start3A_588 = tpu.memref_slice %arg6[%dma_start3A_581, %dma_start3A_587] : memref<4x128xi32, #tpu.memory_space<vmem>> -> memref<1x128xi32, #tpu.memory_space<vmem>>
      %dma_start3A_589 = tpu.memref_squeeze %dma_start3A_588 : memref<1x128xi32, #tpu.memory_space<vmem>> -> memref<128xi32, #tpu.memory_space<vmem>>
      %dma_start3A_590 = tpu.memref_slice %arg3[%dma_start3A_580, %multiple_of3A_567] : memref<2x320000xi32, #tpu.memory_space<hbm>> -> memref<1x128xi32, #tpu.memory_space<hbm>>
      %dma_start3A_591 = tpu.memref_squeeze %dma_start3A_590 : memref<1x128xi32, #tpu.memory_space<hbm>> -> memref<128xi32, #tpu.memory_space<hbm>>
      tpu.enqueue_dma source(%dma_start3A_591 : memref<128xi32, #tpu.memory_space<hbm>>) target(%dma_start3A_589 : memref<128xi32, #tpu.memory_space<vmem>>) target_semaphore(%arg19 : memref<!tpu.dma_semaphore, #tpu.memory_space<semaphore_mem>>)
    }
    %scan3A_128 = arith.constant 19 : i32
    %dma_wait3A = arith.constant 0 : i32
    %dma_wait3A_129 = arith.constant 0 : i32
    %dma_wait3A_130 = arith.constant 0 : i32
    %dma_wait3A_131 = tpu.memref_slice %arg5[%dma_wait3A_129, %dma_wait3A_130] : memref<4x128xi32, #tpu.memory_space<vmem>> -> memref<1x128xi32, #tpu.memory_space<vmem>>
    %dma_wait3A_132 = tpu.memref_squeeze %dma_wait3A_131 : memref<1x128xi32, #tpu.memory_space<vmem>> -> memref<128xi32, #tpu.memory_space<vmem>>
    %dma_wait3A_133 = arith.constant 0 : i32
    %dma_wait3A_134 = tpu.memref_slice %arg3[%dma_wait3A, %dma_wait3A_133] : memref<2x320000xi32, #tpu.memory_space<hbm>> -> memref<1x128xi32, #tpu.memory_space<hbm>>
    %dma_wait3A_135 = tpu.memref_squeeze %dma_wait3A_134 : memref<1x128xi32, #tpu.memory_space<hbm>> -> memref<128xi32, #tpu.memory_space<hbm>>
    %dma_wait3A_136 = arith.constant 0 : i32
    %dma_wait3A_137 = tpu.memref_slice %arg5[%dma_wait3A_129, %dma_wait3A_136] : memref<4x128xi32, #tpu.memory_space<vmem>> -> memref<1x128xi32, #tpu.memory_space<vmem>>
    %dma_wait3A_138 = tpu.memref_squeeze %dma_wait3A_137 : memref<1x128xi32, #tpu.memory_space<vmem>> -> memref<128xi32, #tpu.memory_space<vmem>>
    %dma_wait3A_139 = arith.constant 0 : i32
    %dma_wait3A_140 = tpu.memref_slice %arg3[%dma_wait3A, %dma_wait3A_139] : memref<2x320000xi32, #tpu.memory_space<hbm>> -> memref<1x128xi32, #tpu.memory_space<hbm>>
    %dma_wait3A_141 = tpu.memref_squeeze %dma_wait3A_140 : memref<1x128xi32, #tpu.memory_space<hbm>> -> memref<128xi32, #tpu.memory_space<hbm>>
    tpu.wait_dma2 semaphore(%arg16 : memref<!tpu.dma_semaphore, #tpu.memory_space<semaphore_mem>>) src(%dma_wait3A_141 : memref<128xi32, #tpu.memory_space<hbm>>) dst(%dma_wait3A_138 : memref<128xi32, #tpu.memory_space<vmem>>)
    %dma_wait3A_142 = arith.constant 1 : i32
    %dma_wait3A_143 = arith.constant 0 : i32
    %dma_wait3A_144 = arith.constant 0 : i32
    %dma_wait3A_145 = tpu.memref_slice %arg6[%dma_wait3A_143, %dma_wait3A_144] : memref<4x128xi32, #tpu.memory_space<vmem>> -> memref<1x128xi32, #tpu.memory_space<vmem>>
    %dma_wait3A_146 = tpu.memref_squeeze %dma_wait3A_145 : memref<1x128xi32, #tpu.memory_space<vmem>> -> memref<128xi32, #tpu.memory_space<vmem>>
    %dma_wait3A_147 = arith.constant 0 : i32
    %dma_wait3A_148 = tpu.memref_slice %arg3[%dma_wait3A_142, %dma_wait3A_147] : memref<2x320000xi32, #tpu.memory_space<hbm>> -> memref<1x128xi32, #tpu.memory_space<hbm>>
    %dma_wait3A_149 = tpu.memref_squeeze %dma_wait3A_148 : memref<1x128xi32, #tpu.memory_space<hbm>> -> memref<128xi32, #tpu.memory_space<hbm>>
    %dma_wait3A_150 = arith.constant 0 : i32
    %dma_wait3A_151 = tpu.memref_slice %arg6[%dma_wait3A_143, %dma_wait3A_150] : memref<4x128xi32, #tpu.memory_space<vmem>> -> memref<1x128xi32, #tpu.memory_space<vmem>>
    %dma_wait3A_152 = tpu.memref_squeeze %dma_wait3A_151 : memref<1x128xi32, #tpu.memory_space<vmem>> -> memref<128xi32, #tpu.memory_space<vmem>>
    %dma_wait3A_153 = arith.constant 0 : i32
    %dma_wait3A_154 = tpu.memref_slice %arg3[%dma_wait3A_142, %dma_wait3A_153] : memref<2x320000xi32, #tpu.memory_space<hbm>> -> memref<1x128xi32, #tpu.memory_space<hbm>>
    %dma_wait3A_155 = tpu.memref_squeeze %dma_wait3A_154 : memref<1x128xi32, #tpu.memory_space<hbm>> -> memref<128xi32, #tpu.memory_space<hbm>>
    tpu.wait_dma2 semaphore(%arg16 : memref<!tpu.dma_semaphore, #tpu.memory_space<semaphore_mem>>) src(%dma_wait3A_155 : memref<128xi32, #tpu.memory_space<hbm>>) dst(%dma_wait3A_152 : memref<128xi32, #tpu.memory_space<vmem>>)
    %dma_start3A_156 = arith.constant 0 : i32
    %dma_start3A_157 = arith.constant 0 : i32
    %dma_start3A_158 = tpu.memref_slice %arg5[%dma_start3A_156, %dma_start3A_157] : memref<4x128xi32, #tpu.memory_space<vmem>> -> memref<1x128xi32, #tpu.memory_space<vmem>>
    %dma_start3A_159 = tpu.memref_squeeze %dma_start3A_158 : memref<1x128xi32, #tpu.memory_space<vmem>> -> memref<128xi32, #tpu.memory_space<vmem>>
    %dma_start3A_160 = arith.constant 0 : i32
    %dma_start3A_161 = arith.constant 0 : i32
    %dma_start3A_162 = tpu.memref_slice %arg2[%dma_start3A_160, %dma_start3A_161] : memref<10000x32xf32, #tpu.memory_space<hbm>> -> memref<10000x32xf32, #tpu.memory_space<hbm>>
    tpu.enqueue_indirect_dma source(%dma_start3A_162 : memref<10000x32xf32, #tpu.memory_space<hbm>>) target(%arg7 : memref<128x32xf32, #tpu.memory_space<vmem>>) offsets(%dma_start3A_159 : memref<128xi32, #tpu.memory_space<vmem>>) semaphore(%arg20 : memref<!tpu.dma_semaphore, #tpu.memory_space<semaphore_mem>>)
    %dma_wait3A_163 = arith.constant 0 : i32
    %dma_wait3A_164 = arith.constant 1 : i32
    %dma_wait3A_165 = arith.constant 0 : i32
    %dma_wait3A_166 = tpu.memref_slice %arg5[%dma_wait3A_164, %dma_wait3A_165] : memref<4x128xi32, #tpu.memory_space<vmem>> -> memref<1x128xi32, #tpu.memory_space<vmem>>
    %dma_wait3A_167 = tpu.memref_squeeze %dma_wait3A_166 : memref<1x128xi32, #tpu.memory_space<vmem>> -> memref<128xi32, #tpu.memory_space<vmem>>
    %dma_wait3A_168 = arith.constant 0 : i32
    %dma_wait3A_169 = tpu.memref_slice %arg3[%dma_wait3A_163, %dma_wait3A_168] : memref<2x320000xi32, #tpu.memory_space<hbm>> -> memref<1x128xi32, #tpu.memory_space<hbm>>
    %dma_wait3A_170 = tpu.memref_squeeze %dma_wait3A_169 : memref<1x128xi32, #tpu.memory_space<hbm>> -> memref<128xi32, #tpu.memory_space<hbm>>
    %dma_wait3A_171 = arith.constant 0 : i32
    %dma_wait3A_172 = tpu.memref_slice %arg5[%dma_wait3A_164, %dma_wait3A_171] : memref<4x128xi32, #tpu.memory_space<vmem>> -> memref<1x128xi32, #tpu.memory_space<vmem>>
    %dma_wait3A_173 = tpu.memref_squeeze %dma_wait3A_172 : memref<1x128xi32, #tpu.memory_space<vmem>> -> memref<128xi32, #tpu.memory_space<vmem>>
    %dma_wait3A_174 = arith.constant 0 : i32
    %dma_wait3A_175 = tpu.memref_slice %arg3[%dma_wait3A_163, %dma_wait3A_174] : memref<2x320000xi32, #tpu.memory_space<hbm>> -> memref<1x128xi32, #tpu.memory_space<hbm>>
    %dma_wait3A_176 = tpu.memref_squeeze %dma_wait3A_175 : memref<1x128xi32, #tpu.memory_space<hbm>> -> memref<128xi32, #tpu.memory_space<hbm>>
    tpu.wait_dma2 semaphore(%arg17 : memref<!tpu.dma_semaphore, #tpu.memory_space<semaphore_mem>>) src(%dma_wait3A_176 : memref<128xi32, #tpu.memory_space<hbm>>) dst(%dma_wait3A_173 : memref<128xi32, #tpu.memory_space<vmem>>)
    %dma_wait3A_177 = arith.constant 1 : i32
    %dma_wait3A_178 = arith.constant 1 : i32
    %dma_wait3A_179 = arith.constant 0 : i32
    %dma_wait3A_180 = tpu.memref_slice %arg6[%dma_wait3A_178, %dma_wait3A_179] : memref<4x128xi32, #tpu.memory_space<vmem>> -> memref<1x128xi32, #tpu.memory_space<vmem>>
    %dma_wait3A_181 = tpu.memref_squeeze %dma_wait3A_180 : memref<1x128xi32, #tpu.memory_space<vmem>> -> memref<128xi32, #tpu.memory_space<vmem>>
    %dma_wait3A_182 = arith.constant 0 : i32
    %dma_wait3A_183 = tpu.memref_slice %arg3[%dma_wait3A_177, %dma_wait3A_182] : memref<2x320000xi32, #tpu.memory_space<hbm>> -> memref<1x128xi32, #tpu.memory_space<hbm>>
    %dma_wait3A_184 = tpu.memref_squeeze %dma_wait3A_183 : memref<1x128xi32, #tpu.memory_space<hbm>> -> memref<128xi32, #tpu.memory_space<hbm>>
    %dma_wait3A_185 = arith.constant 0 : i32
    %dma_wait3A_186 = tpu.memref_slice %arg6[%dma_wait3A_178, %dma_wait3A_185] : memref<4x128xi32, #tpu.memory_space<vmem>> -> memref<1x128xi32, #tpu.memory_space<vmem>>
    %dma_wait3A_187 = tpu.memref_squeeze %dma_wait3A_186 : memref<1x128xi32, #tpu.memory_space<vmem>> -> memref<128xi32, #tpu.memory_space<vmem>>
    %dma_wait3A_188 = arith.constant 0 : i32
    %dma_wait3A_189 = tpu.memref_slice %arg3[%dma_wait3A_177, %dma_wait3A_188] : memref<2x320000xi32, #tpu.memory_space<hbm>> -> memref<1x128xi32, #tpu.memory_space<hbm>>
    %dma_wait3A_190 = tpu.memref_squeeze %dma_wait3A_189 : memref<1x128xi32, #tpu.memory_space<hbm>> -> memref<128xi32, #tpu.memory_space<hbm>>
    tpu.wait_dma2 semaphore(%arg17 : memref<!tpu.dma_semaphore, #tpu.memory_space<semaphore_mem>>) src(%dma_wait3A_190 : memref<128xi32, #tpu.memory_space<hbm>>) dst(%dma_wait3A_187 : memref<128xi32, #tpu.memory_space<vmem>>)
    %dma_start3A_191 = arith.constant 1 : i32
    %dma_start3A_192 = arith.constant 0 : i32
    %dma_start3A_193 = tpu.memref_slice %arg5[%dma_start3A_191, %dma_start3A_192] : memref<4x128xi32, #tpu.memory_space<vmem>> -> memref<1x128xi32, #tpu.memory_space<vmem>>
    %dma_start3A_194 = tpu.memref_squeeze %dma_start3A_193 : memref<1x128xi32, #tpu.memory_space<vmem>> -> memref<128xi32, #tpu.memory_space<vmem>>
    %dma_start3A_195 = arith.constant 0 : i32
    %dma_start3A_196 = arith.constant 0 : i32
    %dma_start3A_197 = tpu.memref_slice %arg2[%dma_start3A_195, %dma_start3A_196] : memref<10000x32xf32, #tpu.memory_space<hbm>> -> memref<10000x32xf32, #tpu.memory_space<hbm>>
    tpu.enqueue_indirect_dma source(%dma_start3A_197 : memref<10000x32xf32, #tpu.memory_space<hbm>>) target(%arg8 : memref<128x32xf32, #tpu.memory_space<vmem>>) offsets(%dma_start3A_194 : memref<128xi32, #tpu.memory_space<vmem>>) semaphore(%arg21 : memref<!tpu.dma_semaphore, #tpu.memory_space<semaphore_mem>>)
    %dma_wait3A_198 = arith.constant 0 : i32
    %dma_wait3A_199 = arith.constant 0 : i32
    %dma_wait3A_200 = tpu.memref_slice %arg5[%dma_wait3A_198, %dma_wait3A_199] : memref<4x128xi32, #tpu.memory_space<vmem>> -> memref<1x128xi32, #tpu.memory_space<vmem>>
    %dma_wait3A_201 = tpu.memref_squeeze %dma_wait3A_200 : memref<1x128xi32, #tpu.memory_space<vmem>> -> memref<128xi32, #tpu.memory_space<vmem>>
    %dma_wait3A_202 = arith.constant 0 : i32
    %dma_wait3A_203 = arith.constant 0 : i32
    %dma_wait3A_204 = tpu.memref_slice %arg2[%dma_wait3A_202, %dma_wait3A_203] : memref<10000x32xf32, #tpu.memory_space<hbm>> -> memref<10000x32xf32, #tpu.memory_space<hbm>>
    tpu.wait_indirect_dma semaphore(%arg20 : memref<!tpu.dma_semaphore, #tpu.memory_space<semaphore_mem>>) src(%dma_wait3A_204 : memref<10000x32xf32, #tpu.memory_space<hbm>>) dst(%arg7 : memref<128x32xf32, #tpu.memory_space<vmem>>)
    %run_scoped3A = arith.constant 0 : i32
    "tpu.region"() ({
      %run_scoped3A_285 = tpu.sem_alloc : memref<!tpu.dma_semaphore, #tpu.memory_space<semaphore_mem>>
      %dma_start3A_286 = arith.constant 0 : i32
      %dma_start3A_287 = tpu.memref_slice %arg6[%run_scoped3A, %dma_start3A_286] : memref<4x128xi32, #tpu.memory_space<vmem>> -> memref<1x128xi32, #tpu.memory_space<vmem>>
      %dma_start3A_288 = tpu.memref_squeeze %dma_start3A_287 : memref<1x128xi32, #tpu.memory_space<vmem>> -> memref<128xi32, #tpu.memory_space<vmem>>
      %dma_start3A_289 = arith.constant 0 : i32
      %dma_start3A_290 = arith.constant 0 : i32
      %dma_start3A_291 = tpu.memref_slice %arg15[%dma_start3A_289, %dma_start3A_290] : memref<10240x32xf32, #tpu.memory_space<vmem_shared>> -> memref<10240x32xf32, #tpu.memory_space<vmem_shared>>
      tpu.enqueue_indirect_dma source(%arg7 : memref<128x32xf32, #tpu.memory_space<vmem>>) target(%dma_start3A_291 : memref<10240x32xf32, #tpu.memory_space<vmem_shared>>) offsets(%dma_start3A_288 : memref<128xi32, #tpu.memory_space<vmem>>) semaphore(%run_scoped3A_285 : memref<!tpu.dma_semaphore, #tpu.memory_space<semaphore_mem>>) {add = true}
      %dma_wait3A_292 = arith.constant 0 : i32
      %dma_wait3A_293 = tpu.memref_slice %arg6[%run_scoped3A, %dma_wait3A_292] : memref<4x128xi32, #tpu.memory_space<vmem>> -> memref<1x128xi32, #tpu.memory_space<vmem>>
      %dma_wait3A_294 = tpu.memref_squeeze %dma_wait3A_293 : memref<1x128xi32, #tpu.memory_space<vmem>> -> memref<128xi32, #tpu.memory_space<vmem>>
      %dma_wait3A_295 = arith.constant 0 : i32
      %dma_wait3A_296 = arith.constant 0 : i32
      %dma_wait3A_297 = tpu.memref_slice %arg15[%dma_wait3A_295, %dma_wait3A_296] : memref<10240x32xf32, #tpu.memory_space<vmem_shared>> -> memref<10240x32xf32, #tpu.memory_space<vmem_shared>>
      tpu.wait_indirect_dma semaphore(%run_scoped3A_285 : memref<!tpu.dma_semaphore, #tpu.memory_space<semaphore_mem>>) src(%arg7 : memref<128x32xf32, #tpu.memory_space<vmem>>) dst(%dma_wait3A_297 : memref<10240x32xf32, #tpu.memory_space<vmem_shared>>)
      tpu.yield
    }) : () -> ()
    %dma_wait3A_205 = arith.constant 0 : i32
    %dma_wait3A_206 = arith.constant 0 : i32
    %dma_wait3A_207 = tpu.memref_slice %arg5[%dma_wait3A_205, %dma_wait3A_206] : memref<4x128xi32, #tpu.memory_space<vmem>> -> memref<1x128xi32, #tpu.memory_space<vmem>>
    %dma_wait3A_208 = tpu.memref_squeeze %dma_wait3A_207 : memref<1x128xi32, #tpu.memory_space<vmem>> -> memref<128xi32, #tpu.memory_space<vmem>>
    %dma_wait3A_209 = arith.constant 0 : i32
    %dma_wait3A_210 = arith.constant 0 : i32
    %dma_wait3A_211 = tpu.memref_slice %arg2[%dma_wait3A_209, %dma_wait3A_210] : memref<10000x32xf32, #tpu.memory_space<hbm>> -> memref<10000x32xf32, #tpu.memory_space<hbm>>
    tpu.wait_indirect_dma semaphore(%arg21 : memref<!tpu.dma_semaphore, #tpu.memory_space<semaphore_mem>>) src(%dma_wait3A_211 : memref<10000x32xf32, #tpu.memory_space<hbm>>) dst(%arg8 : memref<128x32xf32, #tpu.memory_space<vmem>>)
    %run_scoped3A_212 = arith.constant 1 : i32
    "tpu.region"() ({
      %run_scoped3A_285 = tpu.sem_alloc : memref<!tpu.dma_semaphore, #tpu.memory_space<semaphore_mem>>
      %dma_start3A_286 = arith.constant 0 : i32
      %dma_start3A_287 = tpu.memref_slice %arg6[%run_scoped3A_212, %dma_start3A_286] : memref<4x128xi32, #tpu.memory_space<vmem>> -> memref<1x128xi32, #tpu.memory_space<vmem>>
      %dma_start3A_288 = tpu.memref_squeeze %dma_start3A_287 : memref<1x128xi32, #tpu.memory_space<vmem>> -> memref<128xi32, #tpu.memory_space<vmem>>
      %dma_start3A_289 = arith.constant 0 : i32
      %dma_start3A_290 = arith.constant 0 : i32
      %dma_start3A_291 = tpu.memref_slice %arg15[%dma_start3A_289, %dma_start3A_290] : memref<10240x32xf32, #tpu.memory_space<vmem_shared>> -> memref<10240x32xf32, #tpu.memory_space<vmem_shared>>
      tpu.enqueue_indirect_dma source(%arg8 : memref<128x32xf32, #tpu.memory_space<vmem>>) target(%dma_start3A_291 : memref<10240x32xf32, #tpu.memory_space<vmem_shared>>) offsets(%dma_start3A_288 : memref<128xi32, #tpu.memory_space<vmem>>) semaphore(%run_scoped3A_285 : memref<!tpu.dma_semaphore, #tpu.memory_space<semaphore_mem>>) {add = true}
      %dma_wait3A_292 = arith.constant 0 : i32
      %dma_wait3A_293 = tpu.memref_slice %arg6[%run_scoped3A_212, %dma_wait3A_292] : memref<4x128xi32, #tpu.memory_space<vmem>> -> memref<1x128xi32, #tpu.memory_space<vmem>>
      %dma_wait3A_294 = tpu.memref_squeeze %dma_wait3A_293 : memref<1x128xi32, #tpu.memory_space<vmem>> -> memref<128xi32, #tpu.memory_space<vmem>>
      %dma_wait3A_295 = arith.constant 0 : i32
      %dma_wait3A_296 = arith.constant 0 : i32
      %dma_wait3A_297 = tpu.memref_slice %arg15[%dma_wait3A_295, %dma_wait3A_296] : memref<10240x32xf32, #tpu.memory_space<vmem_shared>> -> memref<10240x32xf32, #tpu.memory_space<vmem_shared>>
      tpu.wait_indirect_dma semaphore(%run_scoped3A_285 : memref<!tpu.dma_semaphore, #tpu.memory_space<semaphore_mem>>) src(%arg8 : memref<128x32xf32, #tpu.memory_space<vmem>>) dst(%dma_wait3A_297 : memref<10240x32xf32, #tpu.memory_space<vmem_shared>>)
      tpu.yield
    }) : () -> ()
    %dma_wait3A_213 = arith.constant 0 : i32
    %dma_wait3A_214 = arith.constant 2 : i32
    %dma_wait3A_215 = arith.constant 0 : i32
    %dma_wait3A_216 = tpu.memref_slice %arg5[%dma_wait3A_214, %dma_wait3A_215] : memref<4x128xi32, #tpu.memory_space<vmem>> -> memref<1x128xi32, #tpu.memory_space<vmem>>
    %dma_wait3A_217 = tpu.memref_squeeze %dma_wait3A_216 : memref<1x128xi32, #tpu.memory_space<vmem>> -> memref<128xi32, #tpu.memory_space<vmem>>
    %dma_wait3A_218 = arith.constant 0 : i32
    %dma_wait3A_219 = tpu.memref_slice %arg3[%dma_wait3A_213, %dma_wait3A_218] : memref<2x320000xi32, #tpu.memory_space<hbm>> -> memref<1x128xi32, #tpu.memory_space<hbm>>
    %dma_wait3A_220 = tpu.memref_squeeze %dma_wait3A_219 : memref<1x128xi32, #tpu.memory_space<hbm>> -> memref<128xi32, #tpu.memory_space<hbm>>
    %dma_wait3A_221 = arith.constant 0 : i32
    %dma_wait3A_222 = tpu.memref_slice %arg5[%dma_wait3A_214, %dma_wait3A_221] : memref<4x128xi32, #tpu.memory_space<vmem>> -> memref<1x128xi32, #tpu.memory_space<vmem>>
    %dma_wait3A_223 = tpu.memref_squeeze %dma_wait3A_222 : memref<1x128xi32, #tpu.memory_space<vmem>> -> memref<128xi32, #tpu.memory_space<vmem>>
    %dma_wait3A_224 = arith.constant 0 : i32
    %dma_wait3A_225 = tpu.memref_slice %arg3[%dma_wait3A_213, %dma_wait3A_224] : memref<2x320000xi32, #tpu.memory_space<hbm>> -> memref<1x128xi32, #tpu.memory_space<hbm>>
    %dma_wait3A_226 = tpu.memref_squeeze %dma_wait3A_225 : memref<1x128xi32, #tpu.memory_space<hbm>> -> memref<128xi32, #tpu.memory_space<hbm>>
    tpu.wait_dma2 semaphore(%arg18 : memref<!tpu.dma_semaphore, #tpu.memory_space<semaphore_mem>>) src(%dma_wait3A_226 : memref<128xi32, #tpu.memory_space<hbm>>) dst(%dma_wait3A_223 : memref<128xi32, #tpu.memory_space<vmem>>)
    %dma_wait3A_227 = arith.constant 1 : i32
    %dma_wait3A_228 = arith.constant 2 : i32
    %dma_wait3A_229 = arith.constant 0 : i32
    %dma_wait3A_230 = tpu.memref_slice %arg6[%dma_wait3A_228, %dma_wait3A_229] : memref<4x128xi32, #tpu.memory_space<vmem>> -> memref<1x128xi32, #tpu.memory_space<vmem>>
    %dma_wait3A_231 = tpu.memref_squeeze %dma_wait3A_230 : memref<1x128xi32, #tpu.memory_space<vmem>> -> memref<128xi32, #tpu.memory_space<vmem>>
    %dma_wait3A_232 = arith.constant 0 : i32
    %dma_wait3A_233 = tpu.memref_slice %arg3[%dma_wait3A_227, %dma_wait3A_232] : memref<2x320000xi32, #tpu.memory_space<hbm>> -> memref<1x128xi32, #tpu.memory_space<hbm>>
    %dma_wait3A_234 = tpu.memref_squeeze %dma_wait3A_233 : memref<1x128xi32, #tpu.memory_space<hbm>> -> memref<128xi32, #tpu.memory_space<hbm>>
    %dma_wait3A_235 = arith.constant 0 : i32
    %dma_wait3A_236 = tpu.memref_slice %arg6[%dma_wait3A_228, %dma_wait3A_235] : memref<4x128xi32, #tpu.memory_space<vmem>> -> memref<1x128xi32, #tpu.memory_space<vmem>>
    %dma_wait3A_237 = tpu.memref_squeeze %dma_wait3A_236 : memref<1x128xi32, #tpu.memory_space<vmem>> -> memref<128xi32, #tpu.memory_space<vmem>>
    %dma_wait3A_238 = arith.constant 0 : i32
    %dma_wait3A_239 = tpu.memref_slice %arg3[%dma_wait3A_227, %dma_wait3A_238] : memref<2x320000xi32, #tpu.memory_space<hbm>> -> memref<1x128xi32, #tpu.memory_space<hbm>>
    %dma_wait3A_240 = tpu.memref_squeeze %dma_wait3A_239 : memref<1x128xi32, #tpu.memory_space<hbm>> -> memref<128xi32, #tpu.memory_space<hbm>>
    tpu.wait_dma2 semaphore(%arg18 : memref<!tpu.dma_semaphore, #tpu.memory_space<semaphore_mem>>) src(%dma_wait3A_240 : memref<128xi32, #tpu.memory_space<hbm>>) dst(%dma_wait3A_237 : memref<128xi32, #tpu.memory_space<vmem>>)
    %dma_wait3A_241 = arith.constant 0 : i32
    %dma_wait3A_242 = arith.constant 3 : i32
    %dma_wait3A_243 = arith.constant 0 : i32
    %dma_wait3A_244 = tpu.memref_slice %arg5[%dma_wait3A_242, %dma_wait3A_243] : memref<4x128xi32, #tpu.memory_space<vmem>> -> memref<1x128xi32, #tpu.memory_space<vmem>>
    %dma_wait3A_245 = tpu.memref_squeeze %dma_wait3A_244 : memref<1x128xi32, #tpu.memory_space<vmem>> -> memref<128xi32, #tpu.memory_space<vmem>>
    %dma_wait3A_246 = arith.constant 0 : i32
    %dma_wait3A_247 = tpu.memref_slice %arg3[%dma_wait3A_241, %dma_wait3A_246] : memref<2x320000xi32, #tpu.memory_space<hbm>> -> memref<1x128xi32, #tpu.memory_space<hbm>>
    %dma_wait3A_248 = tpu.memref_squeeze %dma_wait3A_247 : memref<1x128xi32, #tpu.memory_space<hbm>> -> memref<128xi32, #tpu.memory_space<hbm>>
    %dma_wait3A_249 = arith.constant 0 : i32
    %dma_wait3A_250 = tpu.memref_slice %arg5[%dma_wait3A_242, %dma_wait3A_249] : memref<4x128xi32, #tpu.memory_space<vmem>> -> memref<1x128xi32, #tpu.memory_space<vmem>>
    %dma_wait3A_251 = tpu.memref_squeeze %dma_wait3A_250 : memref<1x128xi32, #tpu.memory_space<vmem>> -> memref<128xi32, #tpu.memory_space<vmem>>
    %dma_wait3A_252 = arith.constant 0 : i32
    %dma_wait3A_253 = tpu.memref_slice %arg3[%dma_wait3A_241, %dma_wait3A_252] : memref<2x320000xi32, #tpu.memory_space<hbm>> -> memref<1x128xi32, #tpu.memory_space<hbm>>
    %dma_wait3A_254 = tpu.memref_squeeze %dma_wait3A_253 : memref<1x128xi32, #tpu.memory_space<hbm>> -> memref<128xi32, #tpu.memory_space<hbm>>
    tpu.wait_dma2 semaphore(%arg19 : memref<!tpu.dma_semaphore, #tpu.memory_space<semaphore_mem>>) src(%dma_wait3A_254 : memref<128xi32, #tpu.memory_space<hbm>>) dst(%dma_wait3A_251 : memref<128xi32, #tpu.memory_space<vmem>>)
    %dma_wait3A_255 = arith.constant 1 : i32
    %dma_wait3A_256 = arith.constant 3 : i32
    %dma_wait3A_257 = arith.constant 0 : i32
    %dma_wait3A_258 = tpu.memref_slice %arg6[%dma_wait3A_256, %dma_wait3A_257] : memref<4x128xi32, #tpu.memory_space<vmem>> -> memref<1x128xi32, #tpu.memory_space<vmem>>
    %dma_wait3A_259 = tpu.memref_squeeze %dma_wait3A_258 : memref<1x128xi32, #tpu.memory_space<vmem>> -> memref<128xi32, #tpu.memory_space<vmem>>
    %dma_wait3A_260 = arith.constant 0 : i32
    %dma_wait3A_261 = tpu.memref_slice %arg3[%dma_wait3A_255, %dma_wait3A_260] : memref<2x320000xi32, #tpu.memory_space<hbm>> -> memref<1x128xi32, #tpu.memory_space<hbm>>
    %dma_wait3A_262 = tpu.memref_squeeze %dma_wait3A_261 : memref<1x128xi32, #tpu.memory_space<hbm>> -> memref<128xi32, #tpu.memory_space<hbm>>
    %dma_wait3A_263 = arith.constant 0 : i32
    %dma_wait3A_264 = tpu.memref_slice %arg6[%dma_wait3A_256, %dma_wait3A_263] : memref<4x128xi32, #tpu.memory_space<vmem>> -> memref<1x128xi32, #tpu.memory_space<vmem>>
    %dma_wait3A_265 = tpu.memref_squeeze %dma_wait3A_264 : memref<1x128xi32, #tpu.memory_space<vmem>> -> memref<128xi32, #tpu.memory_space<vmem>>
    %dma_wait3A_266 = arith.constant 0 : i32
    %dma_wait3A_267 = tpu.memref_slice %arg3[%dma_wait3A_255, %dma_wait3A_266] : memref<2x320000xi32, #tpu.memory_space<hbm>> -> memref<1x128xi32, #tpu.memory_space<hbm>>
    %dma_wait3A_268 = tpu.memref_squeeze %dma_wait3A_267 : memref<1x128xi32, #tpu.memory_space<hbm>> -> memref<128xi32, #tpu.memory_space<hbm>>
    tpu.wait_dma2 semaphore(%arg19 : memref<!tpu.dma_semaphore, #tpu.memory_space<semaphore_mem>>) src(%dma_wait3A_268 : memref<128xi32, #tpu.memory_space<hbm>>) dst(%dma_wait3A_265 : memref<128xi32, #tpu.memory_space<vmem>>)
    %add3A_269 = arith.constant 9984 : i32
    %add3A_270 = arith.addi %mul3A_12, %add3A_269 : i32
    %multiple_of3A_271 = tpu.assume_multiple %add3A_270, 8 : i32
    %run_scoped3A_272 = arith.constant 0 : i32
    "tpu.region"() ({
      %run_scoped3A_285 = tpu.sem_alloc : memref<!tpu.dma_semaphore, #tpu.memory_space<semaphore_mem>>
      %dma_start3A_286 = tpu.memref_slice %arg3[%run_scoped3A_272, %multiple_of3A_271] : memref<2x320000xi32, #tpu.memory_space<hbm>> -> memref<1x16xi32, #tpu.memory_space<hbm>>
      %dma_start3A_287 = tpu.memref_squeeze %dma_start3A_286 : memref<1x16xi32, #tpu.memory_space<hbm>> -> memref<16xi32, #tpu.memory_space<hbm>>
      %dma_start3A_288 = tpu.memref_slice %arg3[%run_scoped3A_272, %multiple_of3A_271] : memref<2x320000xi32, #tpu.memory_space<hbm>> -> memref<1x16xi32, #tpu.memory_space<hbm>>
      %dma_start3A_289 = tpu.memref_squeeze %dma_start3A_288 : memref<1x16xi32, #tpu.memory_space<hbm>> -> memref<16xi32, #tpu.memory_space<hbm>>
      tpu.enqueue_dma source(%dma_start3A_289 : memref<16xi32, #tpu.memory_space<hbm>>) target(%arg11 : memref<16xi32, #tpu.memory_space<vmem>>) target_semaphore(%run_scoped3A_285 : memref<!tpu.dma_semaphore, #tpu.memory_space<semaphore_mem>>)
      %dma_wait3A_290 = tpu.memref_slice %arg3[%run_scoped3A_272, %multiple_of3A_271] : memref<2x320000xi32, #tpu.memory_space<hbm>> -> memref<1x16xi32, #tpu.memory_space<hbm>>
      %dma_wait3A_291 = tpu.memref_squeeze %dma_wait3A_290 : memref<1x16xi32, #tpu.memory_space<hbm>> -> memref<16xi32, #tpu.memory_space<hbm>>
      %dma_wait3A_292 = tpu.memref_slice %arg3[%run_scoped3A_272, %multiple_of3A_271] : memref<2x320000xi32, #tpu.memory_space<hbm>> -> memref<1x16xi32, #tpu.memory_space<hbm>>
      %dma_wait3A_293 = tpu.memref_squeeze %dma_wait3A_292 : memref<1x16xi32, #tpu.memory_space<hbm>> -> memref<16xi32, #tpu.memory_space<hbm>>
      tpu.wait_dma2 semaphore(%run_scoped3A_285 : memref<!tpu.dma_semaphore, #tpu.memory_space<semaphore_mem>>) src(%dma_wait3A_293 : memref<16xi32, #tpu.memory_space<hbm>>) dst(%arg11 : memref<16xi32, #tpu.memory_space<vmem>>)
      tpu.yield
    }) : () -> ()
    %run_scoped3A_273 = arith.constant 1 : i32
    "tpu.region"() ({
      %run_scoped3A_285 = tpu.sem_alloc : memref<!tpu.dma_semaphore, #tpu.memory_space<semaphore_mem>>
      %dma_start3A_286 = tpu.memref_slice %arg3[%run_scoped3A_273, %multiple_of3A_271] : memref<2x320000xi32, #tpu.memory_space<hbm>> -> memref<1x16xi32, #tpu.memory_space<hbm>>
      %dma_start3A_287 = tpu.memref_squeeze %dma_start3A_286 : memref<1x16xi32, #tpu.memory_space<hbm>> -> memref<16xi32, #tpu.memory_space<hbm>>
      %dma_start3A_288 = tpu.memref_slice %arg3[%run_scoped3A_273, %multiple_of3A_271] : memref<2x320000xi32, #tpu.memory_space<hbm>> -> memref<1x16xi32, #tpu.memory_space<hbm>>
      %dma_start3A_289 = tpu.memref_squeeze %dma_start3A_288 : memref<1x16xi32, #tpu.memory_space<hbm>> -> memref<16xi32, #tpu.memory_space<hbm>>
      tpu.enqueue_dma source(%dma_start3A_289 : memref<16xi32, #tpu.memory_space<hbm>>) target(%arg12 : memref<16xi32, #tpu.memory_space<vmem>>) target_semaphore(%run_scoped3A_285 : memref<!tpu.dma_semaphore, #tpu.memory_space<semaphore_mem>>)
      %dma_wait3A_290 = tpu.memref_slice %arg3[%run_scoped3A_273, %multiple_of3A_271] : memref<2x320000xi32, #tpu.memory_space<hbm>> -> memref<1x16xi32, #tpu.memory_space<hbm>>
      %dma_wait3A_291 = tpu.memref_squeeze %dma_wait3A_290 : memref<1x16xi32, #tpu.memory_space<hbm>> -> memref<16xi32, #tpu.memory_space<hbm>>
      %dma_wait3A_292 = tpu.memref_slice %arg3[%run_scoped3A_273, %multiple_of3A_271] : memref<2x320000xi32, #tpu.memory_space<hbm>> -> memref<1x16xi32, #tpu.memory_space<hbm>>
      %dma_wait3A_293 = tpu.memref_squeeze %dma_wait3A_292 : memref<1x16xi32, #tpu.memory_space<hbm>> -> memref<16xi32, #tpu.memory_space<hbm>>
      tpu.wait_dma2 semaphore(%run_scoped3A_285 : memref<!tpu.dma_semaphore, #tpu.memory_space<semaphore_mem>>) src(%dma_wait3A_293 : memref<16xi32, #tpu.memory_space<hbm>>) dst(%arg12 : memref<16xi32, #tpu.memory_space<vmem>>)
      tpu.yield
    }) : () -> ()
    %dma_start3A_274 = arith.constant 0 : i32
    %dma_start3A_275 = arith.constant 0 : i32
    %dma_start3A_276 = tpu.memref_slice %arg2[%dma_start3A_274, %dma_start3A_275] : memref<10000x32xf32, #tpu.memory_space<hbm>> -> memref<10000x32xf32, #tpu.memory_space<hbm>>
    tpu.enqueue_indirect_dma source(%dma_start3A_276 : memref<10000x32xf32, #tpu.memory_space<hbm>>) target(%arg13 : memref<16x32xf32, #tpu.memory_space<vmem>>) offsets(%arg11 : memref<16xi32, #tpu.memory_space<vmem>>) semaphore(%arg20 : memref<!tpu.dma_semaphore, #tpu.memory_space<semaphore_mem>>)
    %dma_wait3A_277 = arith.constant 0 : i32
    %dma_wait3A_278 = arith.constant 0 : i32
    %dma_wait3A_279 = tpu.memref_slice %arg2[%dma_wait3A_277, %dma_wait3A_278] : memref<10000x32xf32, #tpu.memory_space<hbm>> -> memref<10000x32xf32, #tpu.memory_space<hbm>>
    tpu.wait_indirect_dma semaphore(%arg20 : memref<!tpu.dma_semaphore, #tpu.memory_space<semaphore_mem>>) src(%dma_wait3A_279 : memref<10000x32xf32, #tpu.memory_space<hbm>>) dst(%arg13 : memref<16x32xf32, #tpu.memory_space<vmem>>)
    "tpu.region"() ({
      %run_scoped3A_285 = tpu.sem_alloc : memref<!tpu.dma_semaphore, #tpu.memory_space<semaphore_mem>>
      %dma_start3A_286 = arith.constant 0 : i32
      %dma_start3A_287 = arith.constant 0 : i32
      %dma_start3A_288 = tpu.memref_slice %arg15[%dma_start3A_286, %dma_start3A_287] : memref<10240x32xf32, #tpu.memory_space<vmem_shared>> -> memref<10240x32xf32, #tpu.memory_space<vmem_shared>>
      tpu.enqueue_indirect_dma source(%arg13 : memref<16x32xf32, #tpu.memory_space<vmem>>) target(%dma_start3A_288 : memref<10240x32xf32, #tpu.memory_space<vmem_shared>>) offsets(%arg12 : memref<16xi32, #tpu.memory_space<vmem>>) semaphore(%run_scoped3A_285 : memref<!tpu.dma_semaphore, #tpu.memory_space<semaphore_mem>>) {add = true}
      %dma_wait3A_289 = arith.constant 0 : i32
      %dma_wait3A_290 = arith.constant 0 : i32
      %dma_wait3A_291 = tpu.memref_slice %arg15[%dma_wait3A_289, %dma_wait3A_290] : memref<10240x32xf32, #tpu.memory_space<vmem_shared>> -> memref<10240x32xf32, #tpu.memory_space<vmem_shared>>
      tpu.wait_indirect_dma semaphore(%run_scoped3A_285 : memref<!tpu.dma_semaphore, #tpu.memory_space<semaphore_mem>>) src(%arg13 : memref<16x32xf32, #tpu.memory_space<vmem>>) dst(%dma_wait3A_291 : memref<10240x32xf32, #tpu.memory_space<vmem_shared>>)
      tpu.yield
    }) : () -> ()
    %barrier3A_280 = arith.constant 0 : index
    tpu.barrier barrier_id(%barrier3A_280)
    %mul3A_281 = arith.constant 640 : i32
    %mul3A_282 = arith.muli %arg1, %mul3A_281 : i32
    %mul3A_283 = arith.constant 640 : i32
    %mul3A_284 = arith.muli %arg1, %mul3A_283 : i32
    "tpu.region"() ({
      %run_scoped3A_285 = tpu.sem_alloc : memref<!tpu.dma_semaphore, #tpu.memory_space<semaphore_mem>>
      %dma_start3A_286 = arith.constant 0 : i32
      %dma_start3A_287 = tpu.memref_slice %arg4[%arg0, %mul3A_284, %dma_start3A_286] : memref<2x10240x32xf32, #tpu.memory_space<hbm>> -> memref<1x640x32xf32, #tpu.memory_space<hbm>>
      %dma_start3A_288 = tpu.memref_squeeze %dma_start3A_287 : memref<1x640x32xf32, #tpu.memory_space<hbm>> -> memref<640x32xf32, #tpu.memory_space<hbm>>
      %dma_start3A_289 = arith.constant 0 : i32
      %dma_start3A_290 = tpu.memref_slice %arg15[%mul3A_282, %dma_start3A_289] : memref<10240x32xf32, #tpu.memory_space<vmem_shared>> -> memref<640x32xf32, #tpu.memory_space<vmem_shared>>
      tpu.enqueue_dma source(%dma_start3A_290 : memref<640x32xf32, #tpu.memory_space<vmem_shared>>) target(%dma_start3A_288 : memref<640x32xf32, #tpu.memory_space<hbm>>) target_semaphore(%run_scoped3A_285 : memref<!tpu.dma_semaphore, #tpu.memory_space<semaphore_mem>>)
      %dma_wait3A_291 = arith.constant 0 : i32
      %dma_wait3A_292 = tpu.memref_slice %arg4[%arg0, %mul3A_284, %dma_wait3A_291] : memref<2x10240x32xf32, #tpu.memory_space<hbm>> -> memref<1x640x32xf32, #tpu.memory_space<hbm>>
      %dma_wait3A_293 = tpu.memref_squeeze %dma_wait3A_292 : memref<1x640x32xf32, #tpu.memory_space<hbm>> -> memref<640x32xf32, #tpu.memory_space<hbm>>
      %dma_wait3A_294 = arith.constant 0 : i32
      %dma_wait3A_295 = tpu.memref_slice %arg15[%mul3A_282, %dma_wait3A_294] : memref<10240x32xf32, #tpu.memory_space<vmem_shared>> -> memref<640x32xf32, #tpu.memory_space<vmem_shared>>
      tpu.wait_dma2 semaphore(%run_scoped3A_285 : memref<!tpu.dma_semaphore, #tpu.memory_space<semaphore_mem>>) src(%dma_wait3A_295 : memref<640x32xf32, #tpu.memory_space<vmem_shared>>) dst(%dma_wait3A_293 : memref<640x32xf32, #tpu.memory_space<hbm>>)
      tpu.yield
    }) : () -> ()
    return
  }
}

#map = affine_map<(d0, d1) -> (0, 0)>
#map1 = affine_map<(d0, d1) -> (0, 0, 0)>
module attributes {stable_mosaic.version = 14 : i64} {
  func.func @agg(%arg0: i32, %arg1: i32, %arg2: memref<10000x128xf32, #tpu.memory_space<hbm>>, %arg3: memref<2x320000xi32, #tpu.memory_space<hbm>>, %arg4: memref<2x10240x128xf32, #tpu.memory_space<hbm>>, %arg5: memref<4x128xi32, #tpu.memory_space<vmem>>, %arg6: memref<4x128xi32, #tpu.memory_space<vmem>>, %arg7: memref<128x128xf32, #tpu.memory_space<vmem>>, %arg8: memref<128x128xf32, #tpu.memory_space<vmem>>, %arg9: memref<16xi32, #tpu.memory_space<vmem>>, %arg10: memref<16xi32, #tpu.memory_space<vmem>>, %arg11: memref<16x128xf32, #tpu.memory_space<vmem>>, %arg12: memref<64x128xf32, #tpu.memory_space<vmem>>, %arg13: memref<10240x128xf32, #tpu.memory_space<vmem_shared>>, %arg14: memref<!tpu.dma_semaphore, #tpu.memory_space<semaphore_mem>>, %arg15: memref<!tpu.dma_semaphore, #tpu.memory_space<semaphore_mem>>, %arg16: memref<!tpu.dma_semaphore, #tpu.memory_space<semaphore_mem>>, %arg17: memref<!tpu.dma_semaphore, #tpu.memory_space<semaphore_mem>>, %arg18: memref<!tpu.dma_semaphore, #tpu.memory_space<semaphore_mem>>, %arg19: memref<!tpu.dma_semaphore, #tpu.memory_space<semaphore_mem>>) attributes {dimension_semantics = [#tpu.dimension_semantics<core_parallel>, #tpu.dimension_semantics<subcore_parallel>], iteration_bounds = array<i64: 2, 16>, scalar_prefetch = 0 : i64, scratch_operands = 15 : i64, tpu.core_type = #tpu.core_type<sc_vector_subcore>, window_params = [{transform_indices = #map}, {transform_indices = #map}, {transform_indices = #map1}]} {
    %mul3A = arith.constant 16 : i32
    %mul3A_0 = arith.muli %arg0, %mul3A : i32
    %add3A = arith.addi %mul3A_0, %arg1 : i32
    %broadcast_in_dim3A = arith.constant 0.000000e+00 : f32
    %broadcast_in_dim3A_1 = vector.broadcast %broadcast_in_dim3A : f32 to vector<16xf32>
    %scan3A = arith.constant 0 : i32
    %scan3A_2 = arith.constant 64 : i32
    %scan3A_3 = arith.addi %scan3A, %scan3A_2 : i32
    %scan3A_4 = arith.constant 1 : i32
    scf.for %scan3A_157 = %scan3A to %scan3A_3 step %scan3A_4  : i32 {
      %scan3A_158 = arith.constant 0 : i32
      %scan3A_159 = arith.constant 8 : i32
      %scan3A_160 = arith.addi %scan3A_158, %scan3A_159 : i32
      %scan3A_161 = arith.constant 1 : i32
      scf.for %scan3A_163 = %scan3A_158 to %scan3A_160 step %scan3A_161  : i32 {
        %mul3A_164 = arith.constant 16 : i32
        %mul3A_165 = arith.muli %scan3A_163, %mul3A_164 : i32
        %swap3A = arith.index_cast %scan3A_157 : i32 to index
        %swap3A_166 = arith.index_cast %mul3A_165 : i32 to index
        %swap3A_167 = tpu.vector_load %arg12[%swap3A, %swap3A_166] {strides = array<i32>} : memref<64x128xf32, #tpu.memory_space<vmem>>, vector<1x16xf32>,
        %swap3A_168 = vector.shape_cast %swap3A_167 : vector<1x16xf32> to vector<16xf32>
        %swap3A_169 = vector.shape_cast %broadcast_in_dim3A_1 : vector<16xf32> to vector<1x16xf32>
        tpu.vector_store %arg12[%swap3A, %swap3A_166], %swap3A_169 {strides = array<i32>} : memref<64x128xf32, #tpu.memory_space<vmem>>, vector<1x16xf32>,
      }
      %scan3A_162 = arith.constant 8 : i32
    }
    %scan3A_5 = arith.constant 64 : i32
    %scan3A_6 = arith.constant 0 : i32
    %scan3A_7 = arith.constant 10 : i32
    %scan3A_8 = arith.addi %scan3A_6, %scan3A_7 : i32
    %scan3A_9 = arith.constant 1 : i32
    scf.for %scan3A_157 = %scan3A_6 to %scan3A_8 step %scan3A_9  : i32 {
      %mul3A_158 = arith.constant 640 : i32
      %mul3A_159 = arith.muli %arg1, %mul3A_158 : i32
      %mul3A_160 = arith.constant 64 : i32
      %mul3A_161 = arith.muli %scan3A_157, %mul3A_160 : i32
      %add3A_162 = arith.addi %mul3A_159, %mul3A_161 : i32
      "tpu.region"() ({
        %run_scoped3A_163 = tpu.sem_alloc : memref<!tpu.dma_semaphore, #tpu.memory_space<semaphore_mem>>
        %dma_start3A_164 = arith.constant 0 : i32
        %dma_start3A_165 = tpu.memref_slice %arg13[%add3A_162, %dma_start3A_164] : memref<10240x128xf32, #tpu.memory_space<vmem_shared>> -> memref<64x128xf32, #tpu.memory_space<vmem_shared>>
        %dma_start3A_166 = arith.constant 0 : i32
        %dma_start3A_167 = tpu.memref_slice %arg13[%add3A_162, %dma_start3A_166] : memref<10240x128xf32, #tpu.memory_space<vmem_shared>> -> memref<64x128xf32, #tpu.memory_space<vmem_shared>>
        tpu.enqueue_dma source(%arg12 : memref<64x128xf32, #tpu.memory_space<vmem>>) target(%dma_start3A_167 : memref<64x128xf32, #tpu.memory_space<vmem_shared>>) target_semaphore(%run_scoped3A_163 : memref<!tpu.dma_semaphore, #tpu.memory_space<semaphore_mem>>)
        %dma_wait3A_168 = arith.constant 0 : i32
        %dma_wait3A_169 = tpu.memref_slice %arg13[%add3A_162, %dma_wait3A_168] : memref<10240x128xf32, #tpu.memory_space<vmem_shared>> -> memref<64x128xf32, #tpu.memory_space<vmem_shared>>
        %dma_wait3A_170 = arith.constant 0 : i32
        %dma_wait3A_171 = tpu.memref_slice %arg13[%add3A_162, %dma_wait3A_170] : memref<10240x128xf32, #tpu.memory_space<vmem_shared>> -> memref<64x128xf32, #tpu.memory_space<vmem_shared>>
        tpu.wait_dma2 semaphore(%run_scoped3A_163 : memref<!tpu.dma_semaphore, #tpu.memory_space<semaphore_mem>>) src(%arg12 : memref<64x128xf32, #tpu.memory_space<vmem>>) dst(%dma_wait3A_171 : memref<64x128xf32, #tpu.memory_space<vmem_shared>>)
        tpu.yield
      }) : () -> ()
    }
    %scan3A_10 = arith.constant 10 : i32
    %barrier3A = arith.constant 0 : index
    tpu.barrier barrier_id(%barrier3A)
    %mul3A_11 = arith.constant 10000 : i32
    %mul3A_12 = arith.muli %add3A, %mul3A_11 : i32
    %add3A_13 = arith.constant 9856 : i32
    %add3A_14 = arith.addi %mul3A_12, %add3A_13 : i32
    %add3A_15 = arith.constant 0 : i32
    %add3A_16 = arith.addi %mul3A_12, %add3A_15 : i32
    %min3A = arith.minsi %add3A_16, %add3A_14 : i32
    %multiple_of3A = tpu.assume_multiple %min3A, 8 : i32
    %dma_start3A = arith.constant 0 : i32
    %dma_start3A_17 = arith.constant 0 : i32
    %dma_start3A_18 = arith.constant 0 : i32
    %dma_start3A_19 = tpu.memref_slice %arg5[%dma_start3A_17, %dma_start3A_18] : memref<4x128xi32, #tpu.memory_space<vmem>> -> memref<1x128xi32, #tpu.memory_space<vmem>>
    %dma_start3A_20 = tpu.memref_squeeze %dma_start3A_19 : memref<1x128xi32, #tpu.memory_space<vmem>> -> memref<128xi32, #tpu.memory_space<vmem>>
    %dma_start3A_21 = tpu.memref_slice %arg3[%dma_start3A, %multiple_of3A] : memref<2x320000xi32, #tpu.memory_space<hbm>> -> memref<1x128xi32, #tpu.memory_space<hbm>>
    %dma_start3A_22 = tpu.memref_squeeze %dma_start3A_21 : memref<1x128xi32, #tpu.memory_space<hbm>> -> memref<128xi32, #tpu.memory_space<hbm>>
    %dma_start3A_23 = arith.constant 0 : i32
    %dma_start3A_24 = tpu.memref_slice %arg5[%dma_start3A_17, %dma_start3A_23] : memref<4x128xi32, #tpu.memory_space<vmem>> -> memref<1x128xi32, #tpu.memory_space<vmem>>
    %dma_start3A_25 = tpu.memref_squeeze %dma_start3A_24 : memref<1x128xi32, #tpu.memory_space<vmem>> -> memref<128xi32, #tpu.memory_space<vmem>>
    %dma_start3A_26 = tpu.memref_slice %arg3[%dma_start3A, %multiple_of3A] : memref<2x320000xi32, #tpu.memory_space<hbm>> -> memref<1x128xi32, #tpu.memory_space<hbm>>
    %dma_start3A_27 = tpu.memref_squeeze %dma_start3A_26 : memref<1x128xi32, #tpu.memory_space<hbm>> -> memref<128xi32, #tpu.memory_space<hbm>>
    tpu.enqueue_dma source(%dma_start3A_27 : memref<128xi32, #tpu.memory_space<hbm>>) target(%dma_start3A_25 : memref<128xi32, #tpu.memory_space<vmem>>) target_semaphore(%arg14 : memref<!tpu.dma_semaphore, #tpu.memory_space<semaphore_mem>>)
    %dma_start3A_28 = arith.constant 1 : i32
    %dma_start3A_29 = arith.constant 0 : i32
    %dma_start3A_30 = arith.constant 0 : i32
    %dma_start3A_31 = tpu.memref_slice %arg6[%dma_start3A_29, %dma_start3A_30] : memref<4x128xi32, #tpu.memory_space<vmem>> -> memref<1x128xi32, #tpu.memory_space<vmem>>
    %dma_start3A_32 = tpu.memref_squeeze %dma_start3A_31 : memref<1x128xi32, #tpu.memory_space<vmem>> -> memref<128xi32, #tpu.memory_space<vmem>>
    %dma_start3A_33 = tpu.memref_slice %arg3[%dma_start3A_28, %multiple_of3A] : memref<2x320000xi32, #tpu.memory_space<hbm>> -> memref<1x128xi32, #tpu.memory_space<hbm>>
    %dma_start3A_34 = tpu.memref_squeeze %dma_start3A_33 : memref<1x128xi32, #tpu.memory_space<hbm>> -> memref<128xi32, #tpu.memory_space<hbm>>
    %dma_start3A_35 = arith.constant 0 : i32
    %dma_start3A_36 = tpu.memref_slice %arg6[%dma_start3A_29, %dma_start3A_35] : memref<4x128xi32, #tpu.memory_space<vmem>> -> memref<1x128xi32, #tpu.memory_space<vmem>>
    %dma_start3A_37 = tpu.memref_squeeze %dma_start3A_36 : memref<1x128xi32, #tpu.memory_space<vmem>> -> memref<128xi32, #tpu.memory_space<vmem>>
    %dma_start3A_38 = tpu.memref_slice %arg3[%dma_start3A_28, %multiple_of3A] : memref<2x320000xi32, #tpu.memory_space<hbm>> -> memref<1x128xi32, #tpu.memory_space<hbm>>
    %dma_start3A_39 = tpu.memref_squeeze %dma_start3A_38 : memref<1x128xi32, #tpu.memory_space<hbm>> -> memref<128xi32, #tpu.memory_space<hbm>>
    tpu.enqueue_dma source(%dma_start3A_39 : memref<128xi32, #tpu.memory_space<hbm>>) target(%dma_start3A_37 : memref<128xi32, #tpu.memory_space<vmem>>) target_semaphore(%arg14 : memref<!tpu.dma_semaphore, #tpu.memory_space<semaphore_mem>>)
    %add3A_40 = arith.constant 128 : i32
    %add3A_41 = arith.addi %mul3A_12, %add3A_40 : i32
    %min3A_42 = arith.minsi %add3A_41, %add3A_14 : i32
    %multiple_of3A_43 = tpu.assume_multiple %min3A_42, 8 : i32
    %dma_start3A_44 = arith.constant 0 : i32
    %dma_start3A_45 = arith.constant 1 : i32
    %dma_start3A_46 = arith.constant 0 : i32
    %dma_start3A_47 = tpu.memref_slice %arg5[%dma_start3A_45, %dma_start3A_46] : memref<4x128xi32, #tpu.memory_space<vmem>> -> memref<1x128xi32, #tpu.memory_space<vmem>>
    %dma_start3A_48 = tpu.memref_squeeze %dma_start3A_47 : memref<1x128xi32, #tpu.memory_space<vmem>> -> memref<128xi32, #tpu.memory_space<vmem>>
    %dma_start3A_49 = tpu.memref_slice %arg3[%dma_start3A_44, %multiple_of3A_43] : memref<2x320000xi32, #tpu.memory_space<hbm>> -> memref<1x128xi32, #tpu.memory_space<hbm>>
    %dma_start3A_50 = tpu.memref_squeeze %dma_start3A_49 : memref<1x128xi32, #tpu.memory_space<hbm>> -> memref<128xi32, #tpu.memory_space<hbm>>
    %dma_start3A_51 = arith.constant 0 : i32
    %dma_start3A_52 = tpu.memref_slice %arg5[%dma_start3A_45, %dma_start3A_51] : memref<4x128xi32, #tpu.memory_space<vmem>> -> memref<1x128xi32, #tpu.memory_space<vmem>>
    %dma_start3A_53 = tpu.memref_squeeze %dma_start3A_52 : memref<1x128xi32, #tpu.memory_space<vmem>> -> memref<128xi32, #tpu.memory_space<vmem>>
    %dma_start3A_54 = tpu.memref_slice %arg3[%dma_start3A_44, %multiple_of3A_43] : memref<2x320000xi32, #tpu.memory_space<hbm>> -> memref<1x128xi32, #tpu.memory_space<hbm>>
    %dma_start3A_55 = tpu.memref_squeeze %dma_start3A_54 : memref<1x128xi32, #tpu.memory_space<hbm>> -> memref<128xi32, #tpu.memory_space<hbm>>
    tpu.enqueue_dma source(%dma_start3A_55 : memref<128xi32, #tpu.memory_space<hbm>>) target(%dma_start3A_53 : memref<128xi32, #tpu.memory_space<vmem>>) target_semaphore(%arg15 : memref<!tpu.dma_semaphore, #tpu.memory_space<semaphore_mem>>)
    %dma_start3A_56 = arith.constant 1 : i32
    %dma_start3A_57 = arith.constant 1 : i32
    %dma_start3A_58 = arith.constant 0 : i32
    %dma_start3A_59 = tpu.memref_slice %arg6[%dma_start3A_57, %dma_start3A_58] : memref<4x128xi32, #tpu.memory_space<vmem>> -> memref<1x128xi32, #tpu.memory_space<vmem>>
    %dma_start3A_60 = tpu.memref_squeeze %dma_start3A_59 : memref<1x128xi32, #tpu.memory_space<vmem>> -> memref<128xi32, #tpu.memory_space<vmem>>
    %dma_start3A_61 = tpu.memref_slice %arg3[%dma_start3A_56, %multiple_of3A_43] : memref<2x320000xi32, #tpu.memory_space<hbm>> -> memref<1x128xi32, #tpu.memory_space<hbm>>
    %dma_start3A_62 = tpu.memref_squeeze %dma_start3A_61 : memref<1x128xi32, #tpu.memory_space<hbm>> -> memref<128xi32, #tpu.memory_space<hbm>>
    %dma_start3A_63 = arith.constant 0 : i32
    %dma_start3A_64 = tpu.memref_slice %arg6[%dma_start3A_57, %dma_start3A_63] : memref<4x128xi32, #tpu.memory_space<vmem>> -> memref<1x128xi32, #tpu.memory_space<vmem>>
    %dma_start3A_65 = tpu.memref_squeeze %dma_start3A_64 : memref<1x128xi32, #tpu.memory_space<vmem>> -> memref<128xi32, #tpu.memory_space<vmem>>
    %dma_start3A_66 = tpu.memref_slice %arg3[%dma_start3A_56, %multiple_of3A_43] : memref<2x320000xi32, #tpu.memory_space<hbm>> -> memref<1x128xi32, #tpu.memory_space<hbm>>
    %dma_start3A_67 = tpu.memref_squeeze %dma_start3A_66 : memref<1x128xi32, #tpu.memory_space<hbm>> -> memref<128xi32, #tpu.memory_space<hbm>>
    tpu.enqueue_dma source(%dma_start3A_67 : memref<128xi32, #tpu.memory_space<hbm>>) target(%dma_start3A_65 : memref<128xi32, #tpu.memory_space<vmem>>) target_semaphore(%arg15 : memref<!tpu.dma_semaphore, #tpu.memory_space<semaphore_mem>>)
    %dma_wait3A = arith.constant 0 : i32
    %dma_wait3A_68 = arith.constant 0 : i32
    %dma_wait3A_69 = arith.constant 0 : i32
    %dma_wait3A_70 = tpu.memref_slice %arg5[%dma_wait3A_68, %dma_wait3A_69] : memref<4x128xi32, #tpu.memory_space<vmem>> -> memref<1x128xi32, #tpu.memory_space<vmem>>
    %dma_wait3A_71 = tpu.memref_squeeze %dma_wait3A_70 : memref<1x128xi32, #tpu.memory_space<vmem>> -> memref<128xi32, #tpu.memory_space<vmem>>
    %dma_wait3A_72 = arith.constant 0 : i32
    %dma_wait3A_73 = tpu.memref_slice %arg3[%dma_wait3A, %dma_wait3A_72] : memref<2x320000xi32, #tpu.memory_space<hbm>> -> memref<1x128xi32, #tpu.memory_space<hbm>>
    %dma_wait3A_74 = tpu.memref_squeeze %dma_wait3A_73 : memref<1x128xi32, #tpu.memory_space<hbm>> -> memref<128xi32, #tpu.memory_space<hbm>>
    %dma_wait3A_75 = arith.constant 0 : i32
    %dma_wait3A_76 = tpu.memref_slice %arg5[%dma_wait3A_68, %dma_wait3A_75] : memref<4x128xi32, #tpu.memory_space<vmem>> -> memref<1x128xi32, #tpu.memory_space<vmem>>
    %dma_wait3A_77 = tpu.memref_squeeze %dma_wait3A_76 : memref<1x128xi32, #tpu.memory_space<vmem>> -> memref<128xi32, #tpu.memory_space<vmem>>
    %dma_wait3A_78 = arith.constant 0 : i32
    %dma_wait3A_79 = tpu.memref_slice %arg3[%dma_wait3A, %dma_wait3A_78] : memref<2x320000xi32, #tpu.memory_space<hbm>> -> memref<1x128xi32, #tpu.memory_space<hbm>>
    %dma_wait3A_80 = tpu.memref_squeeze %dma_wait3A_79 : memref<1x128xi32, #tpu.memory_space<hbm>> -> memref<128xi32, #tpu.memory_space<hbm>>
    tpu.wait_dma2 semaphore(%arg14 : memref<!tpu.dma_semaphore, #tpu.memory_space<semaphore_mem>>) src(%dma_wait3A_80 : memref<128xi32, #tpu.memory_space<hbm>>) dst(%dma_wait3A_77 : memref<128xi32, #tpu.memory_space<vmem>>)
    %dma_wait3A_81 = arith.constant 1 : i32
    %dma_wait3A_82 = arith.constant 0 : i32
    %dma_wait3A_83 = arith.constant 0 : i32
    %dma_wait3A_84 = tpu.memref_slice %arg6[%dma_wait3A_82, %dma_wait3A_83] : memref<4x128xi32, #tpu.memory_space<vmem>> -> memref<1x128xi32, #tpu.memory_space<vmem>>
    %dma_wait3A_85 = tpu.memref_squeeze %dma_wait3A_84 : memref<1x128xi32, #tpu.memory_space<vmem>> -> memref<128xi32, #tpu.memory_space<vmem>>
    %dma_wait3A_86 = arith.constant 0 : i32
    %dma_wait3A_87 = tpu.memref_slice %arg3[%dma_wait3A_81, %dma_wait3A_86] : memref<2x320000xi32, #tpu.memory_space<hbm>> -> memref<1x128xi32, #tpu.memory_space<hbm>>
    %dma_wait3A_88 = tpu.memref_squeeze %dma_wait3A_87 : memref<1x128xi32, #tpu.memory_space<hbm>> -> memref<128xi32, #tpu.memory_space<hbm>>
    %dma_wait3A_89 = arith.constant 0 : i32
    %dma_wait3A_90 = tpu.memref_slice %arg6[%dma_wait3A_82, %dma_wait3A_89] : memref<4x128xi32, #tpu.memory_space<vmem>> -> memref<1x128xi32, #tpu.memory_space<vmem>>
    %dma_wait3A_91 = tpu.memref_squeeze %dma_wait3A_90 : memref<1x128xi32, #tpu.memory_space<vmem>> -> memref<128xi32, #tpu.memory_space<vmem>>
    %dma_wait3A_92 = arith.constant 0 : i32
    %dma_wait3A_93 = tpu.memref_slice %arg3[%dma_wait3A_81, %dma_wait3A_92] : memref<2x320000xi32, #tpu.memory_space<hbm>> -> memref<1x128xi32, #tpu.memory_space<hbm>>
    %dma_wait3A_94 = tpu.memref_squeeze %dma_wait3A_93 : memref<1x128xi32, #tpu.memory_space<hbm>> -> memref<128xi32, #tpu.memory_space<hbm>>
    tpu.wait_dma2 semaphore(%arg14 : memref<!tpu.dma_semaphore, #tpu.memory_space<semaphore_mem>>) src(%dma_wait3A_94 : memref<128xi32, #tpu.memory_space<hbm>>) dst(%dma_wait3A_91 : memref<128xi32, #tpu.memory_space<vmem>>)
    %dma_start3A_95 = arith.constant 0 : i32
    %dma_start3A_96 = arith.constant 0 : i32
    %dma_start3A_97 = tpu.memref_slice %arg5[%dma_start3A_95, %dma_start3A_96] : memref<4x128xi32, #tpu.memory_space<vmem>> -> memref<1x128xi32, #tpu.memory_space<vmem>>
    %dma_start3A_98 = tpu.memref_squeeze %dma_start3A_97 : memref<1x128xi32, #tpu.memory_space<vmem>> -> memref<128xi32, #tpu.memory_space<vmem>>
    %dma_start3A_99 = arith.constant 0 : i32
    %dma_start3A_100 = arith.constant 0 : i32
    %dma_start3A_101 = tpu.memref_slice %arg2[%dma_start3A_99, %dma_start3A_100] : memref<10000x128xf32, #tpu.memory_space<hbm>> -> memref<10000x128xf32, #tpu.memory_space<hbm>>
    tpu.enqueue_indirect_dma source(%dma_start3A_101 : memref<10000x128xf32, #tpu.memory_space<hbm>>) target(%arg7 : memref<128x128xf32, #tpu.memory_space<vmem>>) offsets(%dma_start3A_98 : memref<128xi32, #tpu.memory_space<vmem>>) semaphore(%arg18 : memref<!tpu.dma_semaphore, #tpu.memory_space<semaphore_mem>>)
    %scan3A_102 = arith.constant 0 : i32
    %scan3A_103 = arith.constant 39 : i32
    %scan3A_104 = arith.addi %scan3A_102, %scan3A_103 : i32
    %scan3A_105 = arith.constant 1 : i32
    scf.for %scan3A_157 = %scan3A_102 to %scan3A_104 step %scan3A_105  : i32 {
      %mul3A_158 = arith.constant 2 : i32
      %mul3A_159 = arith.muli %mul3A_158, %scan3A_157 : i32
      %dma_wait3A_160 = arith.constant 0 : i32
      %dma_wait3A_161 = arith.constant 1 : i32
      %dma_wait3A_162 = arith.constant 0 : i32
      %dma_wait3A_163 = tpu.memref_slice %arg5[%dma_wait3A_161, %dma_wait3A_162] : memref<4x128xi32, #tpu.memory_space<vmem>> -> memref<1x128xi32, #tpu.memory_space<vmem>>
      %dma_wait3A_164 = tpu.memref_squeeze %dma_wait3A_163 : memref<1x128xi32, #tpu.memory_space<vmem>> -> memref<128xi32, #tpu.memory_space<vmem>>
      %dma_wait3A_165 = arith.constant 0 : i32
      %dma_wait3A_166 = tpu.memref_slice %arg3[%dma_wait3A_160, %dma_wait3A_165] : memref<2x320000xi32, #tpu.memory_space<hbm>> -> memref<1x128xi32, #tpu.memory_space<hbm>>
      %dma_wait3A_167 = tpu.memref_squeeze %dma_wait3A_166 : memref<1x128xi32, #tpu.memory_space<hbm>> -> memref<128xi32, #tpu.memory_space<hbm>>
      %dma_wait3A_168 = arith.constant 0 : i32
      %dma_wait3A_169 = tpu.memref_slice %arg5[%dma_wait3A_161, %dma_wait3A_168] : memref<4x128xi32, #tpu.memory_space<vmem>> -> memref<1x128xi32, #tpu.memory_space<vmem>>
      %dma_wait3A_170 = tpu.memref_squeeze %dma_wait3A_169 : memref<1x128xi32, #tpu.memory_space<vmem>> -> memref<128xi32, #tpu.memory_space<vmem>>
      %dma_wait3A_171 = arith.constant 0 : i32
      %dma_wait3A_172 = tpu.memref_slice %arg3[%dma_wait3A_160, %dma_wait3A_171] : memref<2x320000xi32, #tpu.memory_space<hbm>> -> memref<1x128xi32, #tpu.memory_space<hbm>>
      %dma_wait3A_173 = tpu.memref_squeeze %dma_wait3A_172 : memref<1x128xi32, #tpu.memory_space<hbm>> -> memref<128xi32, #tpu.memory_space<hbm>>
      tpu.wait_dma2 semaphore(%arg15 : memref<!tpu.dma_semaphore, #tpu.memory_space<semaphore_mem>>) src(%dma_wait3A_173 : memref<128xi32, #tpu.memory_space<hbm>>) dst(%dma_wait3A_170 : memref<128xi32, #tpu.memory_space<vmem>>)
      %dma_wait3A_174 = arith.constant 1 : i32
      %dma_wait3A_175 = arith.constant 1 : i32
      %dma_wait3A_176 = arith.constant 0 : i32
      %dma_wait3A_177 = tpu.memref_slice %arg6[%dma_wait3A_175, %dma_wait3A_176] : memref<4x128xi32, #tpu.memory_space<vmem>> -> memref<1x128xi32, #tpu.memory_space<vmem>>
      %dma_wait3A_178 = tpu.memref_squeeze %dma_wait3A_177 : memref<1x128xi32, #tpu.memory_space<vmem>> -> memref<128xi32, #tpu.memory_space<vmem>>
      %dma_wait3A_179 = arith.constant 0 : i32
      %dma_wait3A_180 = tpu.memref_slice %arg3[%dma_wait3A_174, %dma_wait3A_179] : memref<2x320000xi32, #tpu.memory_space<hbm>> -> memref<1x128xi32, #tpu.memory_space<hbm>>
      %dma_wait3A_181 = tpu.memref_squeeze %dma_wait3A_180 : memref<1x128xi32, #tpu.memory_space<hbm>> -> memref<128xi32, #tpu.memory_space<hbm>>
      %dma_wait3A_182 = arith.constant 0 : i32
      %dma_wait3A_183 = tpu.memref_slice %arg6[%dma_wait3A_175, %dma_wait3A_182] : memref<4x128xi32, #tpu.memory_space<vmem>> -> memref<1x128xi32, #tpu.memory_space<vmem>>
      %dma_wait3A_184 = tpu.memref_squeeze %dma_wait3A_183 : memref<1x128xi32, #tpu.memory_space<vmem>> -> memref<128xi32, #tpu.memory_space<vmem>>
      %dma_wait3A_185 = arith.constant 0 : i32
      %dma_wait3A_186 = tpu.memref_slice %arg3[%dma_wait3A_174, %dma_wait3A_185] : memref<2x320000xi32, #tpu.memory_space<hbm>> -> memref<1x128xi32, #tpu.memory_space<hbm>>
      %dma_wait3A_187 = tpu.memref_squeeze %dma_wait3A_186 : memref<1x128xi32, #tpu.memory_space<hbm>> -> memref<128xi32, #tpu.memory_space<hbm>>
      tpu.wait_dma2 semaphore(%arg15 : memref<!tpu.dma_semaphore, #tpu.memory_space<semaphore_mem>>) src(%dma_wait3A_187 : memref<128xi32, #tpu.memory_space<hbm>>) dst(%dma_wait3A_184 : memref<128xi32, #tpu.memory_space<vmem>>)
      %dma_start3A_188 = arith.constant 1 : i32
      %dma_start3A_189 = arith.constant 0 : i32
      %dma_start3A_190 = tpu.memref_slice %arg5[%dma_start3A_188, %dma_start3A_189] : memref<4x128xi32, #tpu.memory_space<vmem>> -> memref<1x128xi32, #tpu.memory_space<vmem>>
      %dma_start3A_191 = tpu.memref_squeeze %dma_start3A_190 : memref<1x128xi32, #tpu.memory_space<vmem>> -> memref<128xi32, #tpu.memory_space<vmem>>
      %dma_start3A_192 = arith.constant 0 : i32
      %dma_start3A_193 = arith.constant 0 : i32
      %dma_start3A_194 = tpu.memref_slice %arg2[%dma_start3A_192, %dma_start3A_193] : memref<10000x128xf32, #tpu.memory_space<hbm>> -> memref<10000x128xf32, #tpu.memory_space<hbm>>
      tpu.enqueue_indirect_dma source(%dma_start3A_194 : memref<10000x128xf32, #tpu.memory_space<hbm>>) target(%arg8 : memref<128x128xf32, #tpu.memory_space<vmem>>) offsets(%dma_start3A_191 : memref<128xi32, #tpu.memory_space<vmem>>) semaphore(%arg19 : memref<!tpu.dma_semaphore, #tpu.memory_space<semaphore_mem>>)
      %dma_wait3A_195 = arith.constant 0 : i32
      %dma_wait3A_196 = arith.constant 0 : i32
      %dma_wait3A_197 = tpu.memref_slice %arg5[%dma_wait3A_195, %dma_wait3A_196] : memref<4x128xi32, #tpu.memory_space<vmem>> -> memref<1x128xi32, #tpu.memory_space<vmem>>
      %dma_wait3A_198 = tpu.memref_squeeze %dma_wait3A_197 : memref<1x128xi32, #tpu.memory_space<vmem>> -> memref<128xi32, #tpu.memory_space<vmem>>
      %dma_wait3A_199 = arith.constant 0 : i32
      %dma_wait3A_200 = arith.constant 0 : i32
      %dma_wait3A_201 = tpu.memref_slice %arg2[%dma_wait3A_199, %dma_wait3A_200] : memref<10000x128xf32, #tpu.memory_space<hbm>> -> memref<10000x128xf32, #tpu.memory_space<hbm>>
      tpu.wait_indirect_dma semaphore(%arg18 : memref<!tpu.dma_semaphore, #tpu.memory_space<semaphore_mem>>) src(%dma_wait3A_201 : memref<10000x128xf32, #tpu.memory_space<hbm>>) dst(%arg7 : memref<128x128xf32, #tpu.memory_space<vmem>>)
      %run_scoped3A_202 = arith.constant 0 : i32
      "tpu.region"() ({
        %run_scoped3A_308 = tpu.sem_alloc : memref<!tpu.dma_semaphore, #tpu.memory_space<semaphore_mem>>
        %dma_start3A_309 = arith.constant 0 : i32
        %dma_start3A_310 = tpu.memref_slice %arg6[%run_scoped3A_202, %dma_start3A_309] : memref<4x128xi32, #tpu.memory_space<vmem>> -> memref<1x128xi32, #tpu.memory_space<vmem>>
        %dma_start3A_311 = tpu.memref_squeeze %dma_start3A_310 : memref<1x128xi32, #tpu.memory_space<vmem>> -> memref<128xi32, #tpu.memory_space<vmem>>
        %dma_start3A_312 = arith.constant 0 : i32
        %dma_start3A_313 = arith.constant 0 : i32
        %dma_start3A_314 = tpu.memref_slice %arg13[%dma_start3A_312, %dma_start3A_313] : memref<10240x128xf32, #tpu.memory_space<vmem_shared>> -> memref<10240x128xf32, #tpu.memory_space<vmem_shared>>
        tpu.enqueue_indirect_dma source(%arg7 : memref<128x128xf32, #tpu.memory_space<vmem>>) target(%dma_start3A_314 : memref<10240x128xf32, #tpu.memory_space<vmem_shared>>) offsets(%dma_start3A_311 : memref<128xi32, #tpu.memory_space<vmem>>) semaphore(%run_scoped3A_308 : memref<!tpu.dma_semaphore, #tpu.memory_space<semaphore_mem>>) {add = true}
        %dma_wait3A_315 = arith.constant 0 : i32
        %dma_wait3A_316 = tpu.memref_slice %arg6[%run_scoped3A_202, %dma_wait3A_315] : memref<4x128xi32, #tpu.memory_space<vmem>> -> memref<1x128xi32, #tpu.memory_space<vmem>>
        %dma_wait3A_317 = tpu.memref_squeeze %dma_wait3A_316 : memref<1x128xi32, #tpu.memory_space<vmem>> -> memref<128xi32, #tpu.memory_space<vmem>>
        %dma_wait3A_318 = arith.constant 0 : i32
        %dma_wait3A_319 = arith.constant 0 : i32
        %dma_wait3A_320 = tpu.memref_slice %arg13[%dma_wait3A_318, %dma_wait3A_319] : memref<10240x128xf32, #tpu.memory_space<vmem_shared>> -> memref<10240x128xf32, #tpu.memory_space<vmem_shared>>
        tpu.wait_indirect_dma semaphore(%run_scoped3A_308 : memref<!tpu.dma_semaphore, #tpu.memory_space<semaphore_mem>>) src(%arg7 : memref<128x128xf32, #tpu.memory_space<vmem>>) dst(%dma_wait3A_320 : memref<10240x128xf32, #tpu.memory_space<vmem_shared>>)
        tpu.yield
      }) : () -> ()
      %add3A_203 = arith.constant 2 : i32
      %add3A_204 = arith.addi %mul3A_159, %add3A_203 : i32
      %mul3A_205 = arith.constant 128 : i32
      %mul3A_206 = arith.muli %add3A_204, %mul3A_205 : i32
      %add3A_207 = arith.addi %mul3A_12, %mul3A_206 : i32
      %min3A_208 = arith.minsi %add3A_207, %add3A_14 : i32
      %multiple_of3A_209 = tpu.assume_multiple %min3A_208, 8 : i32
      %dma_start3A_210 = arith.constant 0 : i32
      %dma_start3A_211 = arith.constant 0 : i32
      %dma_start3A_212 = arith.constant 0 : i32
      %dma_start3A_213 = tpu.memref_slice %arg5[%dma_start3A_211, %dma_start3A_212] : memref<4x128xi32, #tpu.memory_space<vmem>> -> memref<1x128xi32, #tpu.memory_space<vmem>>
      %dma_start3A_214 = tpu.memref_squeeze %dma_start3A_213 : memref<1x128xi32, #tpu.memory_space<vmem>> -> memref<128xi32, #tpu.memory_space<vmem>>
      %dma_start3A_215 = tpu.memref_slice %arg3[%dma_start3A_210, %multiple_of3A_209] : memref<2x320000xi32, #tpu.memory_space<hbm>> -> memref<1x128xi32, #tpu.memory_space<hbm>>
      %dma_start3A_216 = tpu.memref_squeeze %dma_start3A_215 : memref<1x128xi32, #tpu.memory_space<hbm>> -> memref<128xi32, #tpu.memory_space<hbm>>
      %dma_start3A_217 = arith.constant 0 : i32
      %dma_start3A_218 = tpu.memref_slice %arg5[%dma_start3A_211, %dma_start3A_217] : memref<4x128xi32, #tpu.memory_space<vmem>> -> memref<1x128xi32, #tpu.memory_space<vmem>>
      %dma_start3A_219 = tpu.memref_squeeze %dma_start3A_218 : memref<1x128xi32, #tpu.memory_space<vmem>> -> memref<128xi32, #tpu.memory_space<vmem>>
      %dma_start3A_220 = tpu.memref_slice %arg3[%dma_start3A_210, %multiple_of3A_209] : memref<2x320000xi32, #tpu.memory_space<hbm>> -> memref<1x128xi32, #tpu.memory_space<hbm>>
      %dma_start3A_221 = tpu.memref_squeeze %dma_start3A_220 : memref<1x128xi32, #tpu.memory_space<hbm>> -> memref<128xi32, #tpu.memory_space<hbm>>
      tpu.enqueue_dma source(%dma_start3A_221 : memref<128xi32, #tpu.memory_space<hbm>>) target(%dma_start3A_219 : memref<128xi32, #tpu.memory_space<vmem>>) target_semaphore(%arg14 : memref<!tpu.dma_semaphore, #tpu.memory_space<semaphore_mem>>)
      %dma_start3A_222 = arith.constant 1 : i32
      %dma_start3A_223 = arith.constant 0 : i32
      %dma_start3A_224 = arith.constant 0 : i32
      %dma_start3A_225 = tpu.memref_slice %arg6[%dma_start3A_223, %dma_start3A_224] : memref<4x128xi32, #tpu.memory_space<vmem>> -> memref<1x128xi32, #tpu.memory_space<vmem>>
      %dma_start3A_226 = tpu.memref_squeeze %dma_start3A_225 : memref<1x128xi32, #tpu.memory_space<vmem>> -> memref<128xi32, #tpu.memory_space<vmem>>
      %dma_start3A_227 = tpu.memref_slice %arg3[%dma_start3A_222, %multiple_of3A_209] : memref<2x320000xi32, #tpu.memory_space<hbm>> -> memref<1x128xi32, #tpu.memory_space<hbm>>
      %dma_start3A_228 = tpu.memref_squeeze %dma_start3A_227 : memref<1x128xi32, #tpu.memory_space<hbm>> -> memref<128xi32, #tpu.memory_space<hbm>>
      %dma_start3A_229 = arith.constant 0 : i32
      %dma_start3A_230 = tpu.memref_slice %arg6[%dma_start3A_223, %dma_start3A_229] : memref<4x128xi32, #tpu.memory_space<vmem>> -> memref<1x128xi32, #tpu.memory_space<vmem>>
      %dma_start3A_231 = tpu.memref_squeeze %dma_start3A_230 : memref<1x128xi32, #tpu.memory_space<vmem>> -> memref<128xi32, #tpu.memory_space<vmem>>
      %dma_start3A_232 = tpu.memref_slice %arg3[%dma_start3A_222, %multiple_of3A_209] : memref<2x320000xi32, #tpu.memory_space<hbm>> -> memref<1x128xi32, #tpu.memory_space<hbm>>
      %dma_start3A_233 = tpu.memref_squeeze %dma_start3A_232 : memref<1x128xi32, #tpu.memory_space<hbm>> -> memref<128xi32, #tpu.memory_space<hbm>>
      tpu.enqueue_dma source(%dma_start3A_233 : memref<128xi32, #tpu.memory_space<hbm>>) target(%dma_start3A_231 : memref<128xi32, #tpu.memory_space<vmem>>) target_semaphore(%arg14 : memref<!tpu.dma_semaphore, #tpu.memory_space<semaphore_mem>>)
      %dma_wait3A_234 = arith.constant 0 : i32
      %dma_wait3A_235 = arith.constant 0 : i32
      %dma_wait3A_236 = arith.constant 0 : i32
      %dma_wait3A_237 = tpu.memref_slice %arg5[%dma_wait3A_235, %dma_wait3A_236] : memref<4x128xi32, #tpu.memory_space<vmem>> -> memref<1x128xi32, #tpu.memory_space<vmem>>
      %dma_wait3A_238 = tpu.memref_squeeze %dma_wait3A_237 : memref<1x128xi32, #tpu.memory_space<vmem>> -> memref<128xi32, #tpu.memory_space<vmem>>
      %dma_wait3A_239 = arith.constant 0 : i32
      %dma_wait3A_240 = tpu.memref_slice %arg3[%dma_wait3A_234, %dma_wait3A_239] : memref<2x320000xi32, #tpu.memory_space<hbm>> -> memref<1x128xi32, #tpu.memory_space<hbm>>
      %dma_wait3A_241 = tpu.memref_squeeze %dma_wait3A_240 : memref<1x128xi32, #tpu.memory_space<hbm>> -> memref<128xi32, #tpu.memory_space<hbm>>
      %dma_wait3A_242 = arith.constant 0 : i32
      %dma_wait3A_243 = tpu.memref_slice %arg5[%dma_wait3A_235, %dma_wait3A_242] : memref<4x128xi32, #tpu.memory_space<vmem>> -> memref<1x128xi32, #tpu.memory_space<vmem>>
      %dma_wait3A_244 = tpu.memref_squeeze %dma_wait3A_243 : memref<1x128xi32, #tpu.memory_space<vmem>> -> memref<128xi32, #tpu.memory_space<vmem>>
      %dma_wait3A_245 = arith.constant 0 : i32
      %dma_wait3A_246 = tpu.memref_slice %arg3[%dma_wait3A_234, %dma_wait3A_245] : memref<2x320000xi32, #tpu.memory_space<hbm>> -> memref<1x128xi32, #tpu.memory_space<hbm>>
      %dma_wait3A_247 = tpu.memref_squeeze %dma_wait3A_246 : memref<1x128xi32, #tpu.memory_space<hbm>> -> memref<128xi32, #tpu.memory_space<hbm>>
      tpu.wait_dma2 semaphore(%arg14 : memref<!tpu.dma_semaphore, #tpu.memory_space<semaphore_mem>>) src(%dma_wait3A_247 : memref<128xi32, #tpu.memory_space<hbm>>) dst(%dma_wait3A_244 : memref<128xi32, #tpu.memory_space<vmem>>)
      %dma_wait3A_248 = arith.constant 1 : i32
      %dma_wait3A_249 = arith.constant 0 : i32
      %dma_wait3A_250 = arith.constant 0 : i32
      %dma_wait3A_251 = tpu.memref_slice %arg6[%dma_wait3A_249, %dma_wait3A_250] : memref<4x128xi32, #tpu.memory_space<vmem>> -> memref<1x128xi32, #tpu.memory_space<vmem>>
      %dma_wait3A_252 = tpu.memref_squeeze %dma_wait3A_251 : memref<1x128xi32, #tpu.memory_space<vmem>> -> memref<128xi32, #tpu.memory_space<vmem>>
      %dma_wait3A_253 = arith.constant 0 : i32
      %dma_wait3A_254 = tpu.memref_slice %arg3[%dma_wait3A_248, %dma_wait3A_253] : memref<2x320000xi32, #tpu.memory_space<hbm>> -> memref<1x128xi32, #tpu.memory_space<hbm>>
      %dma_wait3A_255 = tpu.memref_squeeze %dma_wait3A_254 : memref<1x128xi32, #tpu.memory_space<hbm>> -> memref<128xi32, #tpu.memory_space<hbm>>
      %dma_wait3A_256 = arith.constant 0 : i32
      %dma_wait3A_257 = tpu.memref_slice %arg6[%dma_wait3A_249, %dma_wait3A_256] : memref<4x128xi32, #tpu.memory_space<vmem>> -> memref<1x128xi32, #tpu.memory_space<vmem>>
      %dma_wait3A_258 = tpu.memref_squeeze %dma_wait3A_257 : memref<1x128xi32, #tpu.memory_space<vmem>> -> memref<128xi32, #tpu.memory_space<vmem>>
      %dma_wait3A_259 = arith.constant 0 : i32
      %dma_wait3A_260 = tpu.memref_slice %arg3[%dma_wait3A_248, %dma_wait3A_259] : memref<2x320000xi32, #tpu.memory_space<hbm>> -> memref<1x128xi32, #tpu.memory_space<hbm>>
      %dma_wait3A_261 = tpu.memref_squeeze %dma_wait3A_260 : memref<1x128xi32, #tpu.memory_space<hbm>> -> memref<128xi32, #tpu.memory_space<hbm>>
      tpu.wait_dma2 semaphore(%arg14 : memref<!tpu.dma_semaphore, #tpu.memory_space<semaphore_mem>>) src(%dma_wait3A_261 : memref<128xi32, #tpu.memory_space<hbm>>) dst(%dma_wait3A_258 : memref<128xi32, #tpu.memory_space<vmem>>)
      %dma_start3A_262 = arith.constant 0 : i32
      %dma_start3A_263 = arith.constant 0 : i32
      %dma_start3A_264 = tpu.memref_slice %arg5[%dma_start3A_262, %dma_start3A_263] : memref<4x128xi32, #tpu.memory_space<vmem>> -> memref<1x128xi32, #tpu.memory_space<vmem>>
      %dma_start3A_265 = tpu.memref_squeeze %dma_start3A_264 : memref<1x128xi32, #tpu.memory_space<vmem>> -> memref<128xi32, #tpu.memory_space<vmem>>
      %dma_start3A_266 = arith.constant 0 : i32
      %dma_start3A_267 = arith.constant 0 : i32
      %dma_start3A_268 = tpu.memref_slice %arg2[%dma_start3A_266, %dma_start3A_267] : memref<10000x128xf32, #tpu.memory_space<hbm>> -> memref<10000x128xf32, #tpu.memory_space<hbm>>
      tpu.enqueue_indirect_dma source(%dma_start3A_268 : memref<10000x128xf32, #tpu.memory_space<hbm>>) target(%arg7 : memref<128x128xf32, #tpu.memory_space<vmem>>) offsets(%dma_start3A_265 : memref<128xi32, #tpu.memory_space<vmem>>) semaphore(%arg18 : memref<!tpu.dma_semaphore, #tpu.memory_space<semaphore_mem>>)
      %dma_wait3A_269 = arith.constant 0 : i32
      %dma_wait3A_270 = arith.constant 0 : i32
      %dma_wait3A_271 = tpu.memref_slice %arg5[%dma_wait3A_269, %dma_wait3A_270] : memref<4x128xi32, #tpu.memory_space<vmem>> -> memref<1x128xi32, #tpu.memory_space<vmem>>
      %dma_wait3A_272 = tpu.memref_squeeze %dma_wait3A_271 : memref<1x128xi32, #tpu.memory_space<vmem>> -> memref<128xi32, #tpu.memory_space<vmem>>
      %dma_wait3A_273 = arith.constant 0 : i32
      %dma_wait3A_274 = arith.constant 0 : i32
      %dma_wait3A_275 = tpu.memref_slice %arg2[%dma_wait3A_273, %dma_wait3A_274] : memref<10000x128xf32, #tpu.memory_space<hbm>> -> memref<10000x128xf32, #tpu.memory_space<hbm>>
      tpu.wait_indirect_dma semaphore(%arg19 : memref<!tpu.dma_semaphore, #tpu.memory_space<semaphore_mem>>) src(%dma_wait3A_275 : memref<10000x128xf32, #tpu.memory_space<hbm>>) dst(%arg8 : memref<128x128xf32, #tpu.memory_space<vmem>>)
      %run_scoped3A_276 = arith.constant 1 : i32
      "tpu.region"() ({
        %run_scoped3A_308 = tpu.sem_alloc : memref<!tpu.dma_semaphore, #tpu.memory_space<semaphore_mem>>
        %dma_start3A_309 = arith.constant 0 : i32
        %dma_start3A_310 = tpu.memref_slice %arg6[%run_scoped3A_276, %dma_start3A_309] : memref<4x128xi32, #tpu.memory_space<vmem>> -> memref<1x128xi32, #tpu.memory_space<vmem>>
        %dma_start3A_311 = tpu.memref_squeeze %dma_start3A_310 : memref<1x128xi32, #tpu.memory_space<vmem>> -> memref<128xi32, #tpu.memory_space<vmem>>
        %dma_start3A_312 = arith.constant 0 : i32
        %dma_start3A_313 = arith.constant 0 : i32
        %dma_start3A_314 = tpu.memref_slice %arg13[%dma_start3A_312, %dma_start3A_313] : memref<10240x128xf32, #tpu.memory_space<vmem_shared>> -> memref<10240x128xf32, #tpu.memory_space<vmem_shared>>
        tpu.enqueue_indirect_dma source(%arg8 : memref<128x128xf32, #tpu.memory_space<vmem>>) target(%dma_start3A_314 : memref<10240x128xf32, #tpu.memory_space<vmem_shared>>) offsets(%dma_start3A_311 : memref<128xi32, #tpu.memory_space<vmem>>) semaphore(%run_scoped3A_308 : memref<!tpu.dma_semaphore, #tpu.memory_space<semaphore_mem>>) {add = true}
        %dma_wait3A_315 = arith.constant 0 : i32
        %dma_wait3A_316 = tpu.memref_slice %arg6[%run_scoped3A_276, %dma_wait3A_315] : memref<4x128xi32, #tpu.memory_space<vmem>> -> memref<1x128xi32, #tpu.memory_space<vmem>>
        %dma_wait3A_317 = tpu.memref_squeeze %dma_wait3A_316 : memref<1x128xi32, #tpu.memory_space<vmem>> -> memref<128xi32, #tpu.memory_space<vmem>>
        %dma_wait3A_318 = arith.constant 0 : i32
        %dma_wait3A_319 = arith.constant 0 : i32
        %dma_wait3A_320 = tpu.memref_slice %arg13[%dma_wait3A_318, %dma_wait3A_319] : memref<10240x128xf32, #tpu.memory_space<vmem_shared>> -> memref<10240x128xf32, #tpu.memory_space<vmem_shared>>
        tpu.wait_indirect_dma semaphore(%run_scoped3A_308 : memref<!tpu.dma_semaphore, #tpu.memory_space<semaphore_mem>>) src(%arg8 : memref<128x128xf32, #tpu.memory_space<vmem>>) dst(%dma_wait3A_320 : memref<10240x128xf32, #tpu.memory_space<vmem_shared>>)
        tpu.yield
      }) : () -> ()
      %add3A_277 = arith.constant 3 : i32
      %add3A_278 = arith.addi %mul3A_159, %add3A_277 : i32
      %mul3A_279 = arith.constant 128 : i32
      %mul3A_280 = arith.muli %add3A_278, %mul3A_279 : i32
      %add3A_281 = arith.addi %mul3A_12, %mul3A_280 : i32
      %min3A_282 = arith.minsi %add3A_281, %add3A_14 : i32
      %multiple_of3A_283 = tpu.assume_multiple %min3A_282, 8 : i32
      %dma_start3A_284 = arith.constant 0 : i32
      %dma_start3A_285 = arith.constant 1 : i32
      %dma_start3A_286 = arith.constant 0 : i32
      %dma_start3A_287 = tpu.memref_slice %arg5[%dma_start3A_285, %dma_start3A_286] : memref<4x128xi32, #tpu.memory_space<vmem>> -> memref<1x128xi32, #tpu.memory_space<vmem>>
      %dma_start3A_288 = tpu.memref_squeeze %dma_start3A_287 : memref<1x128xi32, #tpu.memory_space<vmem>> -> memref<128xi32, #tpu.memory_space<vmem>>
      %dma_start3A_289 = tpu.memref_slice %arg3[%dma_start3A_284, %multiple_of3A_283] : memref<2x320000xi32, #tpu.memory_space<hbm>> -> memref<1x128xi32, #tpu.memory_space<hbm>>
      %dma_start3A_290 = tpu.memref_squeeze %dma_start3A_289 : memref<1x128xi32, #tpu.memory_space<hbm>> -> memref<128xi32, #tpu.memory_space<hbm>>
      %dma_start3A_291 = arith.constant 0 : i32
      %dma_start3A_292 = tpu.memref_slice %arg5[%dma_start3A_285, %dma_start3A_291] : memref<4x128xi32, #tpu.memory_space<vmem>> -> memref<1x128xi32, #tpu.memory_space<vmem>>
      %dma_start3A_293 = tpu.memref_squeeze %dma_start3A_292 : memref<1x128xi32, #tpu.memory_space<vmem>> -> memref<128xi32, #tpu.memory_space<vmem>>
      %dma_start3A_294 = tpu.memref_slice %arg3[%dma_start3A_284, %multiple_of3A_283] : memref<2x320000xi32, #tpu.memory_space<hbm>> -> memref<1x128xi32, #tpu.memory_space<hbm>>
      %dma_start3A_295 = tpu.memref_squeeze %dma_start3A_294 : memref<1x128xi32, #tpu.memory_space<hbm>> -> memref<128xi32, #tpu.memory_space<hbm>>
      tpu.enqueue_dma source(%dma_start3A_295 : memref<128xi32, #tpu.memory_space<hbm>>) target(%dma_start3A_293 : memref<128xi32, #tpu.memory_space<vmem>>) target_semaphore(%arg15 : memref<!tpu.dma_semaphore, #tpu.memory_space<semaphore_mem>>)
      %dma_start3A_296 = arith.constant 1 : i32
      %dma_start3A_297 = arith.constant 1 : i32
      %dma_start3A_298 = arith.constant 0 : i32
      %dma_start3A_299 = tpu.memref_slice %arg6[%dma_start3A_297, %dma_start3A_298] : memref<4x128xi32, #tpu.memory_space<vmem>> -> memref<1x128xi32, #tpu.memory_space<vmem>>
      %dma_start3A_300 = tpu.memref_squeeze %dma_start3A_299 : memref<1x128xi32, #tpu.memory_space<vmem>> -> memref<128xi32, #tpu.memory_space<vmem>>
      %dma_start3A_301 = tpu.memref_slice %arg3[%dma_start3A_296, %multiple_of3A_283] : memref<2x320000xi32, #tpu.memory_space<hbm>> -> memref<1x128xi32, #tpu.memory_space<hbm>>
      %dma_start3A_302 = tpu.memref_squeeze %dma_start3A_301 : memref<1x128xi32, #tpu.memory_space<hbm>> -> memref<128xi32, #tpu.memory_space<hbm>>
      %dma_start3A_303 = arith.constant 0 : i32
      %dma_start3A_304 = tpu.memref_slice %arg6[%dma_start3A_297, %dma_start3A_303] : memref<4x128xi32, #tpu.memory_space<vmem>> -> memref<1x128xi32, #tpu.memory_space<vmem>>
      %dma_start3A_305 = tpu.memref_squeeze %dma_start3A_304 : memref<1x128xi32, #tpu.memory_space<vmem>> -> memref<128xi32, #tpu.memory_space<vmem>>
      %dma_start3A_306 = tpu.memref_slice %arg3[%dma_start3A_296, %multiple_of3A_283] : memref<2x320000xi32, #tpu.memory_space<hbm>> -> memref<1x128xi32, #tpu.memory_space<hbm>>
      %dma_start3A_307 = tpu.memref_squeeze %dma_start3A_306 : memref<1x128xi32, #tpu.memory_space<hbm>> -> memref<128xi32, #tpu.memory_space<hbm>>
      tpu.enqueue_dma source(%dma_start3A_307 : memref<128xi32, #tpu.memory_space<hbm>>) target(%dma_start3A_305 : memref<128xi32, #tpu.memory_space<vmem>>) target_semaphore(%arg15 : memref<!tpu.dma_semaphore, #tpu.memory_space<semaphore_mem>>)
    }
    %scan3A_106 = arith.constant 39 : i32
    %dma_wait3A_107 = arith.constant 0 : i32
    %dma_wait3A_108 = arith.constant 0 : i32
    %dma_wait3A_109 = tpu.memref_slice %arg5[%dma_wait3A_107, %dma_wait3A_108] : memref<4x128xi32, #tpu.memory_space<vmem>> -> memref<1x128xi32, #tpu.memory_space<vmem>>
    %dma_wait3A_110 = tpu.memref_squeeze %dma_wait3A_109 : memref<1x128xi32, #tpu.memory_space<vmem>> -> memref<128xi32, #tpu.memory_space<vmem>>
    %dma_wait3A_111 = arith.constant 0 : i32
    %dma_wait3A_112 = arith.constant 0 : i32
    %dma_wait3A_113 = tpu.memref_slice %arg2[%dma_wait3A_111, %dma_wait3A_112] : memref<10000x128xf32, #tpu.memory_space<hbm>> -> memref<10000x128xf32, #tpu.memory_space<hbm>>
    tpu.wait_indirect_dma semaphore(%arg18 : memref<!tpu.dma_semaphore, #tpu.memory_space<semaphore_mem>>) src(%dma_wait3A_113 : memref<10000x128xf32, #tpu.memory_space<hbm>>) dst(%arg7 : memref<128x128xf32, #tpu.memory_space<vmem>>)
    %dma_wait3A_114 = arith.constant 0 : i32
    %dma_wait3A_115 = arith.constant 1 : i32
    %dma_wait3A_116 = arith.constant 0 : i32
    %dma_wait3A_117 = tpu.memref_slice %arg5[%dma_wait3A_115, %dma_wait3A_116] : memref<4x128xi32, #tpu.memory_space<vmem>> -> memref<1x128xi32, #tpu.memory_space<vmem>>
    %dma_wait3A_118 = tpu.memref_squeeze %dma_wait3A_117 : memref<1x128xi32, #tpu.memory_space<vmem>> -> memref<128xi32, #tpu.memory_space<vmem>>
    %dma_wait3A_119 = arith.constant 0 : i32
    %dma_wait3A_120 = tpu.memref_slice %arg3[%dma_wait3A_114, %dma_wait3A_119] : memref<2x320000xi32, #tpu.memory_space<hbm>> -> memref<1x128xi32, #tpu.memory_space<hbm>>
    %dma_wait3A_121 = tpu.memref_squeeze %dma_wait3A_120 : memref<1x128xi32, #tpu.memory_space<hbm>> -> memref<128xi32, #tpu.memory_space<hbm>>
    %dma_wait3A_122 = arith.constant 0 : i32
    %dma_wait3A_123 = tpu.memref_slice %arg5[%dma_wait3A_115, %dma_wait3A_122] : memref<4x128xi32, #tpu.memory_space<vmem>> -> memref<1x128xi32, #tpu.memory_space<vmem>>
    %dma_wait3A_124 = tpu.memref_squeeze %dma_wait3A_123 : memref<1x128xi32, #tpu.memory_space<vmem>> -> memref<128xi32, #tpu.memory_space<vmem>>
    %dma_wait3A_125 = arith.constant 0 : i32
    %dma_wait3A_126 = tpu.memref_slice %arg3[%dma_wait3A_114, %dma_wait3A_125] : memref<2x320000xi32, #tpu.memory_space<hbm>> -> memref<1x128xi32, #tpu.memory_space<hbm>>
    %dma_wait3A_127 = tpu.memref_squeeze %dma_wait3A_126 : memref<1x128xi32, #tpu.memory_space<hbm>> -> memref<128xi32, #tpu.memory_space<hbm>>
    tpu.wait_dma2 semaphore(%arg15 : memref<!tpu.dma_semaphore, #tpu.memory_space<semaphore_mem>>) src(%dma_wait3A_127 : memref<128xi32, #tpu.memory_space<hbm>>) dst(%dma_wait3A_124 : memref<128xi32, #tpu.memory_space<vmem>>)
    %dma_wait3A_128 = arith.constant 1 : i32
    %dma_wait3A_129 = arith.constant 1 : i32
    %dma_wait3A_130 = arith.constant 0 : i32
    %dma_wait3A_131 = tpu.memref_slice %arg6[%dma_wait3A_129, %dma_wait3A_130] : memref<4x128xi32, #tpu.memory_space<vmem>> -> memref<1x128xi32, #tpu.memory_space<vmem>>
    %dma_wait3A_132 = tpu.memref_squeeze %dma_wait3A_131 : memref<1x128xi32, #tpu.memory_space<vmem>> -> memref<128xi32, #tpu.memory_space<vmem>>
    %dma_wait3A_133 = arith.constant 0 : i32
    %dma_wait3A_134 = tpu.memref_slice %arg3[%dma_wait3A_128, %dma_wait3A_133] : memref<2x320000xi32, #tpu.memory_space<hbm>> -> memref<1x128xi32, #tpu.memory_space<hbm>>
    %dma_wait3A_135 = tpu.memref_squeeze %dma_wait3A_134 : memref<1x128xi32, #tpu.memory_space<hbm>> -> memref<128xi32, #tpu.memory_space<hbm>>
    %dma_wait3A_136 = arith.constant 0 : i32
    %dma_wait3A_137 = tpu.memref_slice %arg6[%dma_wait3A_129, %dma_wait3A_136] : memref<4x128xi32, #tpu.memory_space<vmem>> -> memref<1x128xi32, #tpu.memory_space<vmem>>
    %dma_wait3A_138 = tpu.memref_squeeze %dma_wait3A_137 : memref<1x128xi32, #tpu.memory_space<vmem>> -> memref<128xi32, #tpu.memory_space<vmem>>
    %dma_wait3A_139 = arith.constant 0 : i32
    %dma_wait3A_140 = tpu.memref_slice %arg3[%dma_wait3A_128, %dma_wait3A_139] : memref<2x320000xi32, #tpu.memory_space<hbm>> -> memref<1x128xi32, #tpu.memory_space<hbm>>
    %dma_wait3A_141 = tpu.memref_squeeze %dma_wait3A_140 : memref<1x128xi32, #tpu.memory_space<hbm>> -> memref<128xi32, #tpu.memory_space<hbm>>
    tpu.wait_dma2 semaphore(%arg15 : memref<!tpu.dma_semaphore, #tpu.memory_space<semaphore_mem>>) src(%dma_wait3A_141 : memref<128xi32, #tpu.memory_space<hbm>>) dst(%dma_wait3A_138 : memref<128xi32, #tpu.memory_space<vmem>>)
    %add3A_142 = arith.constant 9984 : i32
    %add3A_143 = arith.addi %mul3A_12, %add3A_142 : i32
    %multiple_of3A_144 = tpu.assume_multiple %add3A_143, 8 : i32
    %run_scoped3A = arith.constant 0 : i32
    "tpu.region"() ({
      %run_scoped3A_157 = tpu.sem_alloc : memref<!tpu.dma_semaphore, #tpu.memory_space<semaphore_mem>>
      %dma_start3A_158 = tpu.memref_slice %arg3[%run_scoped3A, %multiple_of3A_144] : memref<2x320000xi32, #tpu.memory_space<hbm>> -> memref<1x16xi32, #tpu.memory_space<hbm>>
      %dma_start3A_159 = tpu.memref_squeeze %dma_start3A_158 : memref<1x16xi32, #tpu.memory_space<hbm>> -> memref<16xi32, #tpu.memory_space<hbm>>
      %dma_start3A_160 = tpu.memref_slice %arg3[%run_scoped3A, %multiple_of3A_144] : memref<2x320000xi32, #tpu.memory_space<hbm>> -> memref<1x16xi32, #tpu.memory_space<hbm>>
      %dma_start3A_161 = tpu.memref_squeeze %dma_start3A_160 : memref<1x16xi32, #tpu.memory_space<hbm>> -> memref<16xi32, #tpu.memory_space<hbm>>
      tpu.enqueue_dma source(%dma_start3A_161 : memref<16xi32, #tpu.memory_space<hbm>>) target(%arg9 : memref<16xi32, #tpu.memory_space<vmem>>) target_semaphore(%run_scoped3A_157 : memref<!tpu.dma_semaphore, #tpu.memory_space<semaphore_mem>>)
      %dma_wait3A_162 = tpu.memref_slice %arg3[%run_scoped3A, %multiple_of3A_144] : memref<2x320000xi32, #tpu.memory_space<hbm>> -> memref<1x16xi32, #tpu.memory_space<hbm>>
      %dma_wait3A_163 = tpu.memref_squeeze %dma_wait3A_162 : memref<1x16xi32, #tpu.memory_space<hbm>> -> memref<16xi32, #tpu.memory_space<hbm>>
      %dma_wait3A_164 = tpu.memref_slice %arg3[%run_scoped3A, %multiple_of3A_144] : memref<2x320000xi32, #tpu.memory_space<hbm>> -> memref<1x16xi32, #tpu.memory_space<hbm>>
      %dma_wait3A_165 = tpu.memref_squeeze %dma_wait3A_164 : memref<1x16xi32, #tpu.memory_space<hbm>> -> memref<16xi32, #tpu.memory_space<hbm>>
      tpu.wait_dma2 semaphore(%run_scoped3A_157 : memref<!tpu.dma_semaphore, #tpu.memory_space<semaphore_mem>>) src(%dma_wait3A_165 : memref<16xi32, #tpu.memory_space<hbm>>) dst(%arg9 : memref<16xi32, #tpu.memory_space<vmem>>)
      tpu.yield
    }) : () -> ()
    %run_scoped3A_145 = arith.constant 1 : i32
    "tpu.region"() ({
      %run_scoped3A_157 = tpu.sem_alloc : memref<!tpu.dma_semaphore, #tpu.memory_space<semaphore_mem>>
      %dma_start3A_158 = tpu.memref_slice %arg3[%run_scoped3A_145, %multiple_of3A_144] : memref<2x320000xi32, #tpu.memory_space<hbm>> -> memref<1x16xi32, #tpu.memory_space<hbm>>
      %dma_start3A_159 = tpu.memref_squeeze %dma_start3A_158 : memref<1x16xi32, #tpu.memory_space<hbm>> -> memref<16xi32, #tpu.memory_space<hbm>>
      %dma_start3A_160 = tpu.memref_slice %arg3[%run_scoped3A_145, %multiple_of3A_144] : memref<2x320000xi32, #tpu.memory_space<hbm>> -> memref<1x16xi32, #tpu.memory_space<hbm>>
      %dma_start3A_161 = tpu.memref_squeeze %dma_start3A_160 : memref<1x16xi32, #tpu.memory_space<hbm>> -> memref<16xi32, #tpu.memory_space<hbm>>
      tpu.enqueue_dma source(%dma_start3A_161 : memref<16xi32, #tpu.memory_space<hbm>>) target(%arg10 : memref<16xi32, #tpu.memory_space<vmem>>) target_semaphore(%run_scoped3A_157 : memref<!tpu.dma_semaphore, #tpu.memory_space<semaphore_mem>>)
      %dma_wait3A_162 = tpu.memref_slice %arg3[%run_scoped3A_145, %multiple_of3A_144] : memref<2x320000xi32, #tpu.memory_space<hbm>> -> memref<1x16xi32, #tpu.memory_space<hbm>>
      %dma_wait3A_163 = tpu.memref_squeeze %dma_wait3A_162 : memref<1x16xi32, #tpu.memory_space<hbm>> -> memref<16xi32, #tpu.memory_space<hbm>>
      %dma_wait3A_164 = tpu.memref_slice %arg3[%run_scoped3A_145, %multiple_of3A_144] : memref<2x320000xi32, #tpu.memory_space<hbm>> -> memref<1x16xi32, #tpu.memory_space<hbm>>
      %dma_wait3A_165 = tpu.memref_squeeze %dma_wait3A_164 : memref<1x16xi32, #tpu.memory_space<hbm>> -> memref<16xi32, #tpu.memory_space<hbm>>
      tpu.wait_dma2 semaphore(%run_scoped3A_157 : memref<!tpu.dma_semaphore, #tpu.memory_space<semaphore_mem>>) src(%dma_wait3A_165 : memref<16xi32, #tpu.memory_space<hbm>>) dst(%arg10 : memref<16xi32, #tpu.memory_space<vmem>>)
      tpu.yield
    }) : () -> ()
    %dma_start3A_146 = arith.constant 0 : i32
    %dma_start3A_147 = arith.constant 0 : i32
    %dma_start3A_148 = tpu.memref_slice %arg2[%dma_start3A_146, %dma_start3A_147] : memref<10000x128xf32, #tpu.memory_space<hbm>> -> memref<10000x128xf32, #tpu.memory_space<hbm>>
    tpu.enqueue_indirect_dma source(%dma_start3A_148 : memref<10000x128xf32, #tpu.memory_space<hbm>>) target(%arg11 : memref<16x128xf32, #tpu.memory_space<vmem>>) offsets(%arg9 : memref<16xi32, #tpu.memory_space<vmem>>) semaphore(%arg18 : memref<!tpu.dma_semaphore, #tpu.memory_space<semaphore_mem>>)
    %dma_wait3A_149 = arith.constant 0 : i32
    %dma_wait3A_150 = arith.constant 0 : i32
    %dma_wait3A_151 = tpu.memref_slice %arg2[%dma_wait3A_149, %dma_wait3A_150] : memref<10000x128xf32, #tpu.memory_space<hbm>> -> memref<10000x128xf32, #tpu.memory_space<hbm>>
    tpu.wait_indirect_dma semaphore(%arg18 : memref<!tpu.dma_semaphore, #tpu.memory_space<semaphore_mem>>) src(%dma_wait3A_151 : memref<10000x128xf32, #tpu.memory_space<hbm>>) dst(%arg11 : memref<16x128xf32, #tpu.memory_space<vmem>>)
    "tpu.region"() ({
      %run_scoped3A_157 = tpu.sem_alloc : memref<!tpu.dma_semaphore, #tpu.memory_space<semaphore_mem>>
      %dma_start3A_158 = arith.constant 0 : i32
      %dma_start3A_159 = arith.constant 0 : i32
      %dma_start3A_160 = tpu.memref_slice %arg13[%dma_start3A_158, %dma_start3A_159] : memref<10240x128xf32, #tpu.memory_space<vmem_shared>> -> memref<10240x128xf32, #tpu.memory_space<vmem_shared>>
      tpu.enqueue_indirect_dma source(%arg11 : memref<16x128xf32, #tpu.memory_space<vmem>>) target(%dma_start3A_160 : memref<10240x128xf32, #tpu.memory_space<vmem_shared>>) offsets(%arg10 : memref<16xi32, #tpu.memory_space<vmem>>) semaphore(%run_scoped3A_157 : memref<!tpu.dma_semaphore, #tpu.memory_space<semaphore_mem>>) {add = true}
      %dma_wait3A_161 = arith.constant 0 : i32
      %dma_wait3A_162 = arith.constant 0 : i32
      %dma_wait3A_163 = tpu.memref_slice %arg13[%dma_wait3A_161, %dma_wait3A_162] : memref<10240x128xf32, #tpu.memory_space<vmem_shared>> -> memref<10240x128xf32, #tpu.memory_space<vmem_shared>>
      tpu.wait_indirect_dma semaphore(%run_scoped3A_157 : memref<!tpu.dma_semaphore, #tpu.memory_space<semaphore_mem>>) src(%arg11 : memref<16x128xf32, #tpu.memory_space<vmem>>) dst(%dma_wait3A_163 : memref<10240x128xf32, #tpu.memory_space<vmem_shared>>)
      tpu.yield
    }) : () -> ()
    %barrier3A_152 = arith.constant 0 : index
    tpu.barrier barrier_id(%barrier3A_152)
    %mul3A_153 = arith.constant 640 : i32
    %mul3A_154 = arith.muli %arg1, %mul3A_153 : i32
    %mul3A_155 = arith.constant 640 : i32
    %mul3A_156 = arith.muli %arg1, %mul3A_155 : i32
    "tpu.region"() ({
      %run_scoped3A_157 = tpu.sem_alloc : memref<!tpu.dma_semaphore, #tpu.memory_space<semaphore_mem>>
      %dma_start3A_158 = arith.constant 0 : i32
      %dma_start3A_159 = tpu.memref_slice %arg4[%arg0, %mul3A_156, %dma_start3A_158] : memref<2x10240x128xf32, #tpu.memory_space<hbm>> -> memref<1x640x128xf32, #tpu.memory_space<hbm>>
      %dma_start3A_160 = tpu.memref_squeeze %dma_start3A_159 : memref<1x640x128xf32, #tpu.memory_space<hbm>> -> memref<640x128xf32, #tpu.memory_space<hbm>>
      %dma_start3A_161 = arith.constant 0 : i32
      %dma_start3A_162 = tpu.memref_slice %arg13[%mul3A_154, %dma_start3A_161] : memref<10240x128xf32, #tpu.memory_space<vmem_shared>> -> memref<640x128xf32, #tpu.memory_space<vmem_shared>>
      tpu.enqueue_dma source(%dma_start3A_162 : memref<640x128xf32, #tpu.memory_space<vmem_shared>>) target(%dma_start3A_160 : memref<640x128xf32, #tpu.memory_space<hbm>>) target_semaphore(%run_scoped3A_157 : memref<!tpu.dma_semaphore, #tpu.memory_space<semaphore_mem>>)
      %dma_wait3A_163 = arith.constant 0 : i32
      %dma_wait3A_164 = tpu.memref_slice %arg4[%arg0, %mul3A_156, %dma_wait3A_163] : memref<2x10240x128xf32, #tpu.memory_space<hbm>> -> memref<1x640x128xf32, #tpu.memory_space<hbm>>
      %dma_wait3A_165 = tpu.memref_squeeze %dma_wait3A_164 : memref<1x640x128xf32, #tpu.memory_space<hbm>> -> memref<640x128xf32, #tpu.memory_space<hbm>>
      %dma_wait3A_166 = arith.constant 0 : i32
      %dma_wait3A_167 = tpu.memref_slice %arg13[%mul3A_154, %dma_wait3A_166] : memref<10240x128xf32, #tpu.memory_space<vmem_shared>> -> memref<640x128xf32, #tpu.memory_space<vmem_shared>>
      tpu.wait_dma2 semaphore(%run_scoped3A_157 : memref<!tpu.dma_semaphore, #tpu.memory_space<semaphore_mem>>) src(%dma_wait3A_167 : memref<640x128xf32, #tpu.memory_space<vmem_shared>>) dst(%dma_wait3A_165 : memref<640x128xf32, #tpu.memory_space<hbm>>)
      tpu.yield
    }) : () -> ()
    return
  }
}

module attributes {stable_mosaic.version = 14 : i64} {
  func.func @_tc1b_body(%arg0: i32, %arg1: memref<2000x128xf32, #tpu.memory_space<vmem>>, %arg2: memref<1x2000x16xf32, #tpu.memory_space<vmem>>, %arg3: memref<1x2000x16xf32, #tpu.memory_space<vmem>>, %arg4: memref<2000x128xf32, #tpu.memory_space<vmem>>, %arg5: memref<2000x128xf32, #tpu.memory_space<vmem>>, %arg6: memref<2000x16xf32, #tpu.memory_space<vmem>>) attributes {dimension_semantics = [#tpu.dimension_semantics<arbitrary>], iteration_bounds = array<i64: 5>, scalar_prefetch = 0 : i64, scratch_operands = 0 : i64, tpu.core_type = #tpu.core_type<tc>, window_params = [{transform_indices = @transform_0, window_bounds = array<i64: 2000, 128>}, {transform_indices = @transform_1, window_bounds = array<i64: 1, 2000, 16>}, {transform_indices = @transform_2, window_bounds = array<i64: 1, 2000, 16>}, {transform_indices = @transform_3, window_bounds = array<i64: 2000, 128>}, {transform_indices = @transform_4, window_bounds = array<i64: 2000, 128>}, {transform_indices = @transform_5, window_bounds = array<i64: 2000, 16>}]} {
    %get3A = arith.constant 0 : index
    %get3A_0 = arith.constant 0 : index
    %get3A_1 = arith.constant 0 : index
    %get3A_2 = vector.load %arg2[%get3A, %get3A_0, %get3A_1] : memref<1x2000x16xf32, #tpu.memory_space<vmem>>, vector<1x2000x16xf32>
    %get3A_3 = vector.shape_cast %get3A_2 : vector<1x2000x16xf32> to vector<2000x16xf32>
    %slice3A = vector.extract_strided_slice %get3A_3 {offsets = [0, 0], sizes = [2000, 1], strides = [1, 1]} : vector<2000x16xf32> to vector<2000x1xf32>
    %get3A_4 = arith.constant 0 : index
    %get3A_5 = arith.constant 0 : index
    %get3A_6 = arith.constant 0 : index
    %get3A_7 = vector.load %arg3[%get3A_4, %get3A_5, %get3A_6] : memref<1x2000x16xf32, #tpu.memory_space<vmem>>, vector<1x2000x16xf32>
    %get3A_8 = vector.shape_cast %get3A_7 : vector<1x2000x16xf32> to vector<2000x16xf32>
    %slice3A_9 = vector.extract_strided_slice %get3A_8 {offsets = [0, 0], sizes = [2000, 1], strides = [1, 1]} : vector<2000x16xf32> to vector<2000x1xf32>
    %add3A = arith.addf %slice3A, %slice3A_9 : vector<2000x1xf32>
    %add3A_10 = arith.constant 1.000000e+00 : f32
    %add3A_11 = vector.broadcast %add3A_10 : f32 to vector<2000x1xf32>
    %add3A_12 = arith.addf %add3A, %add3A_11 : vector<2000x1xf32>
    %rsqrt3A = math.rsqrt %add3A_12 : vector<2000x1xf32>
    %get3A_13 = arith.constant 0 : index
    %get3A_14 = arith.constant 0 : index
    %get3A_15 = vector.load %arg1[%get3A_13, %get3A_14] : memref<2000x128xf32, #tpu.memory_space<vmem>>, vector<2000x128xf32>
    %mul3A = vector.broadcast %rsqrt3A : vector<2000x1xf32> to vector<2000x128xf32>
    %mul3A_16 = arith.mulf %get3A_15, %mul3A : vector<2000x128xf32>
    %swap3A = arith.constant 0 : index
    %swap3A_17 = arith.constant 0 : index
    %swap3A_18 = vector.load %arg4[%swap3A, %swap3A_17] : memref<2000x128xf32, #tpu.memory_space<vmem>>, vector<2000x128xf32>
    tpu.vector_store %arg4[%swap3A, %swap3A_17], %mul3A_16 {strides = array<i32>} : memref<2000x128xf32, #tpu.memory_space<vmem>>, vector<2000x128xf32>,
    %mul3A_19 = vector.broadcast %rsqrt3A : vector<2000x1xf32> to vector<2000x128xf32>
    %mul3A_20 = arith.mulf %mul3A_16, %mul3A_19 : vector<2000x128xf32>
    %swap3A_21 = arith.constant 0 : index
    %swap3A_22 = arith.constant 0 : index
    %swap3A_23 = vector.load %arg5[%swap3A_21, %swap3A_22] : memref<2000x128xf32, #tpu.memory_space<vmem>>, vector<2000x128xf32>
    tpu.vector_store %arg5[%swap3A_21, %swap3A_22], %mul3A_20 {strides = array<i32>} : memref<2000x128xf32, #tpu.memory_space<vmem>>, vector<2000x128xf32>,
    %broadcast_in_dim3A = arith.constant 1.000000e+00 : f32
    %broadcast_in_dim3A_24 = vector.broadcast %broadcast_in_dim3A : f32 to vector<1x16xf32>
    %mul3A_25 = vector.broadcast %rsqrt3A : vector<2000x1xf32> to vector<2000x16xf32>
    %mul3A_26 = vector.broadcast %broadcast_in_dim3A_24 : vector<1x16xf32> to vector<2000x16xf32>
    %mul3A_27 = arith.mulf %mul3A_25, %mul3A_26 : vector<2000x16xf32>
    %swap3A_28 = arith.constant 0 : index
    %swap3A_29 = arith.constant 0 : index
    %swap3A_30 = vector.load %arg6[%swap3A_28, %swap3A_29] : memref<2000x16xf32, #tpu.memory_space<vmem>>, vector<2000x16xf32>
    tpu.vector_store %arg6[%swap3A_28, %swap3A_29], %mul3A_27 {strides = array<i32>} : memref<2000x16xf32, #tpu.memory_space<vmem>>, vector<2000x16xf32>,
    return
  }
  func.func @transform_0(%arg0: i32) -> (i32, i32) {
    %c0_i32 = arith.constant 0 : i32
    %c0_i32_0 = arith.constant 0 : i32
    return %arg0, %c0_i32 : i32, i32
  }
  func.func @transform_1(%arg0: i32) -> (i32, i32, i32) {
    %c0_i32 = arith.constant 0 : i32
    %c0_i32_0 = arith.constant 0 : i32
    %c0_i32_1 = arith.constant 0 : i32
    return %c0_i32, %arg0, %c0_i32_0 : i32, i32, i32
  }
  func.func @transform_2(%arg0: i32) -> (i32, i32, i32) {
    %c1_i32 = arith.constant 1 : i32
    %c0_i32 = arith.constant 0 : i32
    %c0_i32_0 = arith.constant 0 : i32
    return %c1_i32, %arg0, %c0_i32 : i32, i32, i32
  }
  func.func @transform_3(%arg0: i32) -> (i32, i32) {
    %c0_i32 = arith.constant 0 : i32
    %c0_i32_0 = arith.constant 0 : i32
    return %arg0, %c0_i32 : i32, i32
  }
  func.func @transform_4(%arg0: i32) -> (i32, i32) {
    %c0_i32 = arith.constant 0 : i32
    %c0_i32_0 = arith.constant 0 : i32
    return %arg0, %c0_i32 : i32, i32
  }
  func.func @transform_5(%arg0: i32) -> (i32, i32) {
    %c0_i32 = arith.constant 0 : i32
    %c0_i32_0 = arith.constant 0 : i32
    return %arg0, %c0_i32 : i32, i32
  }
}

module attributes {stable_mosaic.version = 14 : i64} {
  func.func @_tc1_body(%arg0: i32, %arg1: memref<2000x128xf32, #tpu.memory_space<vmem>>, %arg2: memref<1x128xf32, #tpu.memory_space<vmem>>, %arg3: memref<1x128xf32, #tpu.memory_space<vmem>>, %arg4: memref<128x128xf32, #tpu.memory_space<vmem>>, %arg5: memref<2000x128xf32, #tpu.memory_space<vmem>>) attributes {dimension_semantics = [#tpu.dimension_semantics<arbitrary>], iteration_bounds = array<i64: 5>, scalar_prefetch = 0 : i64, scratch_operands = 0 : i64, tpu.core_type = #tpu.core_type<tc>, window_params = [{transform_indices = @transform_0, window_bounds = array<i64: 2000, 128>}, {pipeline_mode = #tpu.pipeline_mode<synchronous>, transform_indices = @transform_1, window_bounds = array<i64: 1, 128>}, {pipeline_mode = #tpu.pipeline_mode<synchronous>, transform_indices = @transform_2, window_bounds = array<i64: 1, 128>}, {pipeline_mode = #tpu.pipeline_mode<synchronous>, transform_indices = @transform_3, window_bounds = array<i64: 128, 128>}, {transform_indices = @transform_4, window_bounds = array<i64: 2000, 128>}]} {
    %get3A = arith.constant 0 : index
    %get3A_0 = arith.constant 0 : index
    %get3A_1 = vector.load %arg1[%get3A, %get3A_0] : memref<2000x128xf32, #tpu.memory_space<vmem>>, vector<2000x128xf32>
    %reduce_sum3A = arith.constant dense<0.000000e+00> : vector<2000xf32>
    %reduce_sum3A_2 = vector.multi_reduction <add>, %get3A_1, %reduce_sum3A [1] : vector<2000x128xf32> to vector<2000xf32>
    %broadcast_in_dim3A = vector.shape_cast %reduce_sum3A_2 : vector<2000xf32> to vector<2000x1xf32>
    %div3A = arith.constant 1.280000e+02 : f32
    %div3A_3 = vector.broadcast %div3A : f32 to vector<2000x1xf32>
    %div3A_4 = arith.divf %broadcast_in_dim3A, %div3A_3 : vector<2000x1xf32>
    %sub3A = vector.broadcast %div3A_4 : vector<2000x1xf32> to vector<2000x128xf32>
    %sub3A_5 = arith.subf %get3A_1, %sub3A : vector<2000x128xf32>
    %mul3A = arith.mulf %sub3A_5, %sub3A_5 : vector<2000x128xf32>
    %reduce_sum3A_6 = arith.constant dense<0.000000e+00> : vector<2000xf32>
    %reduce_sum3A_7 = vector.multi_reduction <add>, %mul3A, %reduce_sum3A_6 [1] : vector<2000x128xf32> to vector<2000xf32>
    %broadcast_in_dim3A_8 = vector.shape_cast %reduce_sum3A_7 : vector<2000xf32> to vector<2000x1xf32>
    %div3A_9 = arith.constant 1.280000e+02 : f32
    %div3A_10 = vector.broadcast %div3A_9 : f32 to vector<2000x1xf32>
    %div3A_11 = arith.divf %broadcast_in_dim3A_8, %div3A_10 : vector<2000x1xf32>
    %add3A = arith.constant 9.99999974E-6 : f32
    %add3A_12 = vector.broadcast %add3A : f32 to vector<2000x1xf32>
    %add3A_13 = arith.addf %div3A_11, %add3A_12 : vector<2000x1xf32>
    %rsqrt3A = math.rsqrt %add3A_13 : vector<2000x1xf32>
    %mul3A_14 = vector.broadcast %rsqrt3A : vector<2000x1xf32> to vector<2000x128xf32>
    %mul3A_15 = arith.mulf %sub3A_5, %mul3A_14 : vector<2000x128xf32>
    %get3A_16 = arith.constant 0 : index
    %get3A_17 = arith.constant 0 : index
    %get3A_18 = vector.load %arg2[%get3A_16, %get3A_17] : memref<1x128xf32, #tpu.memory_space<vmem>>, vector<1x128xf32>
    %mul3A_19 = vector.broadcast %get3A_18 : vector<1x128xf32> to vector<2000x128xf32>
    %mul3A_20 = arith.mulf %mul3A_15, %mul3A_19 : vector<2000x128xf32>
    %get3A_21 = arith.constant 0 : index
    %get3A_22 = arith.constant 0 : index
    %get3A_23 = vector.load %arg3[%get3A_21, %get3A_22] : memref<1x128xf32, #tpu.memory_space<vmem>>, vector<1x128xf32>
    %add3A_24 = vector.broadcast %get3A_23 : vector<1x128xf32> to vector<2000x128xf32>
    %add3A_25 = arith.addf %mul3A_20, %add3A_24 : vector<2000x128xf32>
    %get3A_26 = arith.constant 0 : index
    %get3A_27 = arith.constant 0 : index
    %get3A_28 = vector.load %arg4[%get3A_26, %get3A_27] : memref<128x128xf32, #tpu.memory_space<vmem>>, vector<128x128xf32>
    %dot_general3A = arith.constant dense<0.000000e+00> : vector<2000x128xf32>
    %dot_general3A_29 = tpu.matmul %add3A_25, %get3A_28, %dot_general3A {dimension_numbers = #tpu.dot_dimension_numbers<[1], [0], [0], [1], [0, 0, 1, 1], [], []>, transpose_lhs_hint = false} : vector<2000x128xf32>, vector<128x128xf32>, vector<2000x128xf32> -> vector<2000x128xf32>
    %swap3A = arith.constant 0 : index
    %swap3A_30 = arith.constant 0 : index
    %swap3A_31 = vector.load %arg5[%swap3A, %swap3A_30] : memref<2000x128xf32, #tpu.memory_space<vmem>>, vector<2000x128xf32>
    tpu.vector_store %arg5[%swap3A, %swap3A_30], %dot_general3A_29 {strides = array<i32>} : memref<2000x128xf32, #tpu.memory_space<vmem>>, vector<2000x128xf32>,
    return
  }
  func.func @transform_0(%arg0: i32) -> (i32, i32) {
    %c0_i32 = arith.constant 0 : i32
    %c0_i32_0 = arith.constant 0 : i32
    return %arg0, %c0_i32 : i32, i32
  }
  func.func @transform_1(%arg0: i32) -> (i32, i32) {
    %c0_i32 = arith.constant 0 : i32
    %c0_i32_0 = arith.constant 0 : i32
    %c0_i32_1 = arith.constant 0 : i32
    return %c0_i32, %c0_i32_0 : i32, i32
  }
  func.func @transform_2(%arg0: i32) -> (i32, i32) {
    %c0_i32 = arith.constant 0 : i32
    %c0_i32_0 = arith.constant 0 : i32
    %c0_i32_1 = arith.constant 0 : i32
    return %c0_i32, %c0_i32_0 : i32, i32
  }
  func.func @transform_3(%arg0: i32) -> (i32, i32) {
    %c0_i32 = arith.constant 0 : i32
    %c0_i32_0 = arith.constant 0 : i32
    %c0_i32_1 = arith.constant 0 : i32
    return %c0_i32, %c0_i32_0 : i32, i32
  }
  func.func @transform_4(%arg0: i32) -> (i32, i32) {
    %c0_i32 = arith.constant 0 : i32
    %c0_i32_0 = arith.constant 0 : i32
    return %arg0, %c0_i32 : i32, i32
  }
}

module attributes {stable_mosaic.version = 14 : i64} {
  func.func @_mid_body(%arg0: i32, %arg1: memref<1x2000x128xf32, #tpu.memory_space<vmem>>, %arg2: memref<1x2000x128xf32, #tpu.memory_space<vmem>>, %arg3: memref<2000x128xf32, #tpu.memory_space<vmem>>, %arg4: memref<1x128xf32, #tpu.memory_space<vmem>>, %arg5: memref<2000x16xf32, #tpu.memory_space<vmem>>, %arg6: memref<128x128xf32, #tpu.memory_space<vmem>>, %arg7: memref<2000x128xf32, #tpu.memory_space<vmem>>, %arg8: memref<2000x128xf32, #tpu.memory_space<vmem>>) attributes {dimension_semantics = [#tpu.dimension_semantics<arbitrary>], iteration_bounds = array<i64: 5>, scalar_prefetch = 0 : i64, scratch_operands = 0 : i64, tpu.core_type = #tpu.core_type<tc>, window_params = [{transform_indices = @transform_0, window_bounds = array<i64: 1, 2000, 128>}, {transform_indices = @transform_1, window_bounds = array<i64: 1, 2000, 128>}, {transform_indices = @transform_2, window_bounds = array<i64: 2000, 128>}, {pipeline_mode = #tpu.pipeline_mode<synchronous>, transform_indices = @transform_3, window_bounds = array<i64: 1, 128>}, {transform_indices = @transform_4, window_bounds = array<i64: 2000, 16>}, {pipeline_mode = #tpu.pipeline_mode<synchronous>, transform_indices = @transform_5, window_bounds = array<i64: 128, 128>}, {transform_indices = @transform_6, window_bounds = array<i64: 2000, 128>}, {transform_indices = @transform_7, window_bounds = array<i64: 2000, 128>}]} {
    %get3A = arith.constant 0 : index
    %get3A_0 = arith.constant 0 : index
    %get3A_1 = vector.load %arg5[%get3A, %get3A_0] : memref<2000x16xf32, #tpu.memory_space<vmem>>, vector<2000x1xf32>
    %get3A_2 = arith.constant 0 : index
    %get3A_3 = arith.constant 0 : index
    %get3A_4 = arith.constant 0 : index
    %get3A_5 = vector.load %arg1[%get3A_2, %get3A_3, %get3A_4] : memref<1x2000x128xf32, #tpu.memory_space<vmem>>, vector<1x2000x128xf32>
    %get3A_6 = vector.shape_cast %get3A_5 : vector<1x2000x128xf32> to vector<2000x128xf32>
    %get3A_7 = arith.constant 0 : index
    %get3A_8 = arith.constant 0 : index
    %get3A_9 = arith.constant 0 : index
    %get3A_10 = vector.load %arg2[%get3A_7, %get3A_8, %get3A_9] : memref<1x2000x128xf32, #tpu.memory_space<vmem>>, vector<1x2000x128xf32>
    %get3A_11 = vector.shape_cast %get3A_10 : vector<1x2000x128xf32> to vector<2000x128xf32>
    %add3A = arith.addf %get3A_6, %get3A_11 : vector<2000x128xf32>
    %mul3A = vector.broadcast %get3A_1 : vector<2000x1xf32> to vector<2000x128xf32>
    %mul3A_12 = arith.mulf %mul3A, %add3A : vector<2000x128xf32>
    %get3A_13 = arith.constant 0 : index
    %get3A_14 = arith.constant 0 : index
    %get3A_15 = vector.load %arg3[%get3A_13, %get3A_14] : memref<2000x128xf32, #tpu.memory_space<vmem>>, vector<2000x128xf32>
    %add3A_16 = arith.addf %mul3A_12, %get3A_15 : vector<2000x128xf32>
    %get3A_17 = arith.constant 0 : index
    %get3A_18 = arith.constant 0 : index
    %get3A_19 = vector.load %arg4[%get3A_17, %get3A_18] : memref<1x128xf32, #tpu.memory_space<vmem>>, vector<1x128xf32>
    %add3A_20 = vector.broadcast %get3A_19 : vector<1x128xf32> to vector<2000x128xf32>
    %add3A_21 = arith.addf %add3A_16, %add3A_20 : vector<2000x128xf32>
    %max3A = arith.constant 0.000000e+00 : f32
    %max3A_22 = vector.broadcast %max3A : f32 to vector<2000x128xf32>
    %max3A_23 = arith.maximumf %add3A_21, %max3A_22 : vector<2000x128xf32>
    %mul3A_24 = vector.broadcast %get3A_1 : vector<2000x1xf32> to vector<2000x128xf32>
    %mul3A_25 = arith.mulf %max3A_23, %mul3A_24 : vector<2000x128xf32>
    %get3A_26 = arith.constant 0 : index
    %get3A_27 = arith.constant 0 : index
    %get3A_28 = vector.load %arg6[%get3A_26, %get3A_27] : memref<128x128xf32, #tpu.memory_space<vmem>>, vector<128x128xf32>
    %dot_general3A = arith.constant dense<0.000000e+00> : vector<2000x128xf32>
    %dot_general3A_29 = tpu.matmul %mul3A_25, %get3A_28, %dot_general3A {dimension_numbers = #tpu.dot_dimension_numbers<[1], [0], [0], [1], [0, 0, 1, 1], [], []>, transpose_lhs_hint = false} : vector<2000x128xf32>, vector<128x128xf32>, vector<2000x128xf32> -> vector<2000x128xf32>
    %swap3A = arith.constant 0 : index
    %swap3A_30 = arith.constant 0 : index
    %swap3A_31 = vector.load %arg7[%swap3A, %swap3A_30] : memref<2000x128xf32, #tpu.memory_space<vmem>>, vector<2000x128xf32>
    tpu.vector_store %arg7[%swap3A, %swap3A_30], %dot_general3A_29 {strides = array<i32>} : memref<2000x128xf32, #tpu.memory_space<vmem>>, vector<2000x128xf32>,
    %mul3A_32 = vector.broadcast %get3A_1 : vector<2000x1xf32> to vector<2000x128xf32>
    %mul3A_33 = arith.mulf %dot_general3A_29, %mul3A_32 : vector<2000x128xf32>
    %swap3A_34 = arith.constant 0 : index
    %swap3A_35 = arith.constant 0 : index
    %swap3A_36 = vector.load %arg8[%swap3A_34, %swap3A_35] : memref<2000x128xf32, #tpu.memory_space<vmem>>, vector<2000x128xf32>
    tpu.vector_store %arg8[%swap3A_34, %swap3A_35], %mul3A_33 {strides = array<i32>} : memref<2000x128xf32, #tpu.memory_space<vmem>>, vector<2000x128xf32>,
    return
  }
  func.func @transform_0(%arg0: i32) -> (i32, i32, i32) {
    %c0_i32 = arith.constant 0 : i32
    %c0_i32_0 = arith.constant 0 : i32
    %c0_i32_1 = arith.constant 0 : i32
    return %c0_i32, %arg0, %c0_i32_0 : i32, i32, i32
  }
  func.func @transform_1(%arg0: i32) -> (i32, i32, i32) {
    %c1_i32 = arith.constant 1 : i32
    %c0_i32 = arith.constant 0 : i32
    %c0_i32_0 = arith.constant 0 : i32
    return %c1_i32, %arg0, %c0_i32 : i32, i32, i32
  }
  func.func @transform_2(%arg0: i32) -> (i32, i32) {
    %c0_i32 = arith.constant 0 : i32
    %c0_i32_0 = arith.constant 0 : i32
    return %arg0, %c0_i32 : i32, i32
  }
  func.func @transform_3(%arg0: i32) -> (i32, i32) {
    %c0_i32 = arith.constant 0 : i32
    %c0_i32_0 = arith.constant 0 : i32
    %c0_i32_1 = arith.constant 0 : i32
    return %c0_i32, %c0_i32_0 : i32, i32
  }
  func.func @transform_4(%arg0: i32) -> (i32, i32) {
    %c0_i32 = arith.constant 0 : i32
    %c0_i32_0 = arith.constant 0 : i32
    return %arg0, %c0_i32 : i32, i32
  }
  func.func @transform_5(%arg0: i32) -> (i32, i32) {
    %c0_i32 = arith.constant 0 : i32
    %c0_i32_0 = arith.constant 0 : i32
    %c0_i32_1 = arith.constant 0 : i32
    return %c0_i32, %c0_i32_0 : i32, i32
  }
  func.func @transform_6(%arg0: i32) -> (i32, i32) {
    %c0_i32 = arith.constant 0 : i32
    %c0_i32_0 = arith.constant 0 : i32
    return %arg0, %c0_i32 : i32, i32
  }
  func.func @transform_7(%arg0: i32) -> (i32, i32) {
    %c0_i32 = arith.constant 0 : i32
    %c0_i32_0 = arith.constant 0 : i32
    return %arg0, %c0_i32 : i32, i32
  }
}

module attributes {stable_mosaic.version = 14 : i64} {
  func.func @_mid_body(%arg0: i32, %arg1: memref<1x2000x128xf32, #tpu.memory_space<vmem>>, %arg2: memref<1x2000x128xf32, #tpu.memory_space<vmem>>, %arg3: memref<2000x128xf32, #tpu.memory_space<vmem>>, %arg4: memref<1x128xf32, #tpu.memory_space<vmem>>, %arg5: memref<2000x16xf32, #tpu.memory_space<vmem>>, %arg6: memref<128x32xf32, #tpu.memory_space<vmem>>, %arg7: memref<2000x32xf32, #tpu.memory_space<vmem>>, %arg8: memref<2000x32xf32, #tpu.memory_space<vmem>>) attributes {dimension_semantics = [#tpu.dimension_semantics<arbitrary>], iteration_bounds = array<i64: 5>, scalar_prefetch = 0 : i64, scratch_operands = 0 : i64, tpu.core_type = #tpu.core_type<tc>, window_params = [{transform_indices = @transform_0, window_bounds = array<i64: 1, 2000, 128>}, {transform_indices = @transform_1, window_bounds = array<i64: 1, 2000, 128>}, {transform_indices = @transform_2, window_bounds = array<i64: 2000, 128>}, {pipeline_mode = #tpu.pipeline_mode<synchronous>, transform_indices = @transform_3, window_bounds = array<i64: 1, 128>}, {transform_indices = @transform_4, window_bounds = array<i64: 2000, 16>}, {pipeline_mode = #tpu.pipeline_mode<synchronous>, transform_indices = @transform_5, window_bounds = array<i64: 128, 32>}, {transform_indices = @transform_6, window_bounds = array<i64: 2000, 32>}, {transform_indices = @transform_7, window_bounds = array<i64: 2000, 32>}]} {
    %get3A = arith.constant 0 : index
    %get3A_0 = arith.constant 0 : index
    %get3A_1 = vector.load %arg5[%get3A, %get3A_0] : memref<2000x16xf32, #tpu.memory_space<vmem>>, vector<2000x1xf32>
    %get3A_2 = arith.constant 0 : index
    %get3A_3 = arith.constant 0 : index
    %get3A_4 = arith.constant 0 : index
    %get3A_5 = vector.load %arg1[%get3A_2, %get3A_3, %get3A_4] : memref<1x2000x128xf32, #tpu.memory_space<vmem>>, vector<1x2000x128xf32>
    %get3A_6 = vector.shape_cast %get3A_5 : vector<1x2000x128xf32> to vector<2000x128xf32>
    %get3A_7 = arith.constant 0 : index
    %get3A_8 = arith.constant 0 : index
    %get3A_9 = arith.constant 0 : index
    %get3A_10 = vector.load %arg2[%get3A_7, %get3A_8, %get3A_9] : memref<1x2000x128xf32, #tpu.memory_space<vmem>>, vector<1x2000x128xf32>
    %get3A_11 = vector.shape_cast %get3A_10 : vector<1x2000x128xf32> to vector<2000x128xf32>
    %add3A = arith.addf %get3A_6, %get3A_11 : vector<2000x128xf32>
    %mul3A = vector.broadcast %get3A_1 : vector<2000x1xf32> to vector<2000x128xf32>
    %mul3A_12 = arith.mulf %mul3A, %add3A : vector<2000x128xf32>
    %get3A_13 = arith.constant 0 : index
    %get3A_14 = arith.constant 0 : index
    %get3A_15 = vector.load %arg3[%get3A_13, %get3A_14] : memref<2000x128xf32, #tpu.memory_space<vmem>>, vector<2000x128xf32>
    %add3A_16 = arith.addf %mul3A_12, %get3A_15 : vector<2000x128xf32>
    %get3A_17 = arith.constant 0 : index
    %get3A_18 = arith.constant 0 : index
    %get3A_19 = vector.load %arg4[%get3A_17, %get3A_18] : memref<1x128xf32, #tpu.memory_space<vmem>>, vector<1x128xf32>
    %add3A_20 = vector.broadcast %get3A_19 : vector<1x128xf32> to vector<2000x128xf32>
    %add3A_21 = arith.addf %add3A_16, %add3A_20 : vector<2000x128xf32>
    %max3A = arith.constant 0.000000e+00 : f32
    %max3A_22 = vector.broadcast %max3A : f32 to vector<2000x128xf32>
    %max3A_23 = arith.maximumf %add3A_21, %max3A_22 : vector<2000x128xf32>
    %mul3A_24 = vector.broadcast %get3A_1 : vector<2000x1xf32> to vector<2000x128xf32>
    %mul3A_25 = arith.mulf %max3A_23, %mul3A_24 : vector<2000x128xf32>
    %get3A_26 = arith.constant 0 : index
    %get3A_27 = arith.constant 0 : index
    %get3A_28 = vector.load %arg6[%get3A_26, %get3A_27] : memref<128x32xf32, #tpu.memory_space<vmem>>, vector<128x32xf32>
    %dot_general3A = arith.constant dense<0.000000e+00> : vector<2000x32xf32>
    %dot_general3A_29 = tpu.matmul %mul3A_25, %get3A_28, %dot_general3A {dimension_numbers = #tpu.dot_dimension_numbers<[1], [0], [0], [1], [0, 0, 1, 1], [], []>, transpose_lhs_hint = false} : vector<2000x128xf32>, vector<128x32xf32>, vector<2000x32xf32> -> vector<2000x32xf32>
    %swap3A = arith.constant 0 : index
    %swap3A_30 = arith.constant 0 : index
    %swap3A_31 = vector.load %arg7[%swap3A, %swap3A_30] : memref<2000x32xf32, #tpu.memory_space<vmem>>, vector<2000x32xf32>
    tpu.vector_store %arg7[%swap3A, %swap3A_30], %dot_general3A_29 {strides = array<i32>} : memref<2000x32xf32, #tpu.memory_space<vmem>>, vector<2000x32xf32>,
    %mul3A_32 = vector.broadcast %get3A_1 : vector<2000x1xf32> to vector<2000x32xf32>
    %mul3A_33 = arith.mulf %dot_general3A_29, %mul3A_32 : vector<2000x32xf32>
    %swap3A_34 = arith.constant 0 : index
    %swap3A_35 = arith.constant 0 : index
    %swap3A_36 = vector.load %arg8[%swap3A_34, %swap3A_35] : memref<2000x32xf32, #tpu.memory_space<vmem>>, vector<2000x32xf32>
    tpu.vector_store %arg8[%swap3A_34, %swap3A_35], %mul3A_33 {strides = array<i32>} : memref<2000x32xf32, #tpu.memory_space<vmem>>, vector<2000x32xf32>,
    return
  }
  func.func @transform_0(%arg0: i32) -> (i32, i32, i32) {
    %c0_i32 = arith.constant 0 : i32
    %c0_i32_0 = arith.constant 0 : i32
    %c0_i32_1 = arith.constant 0 : i32
    return %c0_i32, %arg0, %c0_i32_0 : i32, i32, i32
  }
  func.func @transform_1(%arg0: i32) -> (i32, i32, i32) {
    %c1_i32 = arith.constant 1 : i32
    %c0_i32 = arith.constant 0 : i32
    %c0_i32_0 = arith.constant 0 : i32
    return %c1_i32, %arg0, %c0_i32 : i32, i32, i32
  }
  func.func @transform_2(%arg0: i32) -> (i32, i32) {
    %c0_i32 = arith.constant 0 : i32
    %c0_i32_0 = arith.constant 0 : i32
    return %arg0, %c0_i32 : i32, i32
  }
  func.func @transform_3(%arg0: i32) -> (i32, i32) {
    %c0_i32 = arith.constant 0 : i32
    %c0_i32_0 = arith.constant 0 : i32
    %c0_i32_1 = arith.constant 0 : i32
    return %c0_i32, %c0_i32_0 : i32, i32
  }
  func.func @transform_4(%arg0: i32) -> (i32, i32) {
    %c0_i32 = arith.constant 0 : i32
    %c0_i32_0 = arith.constant 0 : i32
    return %arg0, %c0_i32 : i32, i32
  }
  func.func @transform_5(%arg0: i32) -> (i32, i32) {
    %c0_i32 = arith.constant 0 : i32
    %c0_i32_0 = arith.constant 0 : i32
    %c0_i32_1 = arith.constant 0 : i32
    return %c0_i32, %c0_i32_0 : i32, i32
  }
  func.func @transform_6(%arg0: i32) -> (i32, i32) {
    %c0_i32 = arith.constant 0 : i32
    %c0_i32_0 = arith.constant 0 : i32
    return %arg0, %c0_i32 : i32, i32
  }
  func.func @transform_7(%arg0: i32) -> (i32, i32) {
    %c0_i32 = arith.constant 0 : i32
    %c0_i32_0 = arith.constant 0 : i32
    return %arg0, %c0_i32 : i32, i32
  }
}

module attributes {stable_mosaic.version = 14 : i64} {
  func.func @_fin_body(%arg0: i32, %arg1: memref<1x2000x32xf32, #tpu.memory_space<vmem>>, %arg2: memref<1x2000x32xf32, #tpu.memory_space<vmem>>, %arg3: memref<2000x32xf32, #tpu.memory_space<vmem>>, %arg4: memref<1x32xf32, #tpu.memory_space<vmem>>, %arg5: memref<2000x16xf32, #tpu.memory_space<vmem>>, %arg6: memref<2000x32xf32, #tpu.memory_space<vmem>>) attributes {dimension_semantics = [#tpu.dimension_semantics<arbitrary>], iteration_bounds = array<i64: 5>, scalar_prefetch = 0 : i64, scratch_operands = 0 : i64, tpu.core_type = #tpu.core_type<tc>, window_params = [{transform_indices = @transform_0, window_bounds = array<i64: 1, 2000, 32>}, {transform_indices = @transform_1, window_bounds = array<i64: 1, 2000, 32>}, {transform_indices = @transform_2, window_bounds = array<i64: 2000, 32>}, {pipeline_mode = #tpu.pipeline_mode<synchronous>, transform_indices = @transform_3, window_bounds = array<i64: 1, 32>}, {transform_indices = @transform_4, window_bounds = array<i64: 2000, 16>}, {transform_indices = @transform_5, window_bounds = array<i64: 2000, 32>}]} {
    %get3A = arith.constant 0 : index
    %get3A_0 = arith.constant 0 : index
    %get3A_1 = vector.load %arg5[%get3A, %get3A_0] : memref<2000x16xf32, #tpu.memory_space<vmem>>, vector<2000x1xf32>
    %get3A_2 = arith.constant 0 : index
    %get3A_3 = arith.constant 0 : index
    %get3A_4 = arith.constant 0 : index
    %get3A_5 = vector.load %arg1[%get3A_2, %get3A_3, %get3A_4] : memref<1x2000x32xf32, #tpu.memory_space<vmem>>, vector<1x2000x32xf32>
    %get3A_6 = vector.shape_cast %get3A_5 : vector<1x2000x32xf32> to vector<2000x32xf32>
    %get3A_7 = arith.constant 0 : index
    %get3A_8 = arith.constant 0 : index
    %get3A_9 = arith.constant 0 : index
    %get3A_10 = vector.load %arg2[%get3A_7, %get3A_8, %get3A_9] : memref<1x2000x32xf32, #tpu.memory_space<vmem>>, vector<1x2000x32xf32>
    %get3A_11 = vector.shape_cast %get3A_10 : vector<1x2000x32xf32> to vector<2000x32xf32>
    %add3A = arith.addf %get3A_6, %get3A_11 : vector<2000x32xf32>
    %mul3A = vector.broadcast %get3A_1 : vector<2000x1xf32> to vector<2000x32xf32>
    %mul3A_12 = arith.mulf %mul3A, %add3A : vector<2000x32xf32>
    %get3A_13 = arith.constant 0 : index
    %get3A_14 = arith.constant 0 : index
    %get3A_15 = vector.load %arg3[%get3A_13, %get3A_14] : memref<2000x32xf32, #tpu.memory_space<vmem>>, vector<2000x32xf32>
    %add3A_16 = arith.addf %mul3A_12, %get3A_15 : vector<2000x32xf32>
    %get3A_17 = arith.constant 0 : index
    %get3A_18 = arith.constant 0 : index
    %get3A_19 = vector.load %arg4[%get3A_17, %get3A_18] : memref<1x32xf32, #tpu.memory_space<vmem>>, vector<1x32xf32>
    %add3A_20 = vector.broadcast %get3A_19 : vector<1x32xf32> to vector<2000x32xf32>
    %add3A_21 = arith.addf %add3A_16, %add3A_20 : vector<2000x32xf32>
    %swap3A = arith.constant 0 : index
    %swap3A_22 = arith.constant 0 : index
    %swap3A_23 = vector.load %arg6[%swap3A, %swap3A_22] : memref<2000x32xf32, #tpu.memory_space<vmem>>, vector<2000x32xf32>
    tpu.vector_store %arg6[%swap3A, %swap3A_22], %add3A_21 {strides = array<i32>} : memref<2000x32xf32, #tpu.memory_space<vmem>>, vector<2000x32xf32>,
    return
  }
  func.func @transform_0(%arg0: i32) -> (i32, i32, i32) {
    %c0_i32 = arith.constant 0 : i32
    %c0_i32_0 = arith.constant 0 : i32
    %c0_i32_1 = arith.constant 0 : i32
    return %c0_i32, %arg0, %c0_i32_0 : i32, i32, i32
  }
  func.func @transform_1(%arg0: i32) -> (i32, i32, i32) {
    %c1_i32 = arith.constant 1 : i32
    %c0_i32 = arith.constant 0 : i32
    %c0_i32_0 = arith.constant 0 : i32
    return %c1_i32, %arg0, %c0_i32 : i32, i32, i32
  }
  func.func @transform_2(%arg0: i32) -> (i32, i32) {
    %c0_i32 = arith.constant 0 : i32
    %c0_i32_0 = arith.constant 0 : i32
    return %arg0, %c0_i32 : i32, i32
  }
  func.func @transform_3(%arg0: i32) -> (i32, i32) {
    %c0_i32 = arith.constant 0 : i32
    %c0_i32_0 = arith.constant 0 : i32
    %c0_i32_1 = arith.constant 0 : i32
    return %c0_i32, %c0_i32_0 : i32, i32
  }
  func.func @transform_4(%arg0: i32) -> (i32, i32) {
    %c0_i32 = arith.constant 0 : i32
    %c0_i32_0 = arith.constant 0 : i32
    return %arg0, %c0_i32 : i32, i32
  }
  func.func @transform_5(%arg0: i32) -> (i32, i32) {
    %c0_i32 = arith.constant 0 : i32
    %c0_i32_0 = arith.constant 0 : i32
    return %arg0, %c0_i32 : i32, i32
  }
}

</mosaic_0001>

<sc_bundles>
// kernel: kernel.11.cloned.1.call-start
scs
__scs_entry_jumppad:
0x0: {  	(pc) =	sbr.rel $0x88, $3  }
0x1: {  	(tag) =	ssettag $0x0;
	lr =	simm.s32 $0x1  }
0x2: {  	[smem:$0x3F97] =	sst lr;
	_ =	strace $0xD0000000  }
0x3: {  	_ = 	snop  }
0x4: {  	_ = 	snop  }
0x5: {  	_ = 	snop  }
0x6: {  	_ = 	snop  }
0x7: {  	_ = 	snop  }
__scs_overlays_trampoline_lowered:
0x8: {  	[smem:$0x3FA6] =	sst s0  }
0x9: {  	[smem:$0x3FA7] =	sst s1  }
0xa: {  	[smem:$0x3FA8] =	sst s2  }
0xb: {  	[smem:$0x3FA9] =	sst s3  }
0xc: {  	[smem:$0x3FAA] =	sst s4  }
0xd: {  	[smem:$0x3FAB] =	sst s5  }
0xe: {  	[smem:$0x3FAC] =	sst s6  }
0xf: {  	[smem:$0x3FAD] =	sst s7  }
0x10: {  	[smem:$0x3FAE] =	sst s8  }
0x11: {  	[smem:$0x3FAF] =	sst s9;
	s0 =	simm.s32 @!p0 $0x0  }
0x12: {  	s1 =	sld [smem:$0x3F95];
	s0 =	simm.s32 @p0 $0x1  }
0x13: {  	[smem:$0x3FB0] =	sst s0;
	s0 =	simm.s32 @!p1 $0x0  }
0x14: {  	s2 =	sld [smem:$0x3F94];
	s0 =	simm.s32 @p1 $0x1  }
0x15: {  	[smem:$0x3FB1] =	sst s0;
	s0 =	simm.s32 @!p2 $0x0  }
0x16: {  	s3 =	sld [smem:$0x3FDB];
	s0 =	simm.s32 @p2 $0x1  }
0x17: {  	s4 =	simm.s32 $0x1BF5;
	[smem:$0x3FB3] =	sst s0  }
0x18: {  	s0 =	sld [smem:$0x3F96];
	_ =	swait.ge [sflag:s4], $0x0  }
0x19: {  	s7 =	sld [smem:$0x3F97]  }
0x1a: {  	s8 =	sadd.s32 $0xFFFFE003, lr  }
0x1b: {  	s9 =	sadd.s32 $0xFFFFFEF7, lr;
	s5 =	simm.s32 $0xFFFFFFFF;
	p2 =	slt.u32 s8, $0xFFFFF086  }
0x1c: {  	p1 =	slt.u32 s9, $0xF7A;
	s5 =	simm.s32 @!p2 $0x0  }
0x1d: {  	s5 =	simm.s32 @p1 $0x1;
	p0 =	seq.s32 s7, s2  }
0x1e: {  	s7 =	smul.u32 @!p0 $0xF7A, s2;
	p2 =	seq.s32 @!p0 s5, $0x0  }
0x1f: {  	s9 =	smul.u32 $0xF7A, s1;
	s8 =	simm.s32 @!p0 $0x1BF5;
	p2 =	por !p2, p0  }
0x20: {  	[sflag:s8] =	ssyncset.s32 @!p0 $0xFFFFF086;
	s6 =	sadd.s32 @!p0 s3, s7;
	s7 =	simm.s32 @!p0 $0x108  }
0x21: {  	s3 =	sadd.s32 s3, s9;
	s6 =	sadd.s32 @!p0 $0x88, s6;
	s7 =	simm.s32 @p2 $0x1082  }
0x22: {  	[simem:s7], [sflag:s8] =	dma.local @!p0 [hbm:s6], $0xF7A  }
0x23: {  	s9 =	sor.u32 $0xD0000000, s2;
	s6 =	simm.s32 $0x108;
	_ =	swait.ge @!p0 [sflag:s8], $0x0  }
0x24: {  	s3 =	sadd.s32 $0x88, s3;
	s6 =	simm.s32 @!p1 $0x1082;
	[sflag:s4] =	ssyncset.s32 $0xFFFFF086  }
0x25: {  	[simem:s6], [sflag:s4] =	dma.local [hbm:s3], $0xF7A  }
0x26: {  	[smem:$0x3F97] =	sst s1;
	(tag) =	ssettag s2;
	_ =	strace s9  }
0x27: {  	s1 =	sld [smem:$0x3FA7]  }
0x28: {  	s2 =	sld [smem:$0x3FA8]  }
0x29: {  	s4 =	sld [smem:$0x3FAA]  }
0x2a: {  	p0 =	seq.s32 s5, $0x0;
	s5 =	sld [smem:$0x3FAB]  }
0x2b: {  	s6 =	sld [smem:$0x3FAC]  }
0x2c: {  	s7 =	sld [smem:$0x3FAD]  }
0x2d: {  	s3 =	simm.s32 $0x108;
	s8 =	sld [smem:$0x3FAE]  }
0x2e: {  	s3 =	simm.s32 @!p0 $0x1082;
	s9 =	sld [smem:$0x3FAF]  }
0x2f: {  	lr =	sadd.s32 s0, s3;
	s0 =	sld [smem:$0x3FA6]  }
0x30: {  	s3 =	sld [smem:$0x3FA9]  }
0x31: {  	[smem:$0x3FB2] =	sst s10  }
0x32: {  	s10 =	sld [smem:$0x3FB0];
	_ =	sdelay $0x3  }
0x33: {  	p0 =	seq.s32 s10, $0x1;
	s10 =	sld [smem:$0x3FB2];
	_ =	sdelay $0x3  }
0x34: {  	[smem:$0x3FB2] =	sst s10  }
0x35: {  	s10 =	sld [smem:$0x3FB1];
	_ =	sdelay $0x3  }
0x36: {  	p1 =	seq.s32 s10, $0x1;
	s10 =	sld [smem:$0x3FB2];
	_ =	sdelay $0x3  }
0x37: {  	[smem:$0x3FB2] =	sst s10  }
0x38: {  	s10 =	sld [smem:$0x3FB3]  }
0x39: {  	_ = 	snop;
	(pc) =	sbr.ind lr, $3  }
0x3a: {  	_ = 	snop  }
0x3b: {  	_ = 	snop  }
0x3c: {  	p2 =	seq.s32 s10, $0x1;
	s10 =	sld [smem:$0x3FB2]  }
0x3d: {  	_ =	shalt  }
0x3e: {  	_ =	shalt  }
0x3f: {  	_ =	shalt  }
0x40: {  	_ =	shalt  }
0x41: {  	_ =	shalt  }
0x42: {  	_ =	shalt  }
0x43: {  	_ =	shalt  }
0x44: {  	_ =	shalt  }
0x45: {  	_ =	shalt  }
0x46: {  	_ =	shalt  }
0x47: {  	_ =	shalt  }
0x48: {  	_ =	shalt  }
0x49: {  	_ =	shalt  }
0x4a: {  	_ =	shalt  }
0x4b: {  	_ =	shalt  }
0x4c: {  	_ =	shalt  }
0x4d: {  	_ =	shalt  }
0x4e: {  	_ =	shalt  }
0x4f: {  	_ =	shalt  }
0x50: {  	_ =	shalt  }
0x51: {  	_ =	shalt  }
0x52: {  	_ =	shalt  }
0x53: {  	_ =	shalt  }
0x54: {  	_ =	shalt  }
0x55: {  	_ =	shalt  }
0x56: {  	_ =	shalt  }
0x57: {  	_ =	shalt  }
0x58: {  	_ =	shalt  }
0x59: {  	_ =	shalt  }
0x5a: {  	_ =	shalt  }
0x5b: {  	_ =	shalt  }
0x5c: {  	_ =	shalt  }
0x5d: {  	_ =	shalt  }
0x5e: {  	_ =	shalt  }
0x5f: {  	_ =	shalt  }
0x60: {  	_ =	shalt  }
0x61: {  	_ =	shalt  }
0x62: {  	_ =	shalt  }
0x63: {  	_ =	shalt  }
0x64: {  	_ =	shalt  }
0x65: {  	_ =	shalt  }
0x66: {  	_ =	shalt  }
0x67: {  	_ =	shalt  }
0x68: {  	_ =	shalt  }
0x69: {  	_ =	shalt  }
0x6a: {  	_ =	shalt  }
0x6b: {  	_ =	shalt  }
0x6c: {  	_ =	shalt  }
0x6d: {  	_ =	shalt  }
0x6e: {  	_ =	shalt  }
0x6f: {  	_ =	shalt  }
0x70: {  	_ =	shalt  }
0x71: {  	_ =	shalt  }
0x72: {  	_ =	shalt  }
0x73: {  	_ =	shalt  }
0x74: {  	_ =	shalt  }
0x75: {  	_ =	shalt  }
0x76: {  	_ =	shalt  }
0x77: {  	_ =	shalt  }
0x78: {  	_ =	shalt  }
0x79: {  	_ =	shalt  }
0x7a: {  	_ =	shalt  }
0x7b: {  	_ =	shalt  }
0x7c: {  	_ =	shalt  }
0x7d: {  	_ =	shalt  }
0x7e: {  	_ =	shalt  }
0x7f: {  	_ =	shalt  }
0x80: {  	_ =	shalt  }
0x81: {  	_ =	shalt  }
0x82: {  	_ =	shalt  }
0x83: {  	_ =	shalt  }
0x84: {  	_ =	shalt  }
0x85: {  	_ =	shalt  }
0x86: {  	_ =	shalt  }
0x87: {  	_ =	shalt  }
.Lfunc_end0:
.L_simem_size_0:
called_computation_lowered:
.L_overlay_start_0:
0x88: {  	s2 =	sld [smem:$0x3FD9]  }
0x89: {  	s3 =	sld [smem:$0x3FFE];
	_ =	sdelay $0x1  }
0x8a: {  	s1 =	srdreg.scid  }
0x8b: {  	s0 =	sand.u32 $0x1, s1  }
0x8c: {  	s16 =	sshll.u32 s0, $0xA;
	s2 =	sadd.s32 s3, s2  }
0x8d: {  	s2 =	sadd.s32 s2, s16  }
0x8e: {  	[smem:$0x3FBE] =	sst s2  }
0x8f: {  	_ = 	snop  }
0x90: {  	(tm) =	ssettm $0x1  }
0x91: {  	s17 =	sld [smem:$0x3FFB];
	_ =	sdelay $0x3  }
0x92: {  	_ =	strace s17  }
0x93: {  	s2 =	sld [smem:$0x3FFC];
	_ =	sdelay $0x3  }
0x94: {  	_ =	strace s2  }
0x95: {  	s2 =	sld [smem:$0x3FFD];
	_ =	sdelay $0x3  }
0x96: {  	_ =	strace s2  }
0x97: {  	_ =	strace $0x8FFFFFFF  }
0x98: {  	s18 =	sld [smem:$0x3FDB];
	_ =	sdelay $0x1  }
0x99: {  	s19 =	simm.s32 $_scs_section_size  }
0x9a: {  	s4 =	simm.s32 $_size__tile_overlayer_lowered;
	s5 =	simm.s32 $_tile_overlayer_lowered  }
0x9b: {  	s22 =	simm.s32 $0x1BFF;
	s21 =	sshll.u32 s5, $0x1;
	s2 =	sadd.s32 s19, s18  }
0x9c: {  	s6 =	simm.s32 $0x0;
	s20 =	sshll.u32 s4, $0x1;
	s4 =	sadd.s32 s21, s2  }
0x9d: {  	[timem:s6], [sflag:s22] =	dma.local [hbm:s4], s20  }
0x9e: {  	_ =	swait.ge [sflag:s22], s20  }
0x9f: {  	s3 =	ssub.s32 $0x0, s20;
	[sflag:s22] =	ssyncset.done $0x0  }
0xa0: {  	[sflag:s22] =	ssyncadd.s32 s3;
	_ =	sdelay $0x1  }
0xa1: {  	s23 =	simm.s32 $0x1B8B  }
0xa2: {  	_ =	swait.ge [sflag:s23], $0x1  }
0xa3: {  	[sflag:s23] =	ssyncset.done $0x0  }
0xa4: {  	s25 =	simm.s32 $0x1B8E;
	s24 =	sld [smem:$0x3FFE];
	[sflag:s23] =	ssyncadd.s32 $0xFFFFFFFF  }
0xa5: {  	s26 =	simm.s32 $execute0_lowered;
	[smem:$0x3FD2] =	sst s25  }
0xa6: {  	s4 =	sshll.u32 s26, $0x1;
	_ =	strace $0x80000046;
	[dreg:$0x1] =	wrdreg $0xFFFFFFFF  }
0xa7: {  	s28 =	simm.s32 $_size_execute0_lowered;
	s2 =	sadd.s32 s2, s4;
	[dreg:$0x0] =	wrdreg $0x0  }
0xa8: {  	s4 =	sshll.u32 s28, $0x1;
	[dreg:$0x2] =	wrdreg s2  }
0xa9: {  	[dreg:$0x3] =	wrdreg s4  }
0xaa: {  	[dreg:$0x4] =	wrdreg $0xC0  }
0xab: {  	_ =	task [dreg:s6], $0x5FFFF  }
0xac: {  	[dreg:$0x1] =	wrdreg $0xFFFFFFFF  }
0xad: {  	[dreg:$0x0] =	wrdreg $0x60  }
0xae: {  	[dreg:$0x2] =	wrdreg s24  }
0xaf: {  	[dreg:$0x3] =	wrdreg $0xE100  }
0xb0: {  	[dreg:$0x4] =	wrdreg $0x9  }
0xb1: {  	_ =	task.clear_ibuf [dreg:s6], $0x5FFFF;
	_ =	strace $0x90000046  }
0xb2: {  	s29 =	simm.s32 $0x9;
	_ =	strace $0x80000048  }
0xb3: {  	_ =	swait.ge [sflag:s29], $0x1  }
0xb4: {  	[sflag:s29] =	ssyncadd.s32 $0xFFFFFFFF  }
0xb5: {  	_ =	strace $0x90000048  }
0xb6: {  	_ =	sfence  }
0xb7: {  	s30 =	sld [smem:$0x0];
	_ =	sdelay $0x2  }
0xb8: {  	s31 =	sshll.u32 s1, $0xD;
	s1 =	sshrl.u32 s1, $0x2  }
0xb9: {  	s3 =	sand.u32 $0x4000, s31;
	s1 =	sadd.s32 s1, s30  }
0xba: {  	s0 =	sor.u32 s3, s0;
	s1 =	sshll.u32 s1, $0x11  }
0xbb: {  	s0 =	sor.u32 s1, s0  }
0xbc: {  	s0 =	sadd.s32 $0x8F2B, s0  }
0xbd: {  	[sflag:s0] =	ssyncadd.remote.s32 $0x1  }
0xbe: {  	_ =	sfence.sel $0xFFFF  }
0xbf: {  	[dreg:$0x0] =	wrdreg $0xFFFFFFFF;
	(pc) =	sbr.abs _section_cstart, $3  }
0xc0: {  	[dreg:$0x1] =	wrdreg $0xFFFFFFFF  }
0xc1: {  	_ =	task.clear_ibuf [dreg:s6], $0x2FFFF;
	_ =	strace $0x9FFFFFFF  }
0xc2: {  	(tm) =	ssettm $0x7FFFFFFF  }
0xc3: {  	_ =	shalt  }
tec
execute0_lowered:
.L_overlay_start_1:
0x0: {  	(tag) =	ssettag $0x1  }
0x1: {  	s0 =	rddreg [dreg:$0x0]  }
0x2: {  	s1 =	rddreg [dreg:$0x1]  }
0x3: {  	s2 =	srdreg.scid;
	s11 =	stileid.u32  }
0x4: {  	s3 =	simm.s32 $0x0;
	s28 =	simm.s32 $0x9;
	s7 =	smul.u32 $0x2800, s11  }
0x5: {  	s29 =	simm.s32 $0x80;
	s30 =	simm.s32 $0x100;
	s9 =	smul.u32 $0xA000, s11  }
0x6: {  	s31 =	simm.s32 $0x180;
	s2 =	sand.u32 $0x1, s2;
	s14 =	smul.u32 $0x2710, s11  }
0x7: {  	[smem:$0x7FF] =	sst s3;
	s5 =	smul.u32 $0x28000, s2;
	s4 =	sshll.u32 s2, $0x4  }
0x8: {  	_ =	strace $0x80000047;
	s8 =	ssub.s32 $0x2, s2;
	s2 =	smul.u32 $0x27100, s2  }
0x9: {  	s6 =	sor.u32 s11, s4;
	s4 =	sadd.s32 $0x3200, s0;
	s23 =	sshrl.u32 s8, $0x1  }
0xa: {  	s24 =	sshrl.u32 s9, $0x2;
	s15 =	sadd.s32 s7, s1;
	s5 =	sadd.s32 s7, s5  }
0xb: {  	s11 =	simm.s32 $0x6;
	s8 =	ssub.s32 s8, s23;
	s5 =	sshrl.u32 s5, $0x3  }
0xc: {  	s6 =	smul.u32 $0x2710, s6;
	s16 =	smax.u32 s8, $0x1;
	s0 =	sadd.s32 s5, s0  }
0xd: {  	s5 =	sadd.s32 s24, s1;
	[dreg:$0xa] =	wrdreg s16;
	s0 =	sadd.s32 $0x16C00, s0  }
0xe: {  	s2 =	sadd.s32 s14, s2;
	s17 =	sadd.s32 $0x400, s5;
	[dreg:$0x9] =	wrdreg s0  }
0xf: {  	s14 =	simm.s32 $0x200;
	s18 =	sadd.s32 $0x800, s5;
	[dreg:$0xb] =	wrdreg s17  }
0x10: {  	s21 =	sadd.s32 $0x4E480, s2;
	s19 =	sadd.s32 $0xC00, s5;
	[dreg:$0xc] =	wrdreg s18  }
0x11: {  	s8 =	simm.s32 $0x3;
	s20 =	sadd.s32 $0x1000, s5;
	[dreg:$0xd] =	wrdreg s19  }
0x12: {  	s10 =	sshrl.u32 s6, $0x3;
	s22 =	sadd.s32 $0x1400, s5;
	[dreg:$0xe] =	wrdreg s20  }
0x13: {  	s6 =	sadd.s32 $0x2680, s6;
	s23 =	sadd.s32 $0x1800, s5;
	[dreg:$0xf] =	wrdreg s22  }
0x14: {  	s7 =	sshrl.u32 s21, $0x3;
	s24 =	sadd.s32 $0x1C00, s5;
	[dreg:$0x10] =	wrdreg s23  }
0x15: {  	s25 =	sadd.s32 s4, s10;
	s7 =	sadd.s32 s7, s4;
	[dreg:$0x11] =	wrdreg s24  }
0x16: {  	s21 =	sadd.s32 $0x2000, s5;
	s10 =	sadd.s32 $0x9C40, s25;
	[dreg:$0x3] =	wrdreg s7  }
0x17: {  	s26 =	sadd.s32 $0x9C50, s25;
	s12 =	sadd.s32 $0x9C60, s25;
	[dreg:$0x4] =	wrdreg s10  }
0x18: {  	s13 =	sadd.s32 $0x9C70, s25;
	s9 =	sadd.s32 $0xA120, s25;
	[dreg:$0x5] =	wrdreg s26  }
0x19: {  	s25 =	sadd.s32 $0x4E400, s2;
	s22 =	sadd.s32 $0x2400, s5;
	[dreg:$0x6] =	wrdreg s12  }
0x1a: {  	s17 =	sadd.s32 $0x380, s2;
	s0 =	simm.s32 $0x1;
	[dreg:$0x7] =	wrdreg s13  }
0x1b: {  	s2 =	simm.s32 $0x210;
	s7 =	simm.s32 $0x2;
	[dreg:$0x8] =	wrdreg s9  }
0x1c: {  	s26 =	sshrl.u32 s25, $0x3;
	s25 =	sshrl.u32 s15, $0x3;
	s9 =	simm.s32 $0x4  }
0x1d: {  	s10 =	simm.s32 $0x5;
	s12 =	simm.s32 $0x7;
	s13 =	simm.s32 $0x8  }
0x1e: {  	v0 =	vimm.f32 $1.000000000e+00;
	v1 =	vimm.f32 $0.0e+00;
	s15 =	simm.s32 $0x0;
	s23 =	sadd.s32 s26, s4;
	s26 =	simm.s32 $0xA10  }
.LBB2_1:
0x1f: {  	s16 =	simm.s32 $0x0  }
.LBB2_2:
0x20: {  	p0 =	sne.s32 s16, $0x1FC0  }
.Ltmp0:
0x21: {  	_ = 	snop;
	(pc) =	sbr.rel @p0 .LBB2_2-.Ltmp0, $3  }
0x22: {  	_ =	sdelay $0x1  }
0x23: {  	s18 =	sshra.s32 s16, $0x2  }
0x24: {  	s16 =	sadd.s32 $0x40, s16;
	[tilespmem:s18+$0x210] =	vst v0  }
0x25: {  	s16 =	simm.s32 $0x40;
	s18 =	simm.s32 $0x0  }
.LBB2_4:
0x26: {  	p0 =	sne.s32 s16, $0xFC0;
	[tilespmem:s18+$0xA10] =	vst v1;
	s18 =	smov.u32 s16;
	s16 =	sadd.s32 $0x40, s16  }
.Ltmp1:
0x27: {  	(pc) =	sbr.rel @p0 .LBB2_4-.Ltmp1, $2  }
0x28: {  	_ =	sdelay $0x2  }
0x29: {  	s18 =	sshra.s32 s18, $0x2  }
0x2a: {  	[tilespmem:s18+$0xA10] =	vst v1  }
0x2b: {  	[spmem:s5] =	stream.linear.scatter [tilespmem:s26], [sflag:$0x9], $0x400, $0x38;
	[tilespmem:$0x3610] =	vst v63  }
0x2c: {  	_ =	swait.ge [sflag:s28], $0x400  }
0x2d: {  	[sflag:s28] =	ssyncset.done $0x0  }
0x2e: {  	s16 =	rddreg [dreg:$0xb];
	[sflag:s28] =	ssyncadd.s32 $0xFFFFFC00  }
0x2f: {  	[spmem:s16] =	stream.linear.scatter [tilespmem:s26], [sflag:$0x9], $0x400, $0x38;
	[tilespmem:$0x3610] =	vst v63  }
0x30: {  	_ =	swait.ge [sflag:s28], $0x400  }
0x31: {  	[sflag:s28] =	ssyncset.done $0x0  }
0x32: {  	s24 =	rddreg [dreg:$0xc];
	[sflag:s28] =	ssyncadd.s32 $0xFFFFFC00  }
0x33: {  	[spmem:s24] =	stream.linear.scatter [tilespmem:s26], [sflag:$0x9], $0x400, $0x38;
	[tilespmem:$0x3610] =	vst v63  }
0x34: {  	_ =	swait.ge [sflag:s28], $0x400  }
0x35: {  	[sflag:s28] =	ssyncset.done $0x0  }
0x36: {  	s18 =	rddreg [dreg:$0xd];
	[sflag:s28] =	ssyncadd.s32 $0xFFFFFC00  }
0x37: {  	[spmem:s18] =	stream.linear.scatter [tilespmem:s26], [sflag:$0x9], $0x400, $0x38;
	[tilespmem:$0x3610] =	vst v63  }
0x38: {  	_ =	swait.ge [sflag:s28], $0x400  }
0x39: {  	[sflag:s28] =	ssyncset.done $0x0  }
0x3a: {  	s19 =	rddreg [dreg:$0xe];
	[sflag:s28] =	ssyncadd.s32 $0xFFFFFC00  }
0x3b: {  	[spmem:s19] =	stream.linear.scatter [tilespmem:s26], [sflag:$0x9], $0x400, $0x38;
	[tilespmem:$0x3610] =	vst v63  }
0x3c: {  	_ =	swait.ge [sflag:s28], $0x400  }
0x3d: {  	[sflag:s28] =	ssyncset.done $0x0  }
0x3e: {  	s20 =	rddreg [dreg:$0xf];
	[sflag:s28] =	ssyncadd.s32 $0xFFFFFC00  }
0x3f: {  	[spmem:s20] =	stream.linear.scatter [tilespmem:s26], [sflag:$0x9], $0x400, $0x38;
	[tilespmem:$0x3610] =	vst v63  }
0x40: {  	_ =	swait.ge [sflag:s28], $0x400  }
0x41: {  	[sflag:s28] =	ssyncset.done $0x0  }
0x42: {  	s24 =	rddreg [dreg:$0x10];
	[sflag:s28] =	ssyncadd.s32 $0xFFFFFC00  }
0x43: {  	[spmem:s24] =	stream.linear.scatter [tilespmem:s26], [sflag:$0x9], $0x400, $0x38;
	[tilespmem:$0x3610] =	vst v63  }
0x44: {  	_ =	swait.ge [sflag:s28], $0x400  }
0x45: {  	[sflag:s28] =	ssyncset.done $0x0  }
0x46: {  	s18 =	rddreg [dreg:$0x11];
	[sflag:s28] =	ssyncadd.s32 $0xFFFFFC00  }
0x47: {  	[spmem:s18] =	stream.linear.scatter [tilespmem:s26], [sflag:$0x9], $0x400, $0x38;
	[tilespmem:$0x3610] =	vst v63  }
0x48: {  	_ =	swait.ge [sflag:s28], $0x400  }
0x49: {  	[sflag:s28] =	ssyncset.done $0x0  }
0x4a: {  	[sflag:s28] =	ssyncadd.s32 $0xFFFFFC00  }
0x4b: {  	[spmem:s21] =	stream.linear.scatter [tilespmem:s26], [sflag:$0x9], $0x400, $0x38;
	[tilespmem:$0x3610] =	vst v63  }
0x4c: {  	_ =	swait.ge [sflag:s28], $0x400  }
0x4d: {  	[sflag:s28] =	ssyncset.done $0x0  }
0x4e: {  	[sflag:s28] =	ssyncadd.s32 $0xFFFFFC00  }
0x4f: {  	[spmem:s22] =	stream.linear.scatter [tilespmem:s26], [sflag:$0x9], $0x400, $0x38;
	[tilespmem:$0x3610] =	vst v63  }
0x50: {  	_ =	swait.ge [sflag:s28], $0x400  }
0x51: {  	[sflag:s28] =	ssyncset.done $0x0  }
0x52: {  	[sflag:s28] =	ssyncadd.s32 $0xFFFFFC00  }
0x53: {  	[bflag:$0x0] =	sbarrier.arrive $0xFFFF  }
0x54: {  	s16 =	simm.s32 $0x0;
	s19 =	rddreg [dreg:$0x4]  }
0x55: {  	[tilespmem:s16], [sflag:$0x1] =	stream.linear.gather [hbm4b:s19+s16], $0x80, $0x38;
	[tilespmem:$0x3610] =	vst v63  }
0x56: {  	s20 =	rddreg [dreg:$0x5]  }
0x57: {  	[tilespmem:s29], [sflag:$0x2] =	stream.linear.gather [hbm4b:s20+s16], $0x80, $0x38;
	[tilespmem:$0x3610] =	vst v63  }
0x58: {  	s24 =	rddreg [dreg:$0x6]  }
0x59: {  	[tilespmem:s30], [sflag:$0x3] =	stream.linear.gather [hbm4b:s24+s16], $0x80, $0x38;
	[tilespmem:$0x3610] =	vst v63  }
0x5a: {  	s19 =	rddreg [dreg:$0x7]  }
0x5b: {  	[tilespmem:s31], [sflag:$0x4] =	stream.linear.gather [hbm4b:s19+s16], $0x80, $0x38;
	[tilespmem:$0x3610] =	vst v63  }
0x5c: {  	_ =	swait.ge [sflag:s0], $0x80  }
0x5d: {  	[sflag:s0] =	ssyncset.done $0x0  }
0x5e: {  	[sflag:s0] =	ssyncadd.s32 $0xFFFFFF80  }
0x5f: {  	[spmem:s1] =	stream.indirect.scatter.add.f32 [tilespmem:s2], [sflag:$0x5], $0x10, s3, s29, $0xb8;
	[tilespmem:$0x3610] =	vst v63  }
0x60: {  	_ =	swait.ge [sflag:s7], $0x80  }
0x61: {  	[sflag:s7] =	ssyncset.done $0x0  }
0x62: {  	[sflag:s7] =	ssyncadd.s32 $0xFFFFFF80  }
0x63: {  	[spmem:s1] =	stream.indirect.scatter.add.f32 [tilespmem:s2], [sflag:$0x6], $0x10, s29, s29, $0xb8;
	[tilespmem:$0x3610] =	vst v63  }
0x64: {  	_ =	swait.ge [sflag:s8], $0x80  }
0x65: {  	[sflag:s8] =	ssyncset.done $0x0  }
0x66: {  	[sflag:s8] =	ssyncadd.s32 $0xFFFFFF80  }
0x67: {  	[spmem:s1] =	stream.indirect.scatter.add.f32 [tilespmem:s2], [sflag:$0x7], $0x10, s30, s29, $0xb8;
	[tilespmem:$0x3610] =	vst v63  }
0x68: {  	_ =	swait.ge [sflag:s9], $0x80  }
0x69: {  	[sflag:s9] =	ssyncset.done $0x0  }
0x6a: {  	[sflag:s9] =	ssyncadd.s32 $0xFFFFFF80  }
0x6b: {  	[spmem:s1] =	stream.indirect.scatter.add.f32 [tilespmem:s2], [sflag:$0x8], $0x10, s31, s29, $0xb8;
	[tilespmem:$0x3610] =	vst v63  }
0x6c: {  	_ =	swait.ge [sflag:s10], $0x800  }
0x6d: {  	[sflag:s10] =	ssyncset.done $0x0  }
0x6e: {  	s20 =	sadd.s32 $0x0, s23;
	[sflag:s10] =	ssyncadd.s32 $0xFFFFF800  }
0x6f: {  	[tilespmem:s3], [sflag:$0x1] =	stream.linear.gather [hbm4b:s20+s3], $0x80, $0x38;
	[tilespmem:$0x3610] =	vst v63  }
0x70: {  	_ =	swait.ge [sflag:s11], $0x800  }
0x71: {  	s24 =	rddreg [dreg:$0x3];
	[sflag:s11] =	ssyncset.done $0x0  }
0x72: {  	s18 =	sadd.s32 $0xFFFFFF80, s17;
	[sflag:s11] =	ssyncadd.s32 $0xFFFFF800;
	s16 =	sadd.s32 $0x0, s24  }
0x73: {  	[tilespmem:s29], [sflag:$0x2] =	stream.linear.gather [hbm4b:s16+s3], $0x80, $0x38;
	[tilespmem:$0x3610] =	vst v63  }
0x74: {  	p0 =	slt.s32 s18, s6;
	s16 =	smov.u32 s6  }
0x75: {  	s16 =	smov.u32 @p0 s18  }
0x76: {  	_ =	swait.ge [sflag:s12], $0x800;
	p0 =	slt.s32 s17, s6;
	s16 =	sshrl.u32 s16, $0x3  }
0x77: {  	s18 =	smov.u32 s6;
	[sflag:s12] =	ssyncset.done $0x0;
	s16 =	sadd.s32 s4, s16  }
0x78: {  	s18 =	smov.u32 @p0 s17;
	[sflag:s12] =	ssyncadd.s32 $0xFFFFF800;
	s16 =	sadd.s32 $0x9C40, s16  }
0x79: {  	[tilespmem:s30], [sflag:$0x3] =	stream.linear.gather [hbm4b:s16+s3], $0x80, $0x38;
	[tilespmem:$0x3610] =	vst v63  }
0x7a: {  	s24 =	smov.u32 s17;
	s18 =	sshrl.u32 s18, $0x3;
	_ =	swait.ge [sflag:s13], $0x800  }
0x7b: {  	s18 =	sadd.s32 s4, s18;
	s16 =	simm.s32 $0x40;
	[sflag:s13] =	ssyncset.done $0x0  }
.LBB2_6:
0x7c: {  	[sflag:s13] =	ssyncadd.s32 $0xFFFFF800;
	s18 =	sadd.s32 $0x9C40, s18  }
0x7d: {  	[tilespmem:s31], [sflag:$0x4] =	stream.linear.gather [hbm4b:s18+s3], $0x80, $0x38;
	[tilespmem:$0x3610] =	vst v63  }
0x7e: {  	_ =	swait.ge [sflag:s0], $0x80  }
0x7f: {  	[sflag:s0] =	ssyncset.done $0x0  }
0x80: {  	[sflag:s0] =	ssyncadd.s32 $0xFFFFFF80  }
0x81: {  	[spmem:s1] =	stream.indirect.scatter.add.f32 [tilespmem:s2], [sflag:$0x5], $0x10, s3, s29, $0xb8;
	[tilespmem:$0x3610] =	vst v63  }
0x82: {  	_ =	swait.ge [sflag:s7], $0x80  }
0x83: {  	[sflag:s7] =	ssyncset.done $0x0  }
0x84: {  	[sflag:s7] =	ssyncadd.s32 $0xFFFFFF80  }
0x85: {  	[spmem:s1] =	stream.indirect.scatter.add.f32 [tilespmem:s2], [sflag:$0x6], $0x10, s29, s29, $0xb8;
	[tilespmem:$0x3610] =	vst v63  }
0x86: {  	_ =	swait.ge [sflag:s8], $0x80  }
0x87: {  	[sflag:s8] =	ssyncset.done $0x0  }
0x88: {  	[sflag:s8] =	ssyncadd.s32 $0xFFFFFF80  }
0x89: {  	[spmem:s1] =	stream.indirect.scatter.add.f32 [tilespmem:s2], [sflag:$0x7], $0x10, s30, s29, $0xb8;
	[tilespmem:$0x3610] =	vst v63  }
0x8a: {  	_ =	swait.ge [sflag:s9], $0x80  }
0x8b: {  	[sflag:s9] =	ssyncset.done $0x0  }
0x8c: {  	[sflag:s9] =	ssyncadd.s32 $0xFFFFFF80  }
0x8d: {  	[spmem:s1] =	stream.indirect.scatter.add.f32 [tilespmem:s2], [sflag:$0x8], $0x10, s31, s29, $0xb8;
	[tilespmem:$0x3610] =	vst v63  }
0x8e: {  	_ =	swait.ge [sflag:s10], $0x800  }
0x8f: {  	s19 =	smov.u32 s16;
	[sflag:s10] =	ssyncset.done $0x0  }
0x90: {  	s20 =	sadd.s32 s19, s23;
	[sflag:s10] =	ssyncadd.s32 $0xFFFFF800  }
0x91: {  	[tilespmem:s3], [sflag:$0x1] =	stream.linear.gather [hbm4b:s20+s3], $0x80, $0x38;
	[tilespmem:$0x3610] =	vst v63  }
0x92: {  	_ =	swait.ge [sflag:s11], $0x800  }
0x93: {  	s24 =	sadd.s32 $0x200, s24;
	s18 =	rddreg [dreg:$0x3];
	[sflag:s11] =	ssyncset.done $0x0  }
0x94: {  	s20 =	sadd.s32 $0xFFFFFF80, s24;
	[sflag:s11] =	ssyncadd.s32 $0xFFFFF800;
	s18 =	sadd.s32 s19, s18  }
0x95: {  	[tilespmem:s29], [sflag:$0x2] =	stream.linear.gather [hbm4b:s18+s3], $0x80, $0x38;
	[tilespmem:$0x3610] =	vst v63  }
0x96: {  	p1 =	slt.s32 s20, s6;
	s18 =	smov.u32 s6  }
0x97: {  	p0 =	sne.s32 s16, $0x480;
	s19 =	smov.u32 s6;
	s18 =	smov.u32 @p1 s20  }
0x98: {  	_ =	swait.ge [sflag:s12], $0x800;
	p1 =	slt.s32 s24, s6;
	s18 =	sshrl.u32 s18, $0x3  }
.Ltmp2:
0x99: {  	[sflag:s12] =	ssyncset.done $0x0;
	s18 =	sadd.s32 s4, s18;
	(pc) =	sbr.rel @p0 .LBB2_6-.Ltmp2, $4  }
0x9a: {  	s19 =	smov.u32 @p1 s24;
	[sflag:s12] =	ssyncadd.s32 $0xFFFFF800;
	s18 =	sadd.s32 $0x9C40, s18  }
0x9b: {  	[tilespmem:s30], [sflag:$0x3] =	stream.linear.gather [hbm4b:s18+s3], $0x80, $0x38;
	[tilespmem:$0x3610] =	vst v63  }
0x9c: {  	s20 =	sshrl.u32 s19, $0x3;
	_ =	swait.ge [sflag:s13], $0x800  }
0x9d: {  	s16 =	sadd.s32 $0x40, s16;
	s18 =	sadd.s32 s4, s20;
	[sflag:s13] =	ssyncset.done $0x0  }
0x9e: {  	[sflag:s13] =	ssyncadd.s32 $0xFFFFF800;
	s16 =	sadd.s32 $0x9C40, s18  }
0x9f: {  	[tilespmem:s31], [sflag:$0x4] =	stream.linear.gather [hbm4b:s16+s3], $0x80, $0x38;
	[tilespmem:$0x3610] =	vst v63  }
0xa0: {  	_ =	swait.ge [sflag:s0], $0x80  }
0xa1: {  	[sflag:s0] =	ssyncset.done $0x0  }
0xa2: {  	[sflag:s0] =	ssyncadd.s32 $0xFFFFFF80  }
0xa3: {  	[spmem:s1] =	stream.indirect.scatter.add.f32 [tilespmem:s2], [sflag:$0x5], $0x10, s3, s29, $0xb8;
	[tilespmem:$0x3610] =	vst v63  }
0xa4: {  	_ =	swait.ge [sflag:s7], $0x80  }
0xa5: {  	[sflag:s7] =	ssyncset.done $0x0  }
0xa6: {  	[sflag:s7] =	ssyncadd.s32 $0xFFFFFF80  }
0xa7: {  	[spmem:s1] =	stream.indirect.scatter.add.f32 [tilespmem:s2], [sflag:$0x6], $0x10, s29, s29, $0xb8;
	[tilespmem:$0x3610] =	vst v63  }
0xa8: {  	_ =	swait.ge [sflag:s10], $0x800  }
0xa9: {  	[sflag:s10] =	ssyncset.done $0x0  }
0xaa: {  	[sflag:s10] =	ssyncadd.s32 $0xFFFFF800  }
0xab: {  	_ =	swait.ge [sflag:s11], $0x800  }
0xac: {  	[sflag:s11] =	ssyncset.done $0x0  }
0xad: {  	[sflag:s11] =	ssyncadd.s32 $0xFFFFF800  }
0xae: {  	_ =	swait.ge [sflag:s8], $0x80  }
0xaf: {  	[sflag:s8] =	ssyncset.done $0x0  }
0xb0: {  	[sflag:s8] =	ssyncadd.s32 $0xFFFFFF80  }
0xb1: {  	_ =	swait.ge [sflag:s9], $0x80  }
0xb2: {  	[sflag:s9] =	ssyncset.done $0x0  }
0xb3: {  	s24 =	rddreg [dreg:$0x8];
	[sflag:s9] =	ssyncadd.s32 $0xFFFFFF80  }
0xb4: {  	[tilespmem:s14], [sflag:$0x9] =	stream.linear.gather [hbm4b:s24+s3], $0x10, $0x38;
	[tilespmem:$0x3610] =	vst v63  }
0xb5: {  	_ =	swait.ge [sflag:s28], $0x10  }
0xb6: {  	[sflag:s28] =	ssyncset.done $0x0  }
0xb7: {  	s18 =	simm.s32 $0x10;
	[sflag:s28] =	ssyncadd.s32 $0xFFFFFFF0  }
0xb8: {  	[spmem:s1] =	stream.indirect.scatter.add.f32 [tilespmem:s2], [sflag:$0x5], $0x10, s14, s18, $0xb8;
	[tilespmem:$0x3610] =	vst v63  }
0xb9: {  	_ =	swait.ge [sflag:s10], $0x100  }
0xba: {  	[sflag:s10] =	ssyncset.done $0x0  }
0xbb: {  	s19 =	stileid.u32;
	[sflag:s10] =	ssyncadd.s32 $0xFFFFFF00  }
0xbc: {  	s16 =	sshll.u32 s19, $0x6;
	[bflag:$0x0] =	sbarrier.arrive $0xFFFF  }
0xbd: {  	s16 =	sor.u32 $0x1C09, s16;
	s20 =	rddreg [dreg:$0x9]  }
0xbe: {  	[hbm:s20], [sflag:s16] =	dma.local [spmem:s25], $0x500  }
0xbf: {  	_ =	swait.ge [sflag:s28], $0x500  }
0xc0: {  	s15 =	sadd.s32 $0x1, s15;
	s24 =	rddreg [dreg:$0xa]  }
0xc1: {  	p0 =	sne.s32 s15, s24  }
.Ltmp3:
0xc2: {  	_ = 	snop;
	(pc) =	sbr.rel @p0 .LBB2_1-.Ltmp3, $3  }
0xc3: {  	_ =	sdelay $0x1  }
0xc4: {  	[sflag:s28] =	ssyncset.done $0x0  }
0xc5: {  	[sflag:s28] =	ssyncadd.s32 $0xFFFFFB00  }
0xc6: {  	_ =	sfence.sel $0x180000  }
0xc7: {  	[bflag:$0x0] =	sbarrier.arrive $0xFFFF  }
0xc8: {  	_ =	strace $0x90000047  }
0xc9: {  	s0 =	stileid.u32;
	[bflag:$0x2] =	sbarrier.arrive $0xFFFF  }
0xca: {  	p0 =	sne.s32 s0, $0x0;
	s0 =	rddreg [dreg:$0x2]  }
0xcb: {  	s0 =	sadd.s32 @!p0 $0x100000, s0  }
0xcc: {  	[sflag:s0] =	ssyncadd.tile.s32 @!p0 $0x1;
	_ =	shalt  }
.Lfunc_end2:
_tile_overlayer_lowered:
.L_overlay_start_2:
0xcd: {  	(tag) =	ssettag $0x2  }
0xce: {  	s0 =	rddreg [dreg:$0x0];
	s2 =	stileid.u32  }
0xcf: {  	s1 =	rddreg [dreg:$0x1];
	p0 =	sne.s32 s2, $0x0  }
0xd0: {  	s3 =	rddreg [dreg:$0x2];
	[bflag:$0x3] =	sbarrier.arrive $0xFFFF;
	s2 =	simm.s32 @!p0 $0x1C09  }
0xd1: {  	[timem:s3], [sflag:s2] =	dma.local @!p0 [hbm:s0], s1  }
0xd2: {  	s0 =	simm.s32 @!p0 $0x9  }
0xd3: {  	_ =	swait.ge @!p0 [sflag:s0], s1  }
0xd4: {  	s1 =	ssub.s32 @!p0 $0x0, s1;
	[sflag:s0] =	ssyncset.done @!p0 $0x0  }
0xd5: {  	[sflag:s0] =	ssyncadd.s32 @!p0 s1  }
0xd6: {  	[bflag:$0x3] =	sbarrier.arrive $0xFFFF  }
0xd7: {  	_ =	shalt  }

// kernel: kernel.14.cloned.1.call-start
scs
__scs_entry_jumppad:
0x0: {  	(pc) =	sbr.rel $0x88, $3  }
0x1: {  	(tag) =	ssettag $0x0;
	lr =	simm.s32 $0x1  }
0x2: {  	[smem:$0x3F97] =	sst lr;
	_ =	strace $0xD0000000  }
0x3: {  	_ = 	snop  }
0x4: {  	_ = 	snop  }
0x5: {  	_ = 	snop  }
0x6: {  	_ = 	snop  }
0x7: {  	_ = 	snop  }
__scs_overlays_trampoline_lowered:
0x8: {  	[smem:$0x3FA6] =	sst s0  }
0x9: {  	[smem:$0x3FA7] =	sst s1  }
0xa: {  	[smem:$0x3FA8] =	sst s2  }
0xb: {  	[smem:$0x3FA9] =	sst s3  }
0xc: {  	[smem:$0x3FAA] =	sst s4  }
0xd: {  	[smem:$0x3FAB] =	sst s5  }
0xe: {  	[smem:$0x3FAC] =	sst s6  }
0xf: {  	[smem:$0x3FAD] =	sst s7  }
0x10: {  	[smem:$0x3FAE] =	sst s8  }
0x11: {  	[smem:$0x3FAF] =	sst s9;
	s0 =	simm.s32 @!p0 $0x0  }
0x12: {  	s1 =	sld [smem:$0x3F95];
	s0 =	simm.s32 @p0 $0x1  }
0x13: {  	[smem:$0x3FB0] =	sst s0;
	s0 =	simm.s32 @!p1 $0x0  }
0x14: {  	s2 =	sld [smem:$0x3F94];
	s0 =	simm.s32 @p1 $0x1  }
0x15: {  	[smem:$0x3FB1] =	sst s0;
	s0 =	simm.s32 @!p2 $0x0  }
0x16: {  	s3 =	sld [smem:$0x3FDB];
	s0 =	simm.s32 @p2 $0x1  }
0x17: {  	s4 =	simm.s32 $0x1BF5;
	[smem:$0x3FB3] =	sst s0  }
0x18: {  	s0 =	sld [smem:$0x3F96];
	_ =	swait.ge [sflag:s4], $0x0  }
0x19: {  	s7 =	sld [smem:$0x3F97]  }
0x1a: {  	s8 =	sadd.s32 $0xFFFFE003, lr  }
0x1b: {  	s9 =	sadd.s32 $0xFFFFFEF7, lr;
	s5 =	simm.s32 $0xFFFFFFFF;
	p2 =	slt.u32 s8, $0xFFFFF086  }
0x1c: {  	p1 =	slt.u32 s9, $0xF7A;
	s5 =	simm.s32 @!p2 $0x0  }
0x1d: {  	s5 =	simm.s32 @p1 $0x1;
	p0 =	seq.s32 s7, s2  }
0x1e: {  	s7 =	smul.u32 @!p0 $0xF7A, s2;
	p2 =	seq.s32 @!p0 s5, $0x0  }
0x1f: {  	s9 =	smul.u32 $0xF7A, s1;
	s8 =	simm.s32 @!p0 $0x1BF5;
	p2 =	por !p2, p0  }
0x20: {  	[sflag:s8] =	ssyncset.s32 @!p0 $0xFFFFF086;
	s6 =	sadd.s32 @!p0 s3, s7;
	s7 =	simm.s32 @!p0 $0x108  }
0x21: {  	s3 =	sadd.s32 s3, s9;
	s6 =	sadd.s32 @!p0 $0x88, s6;
	s7 =	simm.s32 @p2 $0x1082  }
0x22: {  	[simem:s7], [sflag:s8] =	dma.local @!p0 [hbm:s6], $0xF7A  }
0x23: {  	s9 =	sor.u32 $0xD0000000, s2;
	s6 =	simm.s32 $0x108;
	_ =	swait.ge @!p0 [sflag:s8], $0x0  }
0x24: {  	s3 =	sadd.s32 $0x88, s3;
	s6 =	simm.s32 @!p1 $0x1082;
	[sflag:s4] =	ssyncset.s32 $0xFFFFF086  }
0x25: {  	[simem:s6], [sflag:s4] =	dma.local [hbm:s3], $0xF7A  }
0x26: {  	[smem:$0x3F97] =	sst s1;
	(tag) =	ssettag s2;
	_ =	strace s9  }
0x27: {  	s1 =	sld [smem:$0x3FA7]  }
0x28: {  	s2 =	sld [smem:$0x3FA8]  }
0x29: {  	s4 =	sld [smem:$0x3FAA]  }
0x2a: {  	p0 =	seq.s32 s5, $0x0;
	s5 =	sld [smem:$0x3FAB]  }
0x2b: {  	s6 =	sld [smem:$0x3FAC]  }
0x2c: {  	s7 =	sld [smem:$0x3FAD]  }
0x2d: {  	s3 =	simm.s32 $0x108;
	s8 =	sld [smem:$0x3FAE]  }
0x2e: {  	s3 =	simm.s32 @!p0 $0x1082;
	s9 =	sld [smem:$0x3FAF]  }
0x2f: {  	lr =	sadd.s32 s0, s3;
	s0 =	sld [smem:$0x3FA6]  }
0x30: {  	s3 =	sld [smem:$0x3FA9]  }
0x31: {  	[smem:$0x3FB2] =	sst s10  }
0x32: {  	s10 =	sld [smem:$0x3FB0];
	_ =	sdelay $0x3  }
0x33: {  	p0 =	seq.s32 s10, $0x1;
	s10 =	sld [smem:$0x3FB2];
	_ =	sdelay $0x3  }
0x34: {  	[smem:$0x3FB2] =	sst s10  }
0x35: {  	s10 =	sld [smem:$0x3FB1];
	_ =	sdelay $0x3  }
0x36: {  	p1 =	seq.s32 s10, $0x1;
	s10 =	sld [smem:$0x3FB2];
	_ =	sdelay $0x3  }
0x37: {  	[smem:$0x3FB2] =	sst s10  }
0x38: {  	s10 =	sld [smem:$0x3FB3]  }
0x39: {  	_ = 	snop;
	(pc) =	sbr.ind lr, $3  }
0x3a: {  	_ = 	snop  }
0x3b: {  	_ = 	snop  }
0x3c: {  	p2 =	seq.s32 s10, $0x1;
	s10 =	sld [smem:$0x3FB2]  }
0x3d: {  	_ =	shalt  }
0x3e: {  	_ =	shalt  }
0x3f: {  	_ =	shalt  }
0x40: {  	_ =	shalt  }
0x41: {  	_ =	shalt  }
0x42: {  	_ =	shalt  }
0x43: {  	_ =	shalt  }
0x44: {  	_ =	shalt  }
0x45: {  	_ =	shalt  }
0x46: {  	_ =	shalt  }
0x47: {  	_ =	shalt  }
0x48: {  	_ =	shalt  }
0x49: {  	_ =	shalt  }
0x4a: {  	_ =	shalt  }
0x4b: {  	_ =	shalt  }
0x4c: {  	_ =	shalt  }
0x4d: {  	_ =	shalt  }
0x4e: {  	_ =	shalt  }
0x4f: {  	_ =	shalt  }
0x50: {  	_ =	shalt  }
0x51: {  	_ =	shalt  }
0x52: {  	_ =	shalt  }
0x53: {  	_ =	shalt  }
0x54: {  	_ =	shalt  }
0x55: {  	_ =	shalt  }
0x56: {  	_ =	shalt  }
0x57: {  	_ =	shalt  }
0x58: {  	_ =	shalt  }
0x59: {  	_ =	shalt  }
0x5a: {  	_ =	shalt  }
0x5b: {  	_ =	shalt  }
0x5c: {  	_ =	shalt  }
0x5d: {  	_ =	shalt  }
0x5e: {  	_ =	shalt  }
0x5f: {  	_ =	shalt  }
0x60: {  	_ =	shalt  }
0x61: {  	_ =	shalt  }
0x62: {  	_ =	shalt  }
0x63: {  	_ =	shalt  }
0x64: {  	_ =	shalt  }
0x65: {  	_ =	shalt  }
0x66: {  	_ =	shalt  }
0x67: {  	_ =	shalt  }
0x68: {  	_ =	shalt  }
0x69: {  	_ =	shalt  }
0x6a: {  	_ =	shalt  }
0x6b: {  	_ =	shalt  }
0x6c: {  	_ =	shalt  }
0x6d: {  	_ =	shalt  }
0x6e: {  	_ =	shalt  }
0x6f: {  	_ =	shalt  }
0x70: {  	_ =	shalt  }
0x71: {  	_ =	shalt  }
0x72: {  	_ =	shalt  }
0x73: {  	_ =	shalt  }
0x74: {  	_ =	shalt  }
0x75: {  	_ =	shalt  }
0x76: {  	_ =	shalt  }
0x77: {  	_ =	shalt  }
0x78: {  	_ =	shalt  }
0x79: {  	_ =	shalt  }
0x7a: {  	_ =	shalt  }
0x7b: {  	_ =	shalt  }
0x7c: {  	_ =	shalt  }
0x7d: {  	_ =	shalt  }
0x7e: {  	_ =	shalt  }
0x7f: {  	_ =	shalt  }
0x80: {  	_ =	shalt  }
0x81: {  	_ =	shalt  }
0x82: {  	_ =	shalt  }
0x83: {  	_ =	shalt  }
0x84: {  	_ =	shalt  }
0x85: {  	_ =	shalt  }
0x86: {  	_ =	shalt  }
0x87: {  	_ =	shalt  }
.Lfunc_end0:
.L_simem_size_0:
called_computation.1_lowered:
.L_overlay_start_0:
0x88: {  	s2 =	sld [smem:$0x3FD9]  }
0x89: {  	s3 =	sld [smem:$0x3FFE];
	_ =	sdelay $0x1  }
0x8a: {  	s1 =	srdreg.scid  }
0x8b: {  	s0 =	sand.u32 $0x1, s1  }
0x8c: {  	s16 =	sshll.u32 s0, $0xA;
	s2 =	sadd.s32 s3, s2  }
0x8d: {  	s2 =	sadd.s32 s2, s16  }
0x8e: {  	[smem:$0x3FBE] =	sst s2  }
0x8f: {  	_ = 	snop  }
0x90: {  	(tm) =	ssettm $0x1  }
0x91: {  	s17 =	sld [smem:$0x3FFB];
	_ =	sdelay $0x3  }
0x92: {  	_ =	strace s17  }
0x93: {  	s2 =	sld [smem:$0x3FFC];
	_ =	sdelay $0x3  }
0x94: {  	_ =	strace s2  }
0x95: {  	s2 =	sld [smem:$0x3FFD];
	_ =	sdelay $0x3  }
0x96: {  	_ =	strace s2  }
0x97: {  	_ =	strace $0x8FFFFFFF  }
0x98: {  	s18 =	sld [smem:$0x3FDB];
	_ =	sdelay $0x1  }
0x99: {  	s19 =	simm.s32 $_scs_section_size  }
0x9a: {  	s4 =	simm.s32 $_size__tile_overlayer_lowered;
	s5 =	simm.s32 $_tile_overlayer_lowered  }
0x9b: {  	s22 =	simm.s32 $0x1BFF;
	s21 =	sshll.u32 s5, $0x1;
	s2 =	sadd.s32 s19, s18  }
0x9c: {  	s6 =	simm.s32 $0x0;
	s20 =	sshll.u32 s4, $0x1;
	s4 =	sadd.s32 s21, s2  }
0x9d: {  	[timem:s6], [sflag:s22] =	dma.local [hbm:s4], s20  }
0x9e: {  	_ =	swait.ge [sflag:s22], s20  }
0x9f: {  	s3 =	ssub.s32 $0x0, s20;
	[sflag:s22] =	ssyncset.done $0x0  }
0xa0: {  	[sflag:s22] =	ssyncadd.s32 s3;
	_ =	sdelay $0x1  }
0xa1: {  	s23 =	simm.s32 $0x1B8B  }
0xa2: {  	_ =	swait.ge [sflag:s23], $0x1  }
0xa3: {  	[sflag:s23] =	ssyncset.done $0x0  }
0xa4: {  	s25 =	simm.s32 $0x1B8E;
	s24 =	sld [smem:$0x3FFE];
	[sflag:s23] =	ssyncadd.s32 $0xFFFFFFFF  }
0xa5: {  	s26 =	simm.s32 $execute0_lowered;
	[smem:$0x3FD2] =	sst s25  }
0xa6: {  	s4 =	sshll.u32 s26, $0x1;
	_ =	strace $0x80000049;
	[dreg:$0x1] =	wrdreg $0xFFFFFFFF  }
0xa7: {  	s28 =	simm.s32 $_size_execute0_lowered;
	s2 =	sadd.s32 s2, s4;
	[dreg:$0x0] =	wrdreg $0x0  }
0xa8: {  	s4 =	sshll.u32 s28, $0x1;
	[dreg:$0x2] =	wrdreg s2  }
0xa9: {  	[dreg:$0x3] =	wrdreg s4  }
0xaa: {  	[dreg:$0x4] =	wrdreg $0xC0  }
0xab: {  	_ =	task [dreg:s6], $0x5FFFF  }
0xac: {  	[dreg:$0x1] =	wrdreg $0xFFFFFFFF  }
0xad: {  	[dreg:$0x0] =	wrdreg $0x60  }
0xae: {  	[dreg:$0x2] =	wrdreg s24  }
0xaf: {  	[dreg:$0x3] =	wrdreg $0xAC200  }
0xb0: {  	[dreg:$0x4] =	wrdreg $0x9  }
0xb1: {  	_ =	task.clear_ibuf [dreg:s6], $0x5FFFF;
	_ =	strace $0x90000049  }
0xb2: {  	s29 =	simm.s32 $0x9;
	_ =	strace $0x8000004B  }
0xb3: {  	_ =	swait.ge [sflag:s29], $0x1  }
0xb4: {  	[sflag:s29] =	ssyncadd.s32 $0xFFFFFFFF  }
0xb5: {  	_ =	strace $0x9000004B  }
0xb6: {  	_ =	sfence  }
0xb7: {  	s30 =	sld [smem:$0x0];
	_ =	sdelay $0x2  }
0xb8: {  	s31 =	sshll.u32 s1, $0xD;
	s1 =	sshrl.u32 s1, $0x2  }
0xb9: {  	s3 =	sand.u32 $0x4000, s31;
	s1 =	sadd.s32 s1, s30  }
0xba: {  	s0 =	sor.u32 s3, s0;
	s1 =	sshll.u32 s1, $0x11  }
0xbb: {  	s0 =	sor.u32 s1, s0  }
0xbc: {  	s0 =	sadd.s32 $0x8F2B, s0  }
0xbd: {  	[sflag:s0] =	ssyncadd.remote.s32 $0x1  }
0xbe: {  	_ =	sfence.sel $0xFFFF  }
0xbf: {  	[dreg:$0x0] =	wrdreg $0xFFFFFFFF;
	(pc) =	sbr.abs _section_cstart, $3  }
0xc0: {  	[dreg:$0x1] =	wrdreg $0xFFFFFFFF  }
0xc1: {  	_ =	task.clear_ibuf [dreg:s6], $0x2FFFF;
	_ =	strace $0x9FFFFFFF  }
0xc2: {  	(tm) =	ssettm $0x7FFFFFFF  }
0xc3: {  	_ =	shalt  }
tec
execute0_lowered:
.L_overlay_start_1:
0x0: {  	(tag) =	ssettag $0x1  }
0x1: {  	s0 =	rddreg [dreg:$0x0]  }
0x2: {  	s1 =	rddreg [dreg:$0x1]  }
0x3: {  	s2 =	srdreg.scid;
	s13 =	stileid.u32  }
0x4: {  	s3 =	simm.s32 $0x0;
	s28 =	simm.s32 $0x8C20;
	s9 =	smul.u32 $0x14000, s13  }
0x5: {  	s29 =	simm.s32 $0x5;
	s30 =	simm.s32 $0x200;
	s10 =	smul.u32 $0x50000, s13  }
0x6: {  	s31 =	simm.s32 $0x80;
	s2 =	sand.u32 $0x1, s2;
	s20 =	smul.u32 $0x2710, s13  }
0x7: {  	[smem:$0x7FF] =	sst s3;
	s4 =	sadd.s32 $0x16C00, s0;
	s6 =	smul.u32 $0x140000, s2  }
0x8: {  	s5 =	sshll.u32 s2, $0x4;
	_ =	strace $0x8000004A;
	s22 =	ssub.s32 $0x2, s2  }
0x9: {  	s2 =	smul.u32 $0x27100, s2;
	s7 =	sor.u32 s13, s5;
	s5 =	sadd.s32 $0x3200, s0  }
0xa: {  	s23 =	sshrl.u32 s22, $0x1;
	s24 =	sshrl.u32 s10, $0x2;
	s15 =	sadd.s32 s9, s1  }
0xb: {  	s13 =	simm.s32 $0x4;
	s6 =	sadd.s32 s9, s6;
	s12 =	ssub.s32 s22, s23  }
0xc: {  	s8 =	smul.u32 $0x2710, s7;
	s7 =	sadd.s32 s24, s1;
	s16 =	smax.u32 s12, $0x1  }
0xd: {  	s9 =	simm.s32 $0x400;
	s17 =	sadd.s32 $0x2000, s7;
	[dreg:$0x9] =	wrdreg s16  }
0xe: {  	s6 =	sshrl.u32 s6, $0x3;
	s18 =	sadd.s32 $0x4000, s7;
	[dreg:$0xa] =	wrdreg s17  }
0xf: {  	s19 =	sadd.s32 $0x6000, s7;
	s21 =	sadd.s32 $0x8000, s7;
	[dreg:$0xb] =	wrdreg s18  }
0x10: {  	s22 =	sadd.s32 $0xA000, s7;
	s23 =	sadd.s32 $0xC000, s7;
	[dreg:$0xc] =	wrdreg s19  }
0x11: {  	s12 =	simm.s32 $0x3;
	s0 =	sadd.s32 s6, s0;
	[dreg:$0xd] =	wrdreg s21  }
0x12: {  	s11 =	sshrl.u32 s8, $0x3;
	s24 =	sadd.s32 $0x2680, s8;
	[dreg:$0xe] =	wrdreg s22  }
0x13: {  	[dreg:$0xf] =	wrdreg s23;
	s6 =	sadd.s32 s5, s11;
	s0 =	sadd.s32 $0x3DE00, s0  }
0x14: {  	s23 =	sadd.s32 s20, s2;
	s25 =	sadd.s32 $0x9C40, s6;
	[dreg:$0x8] =	wrdreg s0  }
0x15: {  	s2 =	simm.s32 $0x1;
	s26 =	sadd.s32 $0x10, s6;
	[dreg:$0x3] =	wrdreg s25  }
0x16: {  	s16 =	simm.s32 $0x10;
	s10 =	sadd.s32 $0x9C50, s6;
	[dreg:$0x4] =	wrdreg s26  }
0x17: {  	s17 =	simm.s32 $0x8420;
	s11 =	sadd.s32 $0x4E0, s6;
	[dreg:$0x5] =	wrdreg s10  }
0x18: {  	s18 =	simm.s32 $0x0;
	s14 =	sadd.s32 $0xA120, s6;
	[dreg:$0x6] =	wrdreg s11  }
0x19: {  	s0 =	simm.s32 $0x280;
	[dreg:$0x7] =	wrdreg s14;
	s25 =	sadd.s32 $0xE000, s7  }
0x1a: {  	s26 =	sadd.s32 $0x10000, s7;
	s10 =	simm.s32 $0x2;
	[dreg:$0x10] =	wrdreg s25  }
0x1b: {  	s11 =	simm.s32 $0x4400;
	s14 =	simm.s32 $0x8400;
	[dreg:$0x11] =	wrdreg s26  }
0x1c: {  	v0 =	vimm.f32 $0.0e+00;
	s25 =	sshrl.u32 s15, $0x3;
	s26 =	sadd.s32 $0x12000, s7;
	s15 =	simm.s32 $0x8410  }
.LBB2_1:
0x1d: {  	s19 =	simm.s32 $0x0;
	s20 =	simm.s32 $0x200  }
.LBB2_2:
0x1e: {  	p0 =	sne.s32 s20, $0x7E00;
	[tilespmem:s19+$0x8C90] =	vst v0  }
0x1f: {  	[tilespmem:s19+$0x8C20] =	vst v0  }
0x20: {  	[tilespmem:s19+$0x8C30] =	vst v0  }
.Ltmp0:
0x21: {  	[tilespmem:s19+$0x8C40] =	vst v0;
	(pc) =	sbr.rel @p0 .LBB2_2-.Ltmp0, $4  }
0x22: {  	[tilespmem:s19+$0x8C50] =	vst v0  }
0x23: {  	[tilespmem:s19+$0x8C60] =	vst v0  }
0x24: {  	[tilespmem:s19+$0x8C70] =	vst v0  }
0x25: {  	[tilespmem:s19+$0x8C80] =	vst v0;
	s19 =	sshra.s32 s20, $0x2;
	s20 =	sadd.s32 $0x200, s20  }
0x26: {  	[tilespmem:s19+$0x8C90] =	vst v0  }
0x27: {  	[tilespmem:s19+$0x8C20] =	vst v0  }
0x28: {  	[tilespmem:s19+$0x8C30] =	vst v0  }
0x29: {  	[tilespmem:s19+$0x8C40] =	vst v0  }
0x2a: {  	[tilespmem:s19+$0x8C50] =	vst v0  }
0x2b: {  	[tilespmem:s19+$0x8C60] =	vst v0  }
0x2c: {  	[tilespmem:s19+$0x8C70] =	vst v0  }
0x2d: {  	[tilespmem:s19+$0x8C80] =	vst v0  }
0x2e: {  	[spmem:s7] =	stream.linear.scatter [tilespmem:s28], [sflag:$0x5], $0x2000, $0x38;
	[tilespmem:$0x1EC20] =	vst v63  }
0x2f: {  	_ =	swait.ge [sflag:s29], $0x2000  }
0x30: {  	[sflag:s29] =	ssyncset.done $0x0  }
0x31: {  	s8 =	rddreg [dreg:$0xa];
	[sflag:s29] =	ssyncadd.s32 $0xFFFFE000  }
0x32: {  	[spmem:s8] =	stream.linear.scatter [tilespmem:s28], [sflag:$0x5], $0x2000, $0x38;
	[tilespmem:$0x1EC20] =	vst v63  }
0x33: {  	_ =	swait.ge [sflag:s29], $0x2000  }
0x34: {  	[sflag:s29] =	ssyncset.done $0x0  }
0x35: {  	s20 =	rddreg [dreg:$0xb];
	[sflag:s29] =	ssyncadd.s32 $0xFFFFE000  }
0x36: {  	[spmem:s20] =	stream.linear.scatter [tilespmem:s28], [sflag:$0x5], $0x2000, $0x38;
	[tilespmem:$0x1EC20] =	vst v63  }
0x37: {  	_ =	swait.ge [sflag:s29], $0x2000  }
0x38: {  	[sflag:s29] =	ssyncset.done $0x0  }
0x39: {  	s21 =	rddreg [dreg:$0xc];
	[sflag:s29] =	ssyncadd.s32 $0xFFFFE000  }
0x3a: {  	[spmem:s21] =	stream.linear.scatter [tilespmem:s28], [sflag:$0x5], $0x2000, $0x38;
	[tilespmem:$0x1EC20] =	vst v63  }
0x3b: {  	_ =	swait.ge [sflag:s29], $0x2000  }
0x3c: {  	[sflag:s29] =	ssyncset.done $0x0  }
0x3d: {  	s22 =	rddreg [dreg:$0xd];
	[sflag:s29] =	ssyncadd.s32 $0xFFFFE000  }
0x3e: {  	[spmem:s22] =	stream.linear.scatter [tilespmem:s28], [sflag:$0x5], $0x2000, $0x38;
	[tilespmem:$0x1EC20] =	vst v63  }
0x3f: {  	_ =	swait.ge [sflag:s29], $0x2000  }
0x40: {  	[sflag:s29] =	ssyncset.done $0x0  }
0x41: {  	s19 =	rddreg [dreg:$0xe];
	[sflag:s29] =	ssyncadd.s32 $0xFFFFE000  }
0x42: {  	[spmem:s19] =	stream.linear.scatter [tilespmem:s28], [sflag:$0x5], $0x2000, $0x38;
	[tilespmem:$0x1EC20] =	vst v63  }
0x43: {  	_ =	swait.ge [sflag:s29], $0x2000  }
0x44: {  	[sflag:s29] =	ssyncset.done $0x0  }
0x45: {  	s20 =	rddreg [dreg:$0xf];
	[sflag:s29] =	ssyncadd.s32 $0xFFFFE000  }
0x46: {  	[spmem:s20] =	stream.linear.scatter [tilespmem:s28], [sflag:$0x5], $0x2000, $0x38;
	[tilespmem:$0x1EC20] =	vst v63  }
0x47: {  	_ =	swait.ge [sflag:s29], $0x2000  }
0x48: {  	[sflag:s29] =	ssyncset.done $0x0  }
0x49: {  	s21 =	rddreg [dreg:$0x10];
	[sflag:s29] =	ssyncadd.s32 $0xFFFFE000  }
0x4a: {  	[spmem:s21] =	stream.linear.scatter [tilespmem:s28], [sflag:$0x5], $0x2000, $0x38;
	[tilespmem:$0x1EC20] =	vst v63  }
0x4b: {  	_ =	swait.ge [sflag:s29], $0x2000  }
0x4c: {  	[sflag:s29] =	ssyncset.done $0x0  }
0x4d: {  	s22 =	rddreg [dreg:$0x11];
	[sflag:s29] =	ssyncadd.s32 $0xFFFFE000  }
0x4e: {  	[spmem:s22] =	stream.linear.scatter [tilespmem:s28], [sflag:$0x5], $0x2000, $0x38;
	[tilespmem:$0x1EC20] =	vst v63  }
0x4f: {  	_ =	swait.ge [sflag:s29], $0x2000  }
0x50: {  	[sflag:s29] =	ssyncset.done $0x0  }
0x51: {  	[sflag:s29] =	ssyncadd.s32 $0xFFFFE000  }
0x52: {  	[spmem:s26] =	stream.linear.scatter [tilespmem:s28], [sflag:$0x5], $0x2000, $0x38;
	[tilespmem:$0x1EC20] =	vst v63  }
0x53: {  	_ =	swait.ge [sflag:s29], $0x2000  }
0x54: {  	[sflag:s29] =	ssyncset.done $0x0  }
0x55: {  	[sflag:s29] =	ssyncadd.s32 $0xFFFFE000  }
0x56: {  	[bflag:$0x0] =	sbarrier.arrive $0xFFFF  }
0x57: {  	[tilespmem:s3], [sflag:$0x1] =	stream.linear.gather [hbm4b:s6+s3], $0x80, $0x38;
	[tilespmem:$0x1EC20] =	vst v63  }
0x58: {  	s19 =	rddreg [dreg:$0x3]  }
0x59: {  	[tilespmem:s30], [sflag:$0x1] =	stream.linear.gather [hbm4b:s19+s3], $0x80, $0x38;
	[tilespmem:$0x1EC20] =	vst v63  }
0x5a: {  	s20 =	rddreg [dreg:$0x4]  }
0x5b: {  	[tilespmem:s31], [sflag:$0x2] =	stream.linear.gather [hbm4b:s20+s3], $0x80, $0x38;
	[tilespmem:$0x1EC20] =	vst v63  }
0x5c: {  	s21 =	rddreg [dreg:$0x5]  }
0x5d: {  	[tilespmem:s0], [sflag:$0x2] =	stream.linear.gather [hbm4b:s21+s3], $0x80, $0x38;
	[tilespmem:$0x1EC20] =	vst v63  }
0x5e: {  	_ =	swait.ge [sflag:s2], $0x80  }
0x5f: {  	[sflag:s2] =	ssyncset.done $0x0  }
0x60: {  	[sflag:s2] =	ssyncadd.s32 $0xFFFFFF80  }
0x61: {  	_ =	swait.ge [sflag:s2], $0x80  }
0x62: {  	[sflag:s2] =	ssyncset.done $0x0  }
0x63: {  	[sflag:s2] =	ssyncadd.s32 $0xFFFFFF80  }
0x64: {  	[tilespmem:s9], [sflag:$0x3] =	stream.indirect.gather [hbm4b:s4+s31], $0x80, s3, s31, $0xb8;
	[tilespmem:$0x1EC20] =	vst v63  }
0x65: {  	_ =	swait.ge [sflag:s10], $0x80  }
0x66: {  	[sflag:s10] =	ssyncset.done $0x0  }
0x67: {  	[sflag:s10] =	ssyncadd.s32 $0xFFFFFF80  }
0x68: {  	_ =	swait.ge [sflag:s10], $0x80  }
0x69: {  	[sflag:s10] =	ssyncset.done $0x0  }
0x6a: {  	[sflag:s10] =	ssyncadd.s32 $0xFFFFFF80  }
0x6b: {  	[tilespmem:s11], [sflag:$0x4] =	stream.indirect.gather [hbm4b:s4+s31], $0x80, s31, s31, $0xb8;
	[tilespmem:$0x1EC20] =	vst v63  }
0x6c: {  	s22 =	sadd.s32 $0xFFFFD900, s23;
	_ =	swait.ge [sflag:s12], $0x4000  }
0x6d: {  	s20 =	sadd.s32 $0x2800, s22;
	[sflag:s12] =	ssyncset.done $0x0  }
0x6e: {  	p0 =	slt.s32 s20, s24;
	s21 =	smov.u32 s24;
	[sflag:s12] =	ssyncadd.s32 $0xFFFFC000  }
0x6f: {  	[spmem:s1] =	stream.indirect.scatter.add.f32 [tilespmem:s9], [sflag:$0x5], $0x80, s30, s31, $0xb8;
	[tilespmem:$0x1EC20] =	vst v63  }
0x70: {  	s21 =	smov.u32 @p0 s20;
	_ =	swait.ge [sflag:s29], $0x4000  }
0x71: {  	s20 =	sshrl.u32 s21, $0x3;
	[sflag:s29] =	ssyncset.done $0x0  }
0x72: {  	s20 =	sadd.s32 s5, s20;
	[sflag:s29] =	ssyncadd.s32 $0xFFFFC000  }
0x73: {  	[tilespmem:s3], [sflag:$0x1] =	stream.linear.gather [hbm4b:s20+s3], $0x80, $0x38;
	[tilespmem:$0x1EC20] =	vst v63  }
0x74: {  	s20 =	sadd.s32 $0x9C40, s20  }
0x75: {  	[tilespmem:s30], [sflag:$0x1] =	stream.linear.gather [hbm4b:s20+s3], $0x80, $0x38;
	[tilespmem:$0x1EC20] =	vst v63  }
0x76: {  	_ =	swait.ge [sflag:s2], $0x80  }
0x77: {  	[sflag:s2] =	ssyncset.done $0x0  }
0x78: {  	[sflag:s2] =	ssyncadd.s32 $0xFFFFFF80  }
0x79: {  	_ =	swait.ge [sflag:s2], $0x80  }
0x7a: {  	[sflag:s2] =	ssyncset.done $0x0  }
0x7b: {  	[sflag:s2] =	ssyncadd.s32 $0xFFFFFF80  }
0x7c: {  	[tilespmem:s9], [sflag:$0x3] =	stream.indirect.gather [hbm4b:s4+s31], $0x80, s3, s31, $0xb8;
	[tilespmem:$0x1EC20] =	vst v63  }
0x7d: {  	s19 =	sadd.s32 $0x2880, s22;
	_ =	swait.ge [sflag:s13], $0x4000  }
0x7e: {  	p0 =	slt.s32 s19, s24;
	s20 =	smov.u32 s24;
	[sflag:s13] =	ssyncset.done $0x0  }
0x7f: {  	s20 =	smov.u32 @p0 s19;
	[sflag:s13] =	ssyncadd.s32 $0xFFFFC000  }
0x80: {  	[spmem:s1] =	stream.indirect.scatter.add.f32 [tilespmem:s11], [sflag:$0x5], $0x80, s0, s31, $0xb8;
	[tilespmem:$0x1EC20] =	vst v63  }
0x81: {  	s19 =	simm.s32 $0xFFFFDA00;
	s20 =	sshrl.u32 s20, $0x3;
	_ =	swait.ge [sflag:s29], $0x4000  }
.LBB2_4:
0x82: {  	p0 =	sne.s32 s19, $0xFFFFFF00  }
0x83: {  	[sflag:s29] =	ssyncset.done $0x0;
	s21 =	smov.u32 s19;
	s19 =	sadd.s32 $0x100, s19  }
0x84: {  	s20 =	sadd.s32 s5, s20;
	[sflag:s29] =	ssyncadd.s32 $0xFFFFC000  }
0x85: {  	[tilespmem:s31], [sflag:$0x2] =	stream.linear.gather [hbm4b:s20+s3], $0x80, $0x38;
	[tilespmem:$0x1EC20] =	vst v63  }
0x86: {  	s20 =	sadd.s32 $0x9C40, s20  }
0x87: {  	[tilespmem:s0], [sflag:$0x2] =	stream.linear.gather [hbm4b:s20+s3], $0x80, $0x38;
	[tilespmem:$0x1EC20] =	vst v63  }
0x88: {  	_ =	swait.ge [sflag:s10], $0x80  }
0x89: {  	[sflag:s10] =	ssyncset.done $0x0  }
0x8a: {  	[sflag:s10] =	ssyncadd.s32 $0xFFFFFF80  }
0x8b: {  	_ =	swait.ge [sflag:s10], $0x80  }
0x8c: {  	s8 =	smov.u32 s24;
	s20 =	sadd.s32 s21, s23;
	[sflag:s10] =	ssyncset.done $0x0  }
0x8d: {  	s21 =	sadd.s32 $0x2800, s20;
	s20 =	sadd.s32 $0x2880, s20;
	[sflag:s10] =	ssyncadd.s32 $0xFFFFFF80  }
0x8e: {  	[tilespmem:s11], [sflag:$0x4] =	stream.indirect.gather [hbm4b:s4+s31], $0x80, s31, s31, $0xb8;
	[tilespmem:$0x1EC20] =	vst v63  }
0x8f: {  	s22 =	smov.u32 s24;
	p1 =	slt.s32 s20, s24;
	_ =	swait.ge [sflag:s12], $0x4000  }
0x90: {  	p2 =	slt.s32 s21, s24;
	s8 =	smov.u32 @p1 s20;
	[sflag:s12] =	ssyncset.done $0x0  }
0x91: {  	s22 =	smov.u32 @p2 s21;
	s20 =	sshrl.u32 s8, $0x3;
	[sflag:s12] =	ssyncadd.s32 $0xFFFFC000  }
0x92: {  	[spmem:s1] =	stream.indirect.scatter.add.f32 [tilespmem:s9], [sflag:$0x5], $0x80, s30, s31, $0xb8;
	[tilespmem:$0x1EC20] =	vst v63  }
0x93: {  	s8 =	sshrl.u32 s22, $0x3;
	_ =	swait.ge [sflag:s29], $0x4000  }
0x94: {  	[sflag:s29] =	ssyncset.done $0x0  }
0x95: {  	s8 =	sadd.s32 s5, s8;
	[sflag:s29] =	ssyncadd.s32 $0xFFFFC000  }
0x96: {  	[tilespmem:s3], [sflag:$0x1] =	stream.linear.gather [hbm4b:s8+s3], $0x80, $0x38;
	[tilespmem:$0x1EC20] =	vst v63  }
0x97: {  	s8 =	sadd.s32 $0x9C40, s8  }
0x98: {  	[tilespmem:s30], [sflag:$0x1] =	stream.linear.gather [hbm4b:s8+s3], $0x80, $0x38;
	[tilespmem:$0x1EC20] =	vst v63  }
0x99: {  	_ =	swait.ge [sflag:s2], $0x80  }
0x9a: {  	[sflag:s2] =	ssyncset.done $0x0  }
0x9b: {  	[sflag:s2] =	ssyncadd.s32 $0xFFFFFF80  }
0x9c: {  	_ =	swait.ge [sflag:s2], $0x80  }
0x9d: {  	[sflag:s2] =	ssyncset.done $0x0  }
0x9e: {  	[sflag:s2] =	ssyncadd.s32 $0xFFFFFF80  }
0x9f: {  	[tilespmem:s9], [sflag:$0x3] =	stream.indirect.gather [hbm4b:s4+s31], $0x80, s3, s31, $0xb8;
	[tilespmem:$0x1EC20] =	vst v63  }
.Ltmp1:
0xa0: {  	_ =	swait.ge [sflag:s13], $0x4000;
	(pc) =	sbr.rel @p0 .LBB2_4-.Ltmp1, $4  }
0xa1: {  	[sflag:s13] =	ssyncset.done $0x0  }
0xa2: {  	[sflag:s13] =	ssyncadd.s32 $0xFFFFC000  }
0xa3: {  	[spmem:s1] =	stream.indirect.scatter.add.f32 [tilespmem:s11], [sflag:$0x5], $0x80, s0, s31, $0xb8;
	[tilespmem:$0x1EC20] =	vst v63  }
0xa4: {  	_ =	swait.ge [sflag:s29], $0x4000  }
0xa5: {  	[sflag:s29] =	ssyncset.done $0x0  }
0xa6: {  	s8 =	sadd.s32 s5, s20;
	[sflag:s29] =	ssyncadd.s32 $0xFFFFC000  }
0xa7: {  	[tilespmem:s31], [sflag:$0x2] =	stream.linear.gather [hbm4b:s8+s3], $0x80, $0x38;
	[tilespmem:$0x1EC20] =	vst v63  }
0xa8: {  	s8 =	sadd.s32 $0x9C40, s8  }
0xa9: {  	[tilespmem:s0], [sflag:$0x2] =	stream.linear.gather [hbm4b:s8+s3], $0x80, $0x38;
	[tilespmem:$0x1EC20] =	vst v63  }
0xaa: {  	_ =	swait.ge [sflag:s12], $0x4000  }
0xab: {  	[sflag:s12] =	ssyncset.done $0x0  }
0xac: {  	[sflag:s12] =	ssyncadd.s32 $0xFFFFC000  }
0xad: {  	_ =	swait.ge [sflag:s10], $0x80  }
0xae: {  	[sflag:s10] =	ssyncset.done $0x0  }
0xaf: {  	[sflag:s10] =	ssyncadd.s32 $0xFFFFFF80  }
0xb0: {  	_ =	swait.ge [sflag:s10], $0x80  }
0xb1: {  	[sflag:s10] =	ssyncset.done $0x0  }
0xb2: {  	s19 =	rddreg [dreg:$0x6];
	[sflag:s10] =	ssyncadd.s32 $0xFFFFFF80  }
0xb3: {  	[tilespmem:s14], [sflag:$0x5] =	stream.linear.gather [hbm4b:s19+s3], $0x10, $0x38;
	[tilespmem:$0x1EC20] =	vst v63  }
0xb4: {  	_ =	swait.ge [sflag:s29], $0x10  }
0xb5: {  	[sflag:s29] =	ssyncset.done $0x0  }
0xb6: {  	s20 =	rddreg [dreg:$0x7];
	[sflag:s29] =	ssyncadd.s32 $0xFFFFFFF0  }
0xb7: {  	[tilespmem:s15], [sflag:$0x5] =	stream.linear.gather [hbm4b:s20+s3], $0x10, $0x38;
	[tilespmem:$0x1EC20] =	vst v63  }
0xb8: {  	_ =	swait.ge [sflag:s29], $0x10  }
0xb9: {  	[sflag:s29] =	ssyncset.done $0x0  }
0xba: {  	[sflag:s29] =	ssyncadd.s32 $0xFFFFFFF0  }
0xbb: {  	[tilespmem:s17], [sflag:$0x3] =	stream.indirect.gather [hbm4b:s4+s16], $0x80, s14, s16, $0xb8;
	[tilespmem:$0x1EC20] =	vst v63  }
0xbc: {  	_ =	swait.ge [sflag:s12], $0x800  }
0xbd: {  	[sflag:s12] =	ssyncset.done $0x0  }
0xbe: {  	[sflag:s12] =	ssyncadd.s32 $0xFFFFF800  }
0xbf: {  	[spmem:s1] =	stream.indirect.scatter.add.f32 [tilespmem:s17], [sflag:$0x5], $0x80, s15, s16, $0xb8;
	[tilespmem:$0x1EC20] =	vst v63  }
0xc0: {  	_ =	swait.ge [sflag:s29], $0x800  }
0xc1: {  	[sflag:s29] =	ssyncset.done $0x0  }
0xc2: {  	s21 =	stileid.u32;
	[sflag:s29] =	ssyncadd.s32 $0xFFFFF800  }
0xc3: {  	s8 =	sshll.u32 s21, $0x6;
	[bflag:$0x0] =	sbarrier.arrive $0xFFFF  }
0xc4: {  	s8 =	sor.u32 $0x1C05, s8;
	s19 =	rddreg [dreg:$0x8]  }
0xc5: {  	[hbm:s19], [sflag:s8] =	dma.local [spmem:s25], $0x2800  }
0xc6: {  	_ =	swait.ge [sflag:s29], $0x2800  }
0xc7: {  	s18 =	sadd.s32 $0x1, s18;
	s22 =	rddreg [dreg:$0x9]  }
0xc8: {  	p0 =	sne.s32 s18, s22  }
.Ltmp2:
0xc9: {  	_ = 	snop;
	(pc) =	sbr.rel @p0 .LBB2_1-.Ltmp2, $3  }
0xca: {  	_ =	sdelay $0x1  }
0xcb: {  	[sflag:s29] =	ssyncset.done $0x0  }
0xcc: {  	[sflag:s29] =	ssyncadd.s32 $0xFFFFD800  }
0xcd: {  	_ =	sfence.sel $0x180000  }
0xce: {  	[bflag:$0x0] =	sbarrier.arrive $0xFFFF  }
0xcf: {  	_ =	strace $0x9000004A  }
0xd0: {  	s0 =	stileid.u32;
	[bflag:$0x2] =	sbarrier.arrive $0xFFFF  }
0xd1: {  	p0 =	sne.s32 s0, $0x0;
	s0 =	rddreg [dreg:$0x2]  }
0xd2: {  	s0 =	sadd.s32 @!p0 $0x100000, s0  }
0xd3: {  	[sflag:s0] =	ssyncadd.tile.s32 @!p0 $0x1;
	_ =	shalt  }
.Lfunc_end2:
_tile_overlayer_lowered:
.L_overlay_start_2:
0xd4: {  	(tag) =	ssettag $0x2  }
0xd5: {  	s0 =	rddreg [dreg:$0x0];
	s2 =	stileid.u32  }
0xd6: {  	s1 =	rddreg [dreg:$0x1];
	p0 =	sne.s32 s2, $0x0  }
0xd7: {  	s3 =	rddreg [dreg:$0x2];
	[bflag:$0x3] =	sbarrier.arrive $0xFFFF;
	s2 =	simm.s32 @!p0 $0x1C05  }
0xd8: {  	[timem:s3], [sflag:s2] =	dma.local @!p0 [hbm:s0], s1  }
0xd9: {  	s0 =	simm.s32 @!p0 $0x5  }
0xda: {  	_ =	swait.ge @!p0 [sflag:s0], s1  }
0xdb: {  	s1 =	ssub.s32 @!p0 $0x0, s1;
	[sflag:s0] =	ssyncset.done @!p0 $0x0  }
0xdc: {  	[sflag:s0] =	ssyncadd.s32 @!p0 s1  }
0xdd: {  	[bflag:$0x3] =	sbarrier.arrive $0xFFFF  }
0xde: {  	_ =	shalt  }

// kernel: kernel.17.cloned.1.call-start
scs
__scs_entry_jumppad:
0x0: {  	(pc) =	sbr.rel $0x88, $3  }
0x1: {  	(tag) =	ssettag $0x0;
	lr =	simm.s32 $0x1  }
0x2: {  	[smem:$0x3F97] =	sst lr;
	_ =	strace $0xD0000000  }
0x3: {  	_ = 	snop  }
0x4: {  	_ = 	snop  }
0x5: {  	_ = 	snop  }
0x6: {  	_ = 	snop  }
0x7: {  	_ = 	snop  }
__scs_overlays_trampoline_lowered:
0x8: {  	[smem:$0x3FA6] =	sst s0  }
0x9: {  	[smem:$0x3FA7] =	sst s1  }
0xa: {  	[smem:$0x3FA8] =	sst s2  }
0xb: {  	[smem:$0x3FA9] =	sst s3  }
0xc: {  	[smem:$0x3FAA] =	sst s4  }
0xd: {  	[smem:$0x3FAB] =	sst s5  }
0xe: {  	[smem:$0x3FAC] =	sst s6  }
0xf: {  	[smem:$0x3FAD] =	sst s7  }
0x10: {  	[smem:$0x3FAE] =	sst s8  }
0x11: {  	[smem:$0x3FAF] =	sst s9;
	s0 =	simm.s32 @!p0 $0x0  }
0x12: {  	s1 =	sld [smem:$0x3F95];
	s0 =	simm.s32 @p0 $0x1  }
0x13: {  	[smem:$0x3FB0] =	sst s0;
	s0 =	simm.s32 @!p1 $0x0  }
0x14: {  	s2 =	sld [smem:$0x3F94];
	s0 =	simm.s32 @p1 $0x1  }
0x15: {  	[smem:$0x3FB1] =	sst s0;
	s0 =	simm.s32 @!p2 $0x0  }
0x16: {  	s3 =	sld [smem:$0x3FDB];
	s0 =	simm.s32 @p2 $0x1  }
0x17: {  	s4 =	simm.s32 $0x1BF5;
	[smem:$0x3FB3] =	sst s0  }
0x18: {  	s0 =	sld [smem:$0x3F96];
	_ =	swait.ge [sflag:s4], $0x0  }
0x19: {  	s7 =	sld [smem:$0x3F97]  }
0x1a: {  	s8 =	sadd.s32 $0xFFFFE003, lr  }
0x1b: {  	s9 =	sadd.s32 $0xFFFFFEF7, lr;
	s5 =	simm.s32 $0xFFFFFFFF;
	p2 =	slt.u32 s8, $0xFFFFF086  }
0x1c: {  	p1 =	slt.u32 s9, $0xF7A;
	s5 =	simm.s32 @!p2 $0x0  }
0x1d: {  	s5 =	simm.s32 @p1 $0x1;
	p0 =	seq.s32 s7, s2  }
0x1e: {  	s7 =	smul.u32 @!p0 $0xF7A, s2;
	p2 =	seq.s32 @!p0 s5, $0x0  }
0x1f: {  	s9 =	smul.u32 $0xF7A, s1;
	s8 =	simm.s32 @!p0 $0x1BF5;
	p2 =	por !p2, p0  }
0x20: {  	[sflag:s8] =	ssyncset.s32 @!p0 $0xFFFFF086;
	s6 =	sadd.s32 @!p0 s3, s7;
	s7 =	simm.s32 @!p0 $0x108  }
0x21: {  	s3 =	sadd.s32 s3, s9;
	s6 =	sadd.s32 @!p0 $0x88, s6;
	s7 =	simm.s32 @p2 $0x1082  }
0x22: {  	[simem:s7], [sflag:s8] =	dma.local @!p0 [hbm:s6], $0xF7A  }
0x23: {  	s9 =	sor.u32 $0xD0000000, s2;
	s6 =	simm.s32 $0x108;
	_ =	swait.ge @!p0 [sflag:s8], $0x0  }
0x24: {  	s3 =	sadd.s32 $0x88, s3;
	s6 =	simm.s32 @!p1 $0x1082;
	[sflag:s4] =	ssyncset.s32 $0xFFFFF086  }
0x25: {  	[simem:s6], [sflag:s4] =	dma.local [hbm:s3], $0xF7A  }
0x26: {  	[smem:$0x3F97] =	sst s1;
	(tag) =	ssettag s2;
	_ =	strace s9  }
0x27: {  	s1 =	sld [smem:$0x3FA7]  }
0x28: {  	s2 =	sld [smem:$0x3FA8]  }
0x29: {  	s4 =	sld [smem:$0x3FAA]  }
0x2a: {  	p0 =	seq.s32 s5, $0x0;
	s5 =	sld [smem:$0x3FAB]  }
0x2b: {  	s6 =	sld [smem:$0x3FAC]  }
0x2c: {  	s7 =	sld [smem:$0x3FAD]  }
0x2d: {  	s3 =	simm.s32 $0x108;
	s8 =	sld [smem:$0x3FAE]  }
0x2e: {  	s3 =	simm.s32 @!p0 $0x1082;
	s9 =	sld [smem:$0x3FAF]  }
0x2f: {  	lr =	sadd.s32 s0, s3;
	s0 =	sld [smem:$0x3FA6]  }
0x30: {  	s3 =	sld [smem:$0x3FA9]  }
0x31: {  	[smem:$0x3FB2] =	sst s10  }
0x32: {  	s10 =	sld [smem:$0x3FB0];
	_ =	sdelay $0x3  }
0x33: {  	p0 =	seq.s32 s10, $0x1;
	s10 =	sld [smem:$0x3FB2];
	_ =	sdelay $0x3  }
0x34: {  	[smem:$0x3FB2] =	sst s10  }
0x35: {  	s10 =	sld [smem:$0x3FB1];
	_ =	sdelay $0x3  }
0x36: {  	p1 =	seq.s32 s10, $0x1;
	s10 =	sld [smem:$0x3FB2];
	_ =	sdelay $0x3  }
0x37: {  	[smem:$0x3FB2] =	sst s10  }
0x38: {  	s10 =	sld [smem:$0x3FB3]  }
0x39: {  	_ = 	snop;
	(pc) =	sbr.ind lr, $3  }
0x3a: {  	_ = 	snop  }
0x3b: {  	_ = 	snop  }
0x3c: {  	p2 =	seq.s32 s10, $0x1;
	s10 =	sld [smem:$0x3FB2]  }
0x3d: {  	_ =	shalt  }
0x3e: {  	_ =	shalt  }
0x3f: {  	_ =	shalt  }
0x40: {  	_ =	shalt  }
0x41: {  	_ =	shalt  }
0x42: {  	_ =	shalt  }
0x43: {  	_ =	shalt  }
0x44: {  	_ =	shalt  }
0x45: {  	_ =	shalt  }
0x46: {  	_ =	shalt  }
0x47: {  	_ =	shalt  }
0x48: {  	_ =	shalt  }
0x49: {  	_ =	shalt  }
0x4a: {  	_ =	shalt  }
0x4b: {  	_ =	shalt  }
0x4c: {  	_ =	shalt  }
0x4d: {  	_ =	shalt  }
0x4e: {  	_ =	shalt  }
0x4f: {  	_ =	shalt  }
0x50: {  	_ =	shalt  }
0x51: {  	_ =	shalt  }
0x52: {  	_ =	shalt  }
0x53: {  	_ =	shalt  }
0x54: {  	_ =	shalt  }
0x55: {  	_ =	shalt  }
0x56: {  	_ =	shalt  }
0x57: {  	_ =	shalt  }
0x58: {  	_ =	shalt  }
0x59: {  	_ =	shalt  }
0x5a: {  	_ =	shalt  }
0x5b: {  	_ =	shalt  }
0x5c: {  	_ =	shalt  }
0x5d: {  	_ =	shalt  }
0x5e: {  	_ =	shalt  }
0x5f: {  	_ =	shalt  }
0x60: {  	_ =	shalt  }
0x61: {  	_ =	shalt  }
0x62: {  	_ =	shalt  }
0x63: {  	_ =	shalt  }
0x64: {  	_ =	shalt  }
0x65: {  	_ =	shalt  }
0x66: {  	_ =	shalt  }
0x67: {  	_ =	shalt  }
0x68: {  	_ =	shalt  }
0x69: {  	_ =	shalt  }
0x6a: {  	_ =	shalt  }
0x6b: {  	_ =	shalt  }
0x6c: {  	_ =	shalt  }
0x6d: {  	_ =	shalt  }
0x6e: {  	_ =	shalt  }
0x6f: {  	_ =	shalt  }
0x70: {  	_ =	shalt  }
0x71: {  	_ =	shalt  }
0x72: {  	_ =	shalt  }
0x73: {  	_ =	shalt  }
0x74: {  	_ =	shalt  }
0x75: {  	_ =	shalt  }
0x76: {  	_ =	shalt  }
0x77: {  	_ =	shalt  }
0x78: {  	_ =	shalt  }
0x79: {  	_ =	shalt  }
0x7a: {  	_ =	shalt  }
0x7b: {  	_ =	shalt  }
0x7c: {  	_ =	shalt  }
0x7d: {  	_ =	shalt  }
0x7e: {  	_ =	shalt  }
0x7f: {  	_ =	shalt  }
0x80: {  	_ =	shalt  }
0x81: {  	_ =	shalt  }
0x82: {  	_ =	shalt  }
0x83: {  	_ =	shalt  }
0x84: {  	_ =	shalt  }
0x85: {  	_ =	shalt  }
0x86: {  	_ =	shalt  }
0x87: {  	_ =	shalt  }
.Lfunc_end0:
.L_simem_size_0:
called_computation.2_lowered:
.L_overlay_start_0:
0x88: {  	s2 =	sld [smem:$0x3FD9]  }
0x89: {  	s3 =	sld [smem:$0x3FFE];
	_ =	sdelay $0x1  }
0x8a: {  	s1 =	srdreg.scid  }
0x8b: {  	s0 =	sand.u32 $0x1, s1  }
0x8c: {  	s16 =	sshll.u32 s0, $0xA;
	s2 =	sadd.s32 s3, s2  }
0x8d: {  	s2 =	sadd.s32 s2, s16  }
0x8e: {  	[smem:$0x3FBE] =	sst s2  }
0x8f: {  	_ = 	snop  }
0x90: {  	(tm) =	ssettm $0x1  }
0x91: {  	s17 =	sld [smem:$0x3FFB];
	_ =	sdelay $0x3  }
0x92: {  	_ =	strace s17  }
0x93: {  	s2 =	sld [smem:$0x3FFC];
	_ =	sdelay $0x3  }
0x94: {  	_ =	strace s2  }
0x95: {  	s2 =	sld [smem:$0x3FFD];
	_ =	sdelay $0x3  }
0x96: {  	_ =	strace s2  }
0x97: {  	_ =	strace $0x8FFFFFFF  }
0x98: {  	s18 =	sld [smem:$0x3FDB];
	_ =	sdelay $0x1  }
0x99: {  	s19 =	simm.s32 $_scs_section_size  }
0x9a: {  	s4 =	simm.s32 $_size__tile_overlayer_lowered;
	s5 =	simm.s32 $_tile_overlayer_lowered  }
0x9b: {  	s22 =	simm.s32 $0x1BFF;
	s21 =	sshll.u32 s5, $0x1;
	s2 =	sadd.s32 s19, s18  }
0x9c: {  	s6 =	simm.s32 $0x0;
	s20 =	sshll.u32 s4, $0x1;
	s4 =	sadd.s32 s21, s2  }
0x9d: {  	[timem:s6], [sflag:s22] =	dma.local [hbm:s4], s20  }
0x9e: {  	_ =	swait.ge [sflag:s22], s20  }
0x9f: {  	s3 =	ssub.s32 $0x0, s20;
	[sflag:s22] =	ssyncset.done $0x0  }
0xa0: {  	[sflag:s22] =	ssyncadd.s32 s3;
	_ =	sdelay $0x1  }
0xa1: {  	s23 =	simm.s32 $0x1B8B  }
0xa2: {  	_ =	swait.ge [sflag:s23], $0x1  }
0xa3: {  	[sflag:s23] =	ssyncset.done $0x0  }
0xa4: {  	s25 =	simm.s32 $0x1B8E;
	s24 =	sld [smem:$0x3FFE];
	[sflag:s23] =	ssyncadd.s32 $0xFFFFFFFF  }
0xa5: {  	s26 =	simm.s32 $execute0_lowered;
	[smem:$0x3FD2] =	sst s25  }
0xa6: {  	s4 =	sshll.u32 s26, $0x1;
	_ =	strace $0x8000004C;
	[dreg:$0x1] =	wrdreg $0xFFFFFFFF  }
0xa7: {  	s28 =	simm.s32 $_size_execute0_lowered;
	s2 =	sadd.s32 s2, s4;
	[dreg:$0x0] =	wrdreg $0x0  }
0xa8: {  	s4 =	sshll.u32 s28, $0x1;
	[dreg:$0x2] =	wrdreg s2  }
0xa9: {  	[dreg:$0x3] =	wrdreg s4  }
0xaa: {  	[dreg:$0x4] =	wrdreg $0xC0  }
0xab: {  	_ =	task [dreg:s6], $0x5FFFF  }
0xac: {  	[dreg:$0x1] =	wrdreg $0xFFFFFFFF  }
0xad: {  	[dreg:$0x0] =	wrdreg $0x60  }
0xae: {  	[dreg:$0x2] =	wrdreg s24  }
0xaf: {  	[dreg:$0x3] =	wrdreg $0xAC200  }
0xb0: {  	[dreg:$0x4] =	wrdreg $0x9  }
0xb1: {  	_ =	task.clear_ibuf [dreg:s6], $0x5FFFF;
	_ =	strace $0x9000004C  }
0xb2: {  	s29 =	simm.s32 $0x9;
	_ =	strace $0x8000004E  }
0xb3: {  	_ =	swait.ge [sflag:s29], $0x1  }
0xb4: {  	[sflag:s29] =	ssyncadd.s32 $0xFFFFFFFF  }
0xb5: {  	_ =	strace $0x9000004E  }
0xb6: {  	_ =	sfence  }
0xb7: {  	s30 =	sld [smem:$0x0];
	_ =	sdelay $0x2  }
0xb8: {  	s31 =	sshll.u32 s1, $0xD;
	s1 =	sshrl.u32 s1, $0x2  }
0xb9: {  	s3 =	sand.u32 $0x4000, s31;
	s1 =	sadd.s32 s1, s30  }
0xba: {  	s0 =	sor.u32 s3, s0;
	s1 =	sshll.u32 s1, $0x11  }
0xbb: {  	s0 =	sor.u32 s1, s0  }
0xbc: {  	s0 =	sadd.s32 $0x8F2B, s0  }
0xbd: {  	[sflag:s0] =	ssyncadd.remote.s32 $0x1  }
0xbe: {  	_ =	sfence.sel $0xFFFF  }
0xbf: {  	[dreg:$0x0] =	wrdreg $0xFFFFFFFF;
	(pc) =	sbr.abs _section_cstart, $3  }
0xc0: {  	[dreg:$0x1] =	wrdreg $0xFFFFFFFF  }
0xc1: {  	_ =	task.clear_ibuf [dreg:s6], $0x2FFFF;
	_ =	strace $0x9FFFFFFF  }
0xc2: {  	(tm) =	ssettm $0x7FFFFFFF  }
0xc3: {  	_ =	shalt  }
tec
execute0_lowered:
.L_overlay_start_1:
0x0: {  	(tag) =	ssettag $0x1  }
0x1: {  	s0 =	rddreg [dreg:$0x0]  }
0x2: {  	s1 =	rddreg [dreg:$0x1]  }
0x3: {  	s2 =	srdreg.scid;
	s13 =	stileid.u32  }
0x4: {  	s3 =	simm.s32 $0x0;
	s28 =	simm.s32 $0x8C20;
	s9 =	smul.u32 $0x14000, s13  }
0x5: {  	s29 =	simm.s32 $0x5;
	s30 =	simm.s32 $0x200;
	s10 =	smul.u32 $0x50000, s13  }
0x6: {  	s31 =	simm.s32 $0x80;
	s2 =	sand.u32 $0x1, s2;
	s20 =	smul.u32 $0x2710, s13  }
0x7: {  	[smem:$0x7FF] =	sst s3;
	s4 =	sadd.s32 $0x16C00, s0;
	s6 =	smul.u32 $0x140000, s2  }
0x8: {  	s5 =	sshll.u32 s2, $0x4;
	_ =	strace $0x8000004D;
	s22 =	ssub.s32 $0x2, s2  }
0x9: {  	s2 =	smul.u32 $0x27100, s2;
	s7 =	sor.u32 s13, s5;
	s5 =	sadd.s32 $0x3200, s0  }
0xa: {  	s23 =	sshrl.u32 s22, $0x1;
	s24 =	sshrl.u32 s10, $0x2;
	s15 =	sadd.s32 s9, s1  }
0xb: {  	s13 =	simm.s32 $0x4;
	s6 =	sadd.s32 s9, s6;
	s12 =	ssub.s32 s22, s23  }
0xc: {  	s8 =	smul.u32 $0x2710, s7;
	s7 =	sadd.s32 s24, s1;
	s16 =	smax.u32 s12, $0x1  }
0xd: {  	s9 =	simm.s32 $0x400;
	s17 =	sadd.s32 $0x2000, s7;
	[dreg:$0x9] =	wrdreg s16  }
0xe: {  	s6 =	sshrl.u32 s6, $0x3;
	s18 =	sadd.s32 $0x4000, s7;
	[dreg:$0xa] =	wrdreg s17  }
0xf: {  	s19 =	sadd.s32 $0x6000, s7;
	s21 =	sadd.s32 $0x8000, s7;
	[dreg:$0xb] =	wrdreg s18  }
0x10: {  	s22 =	sadd.s32 $0xA000, s7;
	s23 =	sadd.s32 $0xC000, s7;
	[dreg:$0xc] =	wrdreg s19  }
0x11: {  	s12 =	simm.s32 $0x3;
	s0 =	sadd.s32 s6, s0;
	[dreg:$0xd] =	wrdreg s21  }
0x12: {  	s11 =	sshrl.u32 s8, $0x3;
	s24 =	sadd.s32 $0x2680, s8;
	[dreg:$0xe] =	wrdreg s22  }
0x13: {  	[dreg:$0xf] =	wrdreg s23;
	s6 =	sadd.s32 s5, s11;
	s0 =	sadd.s32 $0x3DE00, s0  }
0x14: {  	s23 =	sadd.s32 s20, s2;
	s25 =	sadd.s32 $0x9C40, s6;
	[dreg:$0x8] =	wrdreg s0  }
0x15: {  	s2 =	simm.s32 $0x1;
	s26 =	sadd.s32 $0x10, s6;
	[dreg:$0x3] =	wrdreg s25  }
0x16: {  	s16 =	simm.s32 $0x10;
	s10 =	sadd.s32 $0x9C50, s6;
	[dreg:$0x4] =	wrdreg s26  }
0x17: {  	s17 =	simm.s32 $0x8420;
	s11 =	sadd.s32 $0x4E0, s6;
	[dreg:$0x5] =	wrdreg s10  }
0x18: {  	s18 =	simm.s32 $0x0;
	s14 =	sadd.s32 $0xA120, s6;
	[dreg:$0x6] =	wrdreg s11  }
0x19: {  	s0 =	simm.s32 $0x280;
	[dreg:$0x7] =	wrdreg s14;
	s25 =	sadd.s32 $0xE000, s7  }
0x1a: {  	s26 =	sadd.s32 $0x10000, s7;
	s10 =	simm.s32 $0x2;
	[dreg:$0x10] =	wrdreg s25  }
0x1b: {  	s11 =	simm.s32 $0x4400;
	s14 =	simm.s32 $0x8400;
	[dreg:$0x11] =	wrdreg s26  }
0x1c: {  	v0 =	vimm.f32 $0.0e+00;
	s25 =	sshrl.u32 s15, $0x3;
	s26 =	sadd.s32 $0x12000, s7;
	s15 =	simm.s32 $0x8410  }
.LBB2_1:
0x1d: {  	s19 =	simm.s32 $0x0;
	s20 =	simm.s32 $0x200  }
.LBB2_2:
0x1e: {  	p0 =	sne.s32 s20, $0x7E00;
	[tilespmem:s19+$0x8C90] =	vst v0  }
0x1f: {  	[tilespmem:s19+$0x8C20] =	vst v0  }
0x20: {  	[tilespmem:s19+$0x8C30] =	vst v0  }
.Ltmp0:
0x21: {  	[tilespmem:s19+$0x8C40] =	vst v0;
	(pc) =	sbr.rel @p0 .LBB2_2-.Ltmp0, $4  }
0x22: {  	[tilespmem:s19+$0x8C50] =	vst v0  }
0x23: {  	[tilespmem:s19+$0x8C60] =	vst v0  }
0x24: {  	[tilespmem:s19+$0x8C70] =	vst v0  }
0x25: {  	[tilespmem:s19+$0x8C80] =	vst v0;
	s19 =	sshra.s32 s20, $0x2;
	s20 =	sadd.s32 $0x200, s20  }
0x26: {  	[tilespmem:s19+$0x8C90] =	vst v0  }
0x27: {  	[tilespmem:s19+$0x8C20] =	vst v0  }
0x28: {  	[tilespmem:s19+$0x8C30] =	vst v0  }
0x29: {  	[tilespmem:s19+$0x8C40] =	vst v0  }
0x2a: {  	[tilespmem:s19+$0x8C50] =	vst v0  }
0x2b: {  	[tilespmem:s19+$0x8C60] =	vst v0  }
0x2c: {  	[tilespmem:s19+$0x8C70] =	vst v0  }
0x2d: {  	[tilespmem:s19+$0x8C80] =	vst v0  }
0x2e: {  	[spmem:s7] =	stream.linear.scatter [tilespmem:s28], [sflag:$0x5], $0x2000, $0x38;
	[tilespmem:$0x1EC20] =	vst v63  }
0x2f: {  	_ =	swait.ge [sflag:s29], $0x2000  }
0x30: {  	[sflag:s29] =	ssyncset.done $0x0  }
0x31: {  	s8 =	rddreg [dreg:$0xa];
	[sflag:s29] =	ssyncadd.s32 $0xFFFFE000  }
0x32: {  	[spmem:s8] =	stream.linear.scatter [tilespmem:s28], [sflag:$0x5], $0x2000, $0x38;
	[tilespmem:$0x1EC20] =	vst v63  }
0x33: {  	_ =	swait.ge [sflag:s29], $0x2000  }
0x34: {  	[sflag:s29] =	ssyncset.done $0x0  }
0x35: {  	s20 =	rddreg [dreg:$0xb];
	[sflag:s29] =	ssyncadd.s32 $0xFFFFE000  }
0x36: {  	[spmem:s20] =	stream.linear.scatter [tilespmem:s28], [sflag:$0x5], $0x2000, $0x38;
	[tilespmem:$0x1EC20] =	vst v63  }
0x37: {  	_ =	swait.ge [sflag:s29], $0x2000  }
0x38: {  	[sflag:s29] =	ssyncset.done $0x0  }
0x39: {  	s21 =	rddreg [dreg:$0xc];
	[sflag:s29] =	ssyncadd.s32 $0xFFFFE000  }
0x3a: {  	[spmem:s21] =	stream.linear.scatter [tilespmem:s28], [sflag:$0x5], $0x2000, $0x38;
	[tilespmem:$0x1EC20] =	vst v63  }
0x3b: {  	_ =	swait.ge [sflag:s29], $0x2000  }
0x3c: {  	[sflag:s29] =	ssyncset.done $0x0  }
0x3d: {  	s22 =	rddreg [dreg:$0xd];
	[sflag:s29] =	ssyncadd.s32 $0xFFFFE000  }
0x3e: {  	[spmem:s22] =	stream.linear.scatter [tilespmem:s28], [sflag:$0x5], $0x2000, $0x38;
	[tilespmem:$0x1EC20] =	vst v63  }
0x3f: {  	_ =	swait.ge [sflag:s29], $0x2000  }
0x40: {  	[sflag:s29] =	ssyncset.done $0x0  }
0x41: {  	s19 =	rddreg [dreg:$0xe];
	[sflag:s29] =	ssyncadd.s32 $0xFFFFE000  }
0x42: {  	[spmem:s19] =	stream.linear.scatter [tilespmem:s28], [sflag:$0x5], $0x2000, $0x38;
	[tilespmem:$0x1EC20] =	vst v63  }
0x43: {  	_ =	swait.ge [sflag:s29], $0x2000  }
0x44: {  	[sflag:s29] =	ssyncset.done $0x0  }
0x45: {  	s20 =	rddreg [dreg:$0xf];
	[sflag:s29] =	ssyncadd.s32 $0xFFFFE000  }
0x46: {  	[spmem:s20] =	stream.linear.scatter [tilespmem:s28], [sflag:$0x5], $0x2000, $0x38;
	[tilespmem:$0x1EC20] =	vst v63  }
0x47: {  	_ =	swait.ge [sflag:s29], $0x2000  }
0x48: {  	[sflag:s29] =	ssyncset.done $0x0  }
0x49: {  	s21 =	rddreg [dreg:$0x10];
	[sflag:s29] =	ssyncadd.s32 $0xFFFFE000  }
0x4a: {  	[spmem:s21] =	stream.linear.scatter [tilespmem:s28], [sflag:$0x5], $0x2000, $0x38;
	[tilespmem:$0x1EC20] =	vst v63  }
0x4b: {  	_ =	swait.ge [sflag:s29], $0x2000  }
0x4c: {  	[sflag:s29] =	ssyncset.done $0x0  }
0x4d: {  	s22 =	rddreg [dreg:$0x11];
	[sflag:s29] =	ssyncadd.s32 $0xFFFFE000  }
0x4e: {  	[spmem:s22] =	stream.linear.scatter [tilespmem:s28], [sflag:$0x5], $0x2000, $0x38;
	[tilespmem:$0x1EC20] =	vst v63  }
0x4f: {  	_ =	swait.ge [sflag:s29], $0x2000  }
0x50: {  	[sflag:s29] =	ssyncset.done $0x0  }
0x51: {  	[sflag:s29] =	ssyncadd.s32 $0xFFFFE000  }
0x52: {  	[spmem:s26] =	stream.linear.scatter [tilespmem:s28], [sflag:$0x5], $0x2000, $0x38;
	[tilespmem:$0x1EC20] =	vst v63  }
0x53: {  	_ =	swait.ge [sflag:s29], $0x2000  }
0x54: {  	[sflag:s29] =	ssyncset.done $0x0  }
0x55: {  	[sflag:s29] =	ssyncadd.s32 $0xFFFFE000  }
0x56: {  	[bflag:$0x0] =	sbarrier.arrive $0xFFFF  }
0x57: {  	[tilespmem:s3], [sflag:$0x1] =	stream.linear.gather [hbm4b:s6+s3], $0x80, $0x38;
	[tilespmem:$0x1EC20] =	vst v63  }
0x58: {  	s19 =	rddreg [dreg:$0x3]  }
0x59: {  	[tilespmem:s30], [sflag:$0x1] =	stream.linear.gather [hbm4b:s19+s3], $0x80, $0x38;
	[tilespmem:$0x1EC20] =	vst v63  }
0x5a: {  	s20 =	rddreg [dreg:$0x4]  }
0x5b: {  	[tilespmem:s31], [sflag:$0x2] =	stream.linear.gather [hbm4b:s20+s3], $0x80, $0x38;
	[tilespmem:$0x1EC20] =	vst v63  }
0x5c: {  	s21 =	rddreg [dreg:$0x5]  }
0x5d: {  	[tilespmem:s0], [sflag:$0x2] =	stream.linear.gather [hbm4b:s21+s3], $0x80, $0x38;
	[tilespmem:$0x1EC20] =	vst v63  }
0x5e: {  	_ =	swait.ge [sflag:s2], $0x80  }
0x5f: {  	[sflag:s2] =	ssyncset.done $0x0  }
0x60: {  	[sflag:s2] =	ssyncadd.s32 $0xFFFFFF80  }
0x61: {  	_ =	swait.ge [sflag:s2], $0x80  }
0x62: {  	[sflag:s2] =	ssyncset.done $0x0  }
0x63: {  	[sflag:s2] =	ssyncadd.s32 $0xFFFFFF80  }
0x64: {  	[tilespmem:s9], [sflag:$0x3] =	stream.indirect.gather [hbm4b:s4+s31], $0x80, s3, s31, $0xb8;
	[tilespmem:$0x1EC20] =	vst v63  }
0x65: {  	_ =	swait.ge [sflag:s10], $0x80  }
0x66: {  	[sflag:s10] =	ssyncset.done $0x0  }
0x67: {  	[sflag:s10] =	ssyncadd.s32 $0xFFFFFF80  }
0x68: {  	_ =	swait.ge [sflag:s10], $0x80  }
0x69: {  	[sflag:s10] =	ssyncset.done $0x0  }
0x6a: {  	[sflag:s10] =	ssyncadd.s32 $0xFFFFFF80  }
0x6b: {  	[tilespmem:s11], [sflag:$0x4] =	stream.indirect.gather [hbm4b:s4+s31], $0x80, s31, s31, $0xb8;
	[tilespmem:$0x1EC20] =	vst v63  }
0x6c: {  	s22 =	sadd.s32 $0xFFFFD900, s23;
	_ =	swait.ge [sflag:s12], $0x4000  }
0x6d: {  	s20 =	sadd.s32 $0x2800, s22;
	[sflag:s12] =	ssyncset.done $0x0  }
0x6e: {  	p0 =	slt.s32 s20, s24;
	s21 =	smov.u32 s24;
	[sflag:s12] =	ssyncadd.s32 $0xFFFFC000  }
0x6f: {  	[spmem:s1] =	stream.indirect.scatter.add.f32 [tilespmem:s9], [sflag:$0x5], $0x80, s30, s31, $0xb8;
	[tilespmem:$0x1EC20] =	vst v63  }
0x70: {  	s21 =	smov.u32 @p0 s20;
	_ =	swait.ge [sflag:s29], $0x4000  }
0x71: {  	s20 =	sshrl.u32 s21, $0x3;
	[sflag:s29] =	ssyncset.done $0x0  }
0x72: {  	s20 =	sadd.s32 s5, s20;
	[sflag:s29] =	ssyncadd.s32 $0xFFFFC000  }
0x73: {  	[tilespmem:s3], [sflag:$0x1] =	stream.linear.gather [hbm4b:s20+s3], $0x80, $0x38;
	[tilespmem:$0x1EC20] =	vst v63  }
0x74: {  	s20 =	sadd.s32 $0x9C40, s20  }
0x75: {  	[tilespmem:s30], [sflag:$0x1] =	stream.linear.gather [hbm4b:s20+s3], $0x80, $0x38;
	[tilespmem:$0x1EC20] =	vst v63  }
0x76: {  	_ =	swait.ge [sflag:s2], $0x80  }
0x77: {  	[sflag:s2] =	ssyncset.done $0x0  }
0x78: {  	[sflag:s2] =	ssyncadd.s32 $0xFFFFFF80  }
0x79: {  	_ =	swait.ge [sflag:s2], $0x80  }
0x7a: {  	[sflag:s2] =	ssyncset.done $0x0  }
0x7b: {  	[sflag:s2] =	ssyncadd.s32 $0xFFFFFF80  }
0x7c: {  	[tilespmem:s9], [sflag:$0x3] =	stream.indirect.gather [hbm4b:s4+s31], $0x80, s3, s31, $0xb8;
	[tilespmem:$0x1EC20] =	vst v63  }
0x7d: {  	s19 =	sadd.s32 $0x2880, s22;
	_ =	swait.ge [sflag:s13], $0x4000  }
0x7e: {  	p0 =	slt.s32 s19, s24;
	s20 =	smov.u32 s24;
	[sflag:s13] =	ssyncset.done $0x0  }
0x7f: {  	s20 =	smov.u32 @p0 s19;
	[sflag:s13] =	ssyncadd.s32 $0xFFFFC000  }
0x80: {  	[spmem:s1] =	stream.indirect.scatter.add.f32 [tilespmem:s11], [sflag:$0x5], $0x80, s0, s31, $0xb8;
	[tilespmem:$0x1EC20] =	vst v63  }
0x81: {  	s19 =	simm.s32 $0xFFFFDA00;
	s20 =	sshrl.u32 s20, $0x3;
	_ =	swait.ge [sflag:s29], $0x4000  }
.LBB2_4:
0x82: {  	p0 =	sne.s32 s19, $0xFFFFFF00  }
0x83: {  	[sflag:s29] =	ssyncset.done $0x0;
	s21 =	smov.u32 s19;
	s19 =	sadd.s32 $0x100, s19  }
0x84: {  	s20 =	sadd.s32 s5, s20;
	[sflag:s29] =	ssyncadd.s32 $0xFFFFC000  }
0x85: {  	[tilespmem:s31], [sflag:$0x2] =	stream.linear.gather [hbm4b:s20+s3], $0x80, $0x38;
	[tilespmem:$0x1EC20] =	vst v63  }
0x86: {  	s20 =	sadd.s32 $0x9C40, s20  }
0x87: {  	[tilespmem:s0], [sflag:$0x2] =	stream.linear.gather [hbm4b:s20+s3], $0x80, $0x38;
	[tilespmem:$0x1EC20] =	vst v63  }
0x88: {  	_ =	swait.ge [sflag:s10], $0x80  }
0x89: {  	[sflag:s10] =	ssyncset.done $0x0  }
0x8a: {  	[sflag:s10] =	ssyncadd.s32 $0xFFFFFF80  }
0x8b: {  	_ =	swait.ge [sflag:s10], $0x80  }
0x8c: {  	s8 =	smov.u32 s24;
	s20 =	sadd.s32 s21, s23;
	[sflag:s10] =	ssyncset.done $0x0  }
0x8d: {  	s21 =	sadd.s32 $0x2800, s20;
	s20 =	sadd.s32 $0x2880, s20;
	[sflag:s10] =	ssyncadd.s32 $0xFFFFFF80  }
0x8e: {  	[tilespmem:s11], [sflag:$0x4] =	stream.indirect.gather [hbm4b:s4+s31], $0x80, s31, s31, $0xb8;
	[tilespmem:$0x1EC20] =	vst v63  }
0x8f: {  	s22 =	smov.u32 s24;
	p1 =	slt.s32 s20, s24;
	_ =	swait.ge [sflag:s12], $0x4000  }
0x90: {  	p2 =	slt.s32 s21, s24;
	s8 =	smov.u32 @p1 s20;
	[sflag:s12] =	ssyncset.done $0x0  }
0x91: {  	s22 =	smov.u32 @p2 s21;
	s20 =	sshrl.u32 s8, $0x3;
	[sflag:s12] =	ssyncadd.s32 $0xFFFFC000  }
0x92: {  	[spmem:s1] =	stream.indirect.scatter.add.f32 [tilespmem:s9], [sflag:$0x5], $0x80, s30, s31, $0xb8;
	[tilespmem:$0x1EC20] =	vst v63  }
0x93: {  	s8 =	sshrl.u32 s22, $0x3;
	_ =	swait.ge [sflag:s29], $0x4000  }
0x94: {  	[sflag:s29] =	ssyncset.done $0x0  }
0x95: {  	s8 =	sadd.s32 s5, s8;
	[sflag:s29] =	ssyncadd.s32 $0xFFFFC000  }
0x96: {  	[tilespmem:s3], [sflag:$0x1] =	stream.linear.gather [hbm4b:s8+s3], $0x80, $0x38;
	[tilespmem:$0x1EC20] =	vst v63  }
0x97: {  	s8 =	sadd.s32 $0x9C40, s8  }
0x98: {  	[tilespmem:s30], [sflag:$0x1] =	stream.linear.gather [hbm4b:s8+s3], $0x80, $0x38;
	[tilespmem:$0x1EC20] =	vst v63  }
0x99: {  	_ =	swait.ge [sflag:s2], $0x80  }
0x9a: {  	[sflag:s2] =	ssyncset.done $0x0  }
0x9b: {  	[sflag:s2] =	ssyncadd.s32 $0xFFFFFF80  }
0x9c: {  	_ =	swait.ge [sflag:s2], $0x80  }
0x9d: {  	[sflag:s2] =	ssyncset.done $0x0  }
0x9e: {  	[sflag:s2] =	ssyncadd.s32 $0xFFFFFF80  }
0x9f: {  	[tilespmem:s9], [sflag:$0x3] =	stream.indirect.gather [hbm4b:s4+s31], $0x80, s3, s31, $0xb8;
	[tilespmem:$0x1EC20] =	vst v63  }
.Ltmp1:
0xa0: {  	_ =	swait.ge [sflag:s13], $0x4000;
	(pc) =	sbr.rel @p0 .LBB2_4-.Ltmp1, $4  }
0xa1: {  	[sflag:s13] =	ssyncset.done $0x0  }
0xa2: {  	[sflag:s13] =	ssyncadd.s32 $0xFFFFC000  }
0xa3: {  	[spmem:s1] =	stream.indirect.scatter.add.f32 [tilespmem:s11], [sflag:$0x5], $0x80, s0, s31, $0xb8;
	[tilespmem:$0x1EC20] =	vst v63  }
0xa4: {  	_ =	swait.ge [sflag:s29], $0x4000  }
0xa5: {  	[sflag:s29] =	ssyncset.done $0x0  }
0xa6: {  	s8 =	sadd.s32 s5, s20;
	[sflag:s29] =	ssyncadd.s32 $0xFFFFC000  }
0xa7: {  	[tilespmem:s31], [sflag:$0x2] =	stream.linear.gather [hbm4b:s8+s3], $0x80, $0x38;
	[tilespmem:$0x1EC20] =	vst v63  }
0xa8: {  	s8 =	sadd.s32 $0x9C40, s8  }
0xa9: {  	[tilespmem:s0], [sflag:$0x2] =	stream.linear.gather [hbm4b:s8+s3], $0x80, $0x38;
	[tilespmem:$0x1EC20] =	vst v63  }
0xaa: {  	_ =	swait.ge [sflag:s12], $0x4000  }
0xab: {  	[sflag:s12] =	ssyncset.done $0x0  }
0xac: {  	[sflag:s12] =	ssyncadd.s32 $0xFFFFC000  }
0xad: {  	_ =	swait.ge [sflag:s10], $0x80  }
0xae: {  	[sflag:s10] =	ssyncset.done $0x0  }
0xaf: {  	[sflag:s10] =	ssyncadd.s32 $0xFFFFFF80  }
0xb0: {  	_ =	swait.ge [sflag:s10], $0x80  }
0xb1: {  	[sflag:s10] =	ssyncset.done $0x0  }
0xb2: {  	s19 =	rddreg [dreg:$0x6];
	[sflag:s10] =	ssyncadd.s32 $0xFFFFFF80  }
0xb3: {  	[tilespmem:s14], [sflag:$0x5] =	stream.linear.gather [hbm4b:s19+s3], $0x10, $0x38;
	[tilespmem:$0x1EC20] =	vst v63  }
0xb4: {  	_ =	swait.ge [sflag:s29], $0x10  }
0xb5: {  	[sflag:s29] =	ssyncset.done $0x0  }
0xb6: {  	s20 =	rddreg [dreg:$0x7];
	[sflag:s29] =	ssyncadd.s32 $0xFFFFFFF0  }
0xb7: {  	[tilespmem:s15], [sflag:$0x5] =	stream.linear.gather [hbm4b:s20+s3], $0x10, $0x38;
	[tilespmem:$0x1EC20] =	vst v63  }
0xb8: {  	_ =	swait.ge [sflag:s29], $0x10  }
0xb9: {  	[sflag:s29] =	ssyncset.done $0x0  }
0xba: {  	[sflag:s29] =	ssyncadd.s32 $0xFFFFFFF0  }
0xbb: {  	[tilespmem:s17], [sflag:$0x3] =	stream.indirect.gather [hbm4b:s4+s16], $0x80, s14, s16, $0xb8;
	[tilespmem:$0x1EC20] =	vst v63  }
0xbc: {  	_ =	swait.ge [sflag:s12], $0x800  }
0xbd: {  	[sflag:s12] =	ssyncset.done $0x0  }
0xbe: {  	[sflag:s12] =	ssyncadd.s32 $0xFFFFF800  }
0xbf: {  	[spmem:s1] =	stream.indirect.scatter.add.f32 [tilespmem:s17], [sflag:$0x5], $0x80, s15, s16, $0xb8;
	[tilespmem:$0x1EC20] =	vst v63  }
0xc0: {  	_ =	swait.ge [sflag:s29], $0x800  }
0xc1: {  	[sflag:s29] =	ssyncset.done $0x0  }
0xc2: {  	s21 =	stileid.u32;
	[sflag:s29] =	ssyncadd.s32 $0xFFFFF800  }
0xc3: {  	s8 =	sshll.u32 s21, $0x6;
	[bflag:$0x0] =	sbarrier.arrive $0xFFFF  }
0xc4: {  	s8 =	sor.u32 $0x1C05, s8;
	s19 =	rddreg [dreg:$0x8]  }
0xc5: {  	[hbm:s19], [sflag:s8] =	dma.local [spmem:s25], $0x2800  }
0xc6: {  	_ =	swait.ge [sflag:s29], $0x2800  }
0xc7: {  	s18 =	sadd.s32 $0x1, s18;
	s22 =	rddreg [dreg:$0x9]  }
0xc8: {  	p0 =	sne.s32 s18, s22  }
.Ltmp2:
0xc9: {  	_ = 	snop;
	(pc) =	sbr.rel @p0 .LBB2_1-.Ltmp2, $3  }
0xca: {  	_ =	sdelay $0x1  }
0xcb: {  	[sflag:s29] =	ssyncset.done $0x0  }
0xcc: {  	[sflag:s29] =	ssyncadd.s32 $0xFFFFD800  }
0xcd: {  	_ =	sfence.sel $0x180000  }
0xce: {  	[bflag:$0x0] =	sbarrier.arrive $0xFFFF  }
0xcf: {  	_ =	strace $0x9000004D  }
0xd0: {  	s0 =	stileid.u32;
	[bflag:$0x2] =	sbarrier.arrive $0xFFFF  }
0xd1: {  	p0 =	sne.s32 s0, $0x0;
	s0 =	rddreg [dreg:$0x2]  }
0xd2: {  	s0 =	sadd.s32 @!p0 $0x100000, s0  }
0xd3: {  	[sflag:s0] =	ssyncadd.tile.s32 @!p0 $0x1;
	_ =	shalt  }
.Lfunc_end2:
_tile_overlayer_lowered:
.L_overlay_start_2:
0xd4: {  	(tag) =	ssettag $0x2  }
0xd5: {  	s0 =	rddreg [dreg:$0x0];
	s2 =	stileid.u32  }
0xd6: {  	s1 =	rddreg [dreg:$0x1];
	p0 =	sne.s32 s2, $0x0  }
0xd7: {  	s3 =	rddreg [dreg:$0x2];
	[bflag:$0x3] =	sbarrier.arrive $0xFFFF;
	s2 =	simm.s32 @!p0 $0x1C05  }
0xd8: {  	[timem:s3], [sflag:s2] =	dma.local @!p0 [hbm:s0], s1  }
0xd9: {  	s0 =	simm.s32 @!p0 $0x5  }
0xda: {  	_ =	swait.ge @!p0 [sflag:s0], s1  }
0xdb: {  	s1 =	ssub.s32 @!p0 $0x0, s1;
	[sflag:s0] =	ssyncset.done @!p0 $0x0  }
0xdc: {  	[sflag:s0] =	ssyncadd.s32 @!p0 s1  }
0xdd: {  	[bflag:$0x3] =	sbarrier.arrive $0xFFFF  }
0xde: {  	_ =	shalt  }

// kernel: kernel.20.cloned.1.call-start
scs
__scs_entry_jumppad:
0x0: {  	(pc) =	sbr.rel $0x88, $3  }
0x1: {  	(tag) =	ssettag $0x0;
	lr =	simm.s32 $0x1  }
0x2: {  	[smem:$0x3F97] =	sst lr;
	_ =	strace $0xD0000000  }
0x3: {  	_ = 	snop  }
0x4: {  	_ = 	snop  }
0x5: {  	_ = 	snop  }
0x6: {  	_ = 	snop  }
0x7: {  	_ = 	snop  }
__scs_overlays_trampoline_lowered:
0x8: {  	[smem:$0x3FA6] =	sst s0  }
0x9: {  	[smem:$0x3FA7] =	sst s1  }
0xa: {  	[smem:$0x3FA8] =	sst s2  }
0xb: {  	[smem:$0x3FA9] =	sst s3  }
0xc: {  	[smem:$0x3FAA] =	sst s4  }
0xd: {  	[smem:$0x3FAB] =	sst s5  }
0xe: {  	[smem:$0x3FAC] =	sst s6  }
0xf: {  	[smem:$0x3FAD] =	sst s7  }
0x10: {  	[smem:$0x3FAE] =	sst s8  }
0x11: {  	[smem:$0x3FAF] =	sst s9;
	s0 =	simm.s32 @!p0 $0x0  }
0x12: {  	s1 =	sld [smem:$0x3F95];
	s0 =	simm.s32 @p0 $0x1  }
0x13: {  	[smem:$0x3FB0] =	sst s0;
	s0 =	simm.s32 @!p1 $0x0  }
0x14: {  	s2 =	sld [smem:$0x3F94];
	s0 =	simm.s32 @p1 $0x1  }
0x15: {  	[smem:$0x3FB1] =	sst s0;
	s0 =	simm.s32 @!p2 $0x0  }
0x16: {  	s3 =	sld [smem:$0x3FDB];
	s0 =	simm.s32 @p2 $0x1  }
0x17: {  	s4 =	simm.s32 $0x1BF5;
	[smem:$0x3FB3] =	sst s0  }
0x18: {  	s0 =	sld [smem:$0x3F96];
	_ =	swait.ge [sflag:s4], $0x0  }
0x19: {  	s7 =	sld [smem:$0x3F97]  }
0x1a: {  	s8 =	sadd.s32 $0xFFFFE003, lr  }
0x1b: {  	s9 =	sadd.s32 $0xFFFFFEF7, lr;
	s5 =	simm.s32 $0xFFFFFFFF;
	p2 =	slt.u32 s8, $0xFFFFF086  }
0x1c: {  	p1 =	slt.u32 s9, $0xF7A;
	s5 =	simm.s32 @!p2 $0x0  }
0x1d: {  	s5 =	simm.s32 @p1 $0x1;
	p0 =	seq.s32 s7, s2  }
0x1e: {  	s7 =	smul.u32 @!p0 $0xF7A, s2;
	p2 =	seq.s32 @!p0 s5, $0x0  }
0x1f: {  	s9 =	smul.u32 $0xF7A, s1;
	s8 =	simm.s32 @!p0 $0x1BF5;
	p2 =	por !p2, p0  }
0x20: {  	[sflag:s8] =	ssyncset.s32 @!p0 $0xFFFFF086;
	s6 =	sadd.s32 @!p0 s3, s7;
	s7 =	simm.s32 @!p0 $0x108  }
0x21: {  	s3 =	sadd.s32 s3, s9;
	s6 =	sadd.s32 @!p0 $0x88, s6;
	s7 =	simm.s32 @p2 $0x1082  }
0x22: {  	[simem:s7], [sflag:s8] =	dma.local @!p0 [hbm:s6], $0xF7A  }
0x23: {  	s9 =	sor.u32 $0xD0000000, s2;
	s6 =	simm.s32 $0x108;
	_ =	swait.ge @!p0 [sflag:s8], $0x0  }
0x24: {  	s3 =	sadd.s32 $0x88, s3;
	s6 =	simm.s32 @!p1 $0x1082;
	[sflag:s4] =	ssyncset.s32 $0xFFFFF086  }
0x25: {  	[simem:s6], [sflag:s4] =	dma.local [hbm:s3], $0xF7A  }
0x26: {  	[smem:$0x3F97] =	sst s1;
	(tag) =	ssettag s2;
	_ =	strace s9  }
0x27: {  	s1 =	sld [smem:$0x3FA7]  }
0x28: {  	s2 =	sld [smem:$0x3FA8]  }
0x29: {  	s4 =	sld [smem:$0x3FAA]  }
0x2a: {  	p0 =	seq.s32 s5, $0x0;
	s5 =	sld [smem:$0x3FAB]  }
0x2b: {  	s6 =	sld [smem:$0x3FAC]  }
0x2c: {  	s7 =	sld [smem:$0x3FAD]  }
0x2d: {  	s3 =	simm.s32 $0x108;
	s8 =	sld [smem:$0x3FAE]  }
0x2e: {  	s3 =	simm.s32 @!p0 $0x1082;
	s9 =	sld [smem:$0x3FAF]  }
0x2f: {  	lr =	sadd.s32 s0, s3;
	s0 =	sld [smem:$0x3FA6]  }
0x30: {  	s3 =	sld [smem:$0x3FA9]  }
0x31: {  	[smem:$0x3FB2] =	sst s10  }
0x32: {  	s10 =	sld [smem:$0x3FB0];
	_ =	sdelay $0x3  }
0x33: {  	p0 =	seq.s32 s10, $0x1;
	s10 =	sld [smem:$0x3FB2];
	_ =	sdelay $0x3  }
0x34: {  	[smem:$0x3FB2] =	sst s10  }
0x35: {  	s10 =	sld [smem:$0x3FB1];
	_ =	sdelay $0x3  }
0x36: {  	p1 =	seq.s32 s10, $0x1;
	s10 =	sld [smem:$0x3FB2];
	_ =	sdelay $0x3  }
0x37: {  	[smem:$0x3FB2] =	sst s10  }
0x38: {  	s10 =	sld [smem:$0x3FB3]  }
0x39: {  	_ = 	snop;
	(pc) =	sbr.ind lr, $3  }
0x3a: {  	_ = 	snop  }
0x3b: {  	_ = 	snop  }
0x3c: {  	p2 =	seq.s32 s10, $0x1;
	s10 =	sld [smem:$0x3FB2]  }
0x3d: {  	_ =	shalt  }
0x3e: {  	_ =	shalt  }
0x3f: {  	_ =	shalt  }
0x40: {  	_ =	shalt  }
0x41: {  	_ =	shalt  }
0x42: {  	_ =	shalt  }
0x43: {  	_ =	shalt  }
0x44: {  	_ =	shalt  }
0x45: {  	_ =	shalt  }
0x46: {  	_ =	shalt  }
0x47: {  	_ =	shalt  }
0x48: {  	_ =	shalt  }
0x49: {  	_ =	shalt  }
0x4a: {  	_ =	shalt  }
0x4b: {  	_ =	shalt  }
0x4c: {  	_ =	shalt  }
0x4d: {  	_ =	shalt  }
0x4e: {  	_ =	shalt  }
0x4f: {  	_ =	shalt  }
0x50: {  	_ =	shalt  }
0x51: {  	_ =	shalt  }
0x52: {  	_ =	shalt  }
0x53: {  	_ =	shalt  }
0x54: {  	_ =	shalt  }
0x55: {  	_ =	shalt  }
0x56: {  	_ =	shalt  }
0x57: {  	_ =	shalt  }
0x58: {  	_ =	shalt  }
0x59: {  	_ =	shalt  }
0x5a: {  	_ =	shalt  }
0x5b: {  	_ =	shalt  }
0x5c: {  	_ =	shalt  }
0x5d: {  	_ =	shalt  }
0x5e: {  	_ =	shalt  }
0x5f: {  	_ =	shalt  }
0x60: {  	_ =	shalt  }
0x61: {  	_ =	shalt  }
0x62: {  	_ =	shalt  }
0x63: {  	_ =	shalt  }
0x64: {  	_ =	shalt  }
0x65: {  	_ =	shalt  }
0x66: {  	_ =	shalt  }
0x67: {  	_ =	shalt  }
0x68: {  	_ =	shalt  }
0x69: {  	_ =	shalt  }
0x6a: {  	_ =	shalt  }
0x6b: {  	_ =	shalt  }
0x6c: {  	_ =	shalt  }
0x6d: {  	_ =	shalt  }
0x6e: {  	_ =	shalt  }
0x6f: {  	_ =	shalt  }
0x70: {  	_ =	shalt  }
0x71: {  	_ =	shalt  }
0x72: {  	_ =	shalt  }
0x73: {  	_ =	shalt  }
0x74: {  	_ =	shalt  }
0x75: {  	_ =	shalt  }
0x76: {  	_ =	shalt  }
0x77: {  	_ =	shalt  }
0x78: {  	_ =	shalt  }
0x79: {  	_ =	shalt  }
0x7a: {  	_ =	shalt  }
0x7b: {  	_ =	shalt  }
0x7c: {  	_ =	shalt  }
0x7d: {  	_ =	shalt  }
0x7e: {  	_ =	shalt  }
0x7f: {  	_ =	shalt  }
0x80: {  	_ =	shalt  }
0x81: {  	_ =	shalt  }
0x82: {  	_ =	shalt  }
0x83: {  	_ =	shalt  }
0x84: {  	_ =	shalt  }
0x85: {  	_ =	shalt  }
0x86: {  	_ =	shalt  }
0x87: {  	_ =	shalt  }
.Lfunc_end0:
.L_simem_size_0:
called_computation.3_lowered:
.L_overlay_start_0:
0x88: {  	s2 =	sld [smem:$0x3FD9]  }
0x89: {  	s3 =	sld [smem:$0x3FFE];
	_ =	sdelay $0x1  }
0x8a: {  	s1 =	srdreg.scid  }
0x8b: {  	s0 =	sand.u32 $0x1, s1  }
0x8c: {  	s17 =	sshll.u32 s0, $0xA;
	s2 =	sadd.s32 s3, s2  }
0x8d: {  	s2 =	sadd.s32 s2, s17  }
0x8e: {  	[smem:$0x3FBE] =	sst s2  }
0x8f: {  	_ = 	snop  }
0x90: {  	s2 =	sld [smem:$0x3FD0];
	(tm) =	ssettm $0x1  }
0x91: {  	s18 =	sld [smem:$0x3FFB];
	_ =	sdelay $0x3  }
0x92: {  	_ =	strace s18  }
0x93: {  	s3 =	sld [smem:$0x3FFC];
	_ =	sdelay $0x3  }
0x94: {  	_ =	strace s3  }
0x95: {  	s3 =	sld [smem:$0x3FFD];
	_ =	sdelay $0x3  }
0x96: {  	_ =	strace s3  }
0x97: {  	_ =	strace $0x8FFFFFFF  }
0x98: {  	s19 =	sld [smem:$0x3FDB];
	_ =	sdelay $0x1  }
0x99: {  	s4 =	simm.s32 $_scs_section_size  }
0x9a: {  	s5 =	simm.s32 $_size__tile_overlayer_lowered;
	s6 =	simm.s32 $_tile_overlayer_lowered  }
0x9b: {  	s22 =	simm.s32 $0x1BFF;
	s21 =	sshll.u32 s6, $0x1;
	s3 =	sadd.s32 s4, s19  }
0x9c: {  	s7 =	simm.s32 $0x0;
	s20 =	sshll.u32 s5, $0x1;
	s5 =	sadd.s32 s21, s3  }
0x9d: {  	[timem:s7], [sflag:s22] =	dma.local [hbm:s5], s20  }
0x9e: {  	_ =	swait.ge [sflag:s22], s20  }
0x9f: {  	s4 =	ssub.s32 $0x0, s20;
	[sflag:s22] =	ssyncset.done $0x0  }
0xa0: {  	[sflag:s22] =	ssyncadd.s32 s4;
	_ =	sdelay $0x1  }
0xa1: {  	s23 =	simm.s32 $0x1B8B  }
0xa2: {  	_ =	swait.ge [sflag:s23], $0x1  }
0xa3: {  	[sflag:s23] =	ssyncset.done $0x0  }
0xa4: {  	s25 =	simm.s32 $0x1B8E;
	s24 =	sld [smem:$0x3FFE];
	[sflag:s23] =	ssyncadd.s32 $0xFFFFFFFF  }
0xa5: {  	s26 =	simm.s32 $execute0_lowered;
	[smem:$0x3FD2] =	sst s25  }
0xa6: {  	s5 =	sshll.u32 s26, $0x1;
	_ =	strace $0x8000004F;
	[dreg:$0x1] =	wrdreg $0xFFFFFFFF  }
0xa7: {  	s28 =	simm.s32 $_size_execute0_lowered;
	s3 =	sadd.s32 s3, s5;
	[dreg:$0x0] =	wrdreg $0x0  }
0xa8: {  	s5 =	sshll.u32 s28, $0x1;
	[dreg:$0x2] =	wrdreg s3  }
0xa9: {  	[dreg:$0x3] =	wrdreg s5  }
0xaa: {  	[dreg:$0x4] =	wrdreg $0xC0  }
0xab: {  	_ =	task [dreg:s7], $0x5FFFF  }
0xac: {  	[dreg:$0x1] =	wrdreg $0xFFFFFFFF  }
0xad: {  	[dreg:$0x0] =	wrdreg $0x60  }
0xae: {  	[dreg:$0x2] =	wrdreg s2  }
0xaf: {  	[dreg:$0x3] =	wrdreg s24  }
0xb0: {  	[dreg:$0x4] =	wrdreg $0x4E200  }
0xb1: {  	[dreg:$0x5] =	wrdreg $0x9  }
0xb2: {  	_ =	task.clear_ibuf [dreg:s7], $0x6FFFF;
	_ =	strace $0x9000004F  }
0xb3: {  	s29 =	simm.s32 $0x9;
	_ =	strace $0x80000051  }
0xb4: {  	_ =	swait.ge [sflag:s29], $0x1  }
0xb5: {  	[sflag:s29] =	ssyncadd.s32 $0xFFFFFFFF  }
0xb6: {  	_ =	strace $0x90000051  }
0xb7: {  	_ =	sfence  }
0xb8: {  	s30 =	sld [smem:$0x0];
	_ =	sdelay $0x2  }
0xb9: {  	s31 =	sshll.u32 s1, $0xD;
	s1 =	sshrl.u32 s1, $0x2  }
0xba: {  	s3 =	sand.u32 $0x4000, s31;
	s1 =	sadd.s32 s1, s30  }
0xbb: {  	s0 =	sor.u32 s3, s0;
	s1 =	sshll.u32 s1, $0x11  }
0xbc: {  	s0 =	sor.u32 s1, s0  }
0xbd: {  	s0 =	sadd.s32 $0x8F2B, s0  }
0xbe: {  	[sflag:s0] =	ssyncadd.remote.s32 $0x1  }
0xbf: {  	_ =	sfence.sel $0xFFFF  }
0xc0: {  	[dreg:$0x0] =	wrdreg $0xFFFFFFFF;
	(pc) =	sbr.abs _section_cstart, $3  }
0xc1: {  	[dreg:$0x1] =	wrdreg $0xFFFFFFFF  }
0xc2: {  	_ =	task.clear_ibuf [dreg:s7], $0x2FFFF;
	_ =	strace $0x9FFFFFFF  }
0xc3: {  	(tm) =	ssettm $0x7FFFFFFF  }
tec
execute0_lowered:
.L_overlay_start_1:
0x0: {  	(tag) =	ssettag $0x1  }
0x1: {  	s31 =	rddreg [dreg:$0x0]  }
0x2: {  	s0 =	rddreg [dreg:$0x1]  }
0x3: {  	s26 =	rddreg [dreg:$0x2];
	s11 =	stileid.u32  }
0x4: {  	s3 =	srdreg.scid;
	s6 =	smul.u32 $0x5000, s11  }
0x5: {  	s4 =	simm.s32 $0x0;
	s3 =	sand.u32 $0x1, s3;
	s8 =	smul.u32 $0x14000, s11  }
0x6: {  	[smem:$0x7FF] =	sst s4;
	s5 =	smul.u32 $0x50000, s3;
	s7 =	sshll.u32 s3, $0x4  }
0x7: {  	_ =	strace $0x80000050;
	s10 =	ssub.s32 $0x2, s3;
	s7 =	sor.u32 s11, s7  }
0x8: {  	s17 =	sshrl.u32 s10, $0x1;
	s8 =	sshrl.u32 s8, $0x2;
	s5 =	sadd.s32 s6, s5  }
0x9: {  	s7 =	smul.u32 $0x2710, s7;
	s12 =	sadd.s32 s8, s26;
	s9 =	sshrl.u32 s5, $0x3  }
0xa: {  	s5 =	sadd.s32 $0x3200, s0;
	[dreg:$0x4] =	wrdreg s12;
	s0 =	sadd.s32 s9, s0  }
0xb: {  	s9 =	ssub.s32 s10, s17;
	s18 =	sshrl.u32 s7, $0x3;
	s17 =	sadd.s32 $0x1000, s12  }
0xc: {  	s19 =	sadd.s32 s5, s18;
	[dreg:$0x16] =	wrdreg s17  }
0xd: {  	s0 =	sadd.s32 $0x16C00, s0;
	[dreg:$0x5] =	wrdreg s19  }
0xe: {  	s9 =	smax.u32 s9, $0x1;
	[dreg:$0xf] =	wrdreg s0  }
0xf: {  	s18 =	sadd.s32 $0x1800, s12;
	[dreg:$0x10] =	wrdreg s9  }
0x10: {  	s28 =	simm.s32 $0x3;
	s20 =	sadd.s32 $0x9C40, s19;
	[dreg:$0x17] =	wrdreg s18  }
0x11: {  	s30 =	simm.s32 $0x4;
	s21 =	sadd.s32 $0x10, s19;
	[dreg:$0x6] =	wrdreg s20  }
0x12: {  	s29 =	simm.s32 $0x8;
	s22 =	sadd.s32 $0x9C50, s19;
	[dreg:$0x7] =	wrdreg s21  }
0x13: {  	s2 =	smul.u32 $0x2710, s11;
	s23 =	sadd.s32 $0x20, s19;
	[dreg:$0x8] =	wrdreg s22  }
0x14: {  	s3 =	smul.u32 $0x27100, s3;
	s24 =	sadd.s32 $0x9C60, s19;
	[dreg:$0x9] =	wrdreg s23  }
0x15: {  	s14 =	sadd.s32 $0x2680, s7;
	s25 =	sadd.s32 $0x30, s19;
	[dreg:$0xa] =	wrdreg s24  }
0x16: {  	s17 =	simm.s32 $0x100;
	s1 =	sadd.s32 $0x9C70, s19;
	[dreg:$0xb] =	wrdreg s25  }
0x17: {  	s10 =	sadd.s32 $0x4E0, s19;
	s7 =	sadd.s32 $0xA120, s19;
	[dreg:$0xc] =	wrdreg s1  }
0x18: {  	s19 =	sadd.s32 $0x2000, s12;
	s18 =	simm.s32 $0x300;
	[dreg:$0xd] =	wrdreg s10  }
0x19: {  	s9 =	simm.s32 $0x3400;
	[dreg:$0xe] =	wrdreg s7;
	s7 =	sadd.s32 s6, s26  }
0x1a: {  	s20 =	sadd.s32 s2, s3;
	s10 =	sadd.s32 $0x800, s12;
	[dreg:$0x18] =	wrdreg s19  }
0x1b: {  	s21 =	sadd.s32 $0x2800, s12;
	s22 =	sadd.s32 $0x3000, s12;
	s23 =	sadd.s32 $0x3800, s12  }
0x1c: {  	s24 =	sadd.s32 $0x4000, s12;
	s25 =	sadd.s32 $0x4800, s12;
	[dreg:$0x11] =	wrdreg s10  }
0x1d: {  	s12 =	simm.s32 $0x200;
	s19 =	simm.s32 $0x1;
	[dreg:$0x19] =	wrdreg s21  }
0x1e: {  	s1 =	simm.s32 $0x6;
	s2 =	simm.s32 $0x7;
	[dreg:$0x1a] =	wrdreg s22  }
0x1f: {  	s11 =	sadd.s32 $0x4E480, s20;
	s13 =	sadd.s32 $0x280, s20;
	[dreg:$0x1b] =	wrdreg s23  }
0x20: {  	s8 =	sadd.s32 $0x4E400, s20;
	s0 =	sshrl.u32 s7, $0x3;
	[dreg:$0x1c] =	wrdreg s24  }
0x21: {  	[dreg:$0x1d] =	wrdreg s25;
	s21 =	simm.s32 $0x180;
	s25 =	simm.s32 $0x2  }
0x22: {  	s23 =	simm.s32 $0x5;
	s3 =	sshrl.u32 s11, $0x3;
	s6 =	sshrl.u32 s13, $0x3  }
0x23: {  	s16 =	sshrl.u32 s8, $0x3;
	[dreg:$0x15] =	wrdreg s0;
	s11 =	simm.s32 $0x9  }
0x24: {  	s13 =	simm.s32 $0x80;
	s0 =	simm.s32 $0x1400;
	s3 =	sadd.s32 s3, s5  }
0x25: {  	s8 =	simm.s32 $0x0;
	s15 =	sadd.s32 s6, s5;
	[dreg:$0x12] =	wrdreg s3  }
0x26: {  	[dreg:$0x13] =	wrdreg s15;
	s3 =	sadd.s32 s16, s5;
	s16 =	simm.s32 $0x280  }
0x27: {  	v0 =	vimm.f32 $0.0e+00;
	s15 =	simm.s32 $0x400;
	[dreg:$0x14] =	wrdreg s3;
	s3 =	simm.s32 $0x2400  }
.LBB2_1:
0x28: {  	[dreg:$0x1e] =	wrdreg s8;
	s8 =	simm.s32 $0x80;
	s10 =	simm.s32 $0x0  }
.LBB2_2:
0x29: {  	p0 =	sne.s32 s8, $0x1F80;
	[tilespmem:s10+$0x4620] =	vst v0;
	s22 =	smov.u32 s8;
	s8 =	sadd.s32 $0x80, s8  }
.Ltmp0:
0x2a: {  	[tilespmem:s10+$0x4630] =	vst v0;
	(pc) =	sbr.rel @p0 .LBB2_2-.Ltmp0, $2  }
0x2b: {  	_ =	sdelay $0x2  }
0x2c: {  	s10 =	sshra.s32 s22, $0x2  }
0x2d: {  	[tilespmem:s10+$0x4620] =	vst v0  }
0x2e: {  	[tilespmem:s10+$0x4630] =	vst v0;
	s7 =	rddreg [dreg:$0x4];
	s8 =	simm.s32 $0x4620  }
0x2f: {  	[spmem:s7] =	stream.linear.scatter [tilespmem:s8], [sflag:$0x9], $0x800, $0x38;
	[tilespmem:$0x9E20] =	vst v63  }
0x30: {  	_ =	swait.ge [sflag:s11], $0x800  }
0x31: {  	[sflag:s11] =	ssyncset.done $0x0  }
0x32: {  	s24 =	rddreg [dreg:$0x11];
	[sflag:s11] =	ssyncadd.s32 $0xFFFFF800  }
0x33: {  	[spmem:s24] =	stream.linear.scatter [tilespmem:s8], [sflag:$0x9], $0x800, $0x38;
	[tilespmem:$0x9E20] =	vst v63  }
0x34: {  	_ =	swait.ge [sflag:s11], $0x800  }
0x35: {  	[sflag:s11] =	ssyncset.done $0x0  }
0x36: {  	s6 =	rddreg [dreg:$0x16];
	[sflag:s11] =	ssyncadd.s32 $0xFFFFF800  }
0x37: {  	[spmem:s6] =	stream.linear.scatter [tilespmem:s8], [sflag:$0x9], $0x800, $0x38;
	[tilespmem:$0x9E20] =	vst v63  }
0x38: {  	_ =	swait.ge [sflag:s11], $0x800  }
0x39: {  	[sflag:s11] =	ssyncset.done $0x0  }
0x3a: {  	s10 =	rddreg [dreg:$0x17];
	[sflag:s11] =	ssyncadd.s32 $0xFFFFF800  }
0x3b: {  	[spmem:s10] =	stream.linear.scatter [tilespmem:s8], [sflag:$0x9], $0x800, $0x38;
	[tilespmem:$0x9E20] =	vst v63  }
0x3c: {  	_ =	swait.ge [sflag:s11], $0x800  }
0x3d: {  	[sflag:s11] =	ssyncset.done $0x0  }
0x3e: {  	s22 =	rddreg [dreg:$0x18];
	[sflag:s11] =	ssyncadd.s32 $0xFFFFF800  }
0x3f: {  	[spmem:s22] =	stream.linear.scatter [tilespmem:s8], [sflag:$0x9], $0x800, $0x38;
	[tilespmem:$0x9E20] =	vst v63  }
0x40: {  	_ =	swait.ge [sflag:s11], $0x800  }
0x41: {  	[sflag:s11] =	ssyncset.done $0x0  }
0x42: {  	s24 =	rddreg [dreg:$0x19];
	[sflag:s11] =	ssyncadd.s32 $0xFFFFF800  }
0x43: {  	[spmem:s24] =	stream.linear.scatter [tilespmem:s8], [sflag:$0x9], $0x800, $0x38;
	[tilespmem:$0x9E20] =	vst v63  }
0x44: {  	_ =	swait.ge [sflag:s11], $0x800  }
0x45: {  	[sflag:s11] =	ssyncset.done $0x0  }
0x46: {  	s6 =	rddreg [dreg:$0x1a];
	[sflag:s11] =	ssyncadd.s32 $0xFFFFF800  }
0x47: {  	[spmem:s6] =	stream.linear.scatter [tilespmem:s8], [sflag:$0x9], $0x800, $0x38;
	[tilespmem:$0x9E20] =	vst v63  }
0x48: {  	_ =	swait.ge [sflag:s11], $0x800  }
0x49: {  	[sflag:s11] =	ssyncset.done $0x0  }
0x4a: {  	s10 =	rddreg [dreg:$0x1b];
	[sflag:s11] =	ssyncadd.s32 $0xFFFFF800  }
0x4b: {  	[spmem:s10] =	stream.linear.scatter [tilespmem:s8], [sflag:$0x9], $0x800, $0x38;
	[tilespmem:$0x9E20] =	vst v63  }
0x4c: {  	_ =	swait.ge [sflag:s11], $0x800  }
0x4d: {  	[sflag:s11] =	ssyncset.done $0x0  }
0x4e: {  	s22 =	rddreg [dreg:$0x1c];
	[sflag:s11] =	ssyncadd.s32 $0xFFFFF800  }
0x4f: {  	[spmem:s22] =	stream.linear.scatter [tilespmem:s8], [sflag:$0x9], $0x800, $0x38;
	[tilespmem:$0x9E20] =	vst v63  }
0x50: {  	_ =	swait.ge [sflag:s11], $0x800  }
0x51: {  	[sflag:s11] =	ssyncset.done $0x0  }
0x52: {  	s24 =	rddreg [dreg:$0x1d];
	[sflag:s11] =	ssyncadd.s32 $0xFFFFF800  }
0x53: {  	[spmem:s24] =	stream.linear.scatter [tilespmem:s8], [sflag:$0x9], $0x800, $0x38;
	[tilespmem:$0x9E20] =	vst v63  }
0x54: {  	_ =	swait.ge [sflag:s11], $0x800  }
0x55: {  	[sflag:s11] =	ssyncset.done $0x0  }
0x56: {  	[sflag:s11] =	ssyncadd.s32 $0xFFFFF800  }
0x57: {  	[bflag:$0x0] =	sbarrier.arrive $0xFFFF  }
0x58: {  	s8 =	simm.s32 $0x0;
	s6 =	rddreg [dreg:$0x5]  }
0x59: {  	[tilespmem:s8], [sflag:$0x1] =	stream.linear.gather [hbm4b:s6+s8], $0x80, $0x38;
	[tilespmem:$0x9E20] =	vst v63  }
0x5a: {  	s10 =	rddreg [dreg:$0x6]  }
0x5b: {  	[tilespmem:s12], [sflag:$0x1] =	stream.linear.gather [hbm4b:s10+s8], $0x80, $0x38;
	[tilespmem:$0x9E20] =	vst v63  }
0x5c: {  	s22 =	rddreg [dreg:$0x7]  }
0x5d: {  	[tilespmem:s13], [sflag:$0x2] =	stream.linear.gather [hbm4b:s22+s8], $0x80, $0x38;
	[tilespmem:$0x9E20] =	vst v63  }
0x5e: {  	s24 =	rddreg [dreg:$0x8]  }
0x5f: {  	[tilespmem:s16], [sflag:$0x2] =	stream.linear.gather [hbm4b:s24+s8], $0x80, $0x38;
	[tilespmem:$0x9E20] =	vst v63  }
0x60: {  	s6 =	rddreg [dreg:$0x9]  }
0x61: {  	[tilespmem:s17], [sflag:$0x3] =	stream.linear.gather [hbm4b:s6+s8], $0x80, $0x38;
	[tilespmem:$0x9E20] =	vst v63  }
0x62: {  	s10 =	rddreg [dreg:$0xa]  }
0x63: {  	[tilespmem:s18], [sflag:$0x3] =	stream.linear.gather [hbm4b:s10+s8], $0x80, $0x38;
	[tilespmem:$0x9E20] =	vst v63  }
0x64: {  	s22 =	rddreg [dreg:$0xb]  }
0x65: {  	[tilespmem:s21], [sflag:$0x4] =	stream.linear.gather [hbm4b:s22+s8], $0x80, $0x38;
	[tilespmem:$0x9E20] =	vst v63  }
0x66: {  	s24 =	rddreg [dreg:$0xc];
	s6 =	simm.s32 $0x380  }
0x67: {  	[tilespmem:s6], [sflag:$0x4] =	stream.linear.gather [hbm4b:s24+s8], $0x80, $0x38;
	[tilespmem:$0x9E20] =	vst v63  }
0x68: {  	_ =	swait.ge [sflag:s19], $0x80  }
0x69: {  	[sflag:s19] =	ssyncset.done $0x0  }
0x6a: {  	[sflag:s19] =	ssyncadd.s32 $0xFFFFFF80  }
0x6b: {  	_ =	swait.ge [sflag:s19], $0x80  }
0x6c: {  	[sflag:s19] =	ssyncset.done $0x0  }
0x6d: {  	[sflag:s19] =	ssyncadd.s32 $0xFFFFFF80  }
0x6e: {  	[tilespmem:s15], [sflag:$0x5] =	stream.indirect.gather [hbm4b:s31+s13], $0x20, s4, s13, $0xb8;
	[tilespmem:$0x9E20] =	vst v63  }
0x6f: {  	_ =	swait.ge [sflag:s25], $0x80  }
0x70: {  	[sflag:s25] =	ssyncset.done $0x0  }
0x71: {  	[sflag:s25] =	ssyncadd.s32 $0xFFFFFF80  }
0x72: {  	_ =	swait.ge [sflag:s25], $0x80  }
0x73: {  	[sflag:s25] =	ssyncset.done $0x0  }
0x74: {  	[sflag:s25] =	ssyncadd.s32 $0xFFFFFF80  }
0x75: {  	[tilespmem:s0], [sflag:$0x6] =	stream.indirect.gather [hbm4b:s31+s13], $0x20, s13, s13, $0xb8;
	[tilespmem:$0x9E20] =	vst v63  }
0x76: {  	_ =	swait.ge [sflag:s28], $0x80  }
0x77: {  	[sflag:s28] =	ssyncset.done $0x0  }
0x78: {  	[sflag:s28] =	ssyncadd.s32 $0xFFFFFF80  }
0x79: {  	_ =	swait.ge [sflag:s28], $0x80  }
0x7a: {  	[sflag:s28] =	ssyncset.done $0x0  }
0x7b: {  	[sflag:s28] =	ssyncadd.s32 $0xFFFFFF80  }
0x7c: {  	[tilespmem:s3], [sflag:$0x7] =	stream.indirect.gather [hbm4b:s31+s13], $0x20, s17, s13, $0xb8;
	[tilespmem:$0x9E20] =	vst v63  }
0x7d: {  	_ =	swait.ge [sflag:s30], $0x80  }
0x7e: {  	[sflag:s30] =	ssyncset.done $0x0  }
0x7f: {  	[sflag:s30] =	ssyncadd.s32 $0xFFFFFF80  }
0x80: {  	_ =	swait.ge [sflag:s30], $0x80  }
0x81: {  	[sflag:s30] =	ssyncset.done $0x0  }
0x82: {  	[sflag:s30] =	ssyncadd.s32 $0xFFFFFF80  }
0x83: {  	[tilespmem:s9], [sflag:$0x8] =	stream.indirect.gather [hbm4b:s31+s13], $0x20, s21, s13, $0xb8;
	[tilespmem:$0x9E20] =	vst v63  }
0x84: {  	_ =	swait.ge [sflag:s23], $0x1000  }
0x85: {  	[sflag:s23] =	ssyncset.done $0x0  }
0x86: {  	s7 =	sadd.s32 $0x0, s20;
	[sflag:s23] =	ssyncadd.s32 $0xFFFFF000  }
0x87: {  	[spmem:s26] =	stream.indirect.scatter.add.f32 [tilespmem:s15], [sflag:$0x9], $0x20, s12, s13, $0xb8;
	[tilespmem:$0x9E20] =	vst v63  }
0x88: {  	s22 =	sadd.s32 $0x200, s7;
	_ =	swait.ge [sflag:s11], $0x1000  }
0x89: {  	s10 =	sshrl.u32 s22, $0x3;
	[sflag:s11] =	ssyncset.done $0x0  }
0x8a: {  	s10 =	sadd.s32 s5, s10;
	[sflag:s11] =	ssyncadd.s32 $0xFFFFF000  }
0x8b: {  	[tilespmem:s4], [sflag:$0x1] =	stream.linear.gather [hbm4b:s10+s4], $0x80, $0x38;
	[tilespmem:$0x9E20] =	vst v63  }
0x8c: {  	s23 =	rddreg [dreg:$0x14]  }
0x8d: {  	[tilespmem:s12], [sflag:$0x1] =	stream.linear.gather [hbm4b:s23+s4], $0x80, $0x38;
	[tilespmem:$0x9E20] =	vst v63  }
0x8e: {  	_ =	swait.ge [sflag:s1], $0x1000  }
0x8f: {  	[sflag:s1] =	ssyncset.done $0x0  }
0x90: {  	[sflag:s1] =	ssyncadd.s32 $0xFFFFF000  }
0x91: {  	[spmem:s26] =	stream.indirect.scatter.add.f32 [tilespmem:s0], [sflag:$0x9], $0x20, s16, s13, $0xb8;
	[tilespmem:$0x9E20] =	vst v63  }
0x92: {  	_ =	swait.ge [sflag:s11], $0x1000  }
0x93: {  	[sflag:s11] =	ssyncset.done $0x0  }
0x94: {  	s12 =	rddreg [dreg:$0x13];
	[sflag:s11] =	ssyncadd.s32 $0xFFFFF000  }
0x95: {  	[tilespmem:s13], [sflag:$0x2] =	stream.linear.gather [hbm4b:s12+s4], $0x80, $0x38;
	[tilespmem:$0x9E20] =	vst v63  }
0x96: {  	s24 =	rddreg [dreg:$0x12]  }
0x97: {  	[tilespmem:s16], [sflag:$0x2] =	stream.linear.gather [hbm4b:s24+s4], $0x80, $0x38;
	[tilespmem:$0x9E20] =	vst v63  }
0x98: {  	_ =	swait.ge [sflag:s2], $0x1000  }
0x99: {  	s10 =	sadd.s32 $0x300, s7;
	[sflag:s2] =	ssyncset.done $0x0  }
0x9a: {  	s22 =	smov.u32 s14;
	p0 =	slt.s32 s10, s14;
	[sflag:s2] =	ssyncadd.s32 $0xFFFFF000  }
0x9b: {  	[spmem:s26] =	stream.indirect.scatter.add.f32 [tilespmem:s3], [sflag:$0x9], $0x20, s18, s13, $0xb8;
	[tilespmem:$0x9E20] =	vst v63  }
0x9c: {  	s22 =	smov.u32 @p0 s10;
	_ =	swait.ge [sflag:s11], $0x1000  }
0x9d: {  	s10 =	sshrl.u32 s22, $0x3;
	[sflag:s11] =	ssyncset.done $0x0  }
0x9e: {  	s10 =	sadd.s32 s5, s10;
	[sflag:s11] =	ssyncadd.s32 $0xFFFFF000  }
0x9f: {  	[tilespmem:s17], [sflag:$0x3] =	stream.linear.gather [hbm4b:s10+s4], $0x80, $0x38;
	[tilespmem:$0x9E20] =	vst v63  }
0xa0: {  	s8 =	sadd.s32 $0x380, s7;
	s10 =	sadd.s32 $0x9C40, s10  }
0xa1: {  	[tilespmem:s18], [sflag:$0x3] =	stream.linear.gather [hbm4b:s10+s4], $0x80, $0x38;
	[tilespmem:$0x9E20] =	vst v63  }
0xa2: {  	p0 =	slt.s32 s8, s14;
	_ =	swait.ge [sflag:s29], $0x1000  }
0xa3: {  	s23 =	sadd.s32 $0x40, s23;
	s22 =	simm.s32 $0x200;
	[sflag:s29] =	ssyncset.done $0x0  }
0xa4: {  	s1 =	simm.s32 $0x6;
	s10 =	smov.u32 s14;
	[sflag:s29] =	ssyncadd.s32 $0xFFFFF000  }
0xa5: {  	[spmem:s26] =	stream.indirect.scatter.add.f32 [tilespmem:s9], [sflag:$0x9], $0x20, s6, s13, $0xb8;
	[tilespmem:$0x9E20] =	vst v63  }
0xa6: {  	s0 =	simm.s32 $0x8;
	s10 =	smov.u32 @p0 s8;
	_ =	swait.ge [sflag:s11], $0x1000  }
0xa7: {  	s24 =	sadd.s32 $0x40, s24;
	s8 =	sshrl.u32 s10, $0x3;
	[sflag:s11] =	ssyncset.done $0x0  }
0xa8: {  	s2 =	simm.s32 $0x7;
	s8 =	sadd.s32 s5, s8;
	[sflag:s11] =	ssyncadd.s32 $0xFFFFF000  }
0xa9: {  	[tilespmem:s21], [sflag:$0x4] =	stream.linear.gather [hbm4b:s8+s4], $0x80, $0x38;
	[tilespmem:$0x9E20] =	vst v63  }
0xaa: {  	s10 =	sadd.s32 $0x40, s12;
	s6 =	smov.u32 s5;
	s8 =	sadd.s32 $0x9C40, s8  }
.LBB2_4:
0xab: {  	s3 =	simm.s32 $0x380  }
0xac: {  	[tilespmem:s3], [sflag:$0x4] =	stream.linear.gather [hbm4b:s8+s4], $0x80, $0x38;
	[tilespmem:$0x9E20] =	vst v63  }
0xad: {  	s8 =	smov.u32 s22  }
0xae: {  	p0 =	sne.s32 s22, $0x2400;
	s22 =	sadd.s32 $0x200, s22;
	_ =	swait.ge [sflag:s19], $0x80  }
0xaf: {  	[sflag:s19] =	ssyncset.done $0x0  }
0xb0: {  	[sflag:s19] =	ssyncadd.s32 $0xFFFFFF80  }
0xb1: {  	_ =	swait.ge [sflag:s19], $0x80  }
0xb2: {  	[sflag:s19] =	ssyncset.done $0x0  }
0xb3: {  	s7 =	simm.s32 $0x400;
	[sflag:s19] =	ssyncadd.s32 $0xFFFFFF80  }
0xb4: {  	[tilespmem:s7], [sflag:$0x5] =	stream.indirect.gather [hbm4b:s31+s13], $0x20, s4, s13, $0xb8;
	[tilespmem:$0x9E20] =	vst v63  }
0xb5: {  	_ =	swait.ge [sflag:s25], $0x80  }
0xb6: {  	[sflag:s25] =	ssyncset.done $0x0  }
0xb7: {  	[sflag:s25] =	ssyncadd.s32 $0xFFFFFF80  }
0xb8: {  	_ =	swait.ge [sflag:s25], $0x80  }
0xb9: {  	[sflag:s25] =	ssyncset.done $0x0  }
0xba: {  	s16 =	simm.s32 $0x1400;
	[sflag:s25] =	ssyncadd.s32 $0xFFFFFF80  }
0xbb: {  	[tilespmem:s16], [sflag:$0x6] =	stream.indirect.gather [hbm4b:s31+s13], $0x20, s13, s13, $0xb8;
	[tilespmem:$0x9E20] =	vst v63  }
0xbc: {  	_ =	swait.ge [sflag:s28], $0x80  }
0xbd: {  	[sflag:s28] =	ssyncset.done $0x0  }
0xbe: {  	[sflag:s28] =	ssyncadd.s32 $0xFFFFFF80  }
0xbf: {  	_ =	swait.ge [sflag:s28], $0x80  }
0xc0: {  	[sflag:s28] =	ssyncset.done $0x0  }
0xc1: {  	s29 =	simm.s32 $0x100;
	s9 =	simm.s32 $0x2400;
	[sflag:s28] =	ssyncadd.s32 $0xFFFFFF80  }
0xc2: {  	[tilespmem:s9], [sflag:$0x7] =	stream.indirect.gather [hbm4b:s31+s13], $0x20, s29, s13, $0xb8;
	[tilespmem:$0x9E20] =	vst v63  }
0xc3: {  	_ =	swait.ge [sflag:s30], $0x80  }
0xc4: {  	[sflag:s30] =	ssyncset.done $0x0  }
0xc5: {  	[sflag:s30] =	ssyncadd.s32 $0xFFFFFF80  }
0xc6: {  	_ =	swait.ge [sflag:s30], $0x80  }
0xc7: {  	s21 =	simm.s32 $0x180;
	[sflag:s30] =	ssyncset.done $0x0  }
0xc8: {  	s5 =	simm.s32 $0x3400;
	s12 =	simm.s32 $0x5;
	[sflag:s30] =	ssyncadd.s32 $0xFFFFFF80  }
0xc9: {  	[tilespmem:s5], [sflag:$0x8] =	stream.indirect.gather [hbm4b:s31+s13], $0x20, s21, s13, $0xb8;
	[tilespmem:$0x9E20] =	vst v63  }
0xca: {  	_ =	swait.ge [sflag:s12], $0x1000  }
0xcb: {  	s18 =	simm.s32 $0x200;
	s8 =	sadd.s32 s8, s20;
	[sflag:s12] =	ssyncset.done $0x0  }
0xcc: {  	s15 =	smov.u32 s20;
	s20 =	sadd.s32 $0x200, s8;
	[sflag:s12] =	ssyncadd.s32 $0xFFFFF000  }
0xcd: {  	[spmem:s26] =	stream.indirect.scatter.add.f32 [tilespmem:s7], [sflag:$0x9], $0x20, s18, s13, $0xb8;
	[tilespmem:$0x9E20] =	vst v63  }
0xce: {  	s20 =	sshrl.u32 s20, $0x3;
	s12 =	sadd.s32 $0x300, s8;
	_ =	swait.ge [sflag:s11], $0x1000  }
0xcf: {  	p1 =	slt.s32 s12, s14;
	s7 =	smov.u32 s14;
	[sflag:s11] =	ssyncset.done $0x0  }
0xd0: {  	s20 =	sadd.s32 s6, s20;
	s7 =	smov.u32 @p1 s12;
	[sflag:s11] =	ssyncadd.s32 $0xFFFFF000  }
0xd1: {  	[tilespmem:s4], [sflag:$0x1] =	stream.linear.gather [hbm4b:s20+s4], $0x80, $0x38;
	[tilespmem:$0x9E20] =	vst v63  }
0xd2: {  	s20 =	smov.u32 s15  }
0xd3: {  	s17 =	simm.s32 $0x200;
	s8 =	sadd.s32 $0x380, s8;
	s7 =	sshrl.u32 s7, $0x3  }
0xd4: {  	[tilespmem:s18], [sflag:$0x1] =	stream.linear.gather [hbm4b:s23+s4], $0x80, $0x38;
	[tilespmem:$0x9E20] =	vst v63  }
0xd5: {  	p1 =	slt.s32 s8, s14;
	s12 =	smov.u32 s14;
	_ =	swait.ge [sflag:s1], $0x1000  }
0xd6: {  	s12 =	smov.u32 @p1 s8;
	[sflag:s1] =	ssyncset.done $0x0  }
0xd7: {  	s8 =	sshrl.u32 s12, $0x3;
	s15 =	simm.s32 $0x280;
	[sflag:s1] =	ssyncadd.s32 $0xFFFFF000  }
0xd8: {  	[spmem:s26] =	stream.indirect.scatter.add.f32 [tilespmem:s16], [sflag:$0x9], $0x20, s15, s13, $0xb8;
	[tilespmem:$0x9E20] =	vst v63  }
0xd9: {  	_ =	swait.ge [sflag:s11], $0x1000  }
0xda: {  	[sflag:s11] =	ssyncset.done $0x0  }
0xdb: {  	[sflag:s11] =	ssyncadd.s32 $0xFFFFF000  }
0xdc: {  	[tilespmem:s13], [sflag:$0x2] =	stream.linear.gather [hbm4b:s10+s4], $0x80, $0x38;
	[tilespmem:$0x9E20] =	vst v63  }
0xdd: {  	s12 =	simm.s32 $0x280  }
0xde: {  	[tilespmem:s15], [sflag:$0x2] =	stream.linear.gather [hbm4b:s24+s4], $0x80, $0x38;
	[tilespmem:$0x9E20] =	vst v63  }
0xdf: {  	_ =	swait.ge [sflag:s2], $0x1000  }
0xe0: {  	[sflag:s2] =	ssyncset.done $0x0  }
0xe1: {  	s15 =	simm.s32 $0x300;
	[sflag:s2] =	ssyncadd.s32 $0xFFFFF000  }
0xe2: {  	[spmem:s26] =	stream.indirect.scatter.add.f32 [tilespmem:s9], [sflag:$0x9], $0x20, s15, s13, $0xb8;
	[tilespmem:$0x9E20] =	vst v63  }
0xe3: {  	_ =	swait.ge [sflag:s11], $0x1000  }
0xe4: {  	[sflag:s11] =	ssyncset.done $0x0  }
0xe5: {  	s7 =	sadd.s32 s6, s7;
	[sflag:s11] =	ssyncadd.s32 $0xFFFFF000  }
0xe6: {  	[tilespmem:s29], [sflag:$0x3] =	stream.linear.gather [hbm4b:s7+s4], $0x80, $0x38;
	[tilespmem:$0x9E20] =	vst v63  }
0xe7: {  	s7 =	sadd.s32 $0x9C40, s7  }
0xe8: {  	[tilespmem:s15], [sflag:$0x3] =	stream.linear.gather [hbm4b:s7+s4], $0x80, $0x38;
	[tilespmem:$0x9E20] =	vst v63  }
0xe9: {  	_ =	swait.ge [sflag:s0], $0x1000  }
0xea: {  	[sflag:s0] =	ssyncset.done $0x0  }
0xeb: {  	s15 =	simm.s32 $0x380;
	[sflag:s0] =	ssyncadd.s32 $0xFFFFF000  }
0xec: {  	[spmem:s26] =	stream.indirect.scatter.add.f32 [tilespmem:s5], [sflag:$0x9], $0x20, s3, s13, $0xb8;
	[tilespmem:$0x9E20] =	vst v63  }
.Ltmp1:
0xed: {  	_ =	swait.ge [sflag:s11], $0x1000;
	(pc) =	sbr.rel @p0 .LBB2_4-.Ltmp1, $4  }
0xee: {  	[sflag:s11] =	ssyncset.done $0x0  }
0xef: {  	s23 =	sadd.s32 $0x40, s23;
	s7 =	sadd.s32 s6, s8;
	[sflag:s11] =	ssyncadd.s32 $0xFFFFF000  }
0xf0: {  	[tilespmem:s21], [sflag:$0x4] =	stream.linear.gather [hbm4b:s7+s4], $0x80, $0x38;
	[tilespmem:$0x9E20] =	vst v63  }
0xf1: {  	s10 =	sadd.s32 $0x40, s10;
	s24 =	sadd.s32 $0x40, s24;
	s8 =	sadd.s32 $0x9C40, s7  }
0xf2: {  	[tilespmem:s15], [sflag:$0x4] =	stream.linear.gather [hbm4b:s8+s4], $0x80, $0x38;
	[tilespmem:$0x9E20] =	vst v63  }
0xf3: {  	_ =	swait.ge [sflag:s19], $0x80  }
0xf4: {  	[sflag:s19] =	ssyncset.done $0x0  }
0xf5: {  	[sflag:s19] =	ssyncadd.s32 $0xFFFFFF80  }
0xf6: {  	_ =	swait.ge [sflag:s19], $0x80  }
0xf7: {  	[sflag:s19] =	ssyncset.done $0x0  }
0xf8: {  	s0 =	simm.s32 $0x400;
	[sflag:s19] =	ssyncadd.s32 $0xFFFFFF80  }
0xf9: {  	[tilespmem:s0], [sflag:$0x5] =	stream.indirect.gather [hbm4b:s31+s13], $0x20, s4, s13, $0xb8;
	[tilespmem:$0x9E20] =	vst v63  }
0xfa: {  	_ =	swait.ge [sflag:s25], $0x80  }
0xfb: {  	[sflag:s25] =	ssyncset.done $0x0  }
0xfc: {  	[sflag:s25] =	ssyncadd.s32 $0xFFFFFF80  }
0xfd: {  	_ =	swait.ge [sflag:s25], $0x80  }
0xfe: {  	[sflag:s25] =	ssyncset.done $0x0  }
0xff: {  	s2 =	simm.s32 $0x1400;
	s5 =	simm.s32 $0x5;
	[sflag:s25] =	ssyncadd.s32 $0xFFFFFF80  }
0x100: {  	[tilespmem:s2], [sflag:$0x6] =	stream.indirect.gather [hbm4b:s31+s13], $0x20, s13, s13, $0xb8;
	[tilespmem:$0x9E20] =	vst v63  }
0x101: {  	_ =	swait.ge [sflag:s5], $0x1000  }
0x102: {  	[sflag:s5] =	ssyncset.done $0x0  }
0x103: {  	[sflag:s5] =	ssyncadd.s32 $0xFFFFF000  }
0x104: {  	[spmem:s26] =	stream.indirect.scatter.add.f32 [tilespmem:s0], [sflag:$0x9], $0x20, s17, s13, $0xb8;
	[tilespmem:$0x9E20] =	vst v63  }
0x105: {  	_ =	swait.ge [sflag:s11], $0x1000  }
0x106: {  	[sflag:s11] =	ssyncset.done $0x0  }
0x107: {  	[sflag:s11] =	ssyncadd.s32 $0xFFFFF000  }
0x108: {  	_ =	swait.ge [sflag:s1], $0x1000  }
0x109: {  	[sflag:s1] =	ssyncset.done $0x0  }
0x10a: {  	[sflag:s1] =	ssyncadd.s32 $0xFFFFF000  }
0x10b: {  	[spmem:s26] =	stream.indirect.scatter.add.f32 [tilespmem:s2], [sflag:$0x9], $0x20, s12, s13, $0xb8;
	[tilespmem:$0x9E20] =	vst v63  }
0x10c: {  	_ =	swait.ge [sflag:s11], $0x1000  }
0x10d: {  	[sflag:s11] =	ssyncset.done $0x0  }
0x10e: {  	[sflag:s11] =	ssyncadd.s32 $0xFFFFF000  }
0x10f: {  	_ =	swait.ge [sflag:s28], $0x80  }
0x110: {  	[sflag:s28] =	ssyncset.done $0x0  }
0x111: {  	[sflag:s28] =	ssyncadd.s32 $0xFFFFFF80  }
0x112: {  	_ =	swait.ge [sflag:s28], $0x80  }
0x113: {  	[sflag:s28] =	ssyncset.done $0x0  }
0x114: {  	[sflag:s28] =	ssyncadd.s32 $0xFFFFFF80  }
0x115: {  	_ =	swait.ge [sflag:s30], $0x80  }
0x116: {  	[sflag:s30] =	ssyncset.done $0x0  }
0x117: {  	[sflag:s30] =	ssyncadd.s32 $0xFFFFFF80  }
0x118: {  	_ =	swait.ge [sflag:s30], $0x80  }
0x119: {  	[sflag:s30] =	ssyncset.done $0x0  }
0x11a: {  	s15 =	simm.s32 $0x4400;
	s7 =	rddreg [dreg:$0xd];
	[sflag:s30] =	ssyncadd.s32 $0xFFFFFF80  }
0x11b: {  	[tilespmem:s15], [sflag:$0x9] =	stream.linear.gather [hbm4b:s7+s4], $0x10, $0x38;
	[tilespmem:$0x9E20] =	vst v63  }
0x11c: {  	_ =	swait.ge [sflag:s11], $0x10  }
0x11d: {  	[sflag:s11] =	ssyncset.done $0x0  }
0x11e: {  	s17 =	simm.s32 $0x4410;
	s16 =	rddreg [dreg:$0xe];
	[sflag:s11] =	ssyncadd.s32 $0xFFFFFFF0  }
0x11f: {  	[tilespmem:s17], [sflag:$0x9] =	stream.linear.gather [hbm4b:s16+s4], $0x10, $0x38;
	[tilespmem:$0x9E20] =	vst v63  }
0x120: {  	_ =	swait.ge [sflag:s11], $0x10  }
0x121: {  	[sflag:s11] =	ssyncset.done $0x0  }
0x122: {  	s18 =	simm.s32 $0x10;
	s3 =	simm.s32 $0x4420;
	[sflag:s11] =	ssyncadd.s32 $0xFFFFFFF0  }
0x123: {  	[tilespmem:s3], [sflag:$0x5] =	stream.indirect.gather [hbm4b:s31+s18], $0x20, s15, s18, $0xb8;
	[tilespmem:$0x9E20] =	vst v63  }
0x124: {  	_ =	swait.ge [sflag:s5], $0x200  }
0x125: {  	[sflag:s5] =	ssyncset.done $0x0  }
0x126: {  	[sflag:s5] =	ssyncadd.s32 $0xFFFFFE00  }
0x127: {  	[spmem:s26] =	stream.indirect.scatter.add.f32 [tilespmem:s3], [sflag:$0x9], $0x20, s17, s18, $0xb8;
	[tilespmem:$0x9E20] =	vst v63  }
0x128: {  	_ =	swait.ge [sflag:s11], $0x200  }
0x129: {  	[sflag:s11] =	ssyncset.done $0x0  }
0x12a: {  	[sflag:s11] =	ssyncadd.s32 $0xFFFFFE00  }
0x12b: {  	s21 =	stileid.u32;
	[bflag:$0x0] =	sbarrier.arrive $0xFFFF  }
0x12c: {  	s7 =	sshll.u32 s21, $0x6;
	s22 =	rddreg [dreg:$0xf]  }
0x12d: {  	s7 =	sor.u32 $0x1C09, s7;
	s10 =	rddreg [dreg:$0x15]  }
0x12e: {  	[hbm:s22], [sflag:s7] =	dma.local [spmem:s10], $0xA00  }
0x12f: {  	_ =	swait.ge [sflag:s11], $0xA00  }
0x130: {  	s23 =	rddreg [dreg:$0x1e]  }
0x131: {  	s24 =	rddreg [dreg:$0x10];
	s8 =	sadd.s32 $0x1, s23  }
0x132: {  	s9 =	simm.s32 $0x3400;
	s29 =	simm.s32 $0x8;
	p0 =	sne.s32 s8, s24  }
.Ltmp2:
0x133: {  	s0 =	simm.s32 $0x1400;
	s1 =	simm.s32 $0x6;
	(pc) =	sbr.rel @p0 .LBB2_1-.Ltmp2, $4  }
0x134: {  	s12 =	simm.s32 $0x200;
	s2 =	simm.s32 $0x7;
	s21 =	simm.s32 $0x180  }
0x135: {  	s16 =	simm.s32 $0x280;
	s15 =	simm.s32 $0x400;
	s5 =	smov.u32 s6  }
0x136: {  	s17 =	simm.s32 $0x100;
	s18 =	simm.s32 $0x300;
	[sflag:s11] =	ssyncset.done $0x0  }
0x137: {  	s3 =	simm.s32 $0x2400;
	[sflag:s11] =	ssyncadd.s32 $0xFFFFF600;
	s23 =	simm.s32 $0x5  }
0x138: {  	_ =	sfence.sel $0x180000  }
0x139: {  	[bflag:$0x0] =	sbarrier.arrive $0xFFFF  }
0x13a: {  	_ =	strace $0x90000050  }
0x13b: {  	s0 =	stileid.u32;
	[bflag:$0x2] =	sbarrier.arrive $0xFFFF  }
0x13c: {  	p0 =	sne.s32 s0, $0x0;
	s0 =	rddreg [dreg:$0x3]  }
0x13d: {  	s0 =	sadd.s32 @!p0 $0x100000, s0  }
0x13e: {  	[sflag:s0] =	ssyncadd.tile.s32 @!p0 $0x1;
	_ =	shalt  }
.Lfunc_end2:
_tile_overlayer_lowered:
.L_overlay_start_2:
0x13f: {  	(tag) =	ssettag $0x2  }
0x140: {  	s0 =	rddreg [dreg:$0x0];
	s2 =	stileid.u32  }
0x141: {  	s1 =	rddreg [dreg:$0x1];
	p0 =	sne.s32 s2, $0x0  }
0x142: {  	s3 =	rddreg [dreg:$0x2];
	[bflag:$0x3] =	sbarrier.arrive $0xFFFF;
	s2 =	simm.s32 @!p0 $0x1C09  }
0x143: {  	[timem:s3], [sflag:s2] =	dma.local @!p0 [hbm:s0], s1  }
0x144: {  	s0 =	simm.s32 @!p0 $0x9  }
0x145: {  	_ =	swait.ge @!p0 [sflag:s0], s1  }
0x146: {  	s1 =	ssub.s32 @!p0 $0x0, s1;
	[sflag:s0] =	ssyncset.done @!p0 $0x0  }
0x147: {  	[sflag:s0] =	ssyncadd.s32 @!p0 s1  }
0x148: {  	[bflag:$0x3] =	sbarrier.arrive $0xFFFF  }
0x149: {  	_ =	shalt  }

</sc_bundles>
